<compile_context>
chip_gen: v7x
topology: tpu7x:2x2x1
jax: 0.10.2.dev20260603
libtpu: 0.0.44.dev20260713+nightly
codegen_flags: <defaults>
</compile_context>

<pallas_src>
import jax
import jax.numpy as jnp
from jax import lax
from jax.experimental import pallas as pl
from jax.experimental.pallas import tpu as pltpu
from jax.experimental.pallas import tpu_sc as plsc

N = 1024
A = 128
K = 16
L = 16
NW = 32
JPW = N // NW
ACH = 32
NCH = A // ACH
IC = N // L
P = 32


def _sc_body(
    x_hbm, xt_hbm, adjt_hbm, out_hbm,
    adjrows, xch, stage, sem_a, sem_x0, sem_x1, sem_o,
):
    cid = lax.axis_index("c")
    sid = lax.axis_index("s")
    wid = sid * 2 + cid
    jbase = wid * JPW
    xsems = [sem_x0, sem_x1]

    cp_adj = pltpu.async_copy(adjt_hbm.at[pl.ds(jbase, JPW)], adjrows, sem_a)
    pltpu.async_copy(xt_hbm.at[pl.ds(0, ACH)], xch.at[0], sem_x0)
    cp_adj.wait()

    ridx = 16 - lax.iota(jnp.int32, L)

    for ac in range(NCH):
        cur = ac % 2
        pltpu.make_async_copy(
            xt_hbm.at[pl.ds(ac * ACH, ACH)], xch.at[cur], xsems[cur]
        ).wait()
        if ac + 1 < NCH:
            pltpu.async_copy(
                xt_hbm.at[pl.ds((ac + 1) * ACH, ACH)],
                xch.at[1 - cur],
                xsems[1 - cur],
            )
        if ac > 0:
            pltpu.make_async_copy(
                stage,
                out_hbm.at[pl.ds(jbase, JPW), :, pl.ds((ac - 1) * ACH, ACH)],
                sem_o,
            ).wait()
        cp_row0 = pltpu.async_copy(
            x_hbm.at[pl.ds(jbase, JPW), pl.ds(ac * ACH, ACH)],
            stage.at[:, 0, :],
            sem_a,
        )

        def j_body(jl, cur=cur):
            jidx = jnp.full((L,), jl, jnp.int32)

            for g in range(ACH // P):
                def cbody(c, ts, g=g, cur=cur):
                    va = adjrows[jl, pl.ds(c * L, L)]
                    new_ts = []
                    for p in range(P):
                        vx = xch[cur, g * P + p, pl.ds(c * L, L)]
                        vs = plsc.sort_key_val(va * vx, vx, descending=True)[0]
                        new_ts.append(jnp.sort(jnp.maximum(ts[p], vs)))
                    return tuple(new_ts)

                ts0 = tuple(
                    jnp.full((L,), -jnp.inf, jnp.float32) for _ in range(P)
                )
                ts = plsc.parallel_loop(0, IC, 1, unroll=1, carry=ts0)(cbody)
                for p in range(P):
                    cidx = jnp.full((L,), g * P + p, jnp.int32)
                    plsc.store_scatter(stage, [jidx, ridx, cidx], ts[p])

        plsc.parallel_loop(0, JPW, 1)(j_body)
        cp_row0.wait()
        pltpu.async_copy(
            stage, out_hbm.at[pl.ds(jbase, JPW), :, pl.ds(ac * ACH, ACH)], sem_o
        )

    pltpu.make_async_copy(
        stage,
        out_hbm.at[pl.ds(jbase, JPW), :, pl.ds((NCH - 1) * ACH, ACH)],
        sem_o,
    ).wait()


_sc_call = pl.kernel(
    _sc_body,
    out_type=jax.ShapeDtypeStruct((N, K + 1, A), jnp.float32),
    mesh=plsc.VectorSubcoreMesh(core_axis_name="c", subcore_axis_name="s"),
    compiler_params=pltpu.CompilerParams(
        use_tc_tiling_on_sc=False, needs_layout_passes=False
    ),
    scratch_types=[
        pltpu.VMEM((JPW, N), jnp.float32),
        pltpu.VMEM((2, ACH, N), jnp.float32),
        pltpu.VMEM((JPW, K + 1, ACH), jnp.float32),
        pltpu.SemaphoreType.DMA,
        pltpu.SemaphoreType.DMA,
        pltpu.SemaphoreType.DMA,
        pltpu.SemaphoreType.DMA,
    ],
)


@jax.jit
def kernel(x, adj):
    xt = x.T
    adjt = adj.T
    return _sc_call(x, xt, adjt)

# --- scband reference (transcript-rebuilt; emitter-appended) ---
"""Pipeline reference for scband-top-k-features-71992241815585 (READ-ONLY COPY).

The authoritative reference and input builder live on the scoring server;
editing this copy changes nothing except your own understanding.
"""

import jax, jax.numpy as jnp
import numpy as np

K_TOP = 16


def setup_inputs(seed: int = 0) -> dict:
    key = jax.random.key(seed)
    k1, k2 = jax.random.split(key)
    x = jax.random.normal(k1, (1024, 128), dtype=jnp.float32)
    adj = jax.random.uniform(k2, (1024, 1024), dtype=jnp.float32)
    return {"x": x, "adj": adj}


def reference(x, adj):
    # adj: [N, N] -> [N, 1, N]; x: [N, A] -> [N, A, 1]
    adj_e = adj[:, None, :]
    x_e = x[:, :, None]
    # broadcasted product: [N, A, N]
    h = adj_e * x_e
    # transpose (2, 1, 0): [N, A, N]
    h = jnp.transpose(h, (2, 1, 0))
    # top-k along last dim (sorted values): [N, A, K]
    h = jax.lax.top_k(h, K_TOP)[0]
    # concat original attributes: [N, A, K+1]
    h = jnp.concatenate([x_e, h], axis=-1)
    # transpose (0, 2, 1): [N, K+1, A]
    h = jnp.transpose(h, (0, 2, 1))
    return h

if __name__ == "__main__":
    import jax
    _d = setup_inputs()
    print(jax.jit(kernel)(*tuple(_d.values())))

</pallas_src>

<mosaic_0001>
#map = affine_map<(d0, d1) -> (0, 0)>
#map1 = affine_map<(d0, d1) -> (0, 0, 0)>
module attributes {stable_mosaic.version = 14 : i64} {
  func.func @_sc_body(%arg0: i32, %arg1: i32, %arg2: memref<1024x128xf32, #tpu.memory_space<hbm>>, %arg3: memref<128x1024xf32, #tpu.memory_space<hbm>>, %arg4: memref<1024x1024xf32, #tpu.memory_space<hbm>>, %arg5: memref<1024x17x128xf32, #tpu.memory_space<hbm>>, %arg6: memref<32x1024xf32, #tpu.memory_space<vmem>>, %arg7: memref<2x32x1024xf32, #tpu.memory_space<vmem>>, %arg8: memref<32x17x32xf32, #tpu.memory_space<vmem>>, %arg9: memref<!tpu.dma_semaphore, #tpu.memory_space<semaphore_mem>>, %arg10: memref<!tpu.dma_semaphore, #tpu.memory_space<semaphore_mem>>, %arg11: memref<!tpu.dma_semaphore, #tpu.memory_space<semaphore_mem>>, %arg12: memref<!tpu.dma_semaphore, #tpu.memory_space<semaphore_mem>>) attributes {dimension_semantics = [#tpu.dimension_semantics<core_parallel>, #tpu.dimension_semantics<subcore_parallel>], iteration_bounds = array<i64: 2, 16>, scalar_prefetch = 0 : i64, scratch_operands = 7 : i64, tpu.core_type = #tpu.core_type<sc_vector_subcore>, window_params = [{transform_indices = #map}, {transform_indices = #map}, {transform_indices = #map}, {transform_indices = #map1}]} {
    %mul3A = arith.constant 2 : i32
    %mul3A_0 = arith.muli %arg1, %mul3A : i32
    %add3A = arith.addi %mul3A_0, %arg0 : i32
    %mul3A_1 = arith.constant 32 : i32
    %mul3A_2 = arith.muli %add3A, %mul3A_1 : i32
    %dma_start3A = arith.constant 0 : i32
    %dma_start3A_3 = tpu.memref_slice %arg4[%mul3A_2, %dma_start3A] : memref<1024x1024xf32, #tpu.memory_space<hbm>> -> memref<32x1024xf32, #tpu.memory_space<hbm>>
    %dma_start3A_4 = arith.constant 0 : i32
    %dma_start3A_5 = tpu.memref_slice %arg4[%mul3A_2, %dma_start3A_4] : memref<1024x1024xf32, #tpu.memory_space<hbm>> -> memref<32x1024xf32, #tpu.memory_space<hbm>>
    tpu.enqueue_dma source(%dma_start3A_5 : memref<32x1024xf32, #tpu.memory_space<hbm>>) target(%arg6 : memref<32x1024xf32, #tpu.memory_space<vmem>>) target_semaphore(%arg9 : memref<!tpu.dma_semaphore, #tpu.memory_space<semaphore_mem>>)
    %dma_start3A_6 = arith.constant 0 : i32
    %dma_start3A_7 = arith.constant 0 : i32
    %dma_start3A_8 = arith.constant 0 : i32
    %dma_start3A_9 = tpu.memref_slice %arg7[%dma_start3A_6, %dma_start3A_7, %dma_start3A_8] : memref<2x32x1024xf32, #tpu.memory_space<vmem>> -> memref<1x32x1024xf32, #tpu.memory_space<vmem>>
    %dma_start3A_10 = tpu.memref_squeeze %dma_start3A_9 : memref<1x32x1024xf32, #tpu.memory_space<vmem>> -> memref<32x1024xf32, #tpu.memory_space<vmem>>
    %dma_start3A_11 = arith.constant 0 : i32
    %dma_start3A_12 = arith.constant 0 : i32
    %dma_start3A_13 = tpu.memref_slice %arg3[%dma_start3A_11, %dma_start3A_12] : memref<128x1024xf32, #tpu.memory_space<hbm>> -> memref<32x1024xf32, #tpu.memory_space<hbm>>
    %dma_start3A_14 = arith.constant 0 : i32
    %dma_start3A_15 = arith.constant 0 : i32
    %dma_start3A_16 = tpu.memref_slice %arg7[%dma_start3A_6, %dma_start3A_14, %dma_start3A_15] : memref<2x32x1024xf32, #tpu.memory_space<vmem>> -> memref<1x32x1024xf32, #tpu.memory_space<vmem>>
    %dma_start3A_17 = tpu.memref_squeeze %dma_start3A_16 : memref<1x32x1024xf32, #tpu.memory_space<vmem>> -> memref<32x1024xf32, #tpu.memory_space<vmem>>
    %dma_start3A_18 = arith.constant 0 : i32
    %dma_start3A_19 = arith.constant 0 : i32
    %dma_start3A_20 = tpu.memref_slice %arg3[%dma_start3A_18, %dma_start3A_19] : memref<128x1024xf32, #tpu.memory_space<hbm>> -> memref<32x1024xf32, #tpu.memory_space<hbm>>
    tpu.enqueue_dma source(%dma_start3A_20 : memref<32x1024xf32, #tpu.memory_space<hbm>>) target(%dma_start3A_17 : memref<32x1024xf32, #tpu.memory_space<vmem>>) target_semaphore(%arg10 : memref<!tpu.dma_semaphore, #tpu.memory_space<semaphore_mem>>)
    %dma_wait3A = arith.constant 0 : i32
    %dma_wait3A_21 = tpu.memref_slice %arg4[%mul3A_2, %dma_wait3A] : memref<1024x1024xf32, #tpu.memory_space<hbm>> -> memref<32x1024xf32, #tpu.memory_space<hbm>>
    %dma_wait3A_22 = arith.constant 0 : i32
    %dma_wait3A_23 = tpu.memref_slice %arg4[%mul3A_2, %dma_wait3A_22] : memref<1024x1024xf32, #tpu.memory_space<hbm>> -> memref<32x1024xf32, #tpu.memory_space<hbm>>
    tpu.wait_dma2 semaphore(%arg9 : memref<!tpu.dma_semaphore, #tpu.memory_space<semaphore_mem>>) src(%dma_wait3A_23 : memref<32x1024xf32, #tpu.memory_space<hbm>>) dst(%arg6 : memref<32x1024xf32, #tpu.memory_space<vmem>>)
    %iota3A = tpu.iota {dimensions = array<i32: 0>} : vector<16xi32>
    %sub3A = arith.constant 16 : i32
    %sub3A_24 = vector.broadcast %sub3A : i32 to vector<16xi32>
    %sub3A_25 = arith.subi %sub3A_24, %iota3A : vector<16xi32>
    %dma_wait3A_26 = arith.constant 0 : i32
    %dma_wait3A_27 = arith.constant 0 : i32
    %dma_wait3A_28 = arith.constant 0 : i32
    %dma_wait3A_29 = tpu.memref_slice %arg7[%dma_wait3A_26, %dma_wait3A_27, %dma_wait3A_28] : memref<2x32x1024xf32, #tpu.memory_space<vmem>> -> memref<1x32x1024xf32, #tpu.memory_space<vmem>>
    %dma_wait3A_30 = tpu.memref_squeeze %dma_wait3A_29 : memref<1x32x1024xf32, #tpu.memory_space<vmem>> -> memref<32x1024xf32, #tpu.memory_space<vmem>>
    %dma_wait3A_31 = arith.constant 0 : i32
    %dma_wait3A_32 = arith.constant 0 : i32
    %dma_wait3A_33 = tpu.memref_slice %arg3[%dma_wait3A_31, %dma_wait3A_32] : memref<128x1024xf32, #tpu.memory_space<hbm>> -> memref<32x1024xf32, #tpu.memory_space<hbm>>
    %dma_wait3A_34 = arith.constant 0 : i32
    %dma_wait3A_35 = arith.constant 0 : i32
    %dma_wait3A_36 = tpu.memref_slice %arg7[%dma_wait3A_26, %dma_wait3A_34, %dma_wait3A_35] : memref<2x32x1024xf32, #tpu.memory_space<vmem>> -> memref<1x32x1024xf32, #tpu.memory_space<vmem>>
    %dma_wait3A_37 = tpu.memref_squeeze %dma_wait3A_36 : memref<1x32x1024xf32, #tpu.memory_space<vmem>> -> memref<32x1024xf32, #tpu.memory_space<vmem>>
    %dma_wait3A_38 = arith.constant 0 : i32
    %dma_wait3A_39 = arith.constant 0 : i32
    %dma_wait3A_40 = tpu.memref_slice %arg3[%dma_wait3A_38, %dma_wait3A_39] : memref<128x1024xf32, #tpu.memory_space<hbm>> -> memref<32x1024xf32, #tpu.memory_space<hbm>>
    tpu.wait_dma2 semaphore(%arg10 : memref<!tpu.dma_semaphore, #tpu.memory_space<semaphore_mem>>) src(%dma_wait3A_40 : memref<32x1024xf32, #tpu.memory_space<hbm>>) dst(%dma_wait3A_37 : memref<32x1024xf32, #tpu.memory_space<vmem>>)
    %dma_start3A_41 = arith.constant 1 : i32
    %dma_start3A_42 = arith.constant 0 : i32
    %dma_start3A_43 = arith.constant 0 : i32
    %dma_start3A_44 = tpu.memref_slice %arg7[%dma_start3A_41, %dma_start3A_42, %dma_start3A_43] : memref<2x32x1024xf32, #tpu.memory_space<vmem>> -> memref<1x32x1024xf32, #tpu.memory_space<vmem>>
    %dma_start3A_45 = tpu.memref_squeeze %dma_start3A_44 : memref<1x32x1024xf32, #tpu.memory_space<vmem>> -> memref<32x1024xf32, #tpu.memory_space<vmem>>
    %dma_start3A_46 = arith.constant 32 : i32
    %dma_start3A_47 = arith.constant 0 : i32
    %dma_start3A_48 = tpu.memref_slice %arg3[%dma_start3A_46, %dma_start3A_47] : memref<128x1024xf32, #tpu.memory_space<hbm>> -> memref<32x1024xf32, #tpu.memory_space<hbm>>
    %dma_start3A_49 = arith.constant 0 : i32
    %dma_start3A_50 = arith.constant 0 : i32
    %dma_start3A_51 = tpu.memref_slice %arg7[%dma_start3A_41, %dma_start3A_49, %dma_start3A_50] : memref<2x32x1024xf32, #tpu.memory_space<vmem>> -> memref<1x32x1024xf32, #tpu.memory_space<vmem>>
    %dma_start3A_52 = tpu.memref_squeeze %dma_start3A_51 : memref<1x32x1024xf32, #tpu.memory_space<vmem>> -> memref<32x1024xf32, #tpu.memory_space<vmem>>
    %dma_start3A_53 = arith.constant 32 : i32
    %dma_start3A_54 = arith.constant 0 : i32
    %dma_start3A_55 = tpu.memref_slice %arg3[%dma_start3A_53, %dma_start3A_54] : memref<128x1024xf32, #tpu.memory_space<hbm>> -> memref<32x1024xf32, #tpu.memory_space<hbm>>
    tpu.enqueue_dma source(%dma_start3A_55 : memref<32x1024xf32, #tpu.memory_space<hbm>>) target(%dma_start3A_52 : memref<32x1024xf32, #tpu.memory_space<vmem>>) target_semaphore(%arg11 : memref<!tpu.dma_semaphore, #tpu.memory_space<semaphore_mem>>)
    %dma_start3A_56 = arith.constant 0 : i32
    %dma_start3A_57 = arith.constant 0 : i32
    %dma_start3A_58 = arith.constant 0 : i32
    %dma_start3A_59 = tpu.memref_slice %arg8[%dma_start3A_57, %dma_start3A_56, %dma_start3A_58] : memref<32x17x32xf32, #tpu.memory_space<vmem>> -> memref<32x1x32xf32, #tpu.memory_space<vmem>>
    %dma_start3A_60 = tpu.memref_squeeze %dma_start3A_59 : memref<32x1x32xf32, #tpu.memory_space<vmem>> -> memref<32x32xf32, #tpu.memory_space<vmem>>
    %dma_start3A_61 = arith.constant 0 : i32
    %dma_start3A_62 = tpu.memref_slice %arg2[%mul3A_2, %dma_start3A_61] : memref<1024x128xf32, #tpu.memory_space<hbm>> -> memref<32x32xf32, #tpu.memory_space<hbm>>
    %dma_start3A_63 = arith.constant 0 : i32
    %dma_start3A_64 = arith.constant 0 : i32
    %dma_start3A_65 = tpu.memref_slice %arg8[%dma_start3A_63, %dma_start3A_56, %dma_start3A_64] : memref<32x17x32xf32, #tpu.memory_space<vmem>> -> memref<32x1x32xf32, #tpu.memory_space<vmem>>
    %dma_start3A_66 = tpu.memref_squeeze %dma_start3A_65 : memref<32x1x32xf32, #tpu.memory_space<vmem>> -> memref<32x32xf32, #tpu.memory_space<vmem>>
    %dma_start3A_67 = arith.constant 0 : i32
    %dma_start3A_68 = tpu.memref_slice %arg2[%mul3A_2, %dma_start3A_67] : memref<1024x128xf32, #tpu.memory_space<hbm>> -> memref<32x32xf32, #tpu.memory_space<hbm>>
    tpu.enqueue_dma source(%dma_start3A_68 : memref<32x32xf32, #tpu.memory_space<hbm>>) target(%dma_start3A_66 : memref<32x32xf32, #tpu.memory_space<vmem>>) target_semaphore(%arg9 : memref<!tpu.dma_semaphore, #tpu.memory_space<semaphore_mem>>)
    %parallel_loop3A = arith.constant 0 : i32
    %parallel_loop3A_69 = arith.constant 32 : i32
    %parallel_loop3A_70 = arith.constant 1 : i32
    scf.for %parallel_loop3A_294 = %parallel_loop3A to %parallel_loop3A_69 step %parallel_loop3A_70  : i32 {
      %parallel_loop3A_295 = vector.broadcast %parallel_loop3A_294 : i32 to vector<16xi32>
      %parallel_loop3A_296 = arith.constant 0xFF800000 : f32
      %parallel_loop3A_297 = vector.broadcast %parallel_loop3A_296 : f32 to vector<16xf32>
      %parallel_loop3A_298 = arith.constant 0xFF800000 : f32
      %parallel_loop3A_299 = vector.broadcast %parallel_loop3A_298 : f32 to vector<16xf32>
      %parallel_loop3A_300 = arith.constant 0xFF800000 : f32
      %parallel_loop3A_301 = vector.broadcast %parallel_loop3A_300 : f32 to vector<16xf32>
      %parallel_loop3A_302 = arith.constant 0xFF800000 : f32
      %parallel_loop3A_303 = vector.broadcast %parallel_loop3A_302 : f32 to vector<16xf32>
      %parallel_loop3A_304 = arith.constant 0xFF800000 : f32
      %parallel_loop3A_305 = vector.broadcast %parallel_loop3A_304 : f32 to vector<16xf32>
      %parallel_loop3A_306 = arith.constant 0xFF800000 : f32
      %parallel_loop3A_307 = vector.broadcast %parallel_loop3A_306 : f32 to vector<16xf32>
      %parallel_loop3A_308 = arith.constant 0xFF800000 : f32
      %parallel_loop3A_309 = vector.broadcast %parallel_loop3A_308 : f32 to vector<16xf32>
      %parallel_loop3A_310 = arith.constant 0xFF800000 : f32
      %parallel_loop3A_311 = vector.broadcast %parallel_loop3A_310 : f32 to vector<16xf32>
      %parallel_loop3A_312 = arith.constant 0xFF800000 : f32
      %parallel_loop3A_313 = vector.broadcast %parallel_loop3A_312 : f32 to vector<16xf32>
      %parallel_loop3A_314 = arith.constant 0xFF800000 : f32
      %parallel_loop3A_315 = vector.broadcast %parallel_loop3A_314 : f32 to vector<16xf32>
      %parallel_loop3A_316 = arith.constant 0xFF800000 : f32
      %parallel_loop3A_317 = vector.broadcast %parallel_loop3A_316 : f32 to vector<16xf32>
      %parallel_loop3A_318 = arith.constant 0xFF800000 : f32
      %parallel_loop3A_319 = vector.broadcast %parallel_loop3A_318 : f32 to vector<16xf32>
      %parallel_loop3A_320 = arith.constant 0xFF800000 : f32
      %parallel_loop3A_321 = vector.broadcast %parallel_loop3A_320 : f32 to vector<16xf32>
      %parallel_loop3A_322 = arith.constant 0xFF800000 : f32
      %parallel_loop3A_323 = vector.broadcast %parallel_loop3A_322 : f32 to vector<16xf32>
      %parallel_loop3A_324 = arith.constant 0xFF800000 : f32
      %parallel_loop3A_325 = vector.broadcast %parallel_loop3A_324 : f32 to vector<16xf32>
      %parallel_loop3A_326 = arith.constant 0xFF800000 : f32
      %parallel_loop3A_327 = vector.broadcast %parallel_loop3A_326 : f32 to vector<16xf32>
      %parallel_loop3A_328 = arith.constant 0xFF800000 : f32
      %parallel_loop3A_329 = vector.broadcast %parallel_loop3A_328 : f32 to vector<16xf32>
      %parallel_loop3A_330 = arith.constant 0xFF800000 : f32
      %parallel_loop3A_331 = vector.broadcast %parallel_loop3A_330 : f32 to vector<16xf32>
      %parallel_loop3A_332 = arith.constant 0xFF800000 : f32
      %parallel_loop3A_333 = vector.broadcast %parallel_loop3A_332 : f32 to vector<16xf32>
      %parallel_loop3A_334 = arith.constant 0xFF800000 : f32
      %parallel_loop3A_335 = vector.broadcast %parallel_loop3A_334 : f32 to vector<16xf32>
      %parallel_loop3A_336 = arith.constant 0xFF800000 : f32
      %parallel_loop3A_337 = vector.broadcast %parallel_loop3A_336 : f32 to vector<16xf32>
      %parallel_loop3A_338 = arith.constant 0xFF800000 : f32
      %parallel_loop3A_339 = vector.broadcast %parallel_loop3A_338 : f32 to vector<16xf32>
      %parallel_loop3A_340 = arith.constant 0xFF800000 : f32
      %parallel_loop3A_341 = vector.broadcast %parallel_loop3A_340 : f32 to vector<16xf32>
      %parallel_loop3A_342 = arith.constant 0xFF800000 : f32
      %parallel_loop3A_343 = vector.broadcast %parallel_loop3A_342 : f32 to vector<16xf32>
      %parallel_loop3A_344 = arith.constant 0xFF800000 : f32
      %parallel_loop3A_345 = vector.broadcast %parallel_loop3A_344 : f32 to vector<16xf32>
      %parallel_loop3A_346 = arith.constant 0xFF800000 : f32
      %parallel_loop3A_347 = vector.broadcast %parallel_loop3A_346 : f32 to vector<16xf32>
      %parallel_loop3A_348 = arith.constant 0xFF800000 : f32
      %parallel_loop3A_349 = vector.broadcast %parallel_loop3A_348 : f32 to vector<16xf32>
      %parallel_loop3A_350 = arith.constant 0xFF800000 : f32
      %parallel_loop3A_351 = vector.broadcast %parallel_loop3A_350 : f32 to vector<16xf32>
      %parallel_loop3A_352 = arith.constant 0xFF800000 : f32
      %parallel_loop3A_353 = vector.broadcast %parallel_loop3A_352 : f32 to vector<16xf32>
      %parallel_loop3A_354 = arith.constant 0xFF800000 : f32
      %parallel_loop3A_355 = vector.broadcast %parallel_loop3A_354 : f32 to vector<16xf32>
      %parallel_loop3A_356 = arith.constant 0xFF800000 : f32
      %parallel_loop3A_357 = vector.broadcast %parallel_loop3A_356 : f32 to vector<16xf32>
      %parallel_loop3A_358 = arith.constant 0xFF800000 : f32
      %parallel_loop3A_359 = vector.broadcast %parallel_loop3A_358 : f32 to vector<16xf32>
      %parallel_loop3A_360 = arith.constant 0 : i32
      %parallel_loop3A_361 = arith.constant 64 : i32
      %parallel_loop3A_362 = arith.constant 1 : i32
      %parallel_loop3A_363:32 = scf.for %parallel_loop3A_428 = %parallel_loop3A_360 to %parallel_loop3A_361 step %parallel_loop3A_362 iter_args(%parallel_loop3A_429 = %parallel_loop3A_297, %parallel_loop3A_430 = %parallel_loop3A_299, %parallel_loop3A_431 = %parallel_loop3A_301, %parallel_loop3A_432 = %parallel_loop3A_303, %parallel_loop3A_433 = %parallel_loop3A_305, %parallel_loop3A_434 = %parallel_loop3A_307, %parallel_loop3A_435 = %parallel_loop3A_309, %parallel_loop3A_436 = %parallel_loop3A_311, %parallel_loop3A_437 = %parallel_loop3A_313, %parallel_loop3A_438 = %parallel_loop3A_315, %parallel_loop3A_439 = %parallel_loop3A_317, %parallel_loop3A_440 = %parallel_loop3A_319, %parallel_loop3A_441 = %parallel_loop3A_321, %parallel_loop3A_442 = %parallel_loop3A_323, %parallel_loop3A_443 = %parallel_loop3A_325, %parallel_loop3A_444 = %parallel_loop3A_327, %parallel_loop3A_445 = %parallel_loop3A_329, %parallel_loop3A_446 = %parallel_loop3A_331, %parallel_loop3A_447 = %parallel_loop3A_333, %parallel_loop3A_448 = %parallel_loop3A_335, %parallel_loop3A_449 = %parallel_loop3A_337, %parallel_loop3A_450 = %parallel_loop3A_339, %parallel_loop3A_451 = %parallel_loop3A_341, %parallel_loop3A_452 = %parallel_loop3A_343, %parallel_loop3A_453 = %parallel_loop3A_345, %parallel_loop3A_454 = %parallel_loop3A_347, %parallel_loop3A_455 = %parallel_loop3A_349, %parallel_loop3A_456 = %parallel_loop3A_351, %parallel_loop3A_457 = %parallel_loop3A_353, %parallel_loop3A_458 = %parallel_loop3A_355, %parallel_loop3A_459 = %parallel_loop3A_357, %parallel_loop3A_460 = %parallel_loop3A_359) -> (vector<16xf32>, vector<16xf32>, vector<16xf32>, vector<16xf32>, vector<16xf32>, vector<16xf32>, vector<16xf32>, vector<16xf32>, vector<16xf32>, vector<16xf32>, vector<16xf32>, vector<16xf32>, vector<16xf32>, vector<16xf32>, vector<16xf32>, vector<16xf32>, vector<16xf32>, vector<16xf32>, vector<16xf32>, vector<16xf32>, vector<16xf32>, vector<16xf32>, vector<16xf32>, vector<16xf32>, vector<16xf32>, vector<16xf32>, vector<16xf32>, vector<16xf32>, vector<16xf32>, vector<16xf32>, vector<16xf32>, vector<16xf32>)  : i32 {
        %parallel_loop3A_461 = arith.constant 16 : i32
        %parallel_loop3A_462 = arith.muli %parallel_loop3A_428, %parallel_loop3A_461 : i32
        %parallel_loop3A_463 = arith.index_cast %parallel_loop3A_294 : i32 to index
        %parallel_loop3A_464 = arith.index_cast %parallel_loop3A_462 : i32 to index
        %parallel_loop3A_465 = tpu.vector_load %arg6[%parallel_loop3A_463, %parallel_loop3A_464] {strides = array<i32>} : memref<32x1024xf32, #tpu.memory_space<vmem>>, vector<16xf32>,
        %parallel_loop3A_466 = arith.constant 16 : i32
        %parallel_loop3A_467 = arith.muli %parallel_loop3A_428, %parallel_loop3A_466 : i32
        %parallel_loop3A_468 = arith.constant 0 : i32
        %parallel_loop3A_469 = arith.constant 0 : i32
        %parallel_loop3A_470 = arith.index_cast %parallel_loop3A_468 : i32 to index
        %parallel_loop3A_471 = arith.index_cast %parallel_loop3A_469 : i32 to index
        %parallel_loop3A_472 = arith.index_cast %parallel_loop3A_467 : i32 to index
        %parallel_loop3A_473 = tpu.vector_load %arg7[%parallel_loop3A_470, %parallel_loop3A_471, %parallel_loop3A_472] {strides = array<i32>} : memref<2x32x1024xf32, #tpu.memory_space<vmem>>, vector<16xf32>,
        %parallel_loop3A_474 = arith.mulf %parallel_loop3A_465, %parallel_loop3A_473 : vector<16xf32>
        %parallel_loop3A_475 = arith.constant dense<true> : vector<16xi1>
        %parallel_loop3A_476, %parallel_loop3A_477, %parallel_loop3A_478 = tpu.sort %parallel_loop3A_474, %parallel_loop3A_473 masked %parallel_loop3A_475 {descending = true} : (vector<16xf32>, vector<16xf32>, vector<16xi1>) -> (vector<16xi1>, vector<16xf32>, vector<16xf32>)
        %parallel_loop3A_479 = arith.maximumf %parallel_loop3A_429, %parallel_loop3A_477 : vector<16xf32>
        %parallel_loop3A_480 = arith.constant dense<true> : vector<16xi1>
        %parallel_loop3A_481, %parallel_loop3A_482, %parallel_loop3A_483 = tpu.sort %parallel_loop3A_479, %parallel_loop3A_479 masked %parallel_loop3A_480 : (vector<16xf32>, vector<16xf32>, vector<16xi1>) -> (vector<16xi1>, vector<16xf32>, vector<16xf32>)
        %parallel_loop3A_484 = arith.constant 16 : i32
        %parallel_loop3A_485 = arith.muli %parallel_loop3A_428, %parallel_loop3A_484 : i32
        %parallel_loop3A_486 = arith.constant 0 : i32
        %parallel_loop3A_487 = arith.constant 1 : i32
        %parallel_loop3A_488 = arith.index_cast %parallel_loop3A_486 : i32 to index
        %parallel_loop3A_489 = arith.index_cast %parallel_loop3A_487 : i32 to index
        %parallel_loop3A_490 = arith.index_cast %parallel_loop3A_485 : i32 to index
        %parallel_loop3A_491 = tpu.vector_load %arg7[%parallel_loop3A_488, %parallel_loop3A_489, %parallel_loop3A_490] {strides = array<i32>} : memref<2x32x1024xf32, #tpu.memory_space<vmem>>, vector<16xf32>,
        %parallel_loop3A_492 = arith.mulf %parallel_loop3A_465, %parallel_loop3A_491 : vector<16xf32>
        %parallel_loop3A_493 = arith.constant dense<true> : vector<16xi1>
        %parallel_loop3A_494, %parallel_loop3A_495, %parallel_loop3A_496 = tpu.sort %parallel_loop3A_492, %parallel_loop3A_491 masked %parallel_loop3A_493 {descending = true} : (vector<16xf32>, vector<16xf32>, vector<16xi1>) -> (vector<16xi1>, vector<16xf32>, vector<16xf32>)
        %parallel_loop3A_497 = arith.maximumf %parallel_loop3A_430, %parallel_loop3A_495 : vector<16xf32>
        %parallel_loop3A_498 = arith.constant dense<true> : vector<16xi1>
        %parallel_loop3A_499, %parallel_loop3A_500, %parallel_loop3A_501 = tpu.sort %parallel_loop3A_497, %parallel_loop3A_497 masked %parallel_loop3A_498 : (vector<16xf32>, vector<16xf32>, vector<16xi1>) -> (vector<16xi1>, vector<16xf32>, vector<16xf32>)
        %parallel_loop3A_502 = arith.constant 16 : i32
        %parallel_loop3A_503 = arith.muli %parallel_loop3A_428, %parallel_loop3A_502 : i32
        %parallel_loop3A_504 = arith.constant 0 : i32
        %parallel_loop3A_505 = arith.constant 2 : i32
        %parallel_loop3A_506 = arith.index_cast %parallel_loop3A_504 : i32 to index
        %parallel_loop3A_507 = arith.index_cast %parallel_loop3A_505 : i32 to index
        %parallel_loop3A_508 = arith.index_cast %parallel_loop3A_503 : i32 to index
        %parallel_loop3A_509 = tpu.vector_load %arg7[%parallel_loop3A_506, %parallel_loop3A_507, %parallel_loop3A_508] {strides = array<i32>} : memref<2x32x1024xf32, #tpu.memory_space<vmem>>, vector<16xf32>,
        %parallel_loop3A_510 = arith.mulf %parallel_loop3A_465, %parallel_loop3A_509 : vector<16xf32>
        %parallel_loop3A_511 = arith.constant dense<true> : vector<16xi1>
        %parallel_loop3A_512, %parallel_loop3A_513, %parallel_loop3A_514 = tpu.sort %parallel_loop3A_510, %parallel_loop3A_509 masked %parallel_loop3A_511 {descending = true} : (vector<16xf32>, vector<16xf32>, vector<16xi1>) -> (vector<16xi1>, vector<16xf32>, vector<16xf32>)
        %parallel_loop3A_515 = arith.maximumf %parallel_loop3A_431, %parallel_loop3A_513 : vector<16xf32>
        %parallel_loop3A_516 = arith.constant dense<true> : vector<16xi1>
        %parallel_loop3A_517, %parallel_loop3A_518, %parallel_loop3A_519 = tpu.sort %parallel_loop3A_515, %parallel_loop3A_515 masked %parallel_loop3A_516 : (vector<16xf32>, vector<16xf32>, vector<16xi1>) -> (vector<16xi1>, vector<16xf32>, vector<16xf32>)
        %parallel_loop3A_520 = arith.constant 16 : i32
        %parallel_loop3A_521 = arith.muli %parallel_loop3A_428, %parallel_loop3A_520 : i32
        %parallel_loop3A_522 = arith.constant 0 : i32
        %parallel_loop3A_523 = arith.constant 3 : i32
        %parallel_loop3A_524 = arith.index_cast %parallel_loop3A_522 : i32 to index
        %parallel_loop3A_525 = arith.index_cast %parallel_loop3A_523 : i32 to index
        %parallel_loop3A_526 = arith.index_cast %parallel_loop3A_521 : i32 to index
        %parallel_loop3A_527 = tpu.vector_load %arg7[%parallel_loop3A_524, %parallel_loop3A_525, %parallel_loop3A_526] {strides = array<i32>} : memref<2x32x1024xf32, #tpu.memory_space<vmem>>, vector<16xf32>,
        %parallel_loop3A_528 = arith.mulf %parallel_loop3A_465, %parallel_loop3A_527 : vector<16xf32>
        %parallel_loop3A_529 = arith.constant dense<true> : vector<16xi1>
        %parallel_loop3A_530, %parallel_loop3A_531, %parallel_loop3A_532 = tpu.sort %parallel_loop3A_528, %parallel_loop3A_527 masked %parallel_loop3A_529 {descending = true} : (vector<16xf32>, vector<16xf32>, vector<16xi1>) -> (vector<16xi1>, vector<16xf32>, vector<16xf32>)
        %parallel_loop3A_533 = arith.maximumf %parallel_loop3A_432, %parallel_loop3A_531 : vector<16xf32>
        %parallel_loop3A_534 = arith.constant dense<true> : vector<16xi1>
        %parallel_loop3A_535, %parallel_loop3A_536, %parallel_loop3A_537 = tpu.sort %parallel_loop3A_533, %parallel_loop3A_533 masked %parallel_loop3A_534 : (vector<16xf32>, vector<16xf32>, vector<16xi1>) -> (vector<16xi1>, vector<16xf32>, vector<16xf32>)
        %parallel_loop3A_538 = arith.constant 16 : i32
        %parallel_loop3A_539 = arith.muli %parallel_loop3A_428, %parallel_loop3A_538 : i32
        %parallel_loop3A_540 = arith.constant 0 : i32
        %parallel_loop3A_541 = arith.constant 4 : i32
        %parallel_loop3A_542 = arith.index_cast %parallel_loop3A_540 : i32 to index
        %parallel_loop3A_543 = arith.index_cast %parallel_loop3A_541 : i32 to index
        %parallel_loop3A_544 = arith.index_cast %parallel_loop3A_539 : i32 to index
        %parallel_loop3A_545 = tpu.vector_load %arg7[%parallel_loop3A_542, %parallel_loop3A_543, %parallel_loop3A_544] {strides = array<i32>} : memref<2x32x1024xf32, #tpu.memory_space<vmem>>, vector<16xf32>,
        %parallel_loop3A_546 = arith.mulf %parallel_loop3A_465, %parallel_loop3A_545 : vector<16xf32>
        %parallel_loop3A_547 = arith.constant dense<true> : vector<16xi1>
        %parallel_loop3A_548, %parallel_loop3A_549, %parallel_loop3A_550 = tpu.sort %parallel_loop3A_546, %parallel_loop3A_545 masked %parallel_loop3A_547 {descending = true} : (vector<16xf32>, vector<16xf32>, vector<16xi1>) -> (vector<16xi1>, vector<16xf32>, vector<16xf32>)
        %parallel_loop3A_551 = arith.maximumf %parallel_loop3A_433, %parallel_loop3A_549 : vector<16xf32>
        %parallel_loop3A_552 = arith.constant dense<true> : vector<16xi1>
        %parallel_loop3A_553, %parallel_loop3A_554, %parallel_loop3A_555 = tpu.sort %parallel_loop3A_551, %parallel_loop3A_551 masked %parallel_loop3A_552 : (vector<16xf32>, vector<16xf32>, vector<16xi1>) -> (vector<16xi1>, vector<16xf32>, vector<16xf32>)
        %parallel_loop3A_556 = arith.constant 16 : i32
        %parallel_loop3A_557 = arith.muli %parallel_loop3A_428, %parallel_loop3A_556 : i32
        %parallel_loop3A_558 = arith.constant 0 : i32
        %parallel_loop3A_559 = arith.constant 5 : i32
        %parallel_loop3A_560 = arith.index_cast %parallel_loop3A_558 : i32 to index
        %parallel_loop3A_561 = arith.index_cast %parallel_loop3A_559 : i32 to index
        %parallel_loop3A_562 = arith.index_cast %parallel_loop3A_557 : i32 to index
        %parallel_loop3A_563 = tpu.vector_load %arg7[%parallel_loop3A_560, %parallel_loop3A_561, %parallel_loop3A_562] {strides = array<i32>} : memref<2x32x1024xf32, #tpu.memory_space<vmem>>, vector<16xf32>,
        %parallel_loop3A_564 = arith.mulf %parallel_loop3A_465, %parallel_loop3A_563 : vector<16xf32>
        %parallel_loop3A_565 = arith.constant dense<true> : vector<16xi1>
        %parallel_loop3A_566, %parallel_loop3A_567, %parallel_loop3A_568 = tpu.sort %parallel_loop3A_564, %parallel_loop3A_563 masked %parallel_loop3A_565 {descending = true} : (vector<16xf32>, vector<16xf32>, vector<16xi1>) -> (vector<16xi1>, vector<16xf32>, vector<16xf32>)
        %parallel_loop3A_569 = arith.maximumf %parallel_loop3A_434, %parallel_loop3A_567 : vector<16xf32>
        %parallel_loop3A_570 = arith.constant dense<true> : vector<16xi1>
        %parallel_loop3A_571, %parallel_loop3A_572, %parallel_loop3A_573 = tpu.sort %parallel_loop3A_569, %parallel_loop3A_569 masked %parallel_loop3A_570 : (vector<16xf32>, vector<16xf32>, vector<16xi1>) -> (vector<16xi1>, vector<16xf32>, vector<16xf32>)
        %parallel_loop3A_574 = arith.constant 16 : i32
        %parallel_loop3A_575 = arith.muli %parallel_loop3A_428, %parallel_loop3A_574 : i32
        %parallel_loop3A_576 = arith.constant 0 : i32
        %parallel_loop3A_577 = arith.constant 6 : i32
        %parallel_loop3A_578 = arith.index_cast %parallel_loop3A_576 : i32 to index
        %parallel_loop3A_579 = arith.index_cast %parallel_loop3A_577 : i32 to index
        %parallel_loop3A_580 = arith.index_cast %parallel_loop3A_575 : i32 to index
        %parallel_loop3A_581 = tpu.vector_load %arg7[%parallel_loop3A_578, %parallel_loop3A_579, %parallel_loop3A_580] {strides = array<i32>} : memref<2x32x1024xf32, #tpu.memory_space<vmem>>, vector<16xf32>,
        %parallel_loop3A_582 = arith.mulf %parallel_loop3A_465, %parallel_loop3A_581 : vector<16xf32>
        %parallel_loop3A_583 = arith.constant dense<true> : vector<16xi1>
        %parallel_loop3A_584, %parallel_loop3A_585, %parallel_loop3A_586 = tpu.sort %parallel_loop3A_582, %parallel_loop3A_581 masked %parallel_loop3A_583 {descending = true} : (vector<16xf32>, vector<16xf32>, vector<16xi1>) -> (vector<16xi1>, vector<16xf32>, vector<16xf32>)
        %parallel_loop3A_587 = arith.maximumf %parallel_loop3A_435, %parallel_loop3A_585 : vector<16xf32>
        %parallel_loop3A_588 = arith.constant dense<true> : vector<16xi1>
        %parallel_loop3A_589, %parallel_loop3A_590, %parallel_loop3A_591 = tpu.sort %parallel_loop3A_587, %parallel_loop3A_587 masked %parallel_loop3A_588 : (vector<16xf32>, vector<16xf32>, vector<16xi1>) -> (vector<16xi1>, vector<16xf32>, vector<16xf32>)
        %parallel_loop3A_592 = arith.constant 16 : i32
        %parallel_loop3A_593 = arith.muli %parallel_loop3A_428, %parallel_loop3A_592 : i32
        %parallel_loop3A_594 = arith.constant 0 : i32
        %parallel_loop3A_595 = arith.constant 7 : i32
        %parallel_loop3A_596 = arith.index_cast %parallel_loop3A_594 : i32 to index
        %parallel_loop3A_597 = arith.index_cast %parallel_loop3A_595 : i32 to index
        %parallel_loop3A_598 = arith.index_cast %parallel_loop3A_593 : i32 to index
        %parallel_loop3A_599 = tpu.vector_load %arg7[%parallel_loop3A_596, %parallel_loop3A_597, %parallel_loop3A_598] {strides = array<i32>} : memref<2x32x1024xf32, #tpu.memory_space<vmem>>, vector<16xf32>,
        %parallel_loop3A_600 = arith.mulf %parallel_loop3A_465, %parallel_loop3A_599 : vector<16xf32>
        %parallel_loop3A_601 = arith.constant dense<true> : vector<16xi1>
        %parallel_loop3A_602, %parallel_loop3A_603, %parallel_loop3A_604 = tpu.sort %parallel_loop3A_600, %parallel_loop3A_599 masked %parallel_loop3A_601 {descending = true} : (vector<16xf32>, vector<16xf32>, vector<16xi1>) -> (vector<16xi1>, vector<16xf32>, vector<16xf32>)
        %parallel_loop3A_605 = arith.maximumf %parallel_loop3A_436, %parallel_loop3A_603 : vector<16xf32>
        %parallel_loop3A_606 = arith.constant dense<true> : vector<16xi1>
        %parallel_loop3A_607, %parallel_loop3A_608, %parallel_loop3A_609 = tpu.sort %parallel_loop3A_605, %parallel_loop3A_605 masked %parallel_loop3A_606 : (vector<16xf32>, vector<16xf32>, vector<16xi1>) -> (vector<16xi1>, vector<16xf32>, vector<16xf32>)
        %parallel_loop3A_610 = arith.constant 16 : i32
        %parallel_loop3A_611 = arith.muli %parallel_loop3A_428, %parallel_loop3A_610 : i32
        %parallel_loop3A_612 = arith.constant 0 : i32
        %parallel_loop3A_613 = arith.constant 8 : i32
        %parallel_loop3A_614 = arith.index_cast %parallel_loop3A_612 : i32 to index
        %parallel_loop3A_615 = arith.index_cast %parallel_loop3A_613 : i32 to index
        %parallel_loop3A_616 = arith.index_cast %parallel_loop3A_611 : i32 to index
        %parallel_loop3A_617 = tpu.vector_load %arg7[%parallel_loop3A_614, %parallel_loop3A_615, %parallel_loop3A_616] {strides = array<i32>} : memref<2x32x1024xf32, #tpu.memory_space<vmem>>, vector<16xf32>,
        %parallel_loop3A_618 = arith.mulf %parallel_loop3A_465, %parallel_loop3A_617 : vector<16xf32>
        %parallel_loop3A_619 = arith.constant dense<true> : vector<16xi1>
        %parallel_loop3A_620, %parallel_loop3A_621, %parallel_loop3A_622 = tpu.sort %parallel_loop3A_618, %parallel_loop3A_617 masked %parallel_loop3A_619 {descending = true} : (vector<16xf32>, vector<16xf32>, vector<16xi1>) -> (vector<16xi1>, vector<16xf32>, vector<16xf32>)
        %parallel_loop3A_623 = arith.maximumf %parallel_loop3A_437, %parallel_loop3A_621 : vector<16xf32>
        %parallel_loop3A_624 = arith.constant dense<true> : vector<16xi1>
        %parallel_loop3A_625, %parallel_loop3A_626, %parallel_loop3A_627 = tpu.sort %parallel_loop3A_623, %parallel_loop3A_623 masked %parallel_loop3A_624 : (vector<16xf32>, vector<16xf32>, vector<16xi1>) -> (vector<16xi1>, vector<16xf32>, vector<16xf32>)
        %parallel_loop3A_628 = arith.constant 16 : i32
        %parallel_loop3A_629 = arith.muli %parallel_loop3A_428, %parallel_loop3A_628 : i32
        %parallel_loop3A_630 = arith.constant 0 : i32
        %parallel_loop3A_631 = arith.constant 9 : i32
        %parallel_loop3A_632 = arith.index_cast %parallel_loop3A_630 : i32 to index
        %parallel_loop3A_633 = arith.index_cast %parallel_loop3A_631 : i32 to index
        %parallel_loop3A_634 = arith.index_cast %parallel_loop3A_629 : i32 to index
        %parallel_loop3A_635 = tpu.vector_load %arg7[%parallel_loop3A_632, %parallel_loop3A_633, %parallel_loop3A_634] {strides = array<i32>} : memref<2x32x1024xf32, #tpu.memory_space<vmem>>, vector<16xf32>,
        %parallel_loop3A_636 = arith.mulf %parallel_loop3A_465, %parallel_loop3A_635 : vector<16xf32>
        %parallel_loop3A_637 = arith.constant dense<true> : vector<16xi1>
        %parallel_loop3A_638, %parallel_loop3A_639, %parallel_loop3A_640 = tpu.sort %parallel_loop3A_636, %parallel_loop3A_635 masked %parallel_loop3A_637 {descending = true} : (vector<16xf32>, vector<16xf32>, vector<16xi1>) -> (vector<16xi1>, vector<16xf32>, vector<16xf32>)
        %parallel_loop3A_641 = arith.maximumf %parallel_loop3A_438, %parallel_loop3A_639 : vector<16xf32>
        %parallel_loop3A_642 = arith.constant dense<true> : vector<16xi1>
        %parallel_loop3A_643, %parallel_loop3A_644, %parallel_loop3A_645 = tpu.sort %parallel_loop3A_641, %parallel_loop3A_641 masked %parallel_loop3A_642 : (vector<16xf32>, vector<16xf32>, vector<16xi1>) -> (vector<16xi1>, vector<16xf32>, vector<16xf32>)
        %parallel_loop3A_646 = arith.constant 16 : i32
        %parallel_loop3A_647 = arith.muli %parallel_loop3A_428, %parallel_loop3A_646 : i32
        %parallel_loop3A_648 = arith.constant 0 : i32
        %parallel_loop3A_649 = arith.constant 10 : i32
        %parallel_loop3A_650 = arith.index_cast %parallel_loop3A_648 : i32 to index
        %parallel_loop3A_651 = arith.index_cast %parallel_loop3A_649 : i32 to index
        %parallel_loop3A_652 = arith.index_cast %parallel_loop3A_647 : i32 to index
        %parallel_loop3A_653 = tpu.vector_load %arg7[%parallel_loop3A_650, %parallel_loop3A_651, %parallel_loop3A_652] {strides = array<i32>} : memref<2x32x1024xf32, #tpu.memory_space<vmem>>, vector<16xf32>,
        %parallel_loop3A_654 = arith.mulf %parallel_loop3A_465, %parallel_loop3A_653 : vector<16xf32>
        %parallel_loop3A_655 = arith.constant dense<true> : vector<16xi1>
        %parallel_loop3A_656, %parallel_loop3A_657, %parallel_loop3A_658 = tpu.sort %parallel_loop3A_654, %parallel_loop3A_653 masked %parallel_loop3A_655 {descending = true} : (vector<16xf32>, vector<16xf32>, vector<16xi1>) -> (vector<16xi1>, vector<16xf32>, vector<16xf32>)
        %parallel_loop3A_659 = arith.maximumf %parallel_loop3A_439, %parallel_loop3A_657 : vector<16xf32>
        %parallel_loop3A_660 = arith.constant dense<true> : vector<16xi1>
        %parallel_loop3A_661, %parallel_loop3A_662, %parallel_loop3A_663 = tpu.sort %parallel_loop3A_659, %parallel_loop3A_659 masked %parallel_loop3A_660 : (vector<16xf32>, vector<16xf32>, vector<16xi1>) -> (vector<16xi1>, vector<16xf32>, vector<16xf32>)
        %parallel_loop3A_664 = arith.constant 16 : i32
        %parallel_loop3A_665 = arith.muli %parallel_loop3A_428, %parallel_loop3A_664 : i32
        %parallel_loop3A_666 = arith.constant 0 : i32
        %parallel_loop3A_667 = arith.constant 11 : i32
        %parallel_loop3A_668 = arith.index_cast %parallel_loop3A_666 : i32 to index
        %parallel_loop3A_669 = arith.index_cast %parallel_loop3A_667 : i32 to index
        %parallel_loop3A_670 = arith.index_cast %parallel_loop3A_665 : i32 to index
        %parallel_loop3A_671 = tpu.vector_load %arg7[%parallel_loop3A_668, %parallel_loop3A_669, %parallel_loop3A_670] {strides = array<i32>} : memref<2x32x1024xf32, #tpu.memory_space<vmem>>, vector<16xf32>,
        %parallel_loop3A_672 = arith.mulf %parallel_loop3A_465, %parallel_loop3A_671 : vector<16xf32>
        %parallel_loop3A_673 = arith.constant dense<true> : vector<16xi1>
        %parallel_loop3A_674, %parallel_loop3A_675, %parallel_loop3A_676 = tpu.sort %parallel_loop3A_672, %parallel_loop3A_671 masked %parallel_loop3A_673 {descending = true} : (vector<16xf32>, vector<16xf32>, vector<16xi1>) -> (vector<16xi1>, vector<16xf32>, vector<16xf32>)
        %parallel_loop3A_677 = arith.maximumf %parallel_loop3A_440, %parallel_loop3A_675 : vector<16xf32>
        %parallel_loop3A_678 = arith.constant dense<true> : vector<16xi1>
        %parallel_loop3A_679, %parallel_loop3A_680, %parallel_loop3A_681 = tpu.sort %parallel_loop3A_677, %parallel_loop3A_677 masked %parallel_loop3A_678 : (vector<16xf32>, vector<16xf32>, vector<16xi1>) -> (vector<16xi1>, vector<16xf32>, vector<16xf32>)
        %parallel_loop3A_682 = arith.constant 16 : i32
        %parallel_loop3A_683 = arith.muli %parallel_loop3A_428, %parallel_loop3A_682 : i32
        %parallel_loop3A_684 = arith.constant 0 : i32
        %parallel_loop3A_685 = arith.constant 12 : i32
        %parallel_loop3A_686 = arith.index_cast %parallel_loop3A_684 : i32 to index
        %parallel_loop3A_687 = arith.index_cast %parallel_loop3A_685 : i32 to index
        %parallel_loop3A_688 = arith.index_cast %parallel_loop3A_683 : i32 to index
        %parallel_loop3A_689 = tpu.vector_load %arg7[%parallel_loop3A_686, %parallel_loop3A_687, %parallel_loop3A_688] {strides = array<i32>} : memref<2x32x1024xf32, #tpu.memory_space<vmem>>, vector<16xf32>,
        %parallel_loop3A_690 = arith.mulf %parallel_loop3A_465, %parallel_loop3A_689 : vector<16xf32>
        %parallel_loop3A_691 = arith.constant dense<true> : vector<16xi1>
        %parallel_loop3A_692, %parallel_loop3A_693, %parallel_loop3A_694 = tpu.sort %parallel_loop3A_690, %parallel_loop3A_689 masked %parallel_loop3A_691 {descending = true} : (vector<16xf32>, vector<16xf32>, vector<16xi1>) -> (vector<16xi1>, vector<16xf32>, vector<16xf32>)
        %parallel_loop3A_695 = arith.maximumf %parallel_loop3A_441, %parallel_loop3A_693 : vector<16xf32>
        %parallel_loop3A_696 = arith.constant dense<true> : vector<16xi1>
        %parallel_loop3A_697, %parallel_loop3A_698, %parallel_loop3A_699 = tpu.sort %parallel_loop3A_695, %parallel_loop3A_695 masked %parallel_loop3A_696 : (vector<16xf32>, vector<16xf32>, vector<16xi1>) -> (vector<16xi1>, vector<16xf32>, vector<16xf32>)
        %parallel_loop3A_700 = arith.constant 16 : i32
        %parallel_loop3A_701 = arith.muli %parallel_loop3A_428, %parallel_loop3A_700 : i32
        %parallel_loop3A_702 = arith.constant 0 : i32
        %parallel_loop3A_703 = arith.constant 13 : i32
        %parallel_loop3A_704 = arith.index_cast %parallel_loop3A_702 : i32 to index
        %parallel_loop3A_705 = arith.index_cast %parallel_loop3A_703 : i32 to index
        %parallel_loop3A_706 = arith.index_cast %parallel_loop3A_701 : i32 to index
        %parallel_loop3A_707 = tpu.vector_load %arg7[%parallel_loop3A_704, %parallel_loop3A_705, %parallel_loop3A_706] {strides = array<i32>} : memref<2x32x1024xf32, #tpu.memory_space<vmem>>, vector<16xf32>,
        %parallel_loop3A_708 = arith.mulf %parallel_loop3A_465, %parallel_loop3A_707 : vector<16xf32>
        %parallel_loop3A_709 = arith.constant dense<true> : vector<16xi1>
        %parallel_loop3A_710, %parallel_loop3A_711, %parallel_loop3A_712 = tpu.sort %parallel_loop3A_708, %parallel_loop3A_707 masked %parallel_loop3A_709 {descending = true} : (vector<16xf32>, vector<16xf32>, vector<16xi1>) -> (vector<16xi1>, vector<16xf32>, vector<16xf32>)
        %parallel_loop3A_713 = arith.maximumf %parallel_loop3A_442, %parallel_loop3A_711 : vector<16xf32>
        %parallel_loop3A_714 = arith.constant dense<true> : vector<16xi1>
        %parallel_loop3A_715, %parallel_loop3A_716, %parallel_loop3A_717 = tpu.sort %parallel_loop3A_713, %parallel_loop3A_713 masked %parallel_loop3A_714 : (vector<16xf32>, vector<16xf32>, vector<16xi1>) -> (vector<16xi1>, vector<16xf32>, vector<16xf32>)
        %parallel_loop3A_718 = arith.constant 16 : i32
        %parallel_loop3A_719 = arith.muli %parallel_loop3A_428, %parallel_loop3A_718 : i32
        %parallel_loop3A_720 = arith.constant 0 : i32
        %parallel_loop3A_721 = arith.constant 14 : i32
        %parallel_loop3A_722 = arith.index_cast %parallel_loop3A_720 : i32 to index
        %parallel_loop3A_723 = arith.index_cast %parallel_loop3A_721 : i32 to index
        %parallel_loop3A_724 = arith.index_cast %parallel_loop3A_719 : i32 to index
        %parallel_loop3A_725 = tpu.vector_load %arg7[%parallel_loop3A_722, %parallel_loop3A_723, %parallel_loop3A_724] {strides = array<i32>} : memref<2x32x1024xf32, #tpu.memory_space<vmem>>, vector<16xf32>,
        %parallel_loop3A_726 = arith.mulf %parallel_loop3A_465, %parallel_loop3A_725 : vector<16xf32>
        %parallel_loop3A_727 = arith.constant dense<true> : vector<16xi1>
        %parallel_loop3A_728, %parallel_loop3A_729, %parallel_loop3A_730 = tpu.sort %parallel_loop3A_726, %parallel_loop3A_725 masked %parallel_loop3A_727 {descending = true} : (vector<16xf32>, vector<16xf32>, vector<16xi1>) -> (vector<16xi1>, vector<16xf32>, vector<16xf32>)
        %parallel_loop3A_731 = arith.maximumf %parallel_loop3A_443, %parallel_loop3A_729 : vector<16xf32>
        %parallel_loop3A_732 = arith.constant dense<true> : vector<16xi1>
        %parallel_loop3A_733, %parallel_loop3A_734, %parallel_loop3A_735 = tpu.sort %parallel_loop3A_731, %parallel_loop3A_731 masked %parallel_loop3A_732 : (vector<16xf32>, vector<16xf32>, vector<16xi1>) -> (vector<16xi1>, vector<16xf32>, vector<16xf32>)
        %parallel_loop3A_736 = arith.constant 16 : i32
        %parallel_loop3A_737 = arith.muli %parallel_loop3A_428, %parallel_loop3A_736 : i32
        %parallel_loop3A_738 = arith.constant 0 : i32
        %parallel_loop3A_739 = arith.constant 15 : i32
        %parallel_loop3A_740 = arith.index_cast %parallel_loop3A_738 : i32 to index
        %parallel_loop3A_741 = arith.index_cast %parallel_loop3A_739 : i32 to index
        %parallel_loop3A_742 = arith.index_cast %parallel_loop3A_737 : i32 to index
        %parallel_loop3A_743 = tpu.vector_load %arg7[%parallel_loop3A_740, %parallel_loop3A_741, %parallel_loop3A_742] {strides = array<i32>} : memref<2x32x1024xf32, #tpu.memory_space<vmem>>, vector<16xf32>,
        %parallel_loop3A_744 = arith.mulf %parallel_loop3A_465, %parallel_loop3A_743 : vector<16xf32>
        %parallel_loop3A_745 = arith.constant dense<true> : vector<16xi1>
        %parallel_loop3A_746, %parallel_loop3A_747, %parallel_loop3A_748 = tpu.sort %parallel_loop3A_744, %parallel_loop3A_743 masked %parallel_loop3A_745 {descending = true} : (vector<16xf32>, vector<16xf32>, vector<16xi1>) -> (vector<16xi1>, vector<16xf32>, vector<16xf32>)
        %parallel_loop3A_749 = arith.maximumf %parallel_loop3A_444, %parallel_loop3A_747 : vector<16xf32>
        %parallel_loop3A_750 = arith.constant dense<true> : vector<16xi1>
        %parallel_loop3A_751, %parallel_loop3A_752, %parallel_loop3A_753 = tpu.sort %parallel_loop3A_749, %parallel_loop3A_749 masked %parallel_loop3A_750 : (vector<16xf32>, vector<16xf32>, vector<16xi1>) -> (vector<16xi1>, vector<16xf32>, vector<16xf32>)
        %parallel_loop3A_754 = arith.constant 16 : i32
        %parallel_loop3A_755 = arith.muli %parallel_loop3A_428, %parallel_loop3A_754 : i32
        %parallel_loop3A_756 = arith.constant 0 : i32
        %parallel_loop3A_757 = arith.constant 16 : i32
        %parallel_loop3A_758 = arith.index_cast %parallel_loop3A_756 : i32 to index
        %parallel_loop3A_759 = arith.index_cast %parallel_loop3A_757 : i32 to index
        %parallel_loop3A_760 = arith.index_cast %parallel_loop3A_755 : i32 to index
        %parallel_loop3A_761 = tpu.vector_load %arg7[%parallel_loop3A_758, %parallel_loop3A_759, %parallel_loop3A_760] {strides = array<i32>} : memref<2x32x1024xf32, #tpu.memory_space<vmem>>, vector<16xf32>,
        %parallel_loop3A_762 = arith.mulf %parallel_loop3A_465, %parallel_loop3A_761 : vector<16xf32>
        %parallel_loop3A_763 = arith.constant dense<true> : vector<16xi1>
        %parallel_loop3A_764, %parallel_loop3A_765, %parallel_loop3A_766 = tpu.sort %parallel_loop3A_762, %parallel_loop3A_761 masked %parallel_loop3A_763 {descending = true} : (vector<16xf32>, vector<16xf32>, vector<16xi1>) -> (vector<16xi1>, vector<16xf32>, vector<16xf32>)
        %parallel_loop3A_767 = arith.maximumf %parallel_loop3A_445, %parallel_loop3A_765 : vector<16xf32>
        %parallel_loop3A_768 = arith.constant dense<true> : vector<16xi1>
        %parallel_loop3A_769, %parallel_loop3A_770, %parallel_loop3A_771 = tpu.sort %parallel_loop3A_767, %parallel_loop3A_767 masked %parallel_loop3A_768 : (vector<16xf32>, vector<16xf32>, vector<16xi1>) -> (vector<16xi1>, vector<16xf32>, vector<16xf32>)
        %parallel_loop3A_772 = arith.constant 16 : i32
        %parallel_loop3A_773 = arith.muli %parallel_loop3A_428, %parallel_loop3A_772 : i32
        %parallel_loop3A_774 = arith.constant 0 : i32
        %parallel_loop3A_775 = arith.constant 17 : i32
        %parallel_loop3A_776 = arith.index_cast %parallel_loop3A_774 : i32 to index
        %parallel_loop3A_777 = arith.index_cast %parallel_loop3A_775 : i32 to index
        %parallel_loop3A_778 = arith.index_cast %parallel_loop3A_773 : i32 to index
        %parallel_loop3A_779 = tpu.vector_load %arg7[%parallel_loop3A_776, %parallel_loop3A_777, %parallel_loop3A_778] {strides = array<i32>} : memref<2x32x1024xf32, #tpu.memory_space<vmem>>, vector<16xf32>,
        %parallel_loop3A_780 = arith.mulf %parallel_loop3A_465, %parallel_loop3A_779 : vector<16xf32>
        %parallel_loop3A_781 = arith.constant dense<true> : vector<16xi1>
        %parallel_loop3A_782, %parallel_loop3A_783, %parallel_loop3A_784 = tpu.sort %parallel_loop3A_780, %parallel_loop3A_779 masked %parallel_loop3A_781 {descending = true} : (vector<16xf32>, vector<16xf32>, vector<16xi1>) -> (vector<16xi1>, vector<16xf32>, vector<16xf32>)
        %parallel_loop3A_785 = arith.maximumf %parallel_loop3A_446, %parallel_loop3A_783 : vector<16xf32>
        %parallel_loop3A_786 = arith.constant dense<true> : vector<16xi1>
        %parallel_loop3A_787, %parallel_loop3A_788, %parallel_loop3A_789 = tpu.sort %parallel_loop3A_785, %parallel_loop3A_785 masked %parallel_loop3A_786 : (vector<16xf32>, vector<16xf32>, vector<16xi1>) -> (vector<16xi1>, vector<16xf32>, vector<16xf32>)
        %parallel_loop3A_790 = arith.constant 16 : i32
        %parallel_loop3A_791 = arith.muli %parallel_loop3A_428, %parallel_loop3A_790 : i32
        %parallel_loop3A_792 = arith.constant 0 : i32
        %parallel_loop3A_793 = arith.constant 18 : i32
        %parallel_loop3A_794 = arith.index_cast %parallel_loop3A_792 : i32 to index
        %parallel_loop3A_795 = arith.index_cast %parallel_loop3A_793 : i32 to index
        %parallel_loop3A_796 = arith.index_cast %parallel_loop3A_791 : i32 to index
        %parallel_loop3A_797 = tpu.vector_load %arg7[%parallel_loop3A_794, %parallel_loop3A_795, %parallel_loop3A_796] {strides = array<i32>} : memref<2x32x1024xf32, #tpu.memory_space<vmem>>, vector<16xf32>,
        %parallel_loop3A_798 = arith.mulf %parallel_loop3A_465, %parallel_loop3A_797 : vector<16xf32>
        %parallel_loop3A_799 = arith.constant dense<true> : vector<16xi1>
        %parallel_loop3A_800, %parallel_loop3A_801, %parallel_loop3A_802 = tpu.sort %parallel_loop3A_798, %parallel_loop3A_797 masked %parallel_loop3A_799 {descending = true} : (vector<16xf32>, vector<16xf32>, vector<16xi1>) -> (vector<16xi1>, vector<16xf32>, vector<16xf32>)
        %parallel_loop3A_803 = arith.maximumf %parallel_loop3A_447, %parallel_loop3A_801 : vector<16xf32>
        %parallel_loop3A_804 = arith.constant dense<true> : vector<16xi1>
        %parallel_loop3A_805, %parallel_loop3A_806, %parallel_loop3A_807 = tpu.sort %parallel_loop3A_803, %parallel_loop3A_803 masked %parallel_loop3A_804 : (vector<16xf32>, vector<16xf32>, vector<16xi1>) -> (vector<16xi1>, vector<16xf32>, vector<16xf32>)
        %parallel_loop3A_808 = arith.constant 16 : i32
        %parallel_loop3A_809 = arith.muli %parallel_loop3A_428, %parallel_loop3A_808 : i32
        %parallel_loop3A_810 = arith.constant 0 : i32
        %parallel_loop3A_811 = arith.constant 19 : i32
        %parallel_loop3A_812 = arith.index_cast %parallel_loop3A_810 : i32 to index
        %parallel_loop3A_813 = arith.index_cast %parallel_loop3A_811 : i32 to index
        %parallel_loop3A_814 = arith.index_cast %parallel_loop3A_809 : i32 to index
        %parallel_loop3A_815 = tpu.vector_load %arg7[%parallel_loop3A_812, %parallel_loop3A_813, %parallel_loop3A_814] {strides = array<i32>} : memref<2x32x1024xf32, #tpu.memory_space<vmem>>, vector<16xf32>,
        %parallel_loop3A_816 = arith.mulf %parallel_loop3A_465, %parallel_loop3A_815 : vector<16xf32>
        %parallel_loop3A_817 = arith.constant dense<true> : vector<16xi1>
        %parallel_loop3A_818, %parallel_loop3A_819, %parallel_loop3A_820 = tpu.sort %parallel_loop3A_816, %parallel_loop3A_815 masked %parallel_loop3A_817 {descending = true} : (vector<16xf32>, vector<16xf32>, vector<16xi1>) -> (vector<16xi1>, vector<16xf32>, vector<16xf32>)
        %parallel_loop3A_821 = arith.maximumf %parallel_loop3A_448, %parallel_loop3A_819 : vector<16xf32>
        %parallel_loop3A_822 = arith.constant dense<true> : vector<16xi1>
        %parallel_loop3A_823, %parallel_loop3A_824, %parallel_loop3A_825 = tpu.sort %parallel_loop3A_821, %parallel_loop3A_821 masked %parallel_loop3A_822 : (vector<16xf32>, vector<16xf32>, vector<16xi1>) -> (vector<16xi1>, vector<16xf32>, vector<16xf32>)
        %parallel_loop3A_826 = arith.constant 16 : i32
        %parallel_loop3A_827 = arith.muli %parallel_loop3A_428, %parallel_loop3A_826 : i32
        %parallel_loop3A_828 = arith.constant 0 : i32
        %parallel_loop3A_829 = arith.constant 20 : i32
        %parallel_loop3A_830 = arith.index_cast %parallel_loop3A_828 : i32 to index
        %parallel_loop3A_831 = arith.index_cast %parallel_loop3A_829 : i32 to index
        %parallel_loop3A_832 = arith.index_cast %parallel_loop3A_827 : i32 to index
        %parallel_loop3A_833 = tpu.vector_load %arg7[%parallel_loop3A_830, %parallel_loop3A_831, %parallel_loop3A_832] {strides = array<i32>} : memref<2x32x1024xf32, #tpu.memory_space<vmem>>, vector<16xf32>,
        %parallel_loop3A_834 = arith.mulf %parallel_loop3A_465, %parallel_loop3A_833 : vector<16xf32>
        %parallel_loop3A_835 = arith.constant dense<true> : vector<16xi1>
        %parallel_loop3A_836, %parallel_loop3A_837, %parallel_loop3A_838 = tpu.sort %parallel_loop3A_834, %parallel_loop3A_833 masked %parallel_loop3A_835 {descending = true} : (vector<16xf32>, vector<16xf32>, vector<16xi1>) -> (vector<16xi1>, vector<16xf32>, vector<16xf32>)
        %parallel_loop3A_839 = arith.maximumf %parallel_loop3A_449, %parallel_loop3A_837 : vector<16xf32>
        %parallel_loop3A_840 = arith.constant dense<true> : vector<16xi1>
        %parallel_loop3A_841, %parallel_loop3A_842, %parallel_loop3A_843 = tpu.sort %parallel_loop3A_839, %parallel_loop3A_839 masked %parallel_loop3A_840 : (vector<16xf32>, vector<16xf32>, vector<16xi1>) -> (vector<16xi1>, vector<16xf32>, vector<16xf32>)
        %parallel_loop3A_844 = arith.constant 16 : i32
        %parallel_loop3A_845 = arith.muli %parallel_loop3A_428, %parallel_loop3A_844 : i32
        %parallel_loop3A_846 = arith.constant 0 : i32
        %parallel_loop3A_847 = arith.constant 21 : i32
        %parallel_loop3A_848 = arith.index_cast %parallel_loop3A_846 : i32 to index
        %parallel_loop3A_849 = arith.index_cast %parallel_loop3A_847 : i32 to index
        %parallel_loop3A_850 = arith.index_cast %parallel_loop3A_845 : i32 to index
        %parallel_loop3A_851 = tpu.vector_load %arg7[%parallel_loop3A_848, %parallel_loop3A_849, %parallel_loop3A_850] {strides = array<i32>} : memref<2x32x1024xf32, #tpu.memory_space<vmem>>, vector<16xf32>,
        %parallel_loop3A_852 = arith.mulf %parallel_loop3A_465, %parallel_loop3A_851 : vector<16xf32>
        %parallel_loop3A_853 = arith.constant dense<true> : vector<16xi1>
        %parallel_loop3A_854, %parallel_loop3A_855, %parallel_loop3A_856 = tpu.sort %parallel_loop3A_852, %parallel_loop3A_851 masked %parallel_loop3A_853 {descending = true} : (vector<16xf32>, vector<16xf32>, vector<16xi1>) -> (vector<16xi1>, vector<16xf32>, vector<16xf32>)
        %parallel_loop3A_857 = arith.maximumf %parallel_loop3A_450, %parallel_loop3A_855 : vector<16xf32>
        %parallel_loop3A_858 = arith.constant dense<true> : vector<16xi1>
        %parallel_loop3A_859, %parallel_loop3A_860, %parallel_loop3A_861 = tpu.sort %parallel_loop3A_857, %parallel_loop3A_857 masked %parallel_loop3A_858 : (vector<16xf32>, vector<16xf32>, vector<16xi1>) -> (vector<16xi1>, vector<16xf32>, vector<16xf32>)
        %parallel_loop3A_862 = arith.constant 16 : i32
        %parallel_loop3A_863 = arith.muli %parallel_loop3A_428, %parallel_loop3A_862 : i32
        %parallel_loop3A_864 = arith.constant 0 : i32
        %parallel_loop3A_865 = arith.constant 22 : i32
        %parallel_loop3A_866 = arith.index_cast %parallel_loop3A_864 : i32 to index
        %parallel_loop3A_867 = arith.index_cast %parallel_loop3A_865 : i32 to index
        %parallel_loop3A_868 = arith.index_cast %parallel_loop3A_863 : i32 to index
        %parallel_loop3A_869 = tpu.vector_load %arg7[%parallel_loop3A_866, %parallel_loop3A_867, %parallel_loop3A_868] {strides = array<i32>} : memref<2x32x1024xf32, #tpu.memory_space<vmem>>, vector<16xf32>,
        %parallel_loop3A_870 = arith.mulf %parallel_loop3A_465, %parallel_loop3A_869 : vector<16xf32>
        %parallel_loop3A_871 = arith.constant dense<true> : vector<16xi1>
        %parallel_loop3A_872, %parallel_loop3A_873, %parallel_loop3A_874 = tpu.sort %parallel_loop3A_870, %parallel_loop3A_869 masked %parallel_loop3A_871 {descending = true} : (vector<16xf32>, vector<16xf32>, vector<16xi1>) -> (vector<16xi1>, vector<16xf32>, vector<16xf32>)
        %parallel_loop3A_875 = arith.maximumf %parallel_loop3A_451, %parallel_loop3A_873 : vector<16xf32>
        %parallel_loop3A_876 = arith.constant dense<true> : vector<16xi1>
        %parallel_loop3A_877, %parallel_loop3A_878, %parallel_loop3A_879 = tpu.sort %parallel_loop3A_875, %parallel_loop3A_875 masked %parallel_loop3A_876 : (vector<16xf32>, vector<16xf32>, vector<16xi1>) -> (vector<16xi1>, vector<16xf32>, vector<16xf32>)
        %parallel_loop3A_880 = arith.constant 16 : i32
        %parallel_loop3A_881 = arith.muli %parallel_loop3A_428, %parallel_loop3A_880 : i32
        %parallel_loop3A_882 = arith.constant 0 : i32
        %parallel_loop3A_883 = arith.constant 23 : i32
        %parallel_loop3A_884 = arith.index_cast %parallel_loop3A_882 : i32 to index
        %parallel_loop3A_885 = arith.index_cast %parallel_loop3A_883 : i32 to index
        %parallel_loop3A_886 = arith.index_cast %parallel_loop3A_881 : i32 to index
        %parallel_loop3A_887 = tpu.vector_load %arg7[%parallel_loop3A_884, %parallel_loop3A_885, %parallel_loop3A_886] {strides = array<i32>} : memref<2x32x1024xf32, #tpu.memory_space<vmem>>, vector<16xf32>,
        %parallel_loop3A_888 = arith.mulf %parallel_loop3A_465, %parallel_loop3A_887 : vector<16xf32>
        %parallel_loop3A_889 = arith.constant dense<true> : vector<16xi1>
        %parallel_loop3A_890, %parallel_loop3A_891, %parallel_loop3A_892 = tpu.sort %parallel_loop3A_888, %parallel_loop3A_887 masked %parallel_loop3A_889 {descending = true} : (vector<16xf32>, vector<16xf32>, vector<16xi1>) -> (vector<16xi1>, vector<16xf32>, vector<16xf32>)
        %parallel_loop3A_893 = arith.maximumf %parallel_loop3A_452, %parallel_loop3A_891 : vector<16xf32>
        %parallel_loop3A_894 = arith.constant dense<true> : vector<16xi1>
        %parallel_loop3A_895, %parallel_loop3A_896, %parallel_loop3A_897 = tpu.sort %parallel_loop3A_893, %parallel_loop3A_893 masked %parallel_loop3A_894 : (vector<16xf32>, vector<16xf32>, vector<16xi1>) -> (vector<16xi1>, vector<16xf32>, vector<16xf32>)
        %parallel_loop3A_898 = arith.constant 16 : i32
        %parallel_loop3A_899 = arith.muli %parallel_loop3A_428, %parallel_loop3A_898 : i32
        %parallel_loop3A_900 = arith.constant 0 : i32
        %parallel_loop3A_901 = arith.constant 24 : i32
        %parallel_loop3A_902 = arith.index_cast %parallel_loop3A_900 : i32 to index
        %parallel_loop3A_903 = arith.index_cast %parallel_loop3A_901 : i32 to index
        %parallel_loop3A_904 = arith.index_cast %parallel_loop3A_899 : i32 to index
        %parallel_loop3A_905 = tpu.vector_load %arg7[%parallel_loop3A_902, %parallel_loop3A_903, %parallel_loop3A_904] {strides = array<i32>} : memref<2x32x1024xf32, #tpu.memory_space<vmem>>, vector<16xf32>,
        %parallel_loop3A_906 = arith.mulf %parallel_loop3A_465, %parallel_loop3A_905 : vector<16xf32>
        %parallel_loop3A_907 = arith.constant dense<true> : vector<16xi1>
        %parallel_loop3A_908, %parallel_loop3A_909, %parallel_loop3A_910 = tpu.sort %parallel_loop3A_906, %parallel_loop3A_905 masked %parallel_loop3A_907 {descending = true} : (vector<16xf32>, vector<16xf32>, vector<16xi1>) -> (vector<16xi1>, vector<16xf32>, vector<16xf32>)
        %parallel_loop3A_911 = arith.maximumf %parallel_loop3A_453, %parallel_loop3A_909 : vector<16xf32>
        %parallel_loop3A_912 = arith.constant dense<true> : vector<16xi1>
        %parallel_loop3A_913, %parallel_loop3A_914, %parallel_loop3A_915 = tpu.sort %parallel_loop3A_911, %parallel_loop3A_911 masked %parallel_loop3A_912 : (vector<16xf32>, vector<16xf32>, vector<16xi1>) -> (vector<16xi1>, vector<16xf32>, vector<16xf32>)
        %parallel_loop3A_916 = arith.constant 16 : i32
        %parallel_loop3A_917 = arith.muli %parallel_loop3A_428, %parallel_loop3A_916 : i32
        %parallel_loop3A_918 = arith.constant 0 : i32
        %parallel_loop3A_919 = arith.constant 25 : i32
        %parallel_loop3A_920 = arith.index_cast %parallel_loop3A_918 : i32 to index
        %parallel_loop3A_921 = arith.index_cast %parallel_loop3A_919 : i32 to index
        %parallel_loop3A_922 = arith.index_cast %parallel_loop3A_917 : i32 to index
        %parallel_loop3A_923 = tpu.vector_load %arg7[%parallel_loop3A_920, %parallel_loop3A_921, %parallel_loop3A_922] {strides = array<i32>} : memref<2x32x1024xf32, #tpu.memory_space<vmem>>, vector<16xf32>,
        %parallel_loop3A_924 = arith.mulf %parallel_loop3A_465, %parallel_loop3A_923 : vector<16xf32>
        %parallel_loop3A_925 = arith.constant dense<true> : vector<16xi1>
        %parallel_loop3A_926, %parallel_loop3A_927, %parallel_loop3A_928 = tpu.sort %parallel_loop3A_924, %parallel_loop3A_923 masked %parallel_loop3A_925 {descending = true} : (vector<16xf32>, vector<16xf32>, vector<16xi1>) -> (vector<16xi1>, vector<16xf32>, vector<16xf32>)
        %parallel_loop3A_929 = arith.maximumf %parallel_loop3A_454, %parallel_loop3A_927 : vector<16xf32>
        %parallel_loop3A_930 = arith.constant dense<true> : vector<16xi1>
        %parallel_loop3A_931, %parallel_loop3A_932, %parallel_loop3A_933 = tpu.sort %parallel_loop3A_929, %parallel_loop3A_929 masked %parallel_loop3A_930 : (vector<16xf32>, vector<16xf32>, vector<16xi1>) -> (vector<16xi1>, vector<16xf32>, vector<16xf32>)
        %parallel_loop3A_934 = arith.constant 16 : i32
        %parallel_loop3A_935 = arith.muli %parallel_loop3A_428, %parallel_loop3A_934 : i32
        %parallel_loop3A_936 = arith.constant 0 : i32
        %parallel_loop3A_937 = arith.constant 26 : i32
        %parallel_loop3A_938 = arith.index_cast %parallel_loop3A_936 : i32 to index
        %parallel_loop3A_939 = arith.index_cast %parallel_loop3A_937 : i32 to index
        %parallel_loop3A_940 = arith.index_cast %parallel_loop3A_935 : i32 to index
        %parallel_loop3A_941 = tpu.vector_load %arg7[%parallel_loop3A_938, %parallel_loop3A_939, %parallel_loop3A_940] {strides = array<i32>} : memref<2x32x1024xf32, #tpu.memory_space<vmem>>, vector<16xf32>,
        %parallel_loop3A_942 = arith.mulf %parallel_loop3A_465, %parallel_loop3A_941 : vector<16xf32>
        %parallel_loop3A_943 = arith.constant dense<true> : vector<16xi1>
        %parallel_loop3A_944, %parallel_loop3A_945, %parallel_loop3A_946 = tpu.sort %parallel_loop3A_942, %parallel_loop3A_941 masked %parallel_loop3A_943 {descending = true} : (vector<16xf32>, vector<16xf32>, vector<16xi1>) -> (vector<16xi1>, vector<16xf32>, vector<16xf32>)
        %parallel_loop3A_947 = arith.maximumf %parallel_loop3A_455, %parallel_loop3A_945 : vector<16xf32>
        %parallel_loop3A_948 = arith.constant dense<true> : vector<16xi1>
        %parallel_loop3A_949, %parallel_loop3A_950, %parallel_loop3A_951 = tpu.sort %parallel_loop3A_947, %parallel_loop3A_947 masked %parallel_loop3A_948 : (vector<16xf32>, vector<16xf32>, vector<16xi1>) -> (vector<16xi1>, vector<16xf32>, vector<16xf32>)
        %parallel_loop3A_952 = arith.constant 16 : i32
        %parallel_loop3A_953 = arith.muli %parallel_loop3A_428, %parallel_loop3A_952 : i32
        %parallel_loop3A_954 = arith.constant 0 : i32
        %parallel_loop3A_955 = arith.constant 27 : i32
        %parallel_loop3A_956 = arith.index_cast %parallel_loop3A_954 : i32 to index
        %parallel_loop3A_957 = arith.index_cast %parallel_loop3A_955 : i32 to index
        %parallel_loop3A_958 = arith.index_cast %parallel_loop3A_953 : i32 to index
        %parallel_loop3A_959 = tpu.vector_load %arg7[%parallel_loop3A_956, %parallel_loop3A_957, %parallel_loop3A_958] {strides = array<i32>} : memref<2x32x1024xf32, #tpu.memory_space<vmem>>, vector<16xf32>,
        %parallel_loop3A_960 = arith.mulf %parallel_loop3A_465, %parallel_loop3A_959 : vector<16xf32>
        %parallel_loop3A_961 = arith.constant dense<true> : vector<16xi1>
        %parallel_loop3A_962, %parallel_loop3A_963, %parallel_loop3A_964 = tpu.sort %parallel_loop3A_960, %parallel_loop3A_959 masked %parallel_loop3A_961 {descending = true} : (vector<16xf32>, vector<16xf32>, vector<16xi1>) -> (vector<16xi1>, vector<16xf32>, vector<16xf32>)
        %parallel_loop3A_965 = arith.maximumf %parallel_loop3A_456, %parallel_loop3A_963 : vector<16xf32>
        %parallel_loop3A_966 = arith.constant dense<true> : vector<16xi1>
        %parallel_loop3A_967, %parallel_loop3A_968, %parallel_loop3A_969 = tpu.sort %parallel_loop3A_965, %parallel_loop3A_965 masked %parallel_loop3A_966 : (vector<16xf32>, vector<16xf32>, vector<16xi1>) -> (vector<16xi1>, vector<16xf32>, vector<16xf32>)
        %parallel_loop3A_970 = arith.constant 16 : i32
        %parallel_loop3A_971 = arith.muli %parallel_loop3A_428, %parallel_loop3A_970 : i32
        %parallel_loop3A_972 = arith.constant 0 : i32
        %parallel_loop3A_973 = arith.constant 28 : i32
        %parallel_loop3A_974 = arith.index_cast %parallel_loop3A_972 : i32 to index
        %parallel_loop3A_975 = arith.index_cast %parallel_loop3A_973 : i32 to index
        %parallel_loop3A_976 = arith.index_cast %parallel_loop3A_971 : i32 to index
        %parallel_loop3A_977 = tpu.vector_load %arg7[%parallel_loop3A_974, %parallel_loop3A_975, %parallel_loop3A_976] {strides = array<i32>} : memref<2x32x1024xf32, #tpu.memory_space<vmem>>, vector<16xf32>,
        %parallel_loop3A_978 = arith.mulf %parallel_loop3A_465, %parallel_loop3A_977 : vector<16xf32>
        %parallel_loop3A_979 = arith.constant dense<true> : vector<16xi1>
        %parallel_loop3A_980, %parallel_loop3A_981, %parallel_loop3A_982 = tpu.sort %parallel_loop3A_978, %parallel_loop3A_977 masked %parallel_loop3A_979 {descending = true} : (vector<16xf32>, vector<16xf32>, vector<16xi1>) -> (vector<16xi1>, vector<16xf32>, vector<16xf32>)
        %parallel_loop3A_983 = arith.maximumf %parallel_loop3A_457, %parallel_loop3A_981 : vector<16xf32>
        %parallel_loop3A_984 = arith.constant dense<true> : vector<16xi1>
        %parallel_loop3A_985, %parallel_loop3A_986, %parallel_loop3A_987 = tpu.sort %parallel_loop3A_983, %parallel_loop3A_983 masked %parallel_loop3A_984 : (vector<16xf32>, vector<16xf32>, vector<16xi1>) -> (vector<16xi1>, vector<16xf32>, vector<16xf32>)
        %parallel_loop3A_988 = arith.constant 16 : i32
        %parallel_loop3A_989 = arith.muli %parallel_loop3A_428, %parallel_loop3A_988 : i32
        %parallel_loop3A_990 = arith.constant 0 : i32
        %parallel_loop3A_991 = arith.constant 29 : i32
        %parallel_loop3A_992 = arith.index_cast %parallel_loop3A_990 : i32 to index
        %parallel_loop3A_993 = arith.index_cast %parallel_loop3A_991 : i32 to index
        %parallel_loop3A_994 = arith.index_cast %parallel_loop3A_989 : i32 to index
        %parallel_loop3A_995 = tpu.vector_load %arg7[%parallel_loop3A_992, %parallel_loop3A_993, %parallel_loop3A_994] {strides = array<i32>} : memref<2x32x1024xf32, #tpu.memory_space<vmem>>, vector<16xf32>,
        %parallel_loop3A_996 = arith.mulf %parallel_loop3A_465, %parallel_loop3A_995 : vector<16xf32>
        %parallel_loop3A_997 = arith.constant dense<true> : vector<16xi1>
        %parallel_loop3A_998, %parallel_loop3A_999, %parallel_loop3A_1000 = tpu.sort %parallel_loop3A_996, %parallel_loop3A_995 masked %parallel_loop3A_997 {descending = true} : (vector<16xf32>, vector<16xf32>, vector<16xi1>) -> (vector<16xi1>, vector<16xf32>, vector<16xf32>)
        %parallel_loop3A_1001 = arith.maximumf %parallel_loop3A_458, %parallel_loop3A_999 : vector<16xf32>
        %parallel_loop3A_1002 = arith.constant dense<true> : vector<16xi1>
        %parallel_loop3A_1003, %parallel_loop3A_1004, %parallel_loop3A_1005 = tpu.sort %parallel_loop3A_1001, %parallel_loop3A_1001 masked %parallel_loop3A_1002 : (vector<16xf32>, vector<16xf32>, vector<16xi1>) -> (vector<16xi1>, vector<16xf32>, vector<16xf32>)
        %parallel_loop3A_1006 = arith.constant 16 : i32
        %parallel_loop3A_1007 = arith.muli %parallel_loop3A_428, %parallel_loop3A_1006 : i32
        %parallel_loop3A_1008 = arith.constant 0 : i32
        %parallel_loop3A_1009 = arith.constant 30 : i32
        %parallel_loop3A_1010 = arith.index_cast %parallel_loop3A_1008 : i32 to index
        %parallel_loop3A_1011 = arith.index_cast %parallel_loop3A_1009 : i32 to index
        %parallel_loop3A_1012 = arith.index_cast %parallel_loop3A_1007 : i32 to index
        %parallel_loop3A_1013 = tpu.vector_load %arg7[%parallel_loop3A_1010, %parallel_loop3A_1011, %parallel_loop3A_1012] {strides = array<i32>} : memref<2x32x1024xf32, #tpu.memory_space<vmem>>, vector<16xf32>,
        %parallel_loop3A_1014 = arith.mulf %parallel_loop3A_465, %parallel_loop3A_1013 : vector<16xf32>
        %parallel_loop3A_1015 = arith.constant dense<true> : vector<16xi1>
        %parallel_loop3A_1016, %parallel_loop3A_1017, %parallel_loop3A_1018 = tpu.sort %parallel_loop3A_1014, %parallel_loop3A_1013 masked %parallel_loop3A_1015 {descending = true} : (vector<16xf32>, vector<16xf32>, vector<16xi1>) -> (vector<16xi1>, vector<16xf32>, vector<16xf32>)
        %parallel_loop3A_1019 = arith.maximumf %parallel_loop3A_459, %parallel_loop3A_1017 : vector<16xf32>
        %parallel_loop3A_1020 = arith.constant dense<true> : vector<16xi1>
        %parallel_loop3A_1021, %parallel_loop3A_1022, %parallel_loop3A_1023 = tpu.sort %parallel_loop3A_1019, %parallel_loop3A_1019 masked %parallel_loop3A_1020 : (vector<16xf32>, vector<16xf32>, vector<16xi1>) -> (vector<16xi1>, vector<16xf32>, vector<16xf32>)
        %parallel_loop3A_1024 = arith.constant 16 : i32
        %parallel_loop3A_1025 = arith.muli %parallel_loop3A_428, %parallel_loop3A_1024 : i32
        %parallel_loop3A_1026 = arith.constant 0 : i32
        %parallel_loop3A_1027 = arith.constant 31 : i32
        %parallel_loop3A_1028 = arith.index_cast %parallel_loop3A_1026 : i32 to index
        %parallel_loop3A_1029 = arith.index_cast %parallel_loop3A_1027 : i32 to index
        %parallel_loop3A_1030 = arith.index_cast %parallel_loop3A_1025 : i32 to index
        %parallel_loop3A_1031 = tpu.vector_load %arg7[%parallel_loop3A_1028, %parallel_loop3A_1029, %parallel_loop3A_1030] {strides = array<i32>} : memref<2x32x1024xf32, #tpu.memory_space<vmem>>, vector<16xf32>,
        %parallel_loop3A_1032 = arith.mulf %parallel_loop3A_465, %parallel_loop3A_1031 : vector<16xf32>
        %parallel_loop3A_1033 = arith.constant dense<true> : vector<16xi1>
        %parallel_loop3A_1034, %parallel_loop3A_1035, %parallel_loop3A_1036 = tpu.sort %parallel_loop3A_1032, %parallel_loop3A_1031 masked %parallel_loop3A_1033 {descending = true} : (vector<16xf32>, vector<16xf32>, vector<16xi1>) -> (vector<16xi1>, vector<16xf32>, vector<16xf32>)
        %parallel_loop3A_1037 = arith.maximumf %parallel_loop3A_460, %parallel_loop3A_1035 : vector<16xf32>
        %parallel_loop3A_1038 = arith.constant dense<true> : vector<16xi1>
        %parallel_loop3A_1039, %parallel_loop3A_1040, %parallel_loop3A_1041 = tpu.sort %parallel_loop3A_1037, %parallel_loop3A_1037 masked %parallel_loop3A_1038 : (vector<16xf32>, vector<16xf32>, vector<16xi1>) -> (vector<16xi1>, vector<16xf32>, vector<16xf32>)
        scf.yield %parallel_loop3A_482, %parallel_loop3A_500, %parallel_loop3A_518, %parallel_loop3A_536, %parallel_loop3A_554, %parallel_loop3A_572, %parallel_loop3A_590, %parallel_loop3A_608, %parallel_loop3A_626, %parallel_loop3A_644, %parallel_loop3A_662, %parallel_loop3A_680, %parallel_loop3A_698, %parallel_loop3A_716, %parallel_loop3A_734, %parallel_loop3A_752, %parallel_loop3A_770, %parallel_loop3A_788, %parallel_loop3A_806, %parallel_loop3A_824, %parallel_loop3A_842, %parallel_loop3A_860, %parallel_loop3A_878, %parallel_loop3A_896, %parallel_loop3A_914, %parallel_loop3A_932, %parallel_loop3A_950, %parallel_loop3A_968, %parallel_loop3A_986, %parallel_loop3A_1004, %parallel_loop3A_1022, %parallel_loop3A_1040 : vector<16xf32>, vector<16xf32>, vector<16xf32>, vector<16xf32>, vector<16xf32>, vector<16xf32>, vector<16xf32>, vector<16xf32>, vector<16xf32>, vector<16xf32>, vector<16xf32>, vector<16xf32>, vector<16xf32>, vector<16xf32>, vector<16xf32>, vector<16xf32>, vector<16xf32>, vector<16xf32>, vector<16xf32>, vector<16xf32>, vector<16xf32>, vector<16xf32>, vector<16xf32>, vector<16xf32>, vector<16xf32>, vector<16xf32>, vector<16xf32>, vector<16xf32>, vector<16xf32>, vector<16xf32>, vector<16xf32>, vector<16xf32>
      } {sc.loop_unroll_factor = 1 : i64, sc.parallel_access}
      %parallel_loop3A_364 = arith.constant 0 : i32
      %parallel_loop3A_365 = vector.broadcast %parallel_loop3A_364 : i32 to vector<16xi32>
      tpu.vector_store_idx %arg8[%parallel_loop3A_295, %sub3A_25, %parallel_loop3A_365], %parallel_loop3A_363#0 : memref<32x17x32xf32, #tpu.memory_space<vmem>>[vector<16xi32>, vector<16xi32>, vector<16xi32>], vector<16xf32>,
      %parallel_loop3A_366 = arith.constant 1 : i32
      %parallel_loop3A_367 = vector.broadcast %parallel_loop3A_366 : i32 to vector<16xi32>
      tpu.vector_store_idx %arg8[%parallel_loop3A_295, %sub3A_25, %parallel_loop3A_367], %parallel_loop3A_363#1 : memref<32x17x32xf32, #tpu.memory_space<vmem>>[vector<16xi32>, vector<16xi32>, vector<16xi32>], vector<16xf32>,
      %parallel_loop3A_368 = arith.constant 2 : i32
      %parallel_loop3A_369 = vector.broadcast %parallel_loop3A_368 : i32 to vector<16xi32>
      tpu.vector_store_idx %arg8[%parallel_loop3A_295, %sub3A_25, %parallel_loop3A_369], %parallel_loop3A_363#2 : memref<32x17x32xf32, #tpu.memory_space<vmem>>[vector<16xi32>, vector<16xi32>, vector<16xi32>], vector<16xf32>,
      %parallel_loop3A_370 = arith.constant 3 : i32
      %parallel_loop3A_371 = vector.broadcast %parallel_loop3A_370 : i32 to vector<16xi32>
      tpu.vector_store_idx %arg8[%parallel_loop3A_295, %sub3A_25, %parallel_loop3A_371], %parallel_loop3A_363#3 : memref<32x17x32xf32, #tpu.memory_space<vmem>>[vector<16xi32>, vector<16xi32>, vector<16xi32>], vector<16xf32>,
      %parallel_loop3A_372 = arith.constant 4 : i32
      %parallel_loop3A_373 = vector.broadcast %parallel_loop3A_372 : i32 to vector<16xi32>
      tpu.vector_store_idx %arg8[%parallel_loop3A_295, %sub3A_25, %parallel_loop3A_373], %parallel_loop3A_363#4 : memref<32x17x32xf32, #tpu.memory_space<vmem>>[vector<16xi32>, vector<16xi32>, vector<16xi32>], vector<16xf32>,
      %parallel_loop3A_374 = arith.constant 5 : i32
      %parallel_loop3A_375 = vector.broadcast %parallel_loop3A_374 : i32 to vector<16xi32>
      tpu.vector_store_idx %arg8[%parallel_loop3A_295, %sub3A_25, %parallel_loop3A_375], %parallel_loop3A_363#5 : memref<32x17x32xf32, #tpu.memory_space<vmem>>[vector<16xi32>, vector<16xi32>, vector<16xi32>], vector<16xf32>,
      %parallel_loop3A_376 = arith.constant 6 : i32
      %parallel_loop3A_377 = vector.broadcast %parallel_loop3A_376 : i32 to vector<16xi32>
      tpu.vector_store_idx %arg8[%parallel_loop3A_295, %sub3A_25, %parallel_loop3A_377], %parallel_loop3A_363#6 : memref<32x17x32xf32, #tpu.memory_space<vmem>>[vector<16xi32>, vector<16xi32>, vector<16xi32>], vector<16xf32>,
      %parallel_loop3A_378 = arith.constant 7 : i32
      %parallel_loop3A_379 = vector.broadcast %parallel_loop3A_378 : i32 to vector<16xi32>
      tpu.vector_store_idx %arg8[%parallel_loop3A_295, %sub3A_25, %parallel_loop3A_379], %parallel_loop3A_363#7 : memref<32x17x32xf32, #tpu.memory_space<vmem>>[vector<16xi32>, vector<16xi32>, vector<16xi32>], vector<16xf32>,
      %parallel_loop3A_380 = arith.constant 8 : i32
      %parallel_loop3A_381 = vector.broadcast %parallel_loop3A_380 : i32 to vector<16xi32>
      tpu.vector_store_idx %arg8[%parallel_loop3A_295, %sub3A_25, %parallel_loop3A_381], %parallel_loop3A_363#8 : memref<32x17x32xf32, #tpu.memory_space<vmem>>[vector<16xi32>, vector<16xi32>, vector<16xi32>], vector<16xf32>,
      %parallel_loop3A_382 = arith.constant 9 : i32
      %parallel_loop3A_383 = vector.broadcast %parallel_loop3A_382 : i32 to vector<16xi32>
      tpu.vector_store_idx %arg8[%parallel_loop3A_295, %sub3A_25, %parallel_loop3A_383], %parallel_loop3A_363#9 : memref<32x17x32xf32, #tpu.memory_space<vmem>>[vector<16xi32>, vector<16xi32>, vector<16xi32>], vector<16xf32>,
      %parallel_loop3A_384 = arith.constant 10 : i32
      %parallel_loop3A_385 = vector.broadcast %parallel_loop3A_384 : i32 to vector<16xi32>
      tpu.vector_store_idx %arg8[%parallel_loop3A_295, %sub3A_25, %parallel_loop3A_385], %parallel_loop3A_363#10 : memref<32x17x32xf32, #tpu.memory_space<vmem>>[vector<16xi32>, vector<16xi32>, vector<16xi32>], vector<16xf32>,
      %parallel_loop3A_386 = arith.constant 11 : i32
      %parallel_loop3A_387 = vector.broadcast %parallel_loop3A_386 : i32 to vector<16xi32>
      tpu.vector_store_idx %arg8[%parallel_loop3A_295, %sub3A_25, %parallel_loop3A_387], %parallel_loop3A_363#11 : memref<32x17x32xf32, #tpu.memory_space<vmem>>[vector<16xi32>, vector<16xi32>, vector<16xi32>], vector<16xf32>,
      %parallel_loop3A_388 = arith.constant 12 : i32
      %parallel_loop3A_389 = vector.broadcast %parallel_loop3A_388 : i32 to vector<16xi32>
      tpu.vector_store_idx %arg8[%parallel_loop3A_295, %sub3A_25, %parallel_loop3A_389], %parallel_loop3A_363#12 : memref<32x17x32xf32, #tpu.memory_space<vmem>>[vector<16xi32>, vector<16xi32>, vector<16xi32>], vector<16xf32>,
      %parallel_loop3A_390 = arith.constant 13 : i32
      %parallel_loop3A_391 = vector.broadcast %parallel_loop3A_390 : i32 to vector<16xi32>
      tpu.vector_store_idx %arg8[%parallel_loop3A_295, %sub3A_25, %parallel_loop3A_391], %parallel_loop3A_363#13 : memref<32x17x32xf32, #tpu.memory_space<vmem>>[vector<16xi32>, vector<16xi32>, vector<16xi32>], vector<16xf32>,
      %parallel_loop3A_392 = arith.constant 14 : i32
      %parallel_loop3A_393 = vector.broadcast %parallel_loop3A_392 : i32 to vector<16xi32>
      tpu.vector_store_idx %arg8[%parallel_loop3A_295, %sub3A_25, %parallel_loop3A_393], %parallel_loop3A_363#14 : memref<32x17x32xf32, #tpu.memory_space<vmem>>[vector<16xi32>, vector<16xi32>, vector<16xi32>], vector<16xf32>,
      %parallel_loop3A_394 = arith.constant 15 : i32
      %parallel_loop3A_395 = vector.broadcast %parallel_loop3A_394 : i32 to vector<16xi32>
      tpu.vector_store_idx %arg8[%parallel_loop3A_295, %sub3A_25, %parallel_loop3A_395], %parallel_loop3A_363#15 : memref<32x17x32xf32, #tpu.memory_space<vmem>>[vector<16xi32>, vector<16xi32>, vector<16xi32>], vector<16xf32>,
      %parallel_loop3A_396 = arith.constant 16 : i32
      %parallel_loop3A_397 = vector.broadcast %parallel_loop3A_396 : i32 to vector<16xi32>
      tpu.vector_store_idx %arg8[%parallel_loop3A_295, %sub3A_25, %parallel_loop3A_397], %parallel_loop3A_363#16 : memref<32x17x32xf32, #tpu.memory_space<vmem>>[vector<16xi32>, vector<16xi32>, vector<16xi32>], vector<16xf32>,
      %parallel_loop3A_398 = arith.constant 17 : i32
      %parallel_loop3A_399 = vector.broadcast %parallel_loop3A_398 : i32 to vector<16xi32>
      tpu.vector_store_idx %arg8[%parallel_loop3A_295, %sub3A_25, %parallel_loop3A_399], %parallel_loop3A_363#17 : memref<32x17x32xf32, #tpu.memory_space<vmem>>[vector<16xi32>, vector<16xi32>, vector<16xi32>], vector<16xf32>,
      %parallel_loop3A_400 = arith.constant 18 : i32
      %parallel_loop3A_401 = vector.broadcast %parallel_loop3A_400 : i32 to vector<16xi32>
      tpu.vector_store_idx %arg8[%parallel_loop3A_295, %sub3A_25, %parallel_loop3A_401], %parallel_loop3A_363#18 : memref<32x17x32xf32, #tpu.memory_space<vmem>>[vector<16xi32>, vector<16xi32>, vector<16xi32>], vector<16xf32>,
      %parallel_loop3A_402 = arith.constant 19 : i32
      %parallel_loop3A_403 = vector.broadcast %parallel_loop3A_402 : i32 to vector<16xi32>
      tpu.vector_store_idx %arg8[%parallel_loop3A_295, %sub3A_25, %parallel_loop3A_403], %parallel_loop3A_363#19 : memref<32x17x32xf32, #tpu.memory_space<vmem>>[vector<16xi32>, vector<16xi32>, vector<16xi32>], vector<16xf32>,
      %parallel_loop3A_404 = arith.constant 20 : i32
      %parallel_loop3A_405 = vector.broadcast %parallel_loop3A_404 : i32 to vector<16xi32>
      tpu.vector_store_idx %arg8[%parallel_loop3A_295, %sub3A_25, %parallel_loop3A_405], %parallel_loop3A_363#20 : memref<32x17x32xf32, #tpu.memory_space<vmem>>[vector<16xi32>, vector<16xi32>, vector<16xi32>], vector<16xf32>,
      %parallel_loop3A_406 = arith.constant 21 : i32
      %parallel_loop3A_407 = vector.broadcast %parallel_loop3A_406 : i32 to vector<16xi32>
      tpu.vector_store_idx %arg8[%parallel_loop3A_295, %sub3A_25, %parallel_loop3A_407], %parallel_loop3A_363#21 : memref<32x17x32xf32, #tpu.memory_space<vmem>>[vector<16xi32>, vector<16xi32>, vector<16xi32>], vector<16xf32>,
      %parallel_loop3A_408 = arith.constant 22 : i32
      %parallel_loop3A_409 = vector.broadcast %parallel_loop3A_408 : i32 to vector<16xi32>
      tpu.vector_store_idx %arg8[%parallel_loop3A_295, %sub3A_25, %parallel_loop3A_409], %parallel_loop3A_363#22 : memref<32x17x32xf32, #tpu.memory_space<vmem>>[vector<16xi32>, vector<16xi32>, vector<16xi32>], vector<16xf32>,
      %parallel_loop3A_410 = arith.constant 23 : i32
      %parallel_loop3A_411 = vector.broadcast %parallel_loop3A_410 : i32 to vector<16xi32>
      tpu.vector_store_idx %arg8[%parallel_loop3A_295, %sub3A_25, %parallel_loop3A_411], %parallel_loop3A_363#23 : memref<32x17x32xf32, #tpu.memory_space<vmem>>[vector<16xi32>, vector<16xi32>, vector<16xi32>], vector<16xf32>,
      %parallel_loop3A_412 = arith.constant 24 : i32
      %parallel_loop3A_413 = vector.broadcast %parallel_loop3A_412 : i32 to vector<16xi32>
      tpu.vector_store_idx %arg8[%parallel_loop3A_295, %sub3A_25, %parallel_loop3A_413], %parallel_loop3A_363#24 : memref<32x17x32xf32, #tpu.memory_space<vmem>>[vector<16xi32>, vector<16xi32>, vector<16xi32>], vector<16xf32>,
      %parallel_loop3A_414 = arith.constant 25 : i32
      %parallel_loop3A_415 = vector.broadcast %parallel_loop3A_414 : i32 to vector<16xi32>
      tpu.vector_store_idx %arg8[%parallel_loop3A_295, %sub3A_25, %parallel_loop3A_415], %parallel_loop3A_363#25 : memref<32x17x32xf32, #tpu.memory_space<vmem>>[vector<16xi32>, vector<16xi32>, vector<16xi32>], vector<16xf32>,
      %parallel_loop3A_416 = arith.constant 26 : i32
      %parallel_loop3A_417 = vector.broadcast %parallel_loop3A_416 : i32 to vector<16xi32>
      tpu.vector_store_idx %arg8[%parallel_loop3A_295, %sub3A_25, %parallel_loop3A_417], %parallel_loop3A_363#26 : memref<32x17x32xf32, #tpu.memory_space<vmem>>[vector<16xi32>, vector<16xi32>, vector<16xi32>], vector<16xf32>,
      %parallel_loop3A_418 = arith.constant 27 : i32
      %parallel_loop3A_419 = vector.broadcast %parallel_loop3A_418 : i32 to vector<16xi32>
      tpu.vector_store_idx %arg8[%parallel_loop3A_295, %sub3A_25, %parallel_loop3A_419], %parallel_loop3A_363#27 : memref<32x17x32xf32, #tpu.memory_space<vmem>>[vector<16xi32>, vector<16xi32>, vector<16xi32>], vector<16xf32>,
      %parallel_loop3A_420 = arith.constant 28 : i32
      %parallel_loop3A_421 = vector.broadcast %parallel_loop3A_420 : i32 to vector<16xi32>
      tpu.vector_store_idx %arg8[%parallel_loop3A_295, %sub3A_25, %parallel_loop3A_421], %parallel_loop3A_363#28 : memref<32x17x32xf32, #tpu.memory_space<vmem>>[vector<16xi32>, vector<16xi32>, vector<16xi32>], vector<16xf32>,
      %parallel_loop3A_422 = arith.constant 29 : i32
      %parallel_loop3A_423 = vector.broadcast %parallel_loop3A_422 : i32 to vector<16xi32>
      tpu.vector_store_idx %arg8[%parallel_loop3A_295, %sub3A_25, %parallel_loop3A_423], %parallel_loop3A_363#29 : memref<32x17x32xf32, #tpu.memory_space<vmem>>[vector<16xi32>, vector<16xi32>, vector<16xi32>], vector<16xf32>,
      %parallel_loop3A_424 = arith.constant 30 : i32
      %parallel_loop3A_425 = vector.broadcast %parallel_loop3A_424 : i32 to vector<16xi32>
      tpu.vector_store_idx %arg8[%parallel_loop3A_295, %sub3A_25, %parallel_loop3A_425], %parallel_loop3A_363#30 : memref<32x17x32xf32, #tpu.memory_space<vmem>>[vector<16xi32>, vector<16xi32>, vector<16xi32>], vector<16xf32>,
      %parallel_loop3A_426 = arith.constant 31 : i32
      %parallel_loop3A_427 = vector.broadcast %parallel_loop3A_426 : i32 to vector<16xi32>
      tpu.vector_store_idx %arg8[%parallel_loop3A_295, %sub3A_25, %parallel_loop3A_427], %parallel_loop3A_363#31 : memref<32x17x32xf32, #tpu.memory_space<vmem>>[vector<16xi32>, vector<16xi32>, vector<16xi32>], vector<16xf32>,
    } {sc.loop_unroll_factor = 1 : i64, sc.parallel_access}
    %dma_wait3A_71 = arith.constant 0 : i32
    %dma_wait3A_72 = arith.constant 0 : i32
    %dma_wait3A_73 = arith.constant 0 : i32
    %dma_wait3A_74 = tpu.memref_slice %arg8[%dma_wait3A_72, %dma_wait3A_71, %dma_wait3A_73] : memref<32x17x32xf32, #tpu.memory_space<vmem>> -> memref<32x1x32xf32, #tpu.memory_space<vmem>>
    %dma_wait3A_75 = tpu.memref_squeeze %dma_wait3A_74 : memref<32x1x32xf32, #tpu.memory_space<vmem>> -> memref<32x32xf32, #tpu.memory_space<vmem>>
    %dma_wait3A_76 = arith.constant 0 : i32
    %dma_wait3A_77 = tpu.memref_slice %arg2[%mul3A_2, %dma_wait3A_76] : memref<1024x128xf32, #tpu.memory_space<hbm>> -> memref<32x32xf32, #tpu.memory_space<hbm>>
    %dma_wait3A_78 = arith.constant 0 : i32
    %dma_wait3A_79 = arith.constant 0 : i32
    %dma_wait3A_80 = tpu.memref_slice %arg8[%dma_wait3A_78, %dma_wait3A_71, %dma_wait3A_79] : memref<32x17x32xf32, #tpu.memory_space<vmem>> -> memref<32x1x32xf32, #tpu.memory_space<vmem>>
    %dma_wait3A_81 = tpu.memref_squeeze %dma_wait3A_80 : memref<32x1x32xf32, #tpu.memory_space<vmem>> -> memref<32x32xf32, #tpu.memory_space<vmem>>
    %dma_wait3A_82 = arith.constant 0 : i32
    %dma_wait3A_83 = tpu.memref_slice %arg2[%mul3A_2, %dma_wait3A_82] : memref<1024x128xf32, #tpu.memory_space<hbm>> -> memref<32x32xf32, #tpu.memory_space<hbm>>
    tpu.wait_dma2 semaphore(%arg9 : memref<!tpu.dma_semaphore, #tpu.memory_space<semaphore_mem>>) src(%dma_wait3A_83 : memref<32x32xf32, #tpu.memory_space<hbm>>) dst(%dma_wait3A_81 : memref<32x32xf32, #tpu.memory_space<vmem>>)
    %dma_start3A_84 = arith.constant 0 : i32
    %dma_start3A_85 = arith.constant 0 : i32
    %dma_start3A_86 = tpu.memref_slice %arg5[%mul3A_2, %dma_start3A_84, %dma_start3A_85] : memref<1024x17x128xf32, #tpu.memory_space<hbm>> -> memref<32x17x32xf32, #tpu.memory_space<hbm>>
    %dma_start3A_87 = arith.constant 0 : i32
    %dma_start3A_88 = arith.constant 0 : i32
    %dma_start3A_89 = tpu.memref_slice %arg5[%mul3A_2, %dma_start3A_87, %dma_start3A_88] : memref<1024x17x128xf32, #tpu.memory_space<hbm>> -> memref<32x17x32xf32, #tpu.memory_space<hbm>>
    tpu.enqueue_dma source(%arg8 : memref<32x17x32xf32, #tpu.memory_space<vmem>>) target(%dma_start3A_89 : memref<32x17x32xf32, #tpu.memory_space<hbm>>) target_semaphore(%arg12 : memref<!tpu.dma_semaphore, #tpu.memory_space<semaphore_mem>>)
    %dma_wait3A_90 = arith.constant 1 : i32
    %dma_wait3A_91 = arith.constant 0 : i32
    %dma_wait3A_92 = arith.constant 0 : i32
    %dma_wait3A_93 = tpu.memref_slice %arg7[%dma_wait3A_90, %dma_wait3A_91, %dma_wait3A_92] : memref<2x32x1024xf32, #tpu.memory_space<vmem>> -> memref<1x32x1024xf32, #tpu.memory_space<vmem>>
    %dma_wait3A_94 = tpu.memref_squeeze %dma_wait3A_93 : memref<1x32x1024xf32, #tpu.memory_space<vmem>> -> memref<32x1024xf32, #tpu.memory_space<vmem>>
    %dma_wait3A_95 = arith.constant 32 : i32
    %dma_wait3A_96 = arith.constant 0 : i32
    %dma_wait3A_97 = tpu.memref_slice %arg3[%dma_wait3A_95, %dma_wait3A_96] : memref<128x1024xf32, #tpu.memory_space<hbm>> -> memref<32x1024xf32, #tpu.memory_space<hbm>>
    %dma_wait3A_98 = arith.constant 0 : i32
    %dma_wait3A_99 = arith.constant 0 : i32
    %dma_wait3A_100 = tpu.memref_slice %arg7[%dma_wait3A_90, %dma_wait3A_98, %dma_wait3A_99] : memref<2x32x1024xf32, #tpu.memory_space<vmem>> -> memref<1x32x1024xf32, #tpu.memory_space<vmem>>
    %dma_wait3A_101 = tpu.memref_squeeze %dma_wait3A_100 : memref<1x32x1024xf32, #tpu.memory_space<vmem>> -> memref<32x1024xf32, #tpu.memory_space<vmem>>
    %dma_wait3A_102 = arith.constant 32 : i32
    %dma_wait3A_103 = arith.constant 0 : i32
    %dma_wait3A_104 = tpu.memref_slice %arg3[%dma_wait3A_102, %dma_wait3A_103] : memref<128x1024xf32, #tpu.memory_space<hbm>> -> memref<32x1024xf32, #tpu.memory_space<hbm>>
    tpu.wait_dma2 semaphore(%arg11 : memref<!tpu.dma_semaphore, #tpu.memory_space<semaphore_mem>>) src(%dma_wait3A_104 : memref<32x1024xf32, #tpu.memory_space<hbm>>) dst(%dma_wait3A_101 : memref<32x1024xf32, #tpu.memory_space<vmem>>)
    %dma_start3A_105 = arith.constant 0 : i32
    %dma_start3A_106 = arith.constant 0 : i32
    %dma_start3A_107 = arith.constant 0 : i32
    %dma_start3A_108 = tpu.memref_slice %arg7[%dma_start3A_105, %dma_start3A_106, %dma_start3A_107] : memref<2x32x1024xf32, #tpu.memory_space<vmem>> -> memref<1x32x1024xf32, #tpu.memory_space<vmem>>
    %dma_start3A_109 = tpu.memref_squeeze %dma_start3A_108 : memref<1x32x1024xf32, #tpu.memory_space<vmem>> -> memref<32x1024xf32, #tpu.memory_space<vmem>>
    %dma_start3A_110 = arith.constant 64 : i32
    %dma_start3A_111 = arith.constant 0 : i32
    %dma_start3A_112 = tpu.memref_slice %arg3[%dma_start3A_110, %dma_start3A_111] : memref<128x1024xf32, #tpu.memory_space<hbm>> -> memref<32x1024xf32, #tpu.memory_space<hbm>>
    %dma_start3A_113 = arith.constant 0 : i32
    %dma_start3A_114 = arith.constant 0 : i32
    %dma_start3A_115 = tpu.memref_slice %arg7[%dma_start3A_105, %dma_start3A_113, %dma_start3A_114] : memref<2x32x1024xf32, #tpu.memory_space<vmem>> -> memref<1x32x1024xf32, #tpu.memory_space<vmem>>
    %dma_start3A_116 = tpu.memref_squeeze %dma_start3A_115 : memref<1x32x1024xf32, #tpu.memory_space<vmem>> -> memref<32x1024xf32, #tpu.memory_space<vmem>>
    %dma_start3A_117 = arith.constant 64 : i32
    %dma_start3A_118 = arith.constant 0 : i32
    %dma_start3A_119 = tpu.memref_slice %arg3[%dma_start3A_117, %dma_start3A_118] : memref<128x1024xf32, #tpu.memory_space<hbm>> -> memref<32x1024xf32, #tpu.memory_space<hbm>>
    tpu.enqueue_dma source(%dma_start3A_119 : memref<32x1024xf32, #tpu.memory_space<hbm>>) target(%dma_start3A_116 : memref<32x1024xf32, #tpu.memory_space<vmem>>) target_semaphore(%arg10 : memref<!tpu.dma_semaphore, #tpu.memory_space<semaphore_mem>>)
    %dma_wait3A_120 = arith.constant 0 : i32
    %dma_wait3A_121 = arith.constant 0 : i32
    %dma_wait3A_122 = tpu.memref_slice %arg5[%mul3A_2, %dma_wait3A_120, %dma_wait3A_121] : memref<1024x17x128xf32, #tpu.memory_space<hbm>> -> memref<32x17x32xf32, #tpu.memory_space<hbm>>
    %dma_wait3A_123 = arith.constant 0 : i32
    %dma_wait3A_124 = arith.constant 0 : i32
    %dma_wait3A_125 = tpu.memref_slice %arg5[%mul3A_2, %dma_wait3A_123, %dma_wait3A_124] : memref<1024x17x128xf32, #tpu.memory_space<hbm>> -> memref<32x17x32xf32, #tpu.memory_space<hbm>>
    tpu.wait_dma2 semaphore(%arg12 : memref<!tpu.dma_semaphore, #tpu.memory_space<semaphore_mem>>) src(%arg8 : memref<32x17x32xf32, #tpu.memory_space<vmem>>) dst(%dma_wait3A_125 : memref<32x17x32xf32, #tpu.memory_space<hbm>>)
    %dma_start3A_126 = arith.constant 0 : i32
    %dma_start3A_127 = arith.constant 0 : i32
    %dma_start3A_128 = arith.constant 0 : i32
    %dma_start3A_129 = tpu.memref_slice %arg8[%dma_start3A_127, %dma_start3A_126, %dma_start3A_128] : memref<32x17x32xf32, #tpu.memory_space<vmem>> -> memref<32x1x32xf32, #tpu.memory_space<vmem>>
    %dma_start3A_130 = tpu.memref_squeeze %dma_start3A_129 : memref<32x1x32xf32, #tpu.memory_space<vmem>> -> memref<32x32xf32, #tpu.memory_space<vmem>>
    %dma_start3A_131 = arith.constant 32 : i32
    %dma_start3A_132 = tpu.memref_slice %arg2[%mul3A_2, %dma_start3A_131] : memref<1024x128xf32, #tpu.memory_space<hbm>> -> memref<32x32xf32, #tpu.memory_space<hbm>>
    %dma_start3A_133 = arith.constant 0 : i32
    %dma_start3A_134 = arith.constant 0 : i32
    %dma_start3A_135 = tpu.memref_slice %arg8[%dma_start3A_133, %dma_start3A_126, %dma_start3A_134] : memref<32x17x32xf32, #tpu.memory_space<vmem>> -> memref<32x1x32xf32, #tpu.memory_space<vmem>>
    %dma_start3A_136 = tpu.memref_squeeze %dma_start3A_135 : memref<32x1x32xf32, #tpu.memory_space<vmem>> -> memref<32x32xf32, #tpu.memory_space<vmem>>
    %dma_start3A_137 = arith.constant 32 : i32
    %dma_start3A_138 = tpu.memref_slice %arg2[%mul3A_2, %dma_start3A_137] : memref<1024x128xf32, #tpu.memory_space<hbm>> -> memref<32x32xf32, #tpu.memory_space<hbm>>
    tpu.enqueue_dma source(%dma_start3A_138 : memref<32x32xf32, #tpu.memory_space<hbm>>) target(%dma_start3A_136 : memref<32x32xf32, #tpu.memory_space<vmem>>) target_semaphore(%arg9 : memref<!tpu.dma_semaphore, #tpu.memory_space<semaphore_mem>>)
    %parallel_loop3A_139 = arith.constant 0 : i32
    %parallel_loop3A_140 = arith.constant 32 : i32
    %parallel_loop3A_141 = arith.constant 1 : i32
    scf.for %parallel_loop3A_294 = %parallel_loop3A_139 to %parallel_loop3A_140 step %parallel_loop3A_141  : i32 {
      %parallel_loop3A_295 = vector.broadcast %parallel_loop3A_294 : i32 to vector<16xi32>
      %parallel_loop3A_296 = arith.constant 0xFF800000 : f32
      %parallel_loop3A_297 = vector.broadcast %parallel_loop3A_296 : f32 to vector<16xf32>
      %parallel_loop3A_298 = arith.constant 0xFF800000 : f32
      %parallel_loop3A_299 = vector.broadcast %parallel_loop3A_298 : f32 to vector<16xf32>
      %parallel_loop3A_300 = arith.constant 0xFF800000 : f32
      %parallel_loop3A_301 = vector.broadcast %parallel_loop3A_300 : f32 to vector<16xf32>
      %parallel_loop3A_302 = arith.constant 0xFF800000 : f32
      %parallel_loop3A_303 = vector.broadcast %parallel_loop3A_302 : f32 to vector<16xf32>
      %parallel_loop3A_304 = arith.constant 0xFF800000 : f32
      %parallel_loop3A_305 = vector.broadcast %parallel_loop3A_304 : f32 to vector<16xf32>
      %parallel_loop3A_306 = arith.constant 0xFF800000 : f32
      %parallel_loop3A_307 = vector.broadcast %parallel_loop3A_306 : f32 to vector<16xf32>
      %parallel_loop3A_308 = arith.constant 0xFF800000 : f32
      %parallel_loop3A_309 = vector.broadcast %parallel_loop3A_308 : f32 to vector<16xf32>
      %parallel_loop3A_310 = arith.constant 0xFF800000 : f32
      %parallel_loop3A_311 = vector.broadcast %parallel_loop3A_310 : f32 to vector<16xf32>
      %parallel_loop3A_312 = arith.constant 0xFF800000 : f32
      %parallel_loop3A_313 = vector.broadcast %parallel_loop3A_312 : f32 to vector<16xf32>
      %parallel_loop3A_314 = arith.constant 0xFF800000 : f32
      %parallel_loop3A_315 = vector.broadcast %parallel_loop3A_314 : f32 to vector<16xf32>
      %parallel_loop3A_316 = arith.constant 0xFF800000 : f32
      %parallel_loop3A_317 = vector.broadcast %parallel_loop3A_316 : f32 to vector<16xf32>
      %parallel_loop3A_318 = arith.constant 0xFF800000 : f32
      %parallel_loop3A_319 = vector.broadcast %parallel_loop3A_318 : f32 to vector<16xf32>
      %parallel_loop3A_320 = arith.constant 0xFF800000 : f32
      %parallel_loop3A_321 = vector.broadcast %parallel_loop3A_320 : f32 to vector<16xf32>
      %parallel_loop3A_322 = arith.constant 0xFF800000 : f32
      %parallel_loop3A_323 = vector.broadcast %parallel_loop3A_322 : f32 to vector<16xf32>
      %parallel_loop3A_324 = arith.constant 0xFF800000 : f32
      %parallel_loop3A_325 = vector.broadcast %parallel_loop3A_324 : f32 to vector<16xf32>
      %parallel_loop3A_326 = arith.constant 0xFF800000 : f32
      %parallel_loop3A_327 = vector.broadcast %parallel_loop3A_326 : f32 to vector<16xf32>
      %parallel_loop3A_328 = arith.constant 0xFF800000 : f32
      %parallel_loop3A_329 = vector.broadcast %parallel_loop3A_328 : f32 to vector<16xf32>
      %parallel_loop3A_330 = arith.constant 0xFF800000 : f32
      %parallel_loop3A_331 = vector.broadcast %parallel_loop3A_330 : f32 to vector<16xf32>
      %parallel_loop3A_332 = arith.constant 0xFF800000 : f32
      %parallel_loop3A_333 = vector.broadcast %parallel_loop3A_332 : f32 to vector<16xf32>
      %parallel_loop3A_334 = arith.constant 0xFF800000 : f32
      %parallel_loop3A_335 = vector.broadcast %parallel_loop3A_334 : f32 to vector<16xf32>
      %parallel_loop3A_336 = arith.constant 0xFF800000 : f32
      %parallel_loop3A_337 = vector.broadcast %parallel_loop3A_336 : f32 to vector<16xf32>
      %parallel_loop3A_338 = arith.constant 0xFF800000 : f32
      %parallel_loop3A_339 = vector.broadcast %parallel_loop3A_338 : f32 to vector<16xf32>
      %parallel_loop3A_340 = arith.constant 0xFF800000 : f32
      %parallel_loop3A_341 = vector.broadcast %parallel_loop3A_340 : f32 to vector<16xf32>
      %parallel_loop3A_342 = arith.constant 0xFF800000 : f32
      %parallel_loop3A_343 = vector.broadcast %parallel_loop3A_342 : f32 to vector<16xf32>
      %parallel_loop3A_344 = arith.constant 0xFF800000 : f32
      %parallel_loop3A_345 = vector.broadcast %parallel_loop3A_344 : f32 to vector<16xf32>
      %parallel_loop3A_346 = arith.constant 0xFF800000 : f32
      %parallel_loop3A_347 = vector.broadcast %parallel_loop3A_346 : f32 to vector<16xf32>
      %parallel_loop3A_348 = arith.constant 0xFF800000 : f32
      %parallel_loop3A_349 = vector.broadcast %parallel_loop3A_348 : f32 to vector<16xf32>
      %parallel_loop3A_350 = arith.constant 0xFF800000 : f32
      %parallel_loop3A_351 = vector.broadcast %parallel_loop3A_350 : f32 to vector<16xf32>
      %parallel_loop3A_352 = arith.constant 0xFF800000 : f32
      %parallel_loop3A_353 = vector.broadcast %parallel_loop3A_352 : f32 to vector<16xf32>
      %parallel_loop3A_354 = arith.constant 0xFF800000 : f32
      %parallel_loop3A_355 = vector.broadcast %parallel_loop3A_354 : f32 to vector<16xf32>
      %parallel_loop3A_356 = arith.constant 0xFF800000 : f32
      %parallel_loop3A_357 = vector.broadcast %parallel_loop3A_356 : f32 to vector<16xf32>
      %parallel_loop3A_358 = arith.constant 0xFF800000 : f32
      %parallel_loop3A_359 = vector.broadcast %parallel_loop3A_358 : f32 to vector<16xf32>
      %parallel_loop3A_360 = arith.constant 0 : i32
      %parallel_loop3A_361 = arith.constant 64 : i32
      %parallel_loop3A_362 = arith.constant 1 : i32
      %parallel_loop3A_363:32 = scf.for %parallel_loop3A_428 = %parallel_loop3A_360 to %parallel_loop3A_361 step %parallel_loop3A_362 iter_args(%parallel_loop3A_429 = %parallel_loop3A_297, %parallel_loop3A_430 = %parallel_loop3A_299, %parallel_loop3A_431 = %parallel_loop3A_301, %parallel_loop3A_432 = %parallel_loop3A_303, %parallel_loop3A_433 = %parallel_loop3A_305, %parallel_loop3A_434 = %parallel_loop3A_307, %parallel_loop3A_435 = %parallel_loop3A_309, %parallel_loop3A_436 = %parallel_loop3A_311, %parallel_loop3A_437 = %parallel_loop3A_313, %parallel_loop3A_438 = %parallel_loop3A_315, %parallel_loop3A_439 = %parallel_loop3A_317, %parallel_loop3A_440 = %parallel_loop3A_319, %parallel_loop3A_441 = %parallel_loop3A_321, %parallel_loop3A_442 = %parallel_loop3A_323, %parallel_loop3A_443 = %parallel_loop3A_325, %parallel_loop3A_444 = %parallel_loop3A_327, %parallel_loop3A_445 = %parallel_loop3A_329, %parallel_loop3A_446 = %parallel_loop3A_331, %parallel_loop3A_447 = %parallel_loop3A_333, %parallel_loop3A_448 = %parallel_loop3A_335, %parallel_loop3A_449 = %parallel_loop3A_337, %parallel_loop3A_450 = %parallel_loop3A_339, %parallel_loop3A_451 = %parallel_loop3A_341, %parallel_loop3A_452 = %parallel_loop3A_343, %parallel_loop3A_453 = %parallel_loop3A_345, %parallel_loop3A_454 = %parallel_loop3A_347, %parallel_loop3A_455 = %parallel_loop3A_349, %parallel_loop3A_456 = %parallel_loop3A_351, %parallel_loop3A_457 = %parallel_loop3A_353, %parallel_loop3A_458 = %parallel_loop3A_355, %parallel_loop3A_459 = %parallel_loop3A_357, %parallel_loop3A_460 = %parallel_loop3A_359) -> (vector<16xf32>, vector<16xf32>, vector<16xf32>, vector<16xf32>, vector<16xf32>, vector<16xf32>, vector<16xf32>, vector<16xf32>, vector<16xf32>, vector<16xf32>, vector<16xf32>, vector<16xf32>, vector<16xf32>, vector<16xf32>, vector<16xf32>, vector<16xf32>, vector<16xf32>, vector<16xf32>, vector<16xf32>, vector<16xf32>, vector<16xf32>, vector<16xf32>, vector<16xf32>, vector<16xf32>, vector<16xf32>, vector<16xf32>, vector<16xf32>, vector<16xf32>, vector<16xf32>, vector<16xf32>, vector<16xf32>, vector<16xf32>)  : i32 {
        %parallel_loop3A_461 = arith.constant 16 : i32
        %parallel_loop3A_462 = arith.muli %parallel_loop3A_428, %parallel_loop3A_461 : i32
        %parallel_loop3A_463 = arith.index_cast %parallel_loop3A_294 : i32 to index
        %parallel_loop3A_464 = arith.index_cast %parallel_loop3A_462 : i32 to index
        %parallel_loop3A_465 = tpu.vector_load %arg6[%parallel_loop3A_463, %parallel_loop3A_464] {strides = array<i32>} : memref<32x1024xf32, #tpu.memory_space<vmem>>, vector<16xf32>,
        %parallel_loop3A_466 = arith.constant 16 : i32
        %parallel_loop3A_467 = arith.muli %parallel_loop3A_428, %parallel_loop3A_466 : i32
        %parallel_loop3A_468 = arith.constant 1 : i32
        %parallel_loop3A_469 = arith.constant 0 : i32
        %parallel_loop3A_470 = arith.index_cast %parallel_loop3A_468 : i32 to index
        %parallel_loop3A_471 = arith.index_cast %parallel_loop3A_469 : i32 to index
        %parallel_loop3A_472 = arith.index_cast %parallel_loop3A_467 : i32 to index
        %parallel_loop3A_473 = tpu.vector_load %arg7[%parallel_loop3A_470, %parallel_loop3A_471, %parallel_loop3A_472] {strides = array<i32>} : memref<2x32x1024xf32, #tpu.memory_space<vmem>>, vector<16xf32>,
        %parallel_loop3A_474 = arith.mulf %parallel_loop3A_465, %parallel_loop3A_473 : vector<16xf32>
        %parallel_loop3A_475 = arith.constant dense<true> : vector<16xi1>
        %parallel_loop3A_476, %parallel_loop3A_477, %parallel_loop3A_478 = tpu.sort %parallel_loop3A_474, %parallel_loop3A_473 masked %parallel_loop3A_475 {descending = true} : (vector<16xf32>, vector<16xf32>, vector<16xi1>) -> (vector<16xi1>, vector<16xf32>, vector<16xf32>)
        %parallel_loop3A_479 = arith.maximumf %parallel_loop3A_429, %parallel_loop3A_477 : vector<16xf32>
        %parallel_loop3A_480 = arith.constant dense<true> : vector<16xi1>
        %parallel_loop3A_481, %parallel_loop3A_482, %parallel_loop3A_483 = tpu.sort %parallel_loop3A_479, %parallel_loop3A_479 masked %parallel_loop3A_480 : (vector<16xf32>, vector<16xf32>, vector<16xi1>) -> (vector<16xi1>, vector<16xf32>, vector<16xf32>)
        %parallel_loop3A_484 = arith.constant 16 : i32
        %parallel_loop3A_485 = arith.muli %parallel_loop3A_428, %parallel_loop3A_484 : i32
        %parallel_loop3A_486 = arith.constant 1 : i32
        %parallel_loop3A_487 = arith.constant 1 : i32
        %parallel_loop3A_488 = arith.index_cast %parallel_loop3A_486 : i32 to index
        %parallel_loop3A_489 = arith.index_cast %parallel_loop3A_487 : i32 to index
        %parallel_loop3A_490 = arith.index_cast %parallel_loop3A_485 : i32 to index
        %parallel_loop3A_491 = tpu.vector_load %arg7[%parallel_loop3A_488, %parallel_loop3A_489, %parallel_loop3A_490] {strides = array<i32>} : memref<2x32x1024xf32, #tpu.memory_space<vmem>>, vector<16xf32>,
        %parallel_loop3A_492 = arith.mulf %parallel_loop3A_465, %parallel_loop3A_491 : vector<16xf32>
        %parallel_loop3A_493 = arith.constant dense<true> : vector<16xi1>
        %parallel_loop3A_494, %parallel_loop3A_495, %parallel_loop3A_496 = tpu.sort %parallel_loop3A_492, %parallel_loop3A_491 masked %parallel_loop3A_493 {descending = true} : (vector<16xf32>, vector<16xf32>, vector<16xi1>) -> (vector<16xi1>, vector<16xf32>, vector<16xf32>)
        %parallel_loop3A_497 = arith.maximumf %parallel_loop3A_430, %parallel_loop3A_495 : vector<16xf32>
        %parallel_loop3A_498 = arith.constant dense<true> : vector<16xi1>
        %parallel_loop3A_499, %parallel_loop3A_500, %parallel_loop3A_501 = tpu.sort %parallel_loop3A_497, %parallel_loop3A_497 masked %parallel_loop3A_498 : (vector<16xf32>, vector<16xf32>, vector<16xi1>) -> (vector<16xi1>, vector<16xf32>, vector<16xf32>)
        %parallel_loop3A_502 = arith.constant 16 : i32
        %parallel_loop3A_503 = arith.muli %parallel_loop3A_428, %parallel_loop3A_502 : i32
        %parallel_loop3A_504 = arith.constant 1 : i32
        %parallel_loop3A_505 = arith.constant 2 : i32
        %parallel_loop3A_506 = arith.index_cast %parallel_loop3A_504 : i32 to index
        %parallel_loop3A_507 = arith.index_cast %parallel_loop3A_505 : i32 to index
        %parallel_loop3A_508 = arith.index_cast %parallel_loop3A_503 : i32 to index
        %parallel_loop3A_509 = tpu.vector_load %arg7[%parallel_loop3A_506, %parallel_loop3A_507, %parallel_loop3A_508] {strides = array<i32>} : memref<2x32x1024xf32, #tpu.memory_space<vmem>>, vector<16xf32>,
        %parallel_loop3A_510 = arith.mulf %parallel_loop3A_465, %parallel_loop3A_509 : vector<16xf32>
        %parallel_loop3A_511 = arith.constant dense<true> : vector<16xi1>
        %parallel_loop3A_512, %parallel_loop3A_513, %parallel_loop3A_514 = tpu.sort %parallel_loop3A_510, %parallel_loop3A_509 masked %parallel_loop3A_511 {descending = true} : (vector<16xf32>, vector<16xf32>, vector<16xi1>) -> (vector<16xi1>, vector<16xf32>, vector<16xf32>)
        %parallel_loop3A_515 = arith.maximumf %parallel_loop3A_431, %parallel_loop3A_513 : vector<16xf32>
        %parallel_loop3A_516 = arith.constant dense<true> : vector<16xi1>
        %parallel_loop3A_517, %parallel_loop3A_518, %parallel_loop3A_519 = tpu.sort %parallel_loop3A_515, %parallel_loop3A_515 masked %parallel_loop3A_516 : (vector<16xf32>, vector<16xf32>, vector<16xi1>) -> (vector<16xi1>, vector<16xf32>, vector<16xf32>)
        %parallel_loop3A_520 = arith.constant 16 : i32
        %parallel_loop3A_521 = arith.muli %parallel_loop3A_428, %parallel_loop3A_520 : i32
        %parallel_loop3A_522 = arith.constant 1 : i32
        %parallel_loop3A_523 = arith.constant 3 : i32
        %parallel_loop3A_524 = arith.index_cast %parallel_loop3A_522 : i32 to index
        %parallel_loop3A_525 = arith.index_cast %parallel_loop3A_523 : i32 to index
        %parallel_loop3A_526 = arith.index_cast %parallel_loop3A_521 : i32 to index
        %parallel_loop3A_527 = tpu.vector_load %arg7[%parallel_loop3A_524, %parallel_loop3A_525, %parallel_loop3A_526] {strides = array<i32>} : memref<2x32x1024xf32, #tpu.memory_space<vmem>>, vector<16xf32>,
        %parallel_loop3A_528 = arith.mulf %parallel_loop3A_465, %parallel_loop3A_527 : vector<16xf32>
        %parallel_loop3A_529 = arith.constant dense<true> : vector<16xi1>
        %parallel_loop3A_530, %parallel_loop3A_531, %parallel_loop3A_532 = tpu.sort %parallel_loop3A_528, %parallel_loop3A_527 masked %parallel_loop3A_529 {descending = true} : (vector<16xf32>, vector<16xf32>, vector<16xi1>) -> (vector<16xi1>, vector<16xf32>, vector<16xf32>)
        %parallel_loop3A_533 = arith.maximumf %parallel_loop3A_432, %parallel_loop3A_531 : vector<16xf32>
        %parallel_loop3A_534 = arith.constant dense<true> : vector<16xi1>
        %parallel_loop3A_535, %parallel_loop3A_536, %parallel_loop3A_537 = tpu.sort %parallel_loop3A_533, %parallel_loop3A_533 masked %parallel_loop3A_534 : (vector<16xf32>, vector<16xf32>, vector<16xi1>) -> (vector<16xi1>, vector<16xf32>, vector<16xf32>)
        %parallel_loop3A_538 = arith.constant 16 : i32
        %parallel_loop3A_539 = arith.muli %parallel_loop3A_428, %parallel_loop3A_538 : i32
        %parallel_loop3A_540 = arith.constant 1 : i32
        %parallel_loop3A_541 = arith.constant 4 : i32
        %parallel_loop3A_542 = arith.index_cast %parallel_loop3A_540 : i32 to index
        %parallel_loop3A_543 = arith.index_cast %parallel_loop3A_541 : i32 to index
        %parallel_loop3A_544 = arith.index_cast %parallel_loop3A_539 : i32 to index
        %parallel_loop3A_545 = tpu.vector_load %arg7[%parallel_loop3A_542, %parallel_loop3A_543, %parallel_loop3A_544] {strides = array<i32>} : memref<2x32x1024xf32, #tpu.memory_space<vmem>>, vector<16xf32>,
        %parallel_loop3A_546 = arith.mulf %parallel_loop3A_465, %parallel_loop3A_545 : vector<16xf32>
        %parallel_loop3A_547 = arith.constant dense<true> : vector<16xi1>
        %parallel_loop3A_548, %parallel_loop3A_549, %parallel_loop3A_550 = tpu.sort %parallel_loop3A_546, %parallel_loop3A_545 masked %parallel_loop3A_547 {descending = true} : (vector<16xf32>, vector<16xf32>, vector<16xi1>) -> (vector<16xi1>, vector<16xf32>, vector<16xf32>)
        %parallel_loop3A_551 = arith.maximumf %parallel_loop3A_433, %parallel_loop3A_549 : vector<16xf32>
        %parallel_loop3A_552 = arith.constant dense<true> : vector<16xi1>
        %parallel_loop3A_553, %parallel_loop3A_554, %parallel_loop3A_555 = tpu.sort %parallel_loop3A_551, %parallel_loop3A_551 masked %parallel_loop3A_552 : (vector<16xf32>, vector<16xf32>, vector<16xi1>) -> (vector<16xi1>, vector<16xf32>, vector<16xf32>)
        %parallel_loop3A_556 = arith.constant 16 : i32
        %parallel_loop3A_557 = arith.muli %parallel_loop3A_428, %parallel_loop3A_556 : i32
        %parallel_loop3A_558 = arith.constant 1 : i32
        %parallel_loop3A_559 = arith.constant 5 : i32
        %parallel_loop3A_560 = arith.index_cast %parallel_loop3A_558 : i32 to index
        %parallel_loop3A_561 = arith.index_cast %parallel_loop3A_559 : i32 to index
        %parallel_loop3A_562 = arith.index_cast %parallel_loop3A_557 : i32 to index
        %parallel_loop3A_563 = tpu.vector_load %arg7[%parallel_loop3A_560, %parallel_loop3A_561, %parallel_loop3A_562] {strides = array<i32>} : memref<2x32x1024xf32, #tpu.memory_space<vmem>>, vector<16xf32>,
        %parallel_loop3A_564 = arith.mulf %parallel_loop3A_465, %parallel_loop3A_563 : vector<16xf32>
        %parallel_loop3A_565 = arith.constant dense<true> : vector<16xi1>
        %parallel_loop3A_566, %parallel_loop3A_567, %parallel_loop3A_568 = tpu.sort %parallel_loop3A_564, %parallel_loop3A_563 masked %parallel_loop3A_565 {descending = true} : (vector<16xf32>, vector<16xf32>, vector<16xi1>) -> (vector<16xi1>, vector<16xf32>, vector<16xf32>)
        %parallel_loop3A_569 = arith.maximumf %parallel_loop3A_434, %parallel_loop3A_567 : vector<16xf32>
        %parallel_loop3A_570 = arith.constant dense<true> : vector<16xi1>
        %parallel_loop3A_571, %parallel_loop3A_572, %parallel_loop3A_573 = tpu.sort %parallel_loop3A_569, %parallel_loop3A_569 masked %parallel_loop3A_570 : (vector<16xf32>, vector<16xf32>, vector<16xi1>) -> (vector<16xi1>, vector<16xf32>, vector<16xf32>)
        %parallel_loop3A_574 = arith.constant 16 : i32
        %parallel_loop3A_575 = arith.muli %parallel_loop3A_428, %parallel_loop3A_574 : i32
        %parallel_loop3A_576 = arith.constant 1 : i32
        %parallel_loop3A_577 = arith.constant 6 : i32
        %parallel_loop3A_578 = arith.index_cast %parallel_loop3A_576 : i32 to index
        %parallel_loop3A_579 = arith.index_cast %parallel_loop3A_577 : i32 to index
        %parallel_loop3A_580 = arith.index_cast %parallel_loop3A_575 : i32 to index
        %parallel_loop3A_581 = tpu.vector_load %arg7[%parallel_loop3A_578, %parallel_loop3A_579, %parallel_loop3A_580] {strides = array<i32>} : memref<2x32x1024xf32, #tpu.memory_space<vmem>>, vector<16xf32>,
        %parallel_loop3A_582 = arith.mulf %parallel_loop3A_465, %parallel_loop3A_581 : vector<16xf32>
        %parallel_loop3A_583 = arith.constant dense<true> : vector<16xi1>
        %parallel_loop3A_584, %parallel_loop3A_585, %parallel_loop3A_586 = tpu.sort %parallel_loop3A_582, %parallel_loop3A_581 masked %parallel_loop3A_583 {descending = true} : (vector<16xf32>, vector<16xf32>, vector<16xi1>) -> (vector<16xi1>, vector<16xf32>, vector<16xf32>)
        %parallel_loop3A_587 = arith.maximumf %parallel_loop3A_435, %parallel_loop3A_585 : vector<16xf32>
        %parallel_loop3A_588 = arith.constant dense<true> : vector<16xi1>
        %parallel_loop3A_589, %parallel_loop3A_590, %parallel_loop3A_591 = tpu.sort %parallel_loop3A_587, %parallel_loop3A_587 masked %parallel_loop3A_588 : (vector<16xf32>, vector<16xf32>, vector<16xi1>) -> (vector<16xi1>, vector<16xf32>, vector<16xf32>)
        %parallel_loop3A_592 = arith.constant 16 : i32
        %parallel_loop3A_593 = arith.muli %parallel_loop3A_428, %parallel_loop3A_592 : i32
        %parallel_loop3A_594 = arith.constant 1 : i32
        %parallel_loop3A_595 = arith.constant 7 : i32
        %parallel_loop3A_596 = arith.index_cast %parallel_loop3A_594 : i32 to index
        %parallel_loop3A_597 = arith.index_cast %parallel_loop3A_595 : i32 to index
        %parallel_loop3A_598 = arith.index_cast %parallel_loop3A_593 : i32 to index
        %parallel_loop3A_599 = tpu.vector_load %arg7[%parallel_loop3A_596, %parallel_loop3A_597, %parallel_loop3A_598] {strides = array<i32>} : memref<2x32x1024xf32, #tpu.memory_space<vmem>>, vector<16xf32>,
        %parallel_loop3A_600 = arith.mulf %parallel_loop3A_465, %parallel_loop3A_599 : vector<16xf32>
        %parallel_loop3A_601 = arith.constant dense<true> : vector<16xi1>
        %parallel_loop3A_602, %parallel_loop3A_603, %parallel_loop3A_604 = tpu.sort %parallel_loop3A_600, %parallel_loop3A_599 masked %parallel_loop3A_601 {descending = true} : (vector<16xf32>, vector<16xf32>, vector<16xi1>) -> (vector<16xi1>, vector<16xf32>, vector<16xf32>)
        %parallel_loop3A_605 = arith.maximumf %parallel_loop3A_436, %parallel_loop3A_603 : vector<16xf32>
        %parallel_loop3A_606 = arith.constant dense<true> : vector<16xi1>
        %parallel_loop3A_607, %parallel_loop3A_608, %parallel_loop3A_609 = tpu.sort %parallel_loop3A_605, %parallel_loop3A_605 masked %parallel_loop3A_606 : (vector<16xf32>, vector<16xf32>, vector<16xi1>) -> (vector<16xi1>, vector<16xf32>, vector<16xf32>)
        %parallel_loop3A_610 = arith.constant 16 : i32
        %parallel_loop3A_611 = arith.muli %parallel_loop3A_428, %parallel_loop3A_610 : i32
        %parallel_loop3A_612 = arith.constant 1 : i32
        %parallel_loop3A_613 = arith.constant 8 : i32
        %parallel_loop3A_614 = arith.index_cast %parallel_loop3A_612 : i32 to index
        %parallel_loop3A_615 = arith.index_cast %parallel_loop3A_613 : i32 to index
        %parallel_loop3A_616 = arith.index_cast %parallel_loop3A_611 : i32 to index
        %parallel_loop3A_617 = tpu.vector_load %arg7[%parallel_loop3A_614, %parallel_loop3A_615, %parallel_loop3A_616] {strides = array<i32>} : memref<2x32x1024xf32, #tpu.memory_space<vmem>>, vector<16xf32>,
        %parallel_loop3A_618 = arith.mulf %parallel_loop3A_465, %parallel_loop3A_617 : vector<16xf32>
        %parallel_loop3A_619 = arith.constant dense<true> : vector<16xi1>
        %parallel_loop3A_620, %parallel_loop3A_621, %parallel_loop3A_622 = tpu.sort %parallel_loop3A_618, %parallel_loop3A_617 masked %parallel_loop3A_619 {descending = true} : (vector<16xf32>, vector<16xf32>, vector<16xi1>) -> (vector<16xi1>, vector<16xf32>, vector<16xf32>)
        %parallel_loop3A_623 = arith.maximumf %parallel_loop3A_437, %parallel_loop3A_621 : vector<16xf32>
        %parallel_loop3A_624 = arith.constant dense<true> : vector<16xi1>
        %parallel_loop3A_625, %parallel_loop3A_626, %parallel_loop3A_627 = tpu.sort %parallel_loop3A_623, %parallel_loop3A_623 masked %parallel_loop3A_624 : (vector<16xf32>, vector<16xf32>, vector<16xi1>) -> (vector<16xi1>, vector<16xf32>, vector<16xf32>)
        %parallel_loop3A_628 = arith.constant 16 : i32
        %parallel_loop3A_629 = arith.muli %parallel_loop3A_428, %parallel_loop3A_628 : i32
        %parallel_loop3A_630 = arith.constant 1 : i32
        %parallel_loop3A_631 = arith.constant 9 : i32
        %parallel_loop3A_632 = arith.index_cast %parallel_loop3A_630 : i32 to index
        %parallel_loop3A_633 = arith.index_cast %parallel_loop3A_631 : i32 to index
        %parallel_loop3A_634 = arith.index_cast %parallel_loop3A_629 : i32 to index
        %parallel_loop3A_635 = tpu.vector_load %arg7[%parallel_loop3A_632, %parallel_loop3A_633, %parallel_loop3A_634] {strides = array<i32>} : memref<2x32x1024xf32, #tpu.memory_space<vmem>>, vector<16xf32>,
        %parallel_loop3A_636 = arith.mulf %parallel_loop3A_465, %parallel_loop3A_635 : vector<16xf32>
        %parallel_loop3A_637 = arith.constant dense<true> : vector<16xi1>
        %parallel_loop3A_638, %parallel_loop3A_639, %parallel_loop3A_640 = tpu.sort %parallel_loop3A_636, %parallel_loop3A_635 masked %parallel_loop3A_637 {descending = true} : (vector<16xf32>, vector<16xf32>, vector<16xi1>) -> (vector<16xi1>, vector<16xf32>, vector<16xf32>)
        %parallel_loop3A_641 = arith.maximumf %parallel_loop3A_438, %parallel_loop3A_639 : vector<16xf32>
        %parallel_loop3A_642 = arith.constant dense<true> : vector<16xi1>
        %parallel_loop3A_643, %parallel_loop3A_644, %parallel_loop3A_645 = tpu.sort %parallel_loop3A_641, %parallel_loop3A_641 masked %parallel_loop3A_642 : (vector<16xf32>, vector<16xf32>, vector<16xi1>) -> (vector<16xi1>, vector<16xf32>, vector<16xf32>)
        %parallel_loop3A_646 = arith.constant 16 : i32
        %parallel_loop3A_647 = arith.muli %parallel_loop3A_428, %parallel_loop3A_646 : i32
        %parallel_loop3A_648 = arith.constant 1 : i32
        %parallel_loop3A_649 = arith.constant 10 : i32
        %parallel_loop3A_650 = arith.index_cast %parallel_loop3A_648 : i32 to index
        %parallel_loop3A_651 = arith.index_cast %parallel_loop3A_649 : i32 to index
        %parallel_loop3A_652 = arith.index_cast %parallel_loop3A_647 : i32 to index
        %parallel_loop3A_653 = tpu.vector_load %arg7[%parallel_loop3A_650, %parallel_loop3A_651, %parallel_loop3A_652] {strides = array<i32>} : memref<2x32x1024xf32, #tpu.memory_space<vmem>>, vector<16xf32>,
        %parallel_loop3A_654 = arith.mulf %parallel_loop3A_465, %parallel_loop3A_653 : vector<16xf32>
        %parallel_loop3A_655 = arith.constant dense<true> : vector<16xi1>
        %parallel_loop3A_656, %parallel_loop3A_657, %parallel_loop3A_658 = tpu.sort %parallel_loop3A_654, %parallel_loop3A_653 masked %parallel_loop3A_655 {descending = true} : (vector<16xf32>, vector<16xf32>, vector<16xi1>) -> (vector<16xi1>, vector<16xf32>, vector<16xf32>)
        %parallel_loop3A_659 = arith.maximumf %parallel_loop3A_439, %parallel_loop3A_657 : vector<16xf32>
        %parallel_loop3A_660 = arith.constant dense<true> : vector<16xi1>
        %parallel_loop3A_661, %parallel_loop3A_662, %parallel_loop3A_663 = tpu.sort %parallel_loop3A_659, %parallel_loop3A_659 masked %parallel_loop3A_660 : (vector<16xf32>, vector<16xf32>, vector<16xi1>) -> (vector<16xi1>, vector<16xf32>, vector<16xf32>)
        %parallel_loop3A_664 = arith.constant 16 : i32
        %parallel_loop3A_665 = arith.muli %parallel_loop3A_428, %parallel_loop3A_664 : i32
        %parallel_loop3A_666 = arith.constant 1 : i32
        %parallel_loop3A_667 = arith.constant 11 : i32
        %parallel_loop3A_668 = arith.index_cast %parallel_loop3A_666 : i32 to index
        %parallel_loop3A_669 = arith.index_cast %parallel_loop3A_667 : i32 to index
        %parallel_loop3A_670 = arith.index_cast %parallel_loop3A_665 : i32 to index
        %parallel_loop3A_671 = tpu.vector_load %arg7[%parallel_loop3A_668, %parallel_loop3A_669, %parallel_loop3A_670] {strides = array<i32>} : memref<2x32x1024xf32, #tpu.memory_space<vmem>>, vector<16xf32>,
        %parallel_loop3A_672 = arith.mulf %parallel_loop3A_465, %parallel_loop3A_671 : vector<16xf32>
        %parallel_loop3A_673 = arith.constant dense<true> : vector<16xi1>
        %parallel_loop3A_674, %parallel_loop3A_675, %parallel_loop3A_676 = tpu.sort %parallel_loop3A_672, %parallel_loop3A_671 masked %parallel_loop3A_673 {descending = true} : (vector<16xf32>, vector<16xf32>, vector<16xi1>) -> (vector<16xi1>, vector<16xf32>, vector<16xf32>)
        %parallel_loop3A_677 = arith.maximumf %parallel_loop3A_440, %parallel_loop3A_675 : vector<16xf32>
        %parallel_loop3A_678 = arith.constant dense<true> : vector<16xi1>
        %parallel_loop3A_679, %parallel_loop3A_680, %parallel_loop3A_681 = tpu.sort %parallel_loop3A_677, %parallel_loop3A_677 masked %parallel_loop3A_678 : (vector<16xf32>, vector<16xf32>, vector<16xi1>) -> (vector<16xi1>, vector<16xf32>, vector<16xf32>)
        %parallel_loop3A_682 = arith.constant 16 : i32
        %parallel_loop3A_683 = arith.muli %parallel_loop3A_428, %parallel_loop3A_682 : i32
        %parallel_loop3A_684 = arith.constant 1 : i32
        %parallel_loop3A_685 = arith.constant 12 : i32
        %parallel_loop3A_686 = arith.index_cast %parallel_loop3A_684 : i32 to index
        %parallel_loop3A_687 = arith.index_cast %parallel_loop3A_685 : i32 to index
        %parallel_loop3A_688 = arith.index_cast %parallel_loop3A_683 : i32 to index
        %parallel_loop3A_689 = tpu.vector_load %arg7[%parallel_loop3A_686, %parallel_loop3A_687, %parallel_loop3A_688] {strides = array<i32>} : memref<2x32x1024xf32, #tpu.memory_space<vmem>>, vector<16xf32>,
        %parallel_loop3A_690 = arith.mulf %parallel_loop3A_465, %parallel_loop3A_689 : vector<16xf32>
        %parallel_loop3A_691 = arith.constant dense<true> : vector<16xi1>
        %parallel_loop3A_692, %parallel_loop3A_693, %parallel_loop3A_694 = tpu.sort %parallel_loop3A_690, %parallel_loop3A_689 masked %parallel_loop3A_691 {descending = true} : (vector<16xf32>, vector<16xf32>, vector<16xi1>) -> (vector<16xi1>, vector<16xf32>, vector<16xf32>)
        %parallel_loop3A_695 = arith.maximumf %parallel_loop3A_441, %parallel_loop3A_693 : vector<16xf32>
        %parallel_loop3A_696 = arith.constant dense<true> : vector<16xi1>
        %parallel_loop3A_697, %parallel_loop3A_698, %parallel_loop3A_699 = tpu.sort %parallel_loop3A_695, %parallel_loop3A_695 masked %parallel_loop3A_696 : (vector<16xf32>, vector<16xf32>, vector<16xi1>) -> (vector<16xi1>, vector<16xf32>, vector<16xf32>)
        %parallel_loop3A_700 = arith.constant 16 : i32
        %parallel_loop3A_701 = arith.muli %parallel_loop3A_428, %parallel_loop3A_700 : i32
        %parallel_loop3A_702 = arith.constant 1 : i32
        %parallel_loop3A_703 = arith.constant 13 : i32
        %parallel_loop3A_704 = arith.index_cast %parallel_loop3A_702 : i32 to index
        %parallel_loop3A_705 = arith.index_cast %parallel_loop3A_703 : i32 to index
        %parallel_loop3A_706 = arith.index_cast %parallel_loop3A_701 : i32 to index
        %parallel_loop3A_707 = tpu.vector_load %arg7[%parallel_loop3A_704, %parallel_loop3A_705, %parallel_loop3A_706] {strides = array<i32>} : memref<2x32x1024xf32, #tpu.memory_space<vmem>>, vector<16xf32>,
        %parallel_loop3A_708 = arith.mulf %parallel_loop3A_465, %parallel_loop3A_707 : vector<16xf32>
        %parallel_loop3A_709 = arith.constant dense<true> : vector<16xi1>
        %parallel_loop3A_710, %parallel_loop3A_711, %parallel_loop3A_712 = tpu.sort %parallel_loop3A_708, %parallel_loop3A_707 masked %parallel_loop3A_709 {descending = true} : (vector<16xf32>, vector<16xf32>, vector<16xi1>) -> (vector<16xi1>, vector<16xf32>, vector<16xf32>)
        %parallel_loop3A_713 = arith.maximumf %parallel_loop3A_442, %parallel_loop3A_711 : vector<16xf32>
        %parallel_loop3A_714 = arith.constant dense<true> : vector<16xi1>
        %parallel_loop3A_715, %parallel_loop3A_716, %parallel_loop3A_717 = tpu.sort %parallel_loop3A_713, %parallel_loop3A_713 masked %parallel_loop3A_714 : (vector<16xf32>, vector<16xf32>, vector<16xi1>) -> (vector<16xi1>, vector<16xf32>, vector<16xf32>)
        %parallel_loop3A_718 = arith.constant 16 : i32
        %parallel_loop3A_719 = arith.muli %parallel_loop3A_428, %parallel_loop3A_718 : i32
        %parallel_loop3A_720 = arith.constant 1 : i32
        %parallel_loop3A_721 = arith.constant 14 : i32
        %parallel_loop3A_722 = arith.index_cast %parallel_loop3A_720 : i32 to index
        %parallel_loop3A_723 = arith.index_cast %parallel_loop3A_721 : i32 to index
        %parallel_loop3A_724 = arith.index_cast %parallel_loop3A_719 : i32 to index
        %parallel_loop3A_725 = tpu.vector_load %arg7[%parallel_loop3A_722, %parallel_loop3A_723, %parallel_loop3A_724] {strides = array<i32>} : memref<2x32x1024xf32, #tpu.memory_space<vmem>>, vector<16xf32>,
        %parallel_loop3A_726 = arith.mulf %parallel_loop3A_465, %parallel_loop3A_725 : vector<16xf32>
        %parallel_loop3A_727 = arith.constant dense<true> : vector<16xi1>
        %parallel_loop3A_728, %parallel_loop3A_729, %parallel_loop3A_730 = tpu.sort %parallel_loop3A_726, %parallel_loop3A_725 masked %parallel_loop3A_727 {descending = true} : (vector<16xf32>, vector<16xf32>, vector<16xi1>) -> (vector<16xi1>, vector<16xf32>, vector<16xf32>)
        %parallel_loop3A_731 = arith.maximumf %parallel_loop3A_443, %parallel_loop3A_729 : vector<16xf32>
        %parallel_loop3A_732 = arith.constant dense<true> : vector<16xi1>
        %parallel_loop3A_733, %parallel_loop3A_734, %parallel_loop3A_735 = tpu.sort %parallel_loop3A_731, %parallel_loop3A_731 masked %parallel_loop3A_732 : (vector<16xf32>, vector<16xf32>, vector<16xi1>) -> (vector<16xi1>, vector<16xf32>, vector<16xf32>)
        %parallel_loop3A_736 = arith.constant 16 : i32
        %parallel_loop3A_737 = arith.muli %parallel_loop3A_428, %parallel_loop3A_736 : i32
        %parallel_loop3A_738 = arith.constant 1 : i32
        %parallel_loop3A_739 = arith.constant 15 : i32
        %parallel_loop3A_740 = arith.index_cast %parallel_loop3A_738 : i32 to index
        %parallel_loop3A_741 = arith.index_cast %parallel_loop3A_739 : i32 to index
        %parallel_loop3A_742 = arith.index_cast %parallel_loop3A_737 : i32 to index
        %parallel_loop3A_743 = tpu.vector_load %arg7[%parallel_loop3A_740, %parallel_loop3A_741, %parallel_loop3A_742] {strides = array<i32>} : memref<2x32x1024xf32, #tpu.memory_space<vmem>>, vector<16xf32>,
        %parallel_loop3A_744 = arith.mulf %parallel_loop3A_465, %parallel_loop3A_743 : vector<16xf32>
        %parallel_loop3A_745 = arith.constant dense<true> : vector<16xi1>
        %parallel_loop3A_746, %parallel_loop3A_747, %parallel_loop3A_748 = tpu.sort %parallel_loop3A_744, %parallel_loop3A_743 masked %parallel_loop3A_745 {descending = true} : (vector<16xf32>, vector<16xf32>, vector<16xi1>) -> (vector<16xi1>, vector<16xf32>, vector<16xf32>)
        %parallel_loop3A_749 = arith.maximumf %parallel_loop3A_444, %parallel_loop3A_747 : vector<16xf32>
        %parallel_loop3A_750 = arith.constant dense<true> : vector<16xi1>
        %parallel_loop3A_751, %parallel_loop3A_752, %parallel_loop3A_753 = tpu.sort %parallel_loop3A_749, %parallel_loop3A_749 masked %parallel_loop3A_750 : (vector<16xf32>, vector<16xf32>, vector<16xi1>) -> (vector<16xi1>, vector<16xf32>, vector<16xf32>)
        %parallel_loop3A_754 = arith.constant 16 : i32
        %parallel_loop3A_755 = arith.muli %parallel_loop3A_428, %parallel_loop3A_754 : i32
        %parallel_loop3A_756 = arith.constant 1 : i32
        %parallel_loop3A_757 = arith.constant 16 : i32
        %parallel_loop3A_758 = arith.index_cast %parallel_loop3A_756 : i32 to index
        %parallel_loop3A_759 = arith.index_cast %parallel_loop3A_757 : i32 to index
        %parallel_loop3A_760 = arith.index_cast %parallel_loop3A_755 : i32 to index
        %parallel_loop3A_761 = tpu.vector_load %arg7[%parallel_loop3A_758, %parallel_loop3A_759, %parallel_loop3A_760] {strides = array<i32>} : memref<2x32x1024xf32, #tpu.memory_space<vmem>>, vector<16xf32>,
        %parallel_loop3A_762 = arith.mulf %parallel_loop3A_465, %parallel_loop3A_761 : vector<16xf32>
        %parallel_loop3A_763 = arith.constant dense<true> : vector<16xi1>
        %parallel_loop3A_764, %parallel_loop3A_765, %parallel_loop3A_766 = tpu.sort %parallel_loop3A_762, %parallel_loop3A_761 masked %parallel_loop3A_763 {descending = true} : (vector<16xf32>, vector<16xf32>, vector<16xi1>) -> (vector<16xi1>, vector<16xf32>, vector<16xf32>)
        %parallel_loop3A_767 = arith.maximumf %parallel_loop3A_445, %parallel_loop3A_765 : vector<16xf32>
        %parallel_loop3A_768 = arith.constant dense<true> : vector<16xi1>
        %parallel_loop3A_769, %parallel_loop3A_770, %parallel_loop3A_771 = tpu.sort %parallel_loop3A_767, %parallel_loop3A_767 masked %parallel_loop3A_768 : (vector<16xf32>, vector<16xf32>, vector<16xi1>) -> (vector<16xi1>, vector<16xf32>, vector<16xf32>)
        %parallel_loop3A_772 = arith.constant 16 : i32
        %parallel_loop3A_773 = arith.muli %parallel_loop3A_428, %parallel_loop3A_772 : i32
        %parallel_loop3A_774 = arith.constant 1 : i32
        %parallel_loop3A_775 = arith.constant 17 : i32
        %parallel_loop3A_776 = arith.index_cast %parallel_loop3A_774 : i32 to index
        %parallel_loop3A_777 = arith.index_cast %parallel_loop3A_775 : i32 to index
        %parallel_loop3A_778 = arith.index_cast %parallel_loop3A_773 : i32 to index
        %parallel_loop3A_779 = tpu.vector_load %arg7[%parallel_loop3A_776, %parallel_loop3A_777, %parallel_loop3A_778] {strides = array<i32>} : memref<2x32x1024xf32, #tpu.memory_space<vmem>>, vector<16xf32>,
        %parallel_loop3A_780 = arith.mulf %parallel_loop3A_465, %parallel_loop3A_779 : vector<16xf32>
        %parallel_loop3A_781 = arith.constant dense<true> : vector<16xi1>
        %parallel_loop3A_782, %parallel_loop3A_783, %parallel_loop3A_784 = tpu.sort %parallel_loop3A_780, %parallel_loop3A_779 masked %parallel_loop3A_781 {descending = true} : (vector<16xf32>, vector<16xf32>, vector<16xi1>) -> (vector<16xi1>, vector<16xf32>, vector<16xf32>)
        %parallel_loop3A_785 = arith.maximumf %parallel_loop3A_446, %parallel_loop3A_783 : vector<16xf32>
        %parallel_loop3A_786 = arith.constant dense<true> : vector<16xi1>
        %parallel_loop3A_787, %parallel_loop3A_788, %parallel_loop3A_789 = tpu.sort %parallel_loop3A_785, %parallel_loop3A_785 masked %parallel_loop3A_786 : (vector<16xf32>, vector<16xf32>, vector<16xi1>) -> (vector<16xi1>, vector<16xf32>, vector<16xf32>)
        %parallel_loop3A_790 = arith.constant 16 : i32
        %parallel_loop3A_791 = arith.muli %parallel_loop3A_428, %parallel_loop3A_790 : i32
        %parallel_loop3A_792 = arith.constant 1 : i32
        %parallel_loop3A_793 = arith.constant 18 : i32
        %parallel_loop3A_794 = arith.index_cast %parallel_loop3A_792 : i32 to index
        %parallel_loop3A_795 = arith.index_cast %parallel_loop3A_793 : i32 to index
        %parallel_loop3A_796 = arith.index_cast %parallel_loop3A_791 : i32 to index
        %parallel_loop3A_797 = tpu.vector_load %arg7[%parallel_loop3A_794, %parallel_loop3A_795, %parallel_loop3A_796] {strides = array<i32>} : memref<2x32x1024xf32, #tpu.memory_space<vmem>>, vector<16xf32>,
        %parallel_loop3A_798 = arith.mulf %parallel_loop3A_465, %parallel_loop3A_797 : vector<16xf32>
        %parallel_loop3A_799 = arith.constant dense<true> : vector<16xi1>
        %parallel_loop3A_800, %parallel_loop3A_801, %parallel_loop3A_802 = tpu.sort %parallel_loop3A_798, %parallel_loop3A_797 masked %parallel_loop3A_799 {descending = true} : (vector<16xf32>, vector<16xf32>, vector<16xi1>) -> (vector<16xi1>, vector<16xf32>, vector<16xf32>)
        %parallel_loop3A_803 = arith.maximumf %parallel_loop3A_447, %parallel_loop3A_801 : vector<16xf32>
        %parallel_loop3A_804 = arith.constant dense<true> : vector<16xi1>
        %parallel_loop3A_805, %parallel_loop3A_806, %parallel_loop3A_807 = tpu.sort %parallel_loop3A_803, %parallel_loop3A_803 masked %parallel_loop3A_804 : (vector<16xf32>, vector<16xf32>, vector<16xi1>) -> (vector<16xi1>, vector<16xf32>, vector<16xf32>)
        %parallel_loop3A_808 = arith.constant 16 : i32
        %parallel_loop3A_809 = arith.muli %parallel_loop3A_428, %parallel_loop3A_808 : i32
        %parallel_loop3A_810 = arith.constant 1 : i32
        %parallel_loop3A_811 = arith.constant 19 : i32
        %parallel_loop3A_812 = arith.index_cast %parallel_loop3A_810 : i32 to index
        %parallel_loop3A_813 = arith.index_cast %parallel_loop3A_811 : i32 to index
        %parallel_loop3A_814 = arith.index_cast %parallel_loop3A_809 : i32 to index
        %parallel_loop3A_815 = tpu.vector_load %arg7[%parallel_loop3A_812, %parallel_loop3A_813, %parallel_loop3A_814] {strides = array<i32>} : memref<2x32x1024xf32, #tpu.memory_space<vmem>>, vector<16xf32>,
        %parallel_loop3A_816 = arith.mulf %parallel_loop3A_465, %parallel_loop3A_815 : vector<16xf32>
        %parallel_loop3A_817 = arith.constant dense<true> : vector<16xi1>
        %parallel_loop3A_818, %parallel_loop3A_819, %parallel_loop3A_820 = tpu.sort %parallel_loop3A_816, %parallel_loop3A_815 masked %parallel_loop3A_817 {descending = true} : (vector<16xf32>, vector<16xf32>, vector<16xi1>) -> (vector<16xi1>, vector<16xf32>, vector<16xf32>)
        %parallel_loop3A_821 = arith.maximumf %parallel_loop3A_448, %parallel_loop3A_819 : vector<16xf32>
        %parallel_loop3A_822 = arith.constant dense<true> : vector<16xi1>
        %parallel_loop3A_823, %parallel_loop3A_824, %parallel_loop3A_825 = tpu.sort %parallel_loop3A_821, %parallel_loop3A_821 masked %parallel_loop3A_822 : (vector<16xf32>, vector<16xf32>, vector<16xi1>) -> (vector<16xi1>, vector<16xf32>, vector<16xf32>)
        %parallel_loop3A_826 = arith.constant 16 : i32
        %parallel_loop3A_827 = arith.muli %parallel_loop3A_428, %parallel_loop3A_826 : i32
        %parallel_loop3A_828 = arith.constant 1 : i32
        %parallel_loop3A_829 = arith.constant 20 : i32
        %parallel_loop3A_830 = arith.index_cast %parallel_loop3A_828 : i32 to index
        %parallel_loop3A_831 = arith.index_cast %parallel_loop3A_829 : i32 to index
        %parallel_loop3A_832 = arith.index_cast %parallel_loop3A_827 : i32 to index
        %parallel_loop3A_833 = tpu.vector_load %arg7[%parallel_loop3A_830, %parallel_loop3A_831, %parallel_loop3A_832] {strides = array<i32>} : memref<2x32x1024xf32, #tpu.memory_space<vmem>>, vector<16xf32>,
        %parallel_loop3A_834 = arith.mulf %parallel_loop3A_465, %parallel_loop3A_833 : vector<16xf32>
        %parallel_loop3A_835 = arith.constant dense<true> : vector<16xi1>
        %parallel_loop3A_836, %parallel_loop3A_837, %parallel_loop3A_838 = tpu.sort %parallel_loop3A_834, %parallel_loop3A_833 masked %parallel_loop3A_835 {descending = true} : (vector<16xf32>, vector<16xf32>, vector<16xi1>) -> (vector<16xi1>, vector<16xf32>, vector<16xf32>)
        %parallel_loop3A_839 = arith.maximumf %parallel_loop3A_449, %parallel_loop3A_837 : vector<16xf32>
        %parallel_loop3A_840 = arith.constant dense<true> : vector<16xi1>
        %parallel_loop3A_841, %parallel_loop3A_842, %parallel_loop3A_843 = tpu.sort %parallel_loop3A_839, %parallel_loop3A_839 masked %parallel_loop3A_840 : (vector<16xf32>, vector<16xf32>, vector<16xi1>) -> (vector<16xi1>, vector<16xf32>, vector<16xf32>)
        %parallel_loop3A_844 = arith.constant 16 : i32
        %parallel_loop3A_845 = arith.muli %parallel_loop3A_428, %parallel_loop3A_844 : i32
        %parallel_loop3A_846 = arith.constant 1 : i32
        %parallel_loop3A_847 = arith.constant 21 : i32
        %parallel_loop3A_848 = arith.index_cast %parallel_loop3A_846 : i32 to index
        %parallel_loop3A_849 = arith.index_cast %parallel_loop3A_847 : i32 to index
        %parallel_loop3A_850 = arith.index_cast %parallel_loop3A_845 : i32 to index
        %parallel_loop3A_851 = tpu.vector_load %arg7[%parallel_loop3A_848, %parallel_loop3A_849, %parallel_loop3A_850] {strides = array<i32>} : memref<2x32x1024xf32, #tpu.memory_space<vmem>>, vector<16xf32>,
        %parallel_loop3A_852 = arith.mulf %parallel_loop3A_465, %parallel_loop3A_851 : vector<16xf32>
        %parallel_loop3A_853 = arith.constant dense<true> : vector<16xi1>
        %parallel_loop3A_854, %parallel_loop3A_855, %parallel_loop3A_856 = tpu.sort %parallel_loop3A_852, %parallel_loop3A_851 masked %parallel_loop3A_853 {descending = true} : (vector<16xf32>, vector<16xf32>, vector<16xi1>) -> (vector<16xi1>, vector<16xf32>, vector<16xf32>)
        %parallel_loop3A_857 = arith.maximumf %parallel_loop3A_450, %parallel_loop3A_855 : vector<16xf32>
        %parallel_loop3A_858 = arith.constant dense<true> : vector<16xi1>
        %parallel_loop3A_859, %parallel_loop3A_860, %parallel_loop3A_861 = tpu.sort %parallel_loop3A_857, %parallel_loop3A_857 masked %parallel_loop3A_858 : (vector<16xf32>, vector<16xf32>, vector<16xi1>) -> (vector<16xi1>, vector<16xf32>, vector<16xf32>)
        %parallel_loop3A_862 = arith.constant 16 : i32
        %parallel_loop3A_863 = arith.muli %parallel_loop3A_428, %parallel_loop3A_862 : i32
        %parallel_loop3A_864 = arith.constant 1 : i32
        %parallel_loop3A_865 = arith.constant 22 : i32
        %parallel_loop3A_866 = arith.index_cast %parallel_loop3A_864 : i32 to index
        %parallel_loop3A_867 = arith.index_cast %parallel_loop3A_865 : i32 to index
        %parallel_loop3A_868 = arith.index_cast %parallel_loop3A_863 : i32 to index
        %parallel_loop3A_869 = tpu.vector_load %arg7[%parallel_loop3A_866, %parallel_loop3A_867, %parallel_loop3A_868] {strides = array<i32>} : memref<2x32x1024xf32, #tpu.memory_space<vmem>>, vector<16xf32>,
        %parallel_loop3A_870 = arith.mulf %parallel_loop3A_465, %parallel_loop3A_869 : vector<16xf32>
        %parallel_loop3A_871 = arith.constant dense<true> : vector<16xi1>
        %parallel_loop3A_872, %parallel_loop3A_873, %parallel_loop3A_874 = tpu.sort %parallel_loop3A_870, %parallel_loop3A_869 masked %parallel_loop3A_871 {descending = true} : (vector<16xf32>, vector<16xf32>, vector<16xi1>) -> (vector<16xi1>, vector<16xf32>, vector<16xf32>)
        %parallel_loop3A_875 = arith.maximumf %parallel_loop3A_451, %parallel_loop3A_873 : vector<16xf32>
        %parallel_loop3A_876 = arith.constant dense<true> : vector<16xi1>
        %parallel_loop3A_877, %parallel_loop3A_878, %parallel_loop3A_879 = tpu.sort %parallel_loop3A_875, %parallel_loop3A_875 masked %parallel_loop3A_876 : (vector<16xf32>, vector<16xf32>, vector<16xi1>) -> (vector<16xi1>, vector<16xf32>, vector<16xf32>)
        %parallel_loop3A_880 = arith.constant 16 : i32
        %parallel_loop3A_881 = arith.muli %parallel_loop3A_428, %parallel_loop3A_880 : i32
        %parallel_loop3A_882 = arith.constant 1 : i32
        %parallel_loop3A_883 = arith.constant 23 : i32
        %parallel_loop3A_884 = arith.index_cast %parallel_loop3A_882 : i32 to index
        %parallel_loop3A_885 = arith.index_cast %parallel_loop3A_883 : i32 to index
        %parallel_loop3A_886 = arith.index_cast %parallel_loop3A_881 : i32 to index
        %parallel_loop3A_887 = tpu.vector_load %arg7[%parallel_loop3A_884, %parallel_loop3A_885, %parallel_loop3A_886] {strides = array<i32>} : memref<2x32x1024xf32, #tpu.memory_space<vmem>>, vector<16xf32>,
        %parallel_loop3A_888 = arith.mulf %parallel_loop3A_465, %parallel_loop3A_887 : vector<16xf32>
        %parallel_loop3A_889 = arith.constant dense<true> : vector<16xi1>
        %parallel_loop3A_890, %parallel_loop3A_891, %parallel_loop3A_892 = tpu.sort %parallel_loop3A_888, %parallel_loop3A_887 masked %parallel_loop3A_889 {descending = true} : (vector<16xf32>, vector<16xf32>, vector<16xi1>) -> (vector<16xi1>, vector<16xf32>, vector<16xf32>)
        %parallel_loop3A_893 = arith.maximumf %parallel_loop3A_452, %parallel_loop3A_891 : vector<16xf32>
        %parallel_loop3A_894 = arith.constant dense<true> : vector<16xi1>
        %parallel_loop3A_895, %parallel_loop3A_896, %parallel_loop3A_897 = tpu.sort %parallel_loop3A_893, %parallel_loop3A_893 masked %parallel_loop3A_894 : (vector<16xf32>, vector<16xf32>, vector<16xi1>) -> (vector<16xi1>, vector<16xf32>, vector<16xf32>)
        %parallel_loop3A_898 = arith.constant 16 : i32
        %parallel_loop3A_899 = arith.muli %parallel_loop3A_428, %parallel_loop3A_898 : i32
        %parallel_loop3A_900 = arith.constant 1 : i32
        %parallel_loop3A_901 = arith.constant 24 : i32
        %parallel_loop3A_902 = arith.index_cast %parallel_loop3A_900 : i32 to index
        %parallel_loop3A_903 = arith.index_cast %parallel_loop3A_901 : i32 to index
        %parallel_loop3A_904 = arith.index_cast %parallel_loop3A_899 : i32 to index
        %parallel_loop3A_905 = tpu.vector_load %arg7[%parallel_loop3A_902, %parallel_loop3A_903, %parallel_loop3A_904] {strides = array<i32>} : memref<2x32x1024xf32, #tpu.memory_space<vmem>>, vector<16xf32>,
        %parallel_loop3A_906 = arith.mulf %parallel_loop3A_465, %parallel_loop3A_905 : vector<16xf32>
        %parallel_loop3A_907 = arith.constant dense<true> : vector<16xi1>
        %parallel_loop3A_908, %parallel_loop3A_909, %parallel_loop3A_910 = tpu.sort %parallel_loop3A_906, %parallel_loop3A_905 masked %parallel_loop3A_907 {descending = true} : (vector<16xf32>, vector<16xf32>, vector<16xi1>) -> (vector<16xi1>, vector<16xf32>, vector<16xf32>)
        %parallel_loop3A_911 = arith.maximumf %parallel_loop3A_453, %parallel_loop3A_909 : vector<16xf32>
        %parallel_loop3A_912 = arith.constant dense<true> : vector<16xi1>
        %parallel_loop3A_913, %parallel_loop3A_914, %parallel_loop3A_915 = tpu.sort %parallel_loop3A_911, %parallel_loop3A_911 masked %parallel_loop3A_912 : (vector<16xf32>, vector<16xf32>, vector<16xi1>) -> (vector<16xi1>, vector<16xf32>, vector<16xf32>)
        %parallel_loop3A_916 = arith.constant 16 : i32
        %parallel_loop3A_917 = arith.muli %parallel_loop3A_428, %parallel_loop3A_916 : i32
        %parallel_loop3A_918 = arith.constant 1 : i32
        %parallel_loop3A_919 = arith.constant 25 : i32
        %parallel_loop3A_920 = arith.index_cast %parallel_loop3A_918 : i32 to index
        %parallel_loop3A_921 = arith.index_cast %parallel_loop3A_919 : i32 to index
        %parallel_loop3A_922 = arith.index_cast %parallel_loop3A_917 : i32 to index
        %parallel_loop3A_923 = tpu.vector_load %arg7[%parallel_loop3A_920, %parallel_loop3A_921, %parallel_loop3A_922] {strides = array<i32>} : memref<2x32x1024xf32, #tpu.memory_space<vmem>>, vector<16xf32>,
        %parallel_loop3A_924 = arith.mulf %parallel_loop3A_465, %parallel_loop3A_923 : vector<16xf32>
        %parallel_loop3A_925 = arith.constant dense<true> : vector<16xi1>
        %parallel_loop3A_926, %parallel_loop3A_927, %parallel_loop3A_928 = tpu.sort %parallel_loop3A_924, %parallel_loop3A_923 masked %parallel_loop3A_925 {descending = true} : (vector<16xf32>, vector<16xf32>, vector<16xi1>) -> (vector<16xi1>, vector<16xf32>, vector<16xf32>)
        %parallel_loop3A_929 = arith.maximumf %parallel_loop3A_454, %parallel_loop3A_927 : vector<16xf32>
        %parallel_loop3A_930 = arith.constant dense<true> : vector<16xi1>
        %parallel_loop3A_931, %parallel_loop3A_932, %parallel_loop3A_933 = tpu.sort %parallel_loop3A_929, %parallel_loop3A_929 masked %parallel_loop3A_930 : (vector<16xf32>, vector<16xf32>, vector<16xi1>) -> (vector<16xi1>, vector<16xf32>, vector<16xf32>)
        %parallel_loop3A_934 = arith.constant 16 : i32
        %parallel_loop3A_935 = arith.muli %parallel_loop3A_428, %parallel_loop3A_934 : i32
        %parallel_loop3A_936 = arith.constant 1 : i32
        %parallel_loop3A_937 = arith.constant 26 : i32
        %parallel_loop3A_938 = arith.index_cast %parallel_loop3A_936 : i32 to index
        %parallel_loop3A_939 = arith.index_cast %parallel_loop3A_937 : i32 to index
        %parallel_loop3A_940 = arith.index_cast %parallel_loop3A_935 : i32 to index
        %parallel_loop3A_941 = tpu.vector_load %arg7[%parallel_loop3A_938, %parallel_loop3A_939, %parallel_loop3A_940] {strides = array<i32>} : memref<2x32x1024xf32, #tpu.memory_space<vmem>>, vector<16xf32>,
        %parallel_loop3A_942 = arith.mulf %parallel_loop3A_465, %parallel_loop3A_941 : vector<16xf32>
        %parallel_loop3A_943 = arith.constant dense<true> : vector<16xi1>
        %parallel_loop3A_944, %parallel_loop3A_945, %parallel_loop3A_946 = tpu.sort %parallel_loop3A_942, %parallel_loop3A_941 masked %parallel_loop3A_943 {descending = true} : (vector<16xf32>, vector<16xf32>, vector<16xi1>) -> (vector<16xi1>, vector<16xf32>, vector<16xf32>)
        %parallel_loop3A_947 = arith.maximumf %parallel_loop3A_455, %parallel_loop3A_945 : vector<16xf32>
        %parallel_loop3A_948 = arith.constant dense<true> : vector<16xi1>
        %parallel_loop3A_949, %parallel_loop3A_950, %parallel_loop3A_951 = tpu.sort %parallel_loop3A_947, %parallel_loop3A_947 masked %parallel_loop3A_948 : (vector<16xf32>, vector<16xf32>, vector<16xi1>) -> (vector<16xi1>, vector<16xf32>, vector<16xf32>)
        %parallel_loop3A_952 = arith.constant 16 : i32
        %parallel_loop3A_953 = arith.muli %parallel_loop3A_428, %parallel_loop3A_952 : i32
        %parallel_loop3A_954 = arith.constant 1 : i32
        %parallel_loop3A_955 = arith.constant 27 : i32
        %parallel_loop3A_956 = arith.index_cast %parallel_loop3A_954 : i32 to index
        %parallel_loop3A_957 = arith.index_cast %parallel_loop3A_955 : i32 to index
        %parallel_loop3A_958 = arith.index_cast %parallel_loop3A_953 : i32 to index
        %parallel_loop3A_959 = tpu.vector_load %arg7[%parallel_loop3A_956, %parallel_loop3A_957, %parallel_loop3A_958] {strides = array<i32>} : memref<2x32x1024xf32, #tpu.memory_space<vmem>>, vector<16xf32>,
        %parallel_loop3A_960 = arith.mulf %parallel_loop3A_465, %parallel_loop3A_959 : vector<16xf32>
        %parallel_loop3A_961 = arith.constant dense<true> : vector<16xi1>
        %parallel_loop3A_962, %parallel_loop3A_963, %parallel_loop3A_964 = tpu.sort %parallel_loop3A_960, %parallel_loop3A_959 masked %parallel_loop3A_961 {descending = true} : (vector<16xf32>, vector<16xf32>, vector<16xi1>) -> (vector<16xi1>, vector<16xf32>, vector<16xf32>)
        %parallel_loop3A_965 = arith.maximumf %parallel_loop3A_456, %parallel_loop3A_963 : vector<16xf32>
        %parallel_loop3A_966 = arith.constant dense<true> : vector<16xi1>
        %parallel_loop3A_967, %parallel_loop3A_968, %parallel_loop3A_969 = tpu.sort %parallel_loop3A_965, %parallel_loop3A_965 masked %parallel_loop3A_966 : (vector<16xf32>, vector<16xf32>, vector<16xi1>) -> (vector<16xi1>, vector<16xf32>, vector<16xf32>)
        %parallel_loop3A_970 = arith.constant 16 : i32
        %parallel_loop3A_971 = arith.muli %parallel_loop3A_428, %parallel_loop3A_970 : i32
        %parallel_loop3A_972 = arith.constant 1 : i32
        %parallel_loop3A_973 = arith.constant 28 : i32
        %parallel_loop3A_974 = arith.index_cast %parallel_loop3A_972 : i32 to index
        %parallel_loop3A_975 = arith.index_cast %parallel_loop3A_973 : i32 to index
        %parallel_loop3A_976 = arith.index_cast %parallel_loop3A_971 : i32 to index
        %parallel_loop3A_977 = tpu.vector_load %arg7[%parallel_loop3A_974, %parallel_loop3A_975, %parallel_loop3A_976] {strides = array<i32>} : memref<2x32x1024xf32, #tpu.memory_space<vmem>>, vector<16xf32>,
        %parallel_loop3A_978 = arith.mulf %parallel_loop3A_465, %parallel_loop3A_977 : vector<16xf32>
        %parallel_loop3A_979 = arith.constant dense<true> : vector<16xi1>
        %parallel_loop3A_980, %parallel_loop3A_981, %parallel_loop3A_982 = tpu.sort %parallel_loop3A_978, %parallel_loop3A_977 masked %parallel_loop3A_979 {descending = true} : (vector<16xf32>, vector<16xf32>, vector<16xi1>) -> (vector<16xi1>, vector<16xf32>, vector<16xf32>)
        %parallel_loop3A_983 = arith.maximumf %parallel_loop3A_457, %parallel_loop3A_981 : vector<16xf32>
        %parallel_loop3A_984 = arith.constant dense<true> : vector<16xi1>
        %parallel_loop3A_985, %parallel_loop3A_986, %parallel_loop3A_987 = tpu.sort %parallel_loop3A_983, %parallel_loop3A_983 masked %parallel_loop3A_984 : (vector<16xf32>, vector<16xf32>, vector<16xi1>) -> (vector<16xi1>, vector<16xf32>, vector<16xf32>)
        %parallel_loop3A_988 = arith.constant 16 : i32
        %parallel_loop3A_989 = arith.muli %parallel_loop3A_428, %parallel_loop3A_988 : i32
        %parallel_loop3A_990 = arith.constant 1 : i32
        %parallel_loop3A_991 = arith.constant 29 : i32
        %parallel_loop3A_992 = arith.index_cast %parallel_loop3A_990 : i32 to index
        %parallel_loop3A_993 = arith.index_cast %parallel_loop3A_991 : i32 to index
        %parallel_loop3A_994 = arith.index_cast %parallel_loop3A_989 : i32 to index
        %parallel_loop3A_995 = tpu.vector_load %arg7[%parallel_loop3A_992, %parallel_loop3A_993, %parallel_loop3A_994] {strides = array<i32>} : memref<2x32x1024xf32, #tpu.memory_space<vmem>>, vector<16xf32>,
        %parallel_loop3A_996 = arith.mulf %parallel_loop3A_465, %parallel_loop3A_995 : vector<16xf32>
        %parallel_loop3A_997 = arith.constant dense<true> : vector<16xi1>
        %parallel_loop3A_998, %parallel_loop3A_999, %parallel_loop3A_1000 = tpu.sort %parallel_loop3A_996, %parallel_loop3A_995 masked %parallel_loop3A_997 {descending = true} : (vector<16xf32>, vector<16xf32>, vector<16xi1>) -> (vector<16xi1>, vector<16xf32>, vector<16xf32>)
        %parallel_loop3A_1001 = arith.maximumf %parallel_loop3A_458, %parallel_loop3A_999 : vector<16xf32>
        %parallel_loop3A_1002 = arith.constant dense<true> : vector<16xi1>
        %parallel_loop3A_1003, %parallel_loop3A_1004, %parallel_loop3A_1005 = tpu.sort %parallel_loop3A_1001, %parallel_loop3A_1001 masked %parallel_loop3A_1002 : (vector<16xf32>, vector<16xf32>, vector<16xi1>) -> (vector<16xi1>, vector<16xf32>, vector<16xf32>)
        %parallel_loop3A_1006 = arith.constant 16 : i32
        %parallel_loop3A_1007 = arith.muli %parallel_loop3A_428, %parallel_loop3A_1006 : i32
        %parallel_loop3A_1008 = arith.constant 1 : i32
        %parallel_loop3A_1009 = arith.constant 30 : i32
        %parallel_loop3A_1010 = arith.index_cast %parallel_loop3A_1008 : i32 to index
        %parallel_loop3A_1011 = arith.index_cast %parallel_loop3A_1009 : i32 to index
        %parallel_loop3A_1012 = arith.index_cast %parallel_loop3A_1007 : i32 to index
        %parallel_loop3A_1013 = tpu.vector_load %arg7[%parallel_loop3A_1010, %parallel_loop3A_1011, %parallel_loop3A_1012] {strides = array<i32>} : memref<2x32x1024xf32, #tpu.memory_space<vmem>>, vector<16xf32>,
        %parallel_loop3A_1014 = arith.mulf %parallel_loop3A_465, %parallel_loop3A_1013 : vector<16xf32>
        %parallel_loop3A_1015 = arith.constant dense<true> : vector<16xi1>
        %parallel_loop3A_1016, %parallel_loop3A_1017, %parallel_loop3A_1018 = tpu.sort %parallel_loop3A_1014, %parallel_loop3A_1013 masked %parallel_loop3A_1015 {descending = true} : (vector<16xf32>, vector<16xf32>, vector<16xi1>) -> (vector<16xi1>, vector<16xf32>, vector<16xf32>)
        %parallel_loop3A_1019 = arith.maximumf %parallel_loop3A_459, %parallel_loop3A_1017 : vector<16xf32>
        %parallel_loop3A_1020 = arith.constant dense<true> : vector<16xi1>
        %parallel_loop3A_1021, %parallel_loop3A_1022, %parallel_loop3A_1023 = tpu.sort %parallel_loop3A_1019, %parallel_loop3A_1019 masked %parallel_loop3A_1020 : (vector<16xf32>, vector<16xf32>, vector<16xi1>) -> (vector<16xi1>, vector<16xf32>, vector<16xf32>)
        %parallel_loop3A_1024 = arith.constant 16 : i32
        %parallel_loop3A_1025 = arith.muli %parallel_loop3A_428, %parallel_loop3A_1024 : i32
        %parallel_loop3A_1026 = arith.constant 1 : i32
        %parallel_loop3A_1027 = arith.constant 31 : i32
        %parallel_loop3A_1028 = arith.index_cast %parallel_loop3A_1026 : i32 to index
        %parallel_loop3A_1029 = arith.index_cast %parallel_loop3A_1027 : i32 to index
        %parallel_loop3A_1030 = arith.index_cast %parallel_loop3A_1025 : i32 to index
        %parallel_loop3A_1031 = tpu.vector_load %arg7[%parallel_loop3A_1028, %parallel_loop3A_1029, %parallel_loop3A_1030] {strides = array<i32>} : memref<2x32x1024xf32, #tpu.memory_space<vmem>>, vector<16xf32>,
        %parallel_loop3A_1032 = arith.mulf %parallel_loop3A_465, %parallel_loop3A_1031 : vector<16xf32>
        %parallel_loop3A_1033 = arith.constant dense<true> : vector<16xi1>
        %parallel_loop3A_1034, %parallel_loop3A_1035, %parallel_loop3A_1036 = tpu.sort %parallel_loop3A_1032, %parallel_loop3A_1031 masked %parallel_loop3A_1033 {descending = true} : (vector<16xf32>, vector<16xf32>, vector<16xi1>) -> (vector<16xi1>, vector<16xf32>, vector<16xf32>)
        %parallel_loop3A_1037 = arith.maximumf %parallel_loop3A_460, %parallel_loop3A_1035 : vector<16xf32>
        %parallel_loop3A_1038 = arith.constant dense<true> : vector<16xi1>
        %parallel_loop3A_1039, %parallel_loop3A_1040, %parallel_loop3A_1041 = tpu.sort %parallel_loop3A_1037, %parallel_loop3A_1037 masked %parallel_loop3A_1038 : (vector<16xf32>, vector<16xf32>, vector<16xi1>) -> (vector<16xi1>, vector<16xf32>, vector<16xf32>)
        scf.yield %parallel_loop3A_482, %parallel_loop3A_500, %parallel_loop3A_518, %parallel_loop3A_536, %parallel_loop3A_554, %parallel_loop3A_572, %parallel_loop3A_590, %parallel_loop3A_608, %parallel_loop3A_626, %parallel_loop3A_644, %parallel_loop3A_662, %parallel_loop3A_680, %parallel_loop3A_698, %parallel_loop3A_716, %parallel_loop3A_734, %parallel_loop3A_752, %parallel_loop3A_770, %parallel_loop3A_788, %parallel_loop3A_806, %parallel_loop3A_824, %parallel_loop3A_842, %parallel_loop3A_860, %parallel_loop3A_878, %parallel_loop3A_896, %parallel_loop3A_914, %parallel_loop3A_932, %parallel_loop3A_950, %parallel_loop3A_968, %parallel_loop3A_986, %parallel_loop3A_1004, %parallel_loop3A_1022, %parallel_loop3A_1040 : vector<16xf32>, vector<16xf32>, vector<16xf32>, vector<16xf32>, vector<16xf32>, vector<16xf32>, vector<16xf32>, vector<16xf32>, vector<16xf32>, vector<16xf32>, vector<16xf32>, vector<16xf32>, vector<16xf32>, vector<16xf32>, vector<16xf32>, vector<16xf32>, vector<16xf32>, vector<16xf32>, vector<16xf32>, vector<16xf32>, vector<16xf32>, vector<16xf32>, vector<16xf32>, vector<16xf32>, vector<16xf32>, vector<16xf32>, vector<16xf32>, vector<16xf32>, vector<16xf32>, vector<16xf32>, vector<16xf32>, vector<16xf32>
      } {sc.loop_unroll_factor = 1 : i64, sc.parallel_access}
      %parallel_loop3A_364 = arith.constant 0 : i32
      %parallel_loop3A_365 = vector.broadcast %parallel_loop3A_364 : i32 to vector<16xi32>
      tpu.vector_store_idx %arg8[%parallel_loop3A_295, %sub3A_25, %parallel_loop3A_365], %parallel_loop3A_363#0 : memref<32x17x32xf32, #tpu.memory_space<vmem>>[vector<16xi32>, vector<16xi32>, vector<16xi32>], vector<16xf32>,
      %parallel_loop3A_366 = arith.constant 1 : i32
      %parallel_loop3A_367 = vector.broadcast %parallel_loop3A_366 : i32 to vector<16xi32>
      tpu.vector_store_idx %arg8[%parallel_loop3A_295, %sub3A_25, %parallel_loop3A_367], %parallel_loop3A_363#1 : memref<32x17x32xf32, #tpu.memory_space<vmem>>[vector<16xi32>, vector<16xi32>, vector<16xi32>], vector<16xf32>,
      %parallel_loop3A_368 = arith.constant 2 : i32
      %parallel_loop3A_369 = vector.broadcast %parallel_loop3A_368 : i32 to vector<16xi32>
      tpu.vector_store_idx %arg8[%parallel_loop3A_295, %sub3A_25, %parallel_loop3A_369], %parallel_loop3A_363#2 : memref<32x17x32xf32, #tpu.memory_space<vmem>>[vector<16xi32>, vector<16xi32>, vector<16xi32>], vector<16xf32>,
      %parallel_loop3A_370 = arith.constant 3 : i32
      %parallel_loop3A_371 = vector.broadcast %parallel_loop3A_370 : i32 to vector<16xi32>
      tpu.vector_store_idx %arg8[%parallel_loop3A_295, %sub3A_25, %parallel_loop3A_371], %parallel_loop3A_363#3 : memref<32x17x32xf32, #tpu.memory_space<vmem>>[vector<16xi32>, vector<16xi32>, vector<16xi32>], vector<16xf32>,
      %parallel_loop3A_372 = arith.constant 4 : i32
      %parallel_loop3A_373 = vector.broadcast %parallel_loop3A_372 : i32 to vector<16xi32>
      tpu.vector_store_idx %arg8[%parallel_loop3A_295, %sub3A_25, %parallel_loop3A_373], %parallel_loop3A_363#4 : memref<32x17x32xf32, #tpu.memory_space<vmem>>[vector<16xi32>, vector<16xi32>, vector<16xi32>], vector<16xf32>,
      %parallel_loop3A_374 = arith.constant 5 : i32
      %parallel_loop3A_375 = vector.broadcast %parallel_loop3A_374 : i32 to vector<16xi32>
      tpu.vector_store_idx %arg8[%parallel_loop3A_295, %sub3A_25, %parallel_loop3A_375], %parallel_loop3A_363#5 : memref<32x17x32xf32, #tpu.memory_space<vmem>>[vector<16xi32>, vector<16xi32>, vector<16xi32>], vector<16xf32>,
      %parallel_loop3A_376 = arith.constant 6 : i32
      %parallel_loop3A_377 = vector.broadcast %parallel_loop3A_376 : i32 to vector<16xi32>
      tpu.vector_store_idx %arg8[%parallel_loop3A_295, %sub3A_25, %parallel_loop3A_377], %parallel_loop3A_363#6 : memref<32x17x32xf32, #tpu.memory_space<vmem>>[vector<16xi32>, vector<16xi32>, vector<16xi32>], vector<16xf32>,
      %parallel_loop3A_378 = arith.constant 7 : i32
      %parallel_loop3A_379 = vector.broadcast %parallel_loop3A_378 : i32 to vector<16xi32>
      tpu.vector_store_idx %arg8[%parallel_loop3A_295, %sub3A_25, %parallel_loop3A_379], %parallel_loop3A_363#7 : memref<32x17x32xf32, #tpu.memory_space<vmem>>[vector<16xi32>, vector<16xi32>, vector<16xi32>], vector<16xf32>,
      %parallel_loop3A_380 = arith.constant 8 : i32
      %parallel_loop3A_381 = vector.broadcast %parallel_loop3A_380 : i32 to vector<16xi32>
      tpu.vector_store_idx %arg8[%parallel_loop3A_295, %sub3A_25, %parallel_loop3A_381], %parallel_loop3A_363#8 : memref<32x17x32xf32, #tpu.memory_space<vmem>>[vector<16xi32>, vector<16xi32>, vector<16xi32>], vector<16xf32>,
      %parallel_loop3A_382 = arith.constant 9 : i32
      %parallel_loop3A_383 = vector.broadcast %parallel_loop3A_382 : i32 to vector<16xi32>
      tpu.vector_store_idx %arg8[%parallel_loop3A_295, %sub3A_25, %parallel_loop3A_383], %parallel_loop3A_363#9 : memref<32x17x32xf32, #tpu.memory_space<vmem>>[vector<16xi32>, vector<16xi32>, vector<16xi32>], vector<16xf32>,
      %parallel_loop3A_384 = arith.constant 10 : i32
      %parallel_loop3A_385 = vector.broadcast %parallel_loop3A_384 : i32 to vector<16xi32>
      tpu.vector_store_idx %arg8[%parallel_loop3A_295, %sub3A_25, %parallel_loop3A_385], %parallel_loop3A_363#10 : memref<32x17x32xf32, #tpu.memory_space<vmem>>[vector<16xi32>, vector<16xi32>, vector<16xi32>], vector<16xf32>,
      %parallel_loop3A_386 = arith.constant 11 : i32
      %parallel_loop3A_387 = vector.broadcast %parallel_loop3A_386 : i32 to vector<16xi32>
      tpu.vector_store_idx %arg8[%parallel_loop3A_295, %sub3A_25, %parallel_loop3A_387], %parallel_loop3A_363#11 : memref<32x17x32xf32, #tpu.memory_space<vmem>>[vector<16xi32>, vector<16xi32>, vector<16xi32>], vector<16xf32>,
      %parallel_loop3A_388 = arith.constant 12 : i32
      %parallel_loop3A_389 = vector.broadcast %parallel_loop3A_388 : i32 to vector<16xi32>
      tpu.vector_store_idx %arg8[%parallel_loop3A_295, %sub3A_25, %parallel_loop3A_389], %parallel_loop3A_363#12 : memref<32x17x32xf32, #tpu.memory_space<vmem>>[vector<16xi32>, vector<16xi32>, vector<16xi32>], vector<16xf32>,
      %parallel_loop3A_390 = arith.constant 13 : i32
      %parallel_loop3A_391 = vector.broadcast %parallel_loop3A_390 : i32 to vector<16xi32>
      tpu.vector_store_idx %arg8[%parallel_loop3A_295, %sub3A_25, %parallel_loop3A_391], %parallel_loop3A_363#13 : memref<32x17x32xf32, #tpu.memory_space<vmem>>[vector<16xi32>, vector<16xi32>, vector<16xi32>], vector<16xf32>,
      %parallel_loop3A_392 = arith.constant 14 : i32
      %parallel_loop3A_393 = vector.broadcast %parallel_loop3A_392 : i32 to vector<16xi32>
      tpu.vector_store_idx %arg8[%parallel_loop3A_295, %sub3A_25, %parallel_loop3A_393], %parallel_loop3A_363#14 : memref<32x17x32xf32, #tpu.memory_space<vmem>>[vector<16xi32>, vector<16xi32>, vector<16xi32>], vector<16xf32>,
      %parallel_loop3A_394 = arith.constant 15 : i32
      %parallel_loop3A_395 = vector.broadcast %parallel_loop3A_394 : i32 to vector<16xi32>
      tpu.vector_store_idx %arg8[%parallel_loop3A_295, %sub3A_25, %parallel_loop3A_395], %parallel_loop3A_363#15 : memref<32x17x32xf32, #tpu.memory_space<vmem>>[vector<16xi32>, vector<16xi32>, vector<16xi32>], vector<16xf32>,
      %parallel_loop3A_396 = arith.constant 16 : i32
      %parallel_loop3A_397 = vector.broadcast %parallel_loop3A_396 : i32 to vector<16xi32>
      tpu.vector_store_idx %arg8[%parallel_loop3A_295, %sub3A_25, %parallel_loop3A_397], %parallel_loop3A_363#16 : memref<32x17x32xf32, #tpu.memory_space<vmem>>[vector<16xi32>, vector<16xi32>, vector<16xi32>], vector<16xf32>,
      %parallel_loop3A_398 = arith.constant 17 : i32
      %parallel_loop3A_399 = vector.broadcast %parallel_loop3A_398 : i32 to vector<16xi32>
      tpu.vector_store_idx %arg8[%parallel_loop3A_295, %sub3A_25, %parallel_loop3A_399], %parallel_loop3A_363#17 : memref<32x17x32xf32, #tpu.memory_space<vmem>>[vector<16xi32>, vector<16xi32>, vector<16xi32>], vector<16xf32>,
      %parallel_loop3A_400 = arith.constant 18 : i32
      %parallel_loop3A_401 = vector.broadcast %parallel_loop3A_400 : i32 to vector<16xi32>
      tpu.vector_store_idx %arg8[%parallel_loop3A_295, %sub3A_25, %parallel_loop3A_401], %parallel_loop3A_363#18 : memref<32x17x32xf32, #tpu.memory_space<vmem>>[vector<16xi32>, vector<16xi32>, vector<16xi32>], vector<16xf32>,
      %parallel_loop3A_402 = arith.constant 19 : i32
      %parallel_loop3A_403 = vector.broadcast %parallel_loop3A_402 : i32 to vector<16xi32>
      tpu.vector_store_idx %arg8[%parallel_loop3A_295, %sub3A_25, %parallel_loop3A_403], %parallel_loop3A_363#19 : memref<32x17x32xf32, #tpu.memory_space<vmem>>[vector<16xi32>, vector<16xi32>, vector<16xi32>], vector<16xf32>,
      %parallel_loop3A_404 = arith.constant 20 : i32
      %parallel_loop3A_405 = vector.broadcast %parallel_loop3A_404 : i32 to vector<16xi32>
      tpu.vector_store_idx %arg8[%parallel_loop3A_295, %sub3A_25, %parallel_loop3A_405], %parallel_loop3A_363#20 : memref<32x17x32xf32, #tpu.memory_space<vmem>>[vector<16xi32>, vector<16xi32>, vector<16xi32>], vector<16xf32>,
      %parallel_loop3A_406 = arith.constant 21 : i32
      %parallel_loop3A_407 = vector.broadcast %parallel_loop3A_406 : i32 to vector<16xi32>
      tpu.vector_store_idx %arg8[%parallel_loop3A_295, %sub3A_25, %parallel_loop3A_407], %parallel_loop3A_363#21 : memref<32x17x32xf32, #tpu.memory_space<vmem>>[vector<16xi32>, vector<16xi32>, vector<16xi32>], vector<16xf32>,
      %parallel_loop3A_408 = arith.constant 22 : i32
      %parallel_loop3A_409 = vector.broadcast %parallel_loop3A_408 : i32 to vector<16xi32>
      tpu.vector_store_idx %arg8[%parallel_loop3A_295, %sub3A_25, %parallel_loop3A_409], %parallel_loop3A_363#22 : memref<32x17x32xf32, #tpu.memory_space<vmem>>[vector<16xi32>, vector<16xi32>, vector<16xi32>], vector<16xf32>,
      %parallel_loop3A_410 = arith.constant 23 : i32
      %parallel_loop3A_411 = vector.broadcast %parallel_loop3A_410 : i32 to vector<16xi32>
      tpu.vector_store_idx %arg8[%parallel_loop3A_295, %sub3A_25, %parallel_loop3A_411], %parallel_loop3A_363#23 : memref<32x17x32xf32, #tpu.memory_space<vmem>>[vector<16xi32>, vector<16xi32>, vector<16xi32>], vector<16xf32>,
      %parallel_loop3A_412 = arith.constant 24 : i32
      %parallel_loop3A_413 = vector.broadcast %parallel_loop3A_412 : i32 to vector<16xi32>
      tpu.vector_store_idx %arg8[%parallel_loop3A_295, %sub3A_25, %parallel_loop3A_413], %parallel_loop3A_363#24 : memref<32x17x32xf32, #tpu.memory_space<vmem>>[vector<16xi32>, vector<16xi32>, vector<16xi32>], vector<16xf32>,
      %parallel_loop3A_414 = arith.constant 25 : i32
      %parallel_loop3A_415 = vector.broadcast %parallel_loop3A_414 : i32 to vector<16xi32>
      tpu.vector_store_idx %arg8[%parallel_loop3A_295, %sub3A_25, %parallel_loop3A_415], %parallel_loop3A_363#25 : memref<32x17x32xf32, #tpu.memory_space<vmem>>[vector<16xi32>, vector<16xi32>, vector<16xi32>], vector<16xf32>,
      %parallel_loop3A_416 = arith.constant 26 : i32
      %parallel_loop3A_417 = vector.broadcast %parallel_loop3A_416 : i32 to vector<16xi32>
      tpu.vector_store_idx %arg8[%parallel_loop3A_295, %sub3A_25, %parallel_loop3A_417], %parallel_loop3A_363#26 : memref<32x17x32xf32, #tpu.memory_space<vmem>>[vector<16xi32>, vector<16xi32>, vector<16xi32>], vector<16xf32>,
      %parallel_loop3A_418 = arith.constant 27 : i32
      %parallel_loop3A_419 = vector.broadcast %parallel_loop3A_418 : i32 to vector<16xi32>
      tpu.vector_store_idx %arg8[%parallel_loop3A_295, %sub3A_25, %parallel_loop3A_419], %parallel_loop3A_363#27 : memref<32x17x32xf32, #tpu.memory_space<vmem>>[vector<16xi32>, vector<16xi32>, vector<16xi32>], vector<16xf32>,
      %parallel_loop3A_420 = arith.constant 28 : i32
      %parallel_loop3A_421 = vector.broadcast %parallel_loop3A_420 : i32 to vector<16xi32>
      tpu.vector_store_idx %arg8[%parallel_loop3A_295, %sub3A_25, %parallel_loop3A_421], %parallel_loop3A_363#28 : memref<32x17x32xf32, #tpu.memory_space<vmem>>[vector<16xi32>, vector<16xi32>, vector<16xi32>], vector<16xf32>,
      %parallel_loop3A_422 = arith.constant 29 : i32
      %parallel_loop3A_423 = vector.broadcast %parallel_loop3A_422 : i32 to vector<16xi32>
      tpu.vector_store_idx %arg8[%parallel_loop3A_295, %sub3A_25, %parallel_loop3A_423], %parallel_loop3A_363#29 : memref<32x17x32xf32, #tpu.memory_space<vmem>>[vector<16xi32>, vector<16xi32>, vector<16xi32>], vector<16xf32>,
      %parallel_loop3A_424 = arith.constant 30 : i32
      %parallel_loop3A_425 = vector.broadcast %parallel_loop3A_424 : i32 to vector<16xi32>
      tpu.vector_store_idx %arg8[%parallel_loop3A_295, %sub3A_25, %parallel_loop3A_425], %parallel_loop3A_363#30 : memref<32x17x32xf32, #tpu.memory_space<vmem>>[vector<16xi32>, vector<16xi32>, vector<16xi32>], vector<16xf32>,
      %parallel_loop3A_426 = arith.constant 31 : i32
      %parallel_loop3A_427 = vector.broadcast %parallel_loop3A_426 : i32 to vector<16xi32>
      tpu.vector_store_idx %arg8[%parallel_loop3A_295, %sub3A_25, %parallel_loop3A_427], %parallel_loop3A_363#31 : memref<32x17x32xf32, #tpu.memory_space<vmem>>[vector<16xi32>, vector<16xi32>, vector<16xi32>], vector<16xf32>,
    } {sc.loop_unroll_factor = 1 : i64, sc.parallel_access}
    %dma_wait3A_142 = arith.constant 0 : i32
    %dma_wait3A_143 = arith.constant 0 : i32
    %dma_wait3A_144 = arith.constant 0 : i32
    %dma_wait3A_145 = tpu.memref_slice %arg8[%dma_wait3A_143, %dma_wait3A_142, %dma_wait3A_144] : memref<32x17x32xf32, #tpu.memory_space<vmem>> -> memref<32x1x32xf32, #tpu.memory_space<vmem>>
    %dma_wait3A_146 = tpu.memref_squeeze %dma_wait3A_145 : memref<32x1x32xf32, #tpu.memory_space<vmem>> -> memref<32x32xf32, #tpu.memory_space<vmem>>
    %dma_wait3A_147 = arith.constant 32 : i32
    %dma_wait3A_148 = tpu.memref_slice %arg2[%mul3A_2, %dma_wait3A_147] : memref<1024x128xf32, #tpu.memory_space<hbm>> -> memref<32x32xf32, #tpu.memory_space<hbm>>
    %dma_wait3A_149 = arith.constant 0 : i32
    %dma_wait3A_150 = arith.constant 0 : i32
    %dma_wait3A_151 = tpu.memref_slice %arg8[%dma_wait3A_149, %dma_wait3A_142, %dma_wait3A_150] : memref<32x17x32xf32, #tpu.memory_space<vmem>> -> memref<32x1x32xf32, #tpu.memory_space<vmem>>
    %dma_wait3A_152 = tpu.memref_squeeze %dma_wait3A_151 : memref<32x1x32xf32, #tpu.memory_space<vmem>> -> memref<32x32xf32, #tpu.memory_space<vmem>>
    %dma_wait3A_153 = arith.constant 32 : i32
    %dma_wait3A_154 = tpu.memref_slice %arg2[%mul3A_2, %dma_wait3A_153] : memref<1024x128xf32, #tpu.memory_space<hbm>> -> memref<32x32xf32, #tpu.memory_space<hbm>>
    tpu.wait_dma2 semaphore(%arg9 : memref<!tpu.dma_semaphore, #tpu.memory_space<semaphore_mem>>) src(%dma_wait3A_154 : memref<32x32xf32, #tpu.memory_space<hbm>>) dst(%dma_wait3A_152 : memref<32x32xf32, #tpu.memory_space<vmem>>)
    %dma_start3A_155 = arith.constant 0 : i32
    %dma_start3A_156 = arith.constant 32 : i32
    %dma_start3A_157 = tpu.memref_slice %arg5[%mul3A_2, %dma_start3A_155, %dma_start3A_156] : memref<1024x17x128xf32, #tpu.memory_space<hbm>> -> memref<32x17x32xf32, #tpu.memory_space<hbm>>
    %dma_start3A_158 = arith.constant 0 : i32
    %dma_start3A_159 = arith.constant 32 : i32
    %dma_start3A_160 = tpu.memref_slice %arg5[%mul3A_2, %dma_start3A_158, %dma_start3A_159] : memref<1024x17x128xf32, #tpu.memory_space<hbm>> -> memref<32x17x32xf32, #tpu.memory_space<hbm>>
    tpu.enqueue_dma source(%arg8 : memref<32x17x32xf32, #tpu.memory_space<vmem>>) target(%dma_start3A_160 : memref<32x17x32xf32, #tpu.memory_space<hbm>>) target_semaphore(%arg12 : memref<!tpu.dma_semaphore, #tpu.memory_space<semaphore_mem>>)
    %dma_wait3A_161 = arith.constant 0 : i32
    %dma_wait3A_162 = arith.constant 0 : i32
    %dma_wait3A_163 = arith.constant 0 : i32
    %dma_wait3A_164 = tpu.memref_slice %arg7[%dma_wait3A_161, %dma_wait3A_162, %dma_wait3A_163] : memref<2x32x1024xf32, #tpu.memory_space<vmem>> -> memref<1x32x1024xf32, #tpu.memory_space<vmem>>
    %dma_wait3A_165 = tpu.memref_squeeze %dma_wait3A_164 : memref<1x32x1024xf32, #tpu.memory_space<vmem>> -> memref<32x1024xf32, #tpu.memory_space<vmem>>
    %dma_wait3A_166 = arith.constant 64 : i32
    %dma_wait3A_167 = arith.constant 0 : i32
    %dma_wait3A_168 = tpu.memref_slice %arg3[%dma_wait3A_166, %dma_wait3A_167] : memref<128x1024xf32, #tpu.memory_space<hbm>> -> memref<32x1024xf32, #tpu.memory_space<hbm>>
    %dma_wait3A_169 = arith.constant 0 : i32
    %dma_wait3A_170 = arith.constant 0 : i32
    %dma_wait3A_171 = tpu.memref_slice %arg7[%dma_wait3A_161, %dma_wait3A_169, %dma_wait3A_170] : memref<2x32x1024xf32, #tpu.memory_space<vmem>> -> memref<1x32x1024xf32, #tpu.memory_space<vmem>>
    %dma_wait3A_172 = tpu.memref_squeeze %dma_wait3A_171 : memref<1x32x1024xf32, #tpu.memory_space<vmem>> -> memref<32x1024xf32, #tpu.memory_space<vmem>>
    %dma_wait3A_173 = arith.constant 64 : i32
    %dma_wait3A_174 = arith.constant 0 : i32
    %dma_wait3A_175 = tpu.memref_slice %arg3[%dma_wait3A_173, %dma_wait3A_174] : memref<128x1024xf32, #tpu.memory_space<hbm>> -> memref<32x1024xf32, #tpu.memory_space<hbm>>
    tpu.wait_dma2 semaphore(%arg10 : memref<!tpu.dma_semaphore, #tpu.memory_space<semaphore_mem>>) src(%dma_wait3A_175 : memref<32x1024xf32, #tpu.memory_space<hbm>>) dst(%dma_wait3A_172 : memref<32x1024xf32, #tpu.memory_space<vmem>>)
    %dma_start3A_176 = arith.constant 1 : i32
    %dma_start3A_177 = arith.constant 0 : i32
    %dma_start3A_178 = arith.constant 0 : i32
    %dma_start3A_179 = tpu.memref_slice %arg7[%dma_start3A_176, %dma_start3A_177, %dma_start3A_178] : memref<2x32x1024xf32, #tpu.memory_space<vmem>> -> memref<1x32x1024xf32, #tpu.memory_space<vmem>>
    %dma_start3A_180 = tpu.memref_squeeze %dma_start3A_179 : memref<1x32x1024xf32, #tpu.memory_space<vmem>> -> memref<32x1024xf32, #tpu.memory_space<vmem>>
    %dma_start3A_181 = arith.constant 96 : i32
    %dma_start3A_182 = arith.constant 0 : i32
    %dma_start3A_183 = tpu.memref_slice %arg3[%dma_start3A_181, %dma_start3A_182] : memref<128x1024xf32, #tpu.memory_space<hbm>> -> memref<32x1024xf32, #tpu.memory_space<hbm>>
    %dma_start3A_184 = arith.constant 0 : i32
    %dma_start3A_185 = arith.constant 0 : i32
    %dma_start3A_186 = tpu.memref_slice %arg7[%dma_start3A_176, %dma_start3A_184, %dma_start3A_185] : memref<2x32x1024xf32, #tpu.memory_space<vmem>> -> memref<1x32x1024xf32, #tpu.memory_space<vmem>>
    %dma_start3A_187 = tpu.memref_squeeze %dma_start3A_186 : memref<1x32x1024xf32, #tpu.memory_space<vmem>> -> memref<32x1024xf32, #tpu.memory_space<vmem>>
    %dma_start3A_188 = arith.constant 96 : i32
    %dma_start3A_189 = arith.constant 0 : i32
    %dma_start3A_190 = tpu.memref_slice %arg3[%dma_start3A_188, %dma_start3A_189] : memref<128x1024xf32, #tpu.memory_space<hbm>> -> memref<32x1024xf32, #tpu.memory_space<hbm>>
    tpu.enqueue_dma source(%dma_start3A_190 : memref<32x1024xf32, #tpu.memory_space<hbm>>) target(%dma_start3A_187 : memref<32x1024xf32, #tpu.memory_space<vmem>>) target_semaphore(%arg11 : memref<!tpu.dma_semaphore, #tpu.memory_space<semaphore_mem>>)
    %dma_wait3A_191 = arith.constant 0 : i32
    %dma_wait3A_192 = arith.constant 32 : i32
    %dma_wait3A_193 = tpu.memref_slice %arg5[%mul3A_2, %dma_wait3A_191, %dma_wait3A_192] : memref<1024x17x128xf32, #tpu.memory_space<hbm>> -> memref<32x17x32xf32, #tpu.memory_space<hbm>>
    %dma_wait3A_194 = arith.constant 0 : i32
    %dma_wait3A_195 = arith.constant 32 : i32
    %dma_wait3A_196 = tpu.memref_slice %arg5[%mul3A_2, %dma_wait3A_194, %dma_wait3A_195] : memref<1024x17x128xf32, #tpu.memory_space<hbm>> -> memref<32x17x32xf32, #tpu.memory_space<hbm>>
    tpu.wait_dma2 semaphore(%arg12 : memref<!tpu.dma_semaphore, #tpu.memory_space<semaphore_mem>>) src(%arg8 : memref<32x17x32xf32, #tpu.memory_space<vmem>>) dst(%dma_wait3A_196 : memref<32x17x32xf32, #tpu.memory_space<hbm>>)
    %dma_start3A_197 = arith.constant 0 : i32
    %dma_start3A_198 = arith.constant 0 : i32
    %dma_start3A_199 = arith.constant 0 : i32
    %dma_start3A_200 = tpu.memref_slice %arg8[%dma_start3A_198, %dma_start3A_197, %dma_start3A_199] : memref<32x17x32xf32, #tpu.memory_space<vmem>> -> memref<32x1x32xf32, #tpu.memory_space<vmem>>
    %dma_start3A_201 = tpu.memref_squeeze %dma_start3A_200 : memref<32x1x32xf32, #tpu.memory_space<vmem>> -> memref<32x32xf32, #tpu.memory_space<vmem>>
    %dma_start3A_202 = arith.constant 64 : i32
    %dma_start3A_203 = tpu.memref_slice %arg2[%mul3A_2, %dma_start3A_202] : memref<1024x128xf32, #tpu.memory_space<hbm>> -> memref<32x32xf32, #tpu.memory_space<hbm>>
    %dma_start3A_204 = arith.constant 0 : i32
    %dma_start3A_205 = arith.constant 0 : i32
    %dma_start3A_206 = tpu.memref_slice %arg8[%dma_start3A_204, %dma_start3A_197, %dma_start3A_205] : memref<32x17x32xf32, #tpu.memory_space<vmem>> -> memref<32x1x32xf32, #tpu.memory_space<vmem>>
    %dma_start3A_207 = tpu.memref_squeeze %dma_start3A_206 : memref<32x1x32xf32, #tpu.memory_space<vmem>> -> memref<32x32xf32, #tpu.memory_space<vmem>>
    %dma_start3A_208 = arith.constant 64 : i32
    %dma_start3A_209 = tpu.memref_slice %arg2[%mul3A_2, %dma_start3A_208] : memref<1024x128xf32, #tpu.memory_space<hbm>> -> memref<32x32xf32, #tpu.memory_space<hbm>>
    tpu.enqueue_dma source(%dma_start3A_209 : memref<32x32xf32, #tpu.memory_space<hbm>>) target(%dma_start3A_207 : memref<32x32xf32, #tpu.memory_space<vmem>>) target_semaphore(%arg9 : memref<!tpu.dma_semaphore, #tpu.memory_space<semaphore_mem>>)
    %parallel_loop3A_210 = arith.constant 0 : i32
    %parallel_loop3A_211 = arith.constant 32 : i32
    %parallel_loop3A_212 = arith.constant 1 : i32
    scf.for %parallel_loop3A_294 = %parallel_loop3A_210 to %parallel_loop3A_211 step %parallel_loop3A_212  : i32 {
      %parallel_loop3A_295 = vector.broadcast %parallel_loop3A_294 : i32 to vector<16xi32>
      %parallel_loop3A_296 = arith.constant 0xFF800000 : f32
      %parallel_loop3A_297 = vector.broadcast %parallel_loop3A_296 : f32 to vector<16xf32>
      %parallel_loop3A_298 = arith.constant 0xFF800000 : f32
      %parallel_loop3A_299 = vector.broadcast %parallel_loop3A_298 : f32 to vector<16xf32>
      %parallel_loop3A_300 = arith.constant 0xFF800000 : f32
      %parallel_loop3A_301 = vector.broadcast %parallel_loop3A_300 : f32 to vector<16xf32>
      %parallel_loop3A_302 = arith.constant 0xFF800000 : f32
      %parallel_loop3A_303 = vector.broadcast %parallel_loop3A_302 : f32 to vector<16xf32>
      %parallel_loop3A_304 = arith.constant 0xFF800000 : f32
      %parallel_loop3A_305 = vector.broadcast %parallel_loop3A_304 : f32 to vector<16xf32>
      %parallel_loop3A_306 = arith.constant 0xFF800000 : f32
      %parallel_loop3A_307 = vector.broadcast %parallel_loop3A_306 : f32 to vector<16xf32>
      %parallel_loop3A_308 = arith.constant 0xFF800000 : f32
      %parallel_loop3A_309 = vector.broadcast %parallel_loop3A_308 : f32 to vector<16xf32>
      %parallel_loop3A_310 = arith.constant 0xFF800000 : f32
      %parallel_loop3A_311 = vector.broadcast %parallel_loop3A_310 : f32 to vector<16xf32>
      %parallel_loop3A_312 = arith.constant 0xFF800000 : f32
      %parallel_loop3A_313 = vector.broadcast %parallel_loop3A_312 : f32 to vector<16xf32>
      %parallel_loop3A_314 = arith.constant 0xFF800000 : f32
      %parallel_loop3A_315 = vector.broadcast %parallel_loop3A_314 : f32 to vector<16xf32>
      %parallel_loop3A_316 = arith.constant 0xFF800000 : f32
      %parallel_loop3A_317 = vector.broadcast %parallel_loop3A_316 : f32 to vector<16xf32>
      %parallel_loop3A_318 = arith.constant 0xFF800000 : f32
      %parallel_loop3A_319 = vector.broadcast %parallel_loop3A_318 : f32 to vector<16xf32>
      %parallel_loop3A_320 = arith.constant 0xFF800000 : f32
      %parallel_loop3A_321 = vector.broadcast %parallel_loop3A_320 : f32 to vector<16xf32>
      %parallel_loop3A_322 = arith.constant 0xFF800000 : f32
      %parallel_loop3A_323 = vector.broadcast %parallel_loop3A_322 : f32 to vector<16xf32>
      %parallel_loop3A_324 = arith.constant 0xFF800000 : f32
      %parallel_loop3A_325 = vector.broadcast %parallel_loop3A_324 : f32 to vector<16xf32>
      %parallel_loop3A_326 = arith.constant 0xFF800000 : f32
      %parallel_loop3A_327 = vector.broadcast %parallel_loop3A_326 : f32 to vector<16xf32>
      %parallel_loop3A_328 = arith.constant 0xFF800000 : f32
      %parallel_loop3A_329 = vector.broadcast %parallel_loop3A_328 : f32 to vector<16xf32>
      %parallel_loop3A_330 = arith.constant 0xFF800000 : f32
      %parallel_loop3A_331 = vector.broadcast %parallel_loop3A_330 : f32 to vector<16xf32>
      %parallel_loop3A_332 = arith.constant 0xFF800000 : f32
      %parallel_loop3A_333 = vector.broadcast %parallel_loop3A_332 : f32 to vector<16xf32>
      %parallel_loop3A_334 = arith.constant 0xFF800000 : f32
      %parallel_loop3A_335 = vector.broadcast %parallel_loop3A_334 : f32 to vector<16xf32>
      %parallel_loop3A_336 = arith.constant 0xFF800000 : f32
      %parallel_loop3A_337 = vector.broadcast %parallel_loop3A_336 : f32 to vector<16xf32>
      %parallel_loop3A_338 = arith.constant 0xFF800000 : f32
      %parallel_loop3A_339 = vector.broadcast %parallel_loop3A_338 : f32 to vector<16xf32>
      %parallel_loop3A_340 = arith.constant 0xFF800000 : f32
      %parallel_loop3A_341 = vector.broadcast %parallel_loop3A_340 : f32 to vector<16xf32>
      %parallel_loop3A_342 = arith.constant 0xFF800000 : f32
      %parallel_loop3A_343 = vector.broadcast %parallel_loop3A_342 : f32 to vector<16xf32>
      %parallel_loop3A_344 = arith.constant 0xFF800000 : f32
      %parallel_loop3A_345 = vector.broadcast %parallel_loop3A_344 : f32 to vector<16xf32>
      %parallel_loop3A_346 = arith.constant 0xFF800000 : f32
      %parallel_loop3A_347 = vector.broadcast %parallel_loop3A_346 : f32 to vector<16xf32>
      %parallel_loop3A_348 = arith.constant 0xFF800000 : f32
      %parallel_loop3A_349 = vector.broadcast %parallel_loop3A_348 : f32 to vector<16xf32>
      %parallel_loop3A_350 = arith.constant 0xFF800000 : f32
      %parallel_loop3A_351 = vector.broadcast %parallel_loop3A_350 : f32 to vector<16xf32>
      %parallel_loop3A_352 = arith.constant 0xFF800000 : f32
      %parallel_loop3A_353 = vector.broadcast %parallel_loop3A_352 : f32 to vector<16xf32>
      %parallel_loop3A_354 = arith.constant 0xFF800000 : f32
      %parallel_loop3A_355 = vector.broadcast %parallel_loop3A_354 : f32 to vector<16xf32>
      %parallel_loop3A_356 = arith.constant 0xFF800000 : f32
      %parallel_loop3A_357 = vector.broadcast %parallel_loop3A_356 : f32 to vector<16xf32>
      %parallel_loop3A_358 = arith.constant 0xFF800000 : f32
      %parallel_loop3A_359 = vector.broadcast %parallel_loop3A_358 : f32 to vector<16xf32>
      %parallel_loop3A_360 = arith.constant 0 : i32
      %parallel_loop3A_361 = arith.constant 64 : i32
      %parallel_loop3A_362 = arith.constant 1 : i32
      %parallel_loop3A_363:32 = scf.for %parallel_loop3A_428 = %parallel_loop3A_360 to %parallel_loop3A_361 step %parallel_loop3A_362 iter_args(%parallel_loop3A_429 = %parallel_loop3A_297, %parallel_loop3A_430 = %parallel_loop3A_299, %parallel_loop3A_431 = %parallel_loop3A_301, %parallel_loop3A_432 = %parallel_loop3A_303, %parallel_loop3A_433 = %parallel_loop3A_305, %parallel_loop3A_434 = %parallel_loop3A_307, %parallel_loop3A_435 = %parallel_loop3A_309, %parallel_loop3A_436 = %parallel_loop3A_311, %parallel_loop3A_437 = %parallel_loop3A_313, %parallel_loop3A_438 = %parallel_loop3A_315, %parallel_loop3A_439 = %parallel_loop3A_317, %parallel_loop3A_440 = %parallel_loop3A_319, %parallel_loop3A_441 = %parallel_loop3A_321, %parallel_loop3A_442 = %parallel_loop3A_323, %parallel_loop3A_443 = %parallel_loop3A_325, %parallel_loop3A_444 = %parallel_loop3A_327, %parallel_loop3A_445 = %parallel_loop3A_329, %parallel_loop3A_446 = %parallel_loop3A_331, %parallel_loop3A_447 = %parallel_loop3A_333, %parallel_loop3A_448 = %parallel_loop3A_335, %parallel_loop3A_449 = %parallel_loop3A_337, %parallel_loop3A_450 = %parallel_loop3A_339, %parallel_loop3A_451 = %parallel_loop3A_341, %parallel_loop3A_452 = %parallel_loop3A_343, %parallel_loop3A_453 = %parallel_loop3A_345, %parallel_loop3A_454 = %parallel_loop3A_347, %parallel_loop3A_455 = %parallel_loop3A_349, %parallel_loop3A_456 = %parallel_loop3A_351, %parallel_loop3A_457 = %parallel_loop3A_353, %parallel_loop3A_458 = %parallel_loop3A_355, %parallel_loop3A_459 = %parallel_loop3A_357, %parallel_loop3A_460 = %parallel_loop3A_359) -> (vector<16xf32>, vector<16xf32>, vector<16xf32>, vector<16xf32>, vector<16xf32>, vector<16xf32>, vector<16xf32>, vector<16xf32>, vector<16xf32>, vector<16xf32>, vector<16xf32>, vector<16xf32>, vector<16xf32>, vector<16xf32>, vector<16xf32>, vector<16xf32>, vector<16xf32>, vector<16xf32>, vector<16xf32>, vector<16xf32>, vector<16xf32>, vector<16xf32>, vector<16xf32>, vector<16xf32>, vector<16xf32>, vector<16xf32>, vector<16xf32>, vector<16xf32>, vector<16xf32>, vector<16xf32>, vector<16xf32>, vector<16xf32>)  : i32 {
        %parallel_loop3A_461 = arith.constant 16 : i32
        %parallel_loop3A_462 = arith.muli %parallel_loop3A_428, %parallel_loop3A_461 : i32
        %parallel_loop3A_463 = arith.index_cast %parallel_loop3A_294 : i32 to index
        %parallel_loop3A_464 = arith.index_cast %parallel_loop3A_462 : i32 to index
        %parallel_loop3A_465 = tpu.vector_load %arg6[%parallel_loop3A_463, %parallel_loop3A_464] {strides = array<i32>} : memref<32x1024xf32, #tpu.memory_space<vmem>>, vector<16xf32>,
        %parallel_loop3A_466 = arith.constant 16 : i32
        %parallel_loop3A_467 = arith.muli %parallel_loop3A_428, %parallel_loop3A_466 : i32
        %parallel_loop3A_468 = arith.constant 0 : i32
        %parallel_loop3A_469 = arith.constant 0 : i32
        %parallel_loop3A_470 = arith.index_cast %parallel_loop3A_468 : i32 to index
        %parallel_loop3A_471 = arith.index_cast %parallel_loop3A_469 : i32 to index
        %parallel_loop3A_472 = arith.index_cast %parallel_loop3A_467 : i32 to index
        %parallel_loop3A_473 = tpu.vector_load %arg7[%parallel_loop3A_470, %parallel_loop3A_471, %parallel_loop3A_472] {strides = array<i32>} : memref<2x32x1024xf32, #tpu.memory_space<vmem>>, vector<16xf32>,
        %parallel_loop3A_474 = arith.mulf %parallel_loop3A_465, %parallel_loop3A_473 : vector<16xf32>
        %parallel_loop3A_475 = arith.constant dense<true> : vector<16xi1>
        %parallel_loop3A_476, %parallel_loop3A_477, %parallel_loop3A_478 = tpu.sort %parallel_loop3A_474, %parallel_loop3A_473 masked %parallel_loop3A_475 {descending = true} : (vector<16xf32>, vector<16xf32>, vector<16xi1>) -> (vector<16xi1>, vector<16xf32>, vector<16xf32>)
        %parallel_loop3A_479 = arith.maximumf %parallel_loop3A_429, %parallel_loop3A_477 : vector<16xf32>
        %parallel_loop3A_480 = arith.constant dense<true> : vector<16xi1>
        %parallel_loop3A_481, %parallel_loop3A_482, %parallel_loop3A_483 = tpu.sort %parallel_loop3A_479, %parallel_loop3A_479 masked %parallel_loop3A_480 : (vector<16xf32>, vector<16xf32>, vector<16xi1>) -> (vector<16xi1>, vector<16xf32>, vector<16xf32>)
        %parallel_loop3A_484 = arith.constant 16 : i32
        %parallel_loop3A_485 = arith.muli %parallel_loop3A_428, %parallel_loop3A_484 : i32
        %parallel_loop3A_486 = arith.constant 0 : i32
        %parallel_loop3A_487 = arith.constant 1 : i32
        %parallel_loop3A_488 = arith.index_cast %parallel_loop3A_486 : i32 to index
        %parallel_loop3A_489 = arith.index_cast %parallel_loop3A_487 : i32 to index
        %parallel_loop3A_490 = arith.index_cast %parallel_loop3A_485 : i32 to index
        %parallel_loop3A_491 = tpu.vector_load %arg7[%parallel_loop3A_488, %parallel_loop3A_489, %parallel_loop3A_490] {strides = array<i32>} : memref<2x32x1024xf32, #tpu.memory_space<vmem>>, vector<16xf32>,
        %parallel_loop3A_492 = arith.mulf %parallel_loop3A_465, %parallel_loop3A_491 : vector<16xf32>
        %parallel_loop3A_493 = arith.constant dense<true> : vector<16xi1>
        %parallel_loop3A_494, %parallel_loop3A_495, %parallel_loop3A_496 = tpu.sort %parallel_loop3A_492, %parallel_loop3A_491 masked %parallel_loop3A_493 {descending = true} : (vector<16xf32>, vector<16xf32>, vector<16xi1>) -> (vector<16xi1>, vector<16xf32>, vector<16xf32>)
        %parallel_loop3A_497 = arith.maximumf %parallel_loop3A_430, %parallel_loop3A_495 : vector<16xf32>
        %parallel_loop3A_498 = arith.constant dense<true> : vector<16xi1>
        %parallel_loop3A_499, %parallel_loop3A_500, %parallel_loop3A_501 = tpu.sort %parallel_loop3A_497, %parallel_loop3A_497 masked %parallel_loop3A_498 : (vector<16xf32>, vector<16xf32>, vector<16xi1>) -> (vector<16xi1>, vector<16xf32>, vector<16xf32>)
        %parallel_loop3A_502 = arith.constant 16 : i32
        %parallel_loop3A_503 = arith.muli %parallel_loop3A_428, %parallel_loop3A_502 : i32
        %parallel_loop3A_504 = arith.constant 0 : i32
        %parallel_loop3A_505 = arith.constant 2 : i32
        %parallel_loop3A_506 = arith.index_cast %parallel_loop3A_504 : i32 to index
        %parallel_loop3A_507 = arith.index_cast %parallel_loop3A_505 : i32 to index
        %parallel_loop3A_508 = arith.index_cast %parallel_loop3A_503 : i32 to index
        %parallel_loop3A_509 = tpu.vector_load %arg7[%parallel_loop3A_506, %parallel_loop3A_507, %parallel_loop3A_508] {strides = array<i32>} : memref<2x32x1024xf32, #tpu.memory_space<vmem>>, vector<16xf32>,
        %parallel_loop3A_510 = arith.mulf %parallel_loop3A_465, %parallel_loop3A_509 : vector<16xf32>
        %parallel_loop3A_511 = arith.constant dense<true> : vector<16xi1>
        %parallel_loop3A_512, %parallel_loop3A_513, %parallel_loop3A_514 = tpu.sort %parallel_loop3A_510, %parallel_loop3A_509 masked %parallel_loop3A_511 {descending = true} : (vector<16xf32>, vector<16xf32>, vector<16xi1>) -> (vector<16xi1>, vector<16xf32>, vector<16xf32>)
        %parallel_loop3A_515 = arith.maximumf %parallel_loop3A_431, %parallel_loop3A_513 : vector<16xf32>
        %parallel_loop3A_516 = arith.constant dense<true> : vector<16xi1>
        %parallel_loop3A_517, %parallel_loop3A_518, %parallel_loop3A_519 = tpu.sort %parallel_loop3A_515, %parallel_loop3A_515 masked %parallel_loop3A_516 : (vector<16xf32>, vector<16xf32>, vector<16xi1>) -> (vector<16xi1>, vector<16xf32>, vector<16xf32>)
        %parallel_loop3A_520 = arith.constant 16 : i32
        %parallel_loop3A_521 = arith.muli %parallel_loop3A_428, %parallel_loop3A_520 : i32
        %parallel_loop3A_522 = arith.constant 0 : i32
        %parallel_loop3A_523 = arith.constant 3 : i32
        %parallel_loop3A_524 = arith.index_cast %parallel_loop3A_522 : i32 to index
        %parallel_loop3A_525 = arith.index_cast %parallel_loop3A_523 : i32 to index
        %parallel_loop3A_526 = arith.index_cast %parallel_loop3A_521 : i32 to index
        %parallel_loop3A_527 = tpu.vector_load %arg7[%parallel_loop3A_524, %parallel_loop3A_525, %parallel_loop3A_526] {strides = array<i32>} : memref<2x32x1024xf32, #tpu.memory_space<vmem>>, vector<16xf32>,
        %parallel_loop3A_528 = arith.mulf %parallel_loop3A_465, %parallel_loop3A_527 : vector<16xf32>
        %parallel_loop3A_529 = arith.constant dense<true> : vector<16xi1>
        %parallel_loop3A_530, %parallel_loop3A_531, %parallel_loop3A_532 = tpu.sort %parallel_loop3A_528, %parallel_loop3A_527 masked %parallel_loop3A_529 {descending = true} : (vector<16xf32>, vector<16xf32>, vector<16xi1>) -> (vector<16xi1>, vector<16xf32>, vector<16xf32>)
        %parallel_loop3A_533 = arith.maximumf %parallel_loop3A_432, %parallel_loop3A_531 : vector<16xf32>
        %parallel_loop3A_534 = arith.constant dense<true> : vector<16xi1>
        %parallel_loop3A_535, %parallel_loop3A_536, %parallel_loop3A_537 = tpu.sort %parallel_loop3A_533, %parallel_loop3A_533 masked %parallel_loop3A_534 : (vector<16xf32>, vector<16xf32>, vector<16xi1>) -> (vector<16xi1>, vector<16xf32>, vector<16xf32>)
        %parallel_loop3A_538 = arith.constant 16 : i32
        %parallel_loop3A_539 = arith.muli %parallel_loop3A_428, %parallel_loop3A_538 : i32
        %parallel_loop3A_540 = arith.constant 0 : i32
        %parallel_loop3A_541 = arith.constant 4 : i32
        %parallel_loop3A_542 = arith.index_cast %parallel_loop3A_540 : i32 to index
        %parallel_loop3A_543 = arith.index_cast %parallel_loop3A_541 : i32 to index
        %parallel_loop3A_544 = arith.index_cast %parallel_loop3A_539 : i32 to index
        %parallel_loop3A_545 = tpu.vector_load %arg7[%parallel_loop3A_542, %parallel_loop3A_543, %parallel_loop3A_544] {strides = array<i32>} : memref<2x32x1024xf32, #tpu.memory_space<vmem>>, vector<16xf32>,
        %parallel_loop3A_546 = arith.mulf %parallel_loop3A_465, %parallel_loop3A_545 : vector<16xf32>
        %parallel_loop3A_547 = arith.constant dense<true> : vector<16xi1>
        %parallel_loop3A_548, %parallel_loop3A_549, %parallel_loop3A_550 = tpu.sort %parallel_loop3A_546, %parallel_loop3A_545 masked %parallel_loop3A_547 {descending = true} : (vector<16xf32>, vector<16xf32>, vector<16xi1>) -> (vector<16xi1>, vector<16xf32>, vector<16xf32>)
        %parallel_loop3A_551 = arith.maximumf %parallel_loop3A_433, %parallel_loop3A_549 : vector<16xf32>
        %parallel_loop3A_552 = arith.constant dense<true> : vector<16xi1>
        %parallel_loop3A_553, %parallel_loop3A_554, %parallel_loop3A_555 = tpu.sort %parallel_loop3A_551, %parallel_loop3A_551 masked %parallel_loop3A_552 : (vector<16xf32>, vector<16xf32>, vector<16xi1>) -> (vector<16xi1>, vector<16xf32>, vector<16xf32>)
        %parallel_loop3A_556 = arith.constant 16 : i32
        %parallel_loop3A_557 = arith.muli %parallel_loop3A_428, %parallel_loop3A_556 : i32
        %parallel_loop3A_558 = arith.constant 0 : i32
        %parallel_loop3A_559 = arith.constant 5 : i32
        %parallel_loop3A_560 = arith.index_cast %parallel_loop3A_558 : i32 to index
        %parallel_loop3A_561 = arith.index_cast %parallel_loop3A_559 : i32 to index
        %parallel_loop3A_562 = arith.index_cast %parallel_loop3A_557 : i32 to index
        %parallel_loop3A_563 = tpu.vector_load %arg7[%parallel_loop3A_560, %parallel_loop3A_561, %parallel_loop3A_562] {strides = array<i32>} : memref<2x32x1024xf32, #tpu.memory_space<vmem>>, vector<16xf32>,
        %parallel_loop3A_564 = arith.mulf %parallel_loop3A_465, %parallel_loop3A_563 : vector<16xf32>
        %parallel_loop3A_565 = arith.constant dense<true> : vector<16xi1>
        %parallel_loop3A_566, %parallel_loop3A_567, %parallel_loop3A_568 = tpu.sort %parallel_loop3A_564, %parallel_loop3A_563 masked %parallel_loop3A_565 {descending = true} : (vector<16xf32>, vector<16xf32>, vector<16xi1>) -> (vector<16xi1>, vector<16xf32>, vector<16xf32>)
        %parallel_loop3A_569 = arith.maximumf %parallel_loop3A_434, %parallel_loop3A_567 : vector<16xf32>
        %parallel_loop3A_570 = arith.constant dense<true> : vector<16xi1>
        %parallel_loop3A_571, %parallel_loop3A_572, %parallel_loop3A_573 = tpu.sort %parallel_loop3A_569, %parallel_loop3A_569 masked %parallel_loop3A_570 : (vector<16xf32>, vector<16xf32>, vector<16xi1>) -> (vector<16xi1>, vector<16xf32>, vector<16xf32>)
        %parallel_loop3A_574 = arith.constant 16 : i32
        %parallel_loop3A_575 = arith.muli %parallel_loop3A_428, %parallel_loop3A_574 : i32
        %parallel_loop3A_576 = arith.constant 0 : i32
        %parallel_loop3A_577 = arith.constant 6 : i32
        %parallel_loop3A_578 = arith.index_cast %parallel_loop3A_576 : i32 to index
        %parallel_loop3A_579 = arith.index_cast %parallel_loop3A_577 : i32 to index
        %parallel_loop3A_580 = arith.index_cast %parallel_loop3A_575 : i32 to index
        %parallel_loop3A_581 = tpu.vector_load %arg7[%parallel_loop3A_578, %parallel_loop3A_579, %parallel_loop3A_580] {strides = array<i32>} : memref<2x32x1024xf32, #tpu.memory_space<vmem>>, vector<16xf32>,
        %parallel_loop3A_582 = arith.mulf %parallel_loop3A_465, %parallel_loop3A_581 : vector<16xf32>
        %parallel_loop3A_583 = arith.constant dense<true> : vector<16xi1>
        %parallel_loop3A_584, %parallel_loop3A_585, %parallel_loop3A_586 = tpu.sort %parallel_loop3A_582, %parallel_loop3A_581 masked %parallel_loop3A_583 {descending = true} : (vector<16xf32>, vector<16xf32>, vector<16xi1>) -> (vector<16xi1>, vector<16xf32>, vector<16xf32>)
        %parallel_loop3A_587 = arith.maximumf %parallel_loop3A_435, %parallel_loop3A_585 : vector<16xf32>
        %parallel_loop3A_588 = arith.constant dense<true> : vector<16xi1>
        %parallel_loop3A_589, %parallel_loop3A_590, %parallel_loop3A_591 = tpu.sort %parallel_loop3A_587, %parallel_loop3A_587 masked %parallel_loop3A_588 : (vector<16xf32>, vector<16xf32>, vector<16xi1>) -> (vector<16xi1>, vector<16xf32>, vector<16xf32>)
        %parallel_loop3A_592 = arith.constant 16 : i32
        %parallel_loop3A_593 = arith.muli %parallel_loop3A_428, %parallel_loop3A_592 : i32
        %parallel_loop3A_594 = arith.constant 0 : i32
        %parallel_loop3A_595 = arith.constant 7 : i32
        %parallel_loop3A_596 = arith.index_cast %parallel_loop3A_594 : i32 to index
        %parallel_loop3A_597 = arith.index_cast %parallel_loop3A_595 : i32 to index
        %parallel_loop3A_598 = arith.index_cast %parallel_loop3A_593 : i32 to index
        %parallel_loop3A_599 = tpu.vector_load %arg7[%parallel_loop3A_596, %parallel_loop3A_597, %parallel_loop3A_598] {strides = array<i32>} : memref<2x32x1024xf32, #tpu.memory_space<vmem>>, vector<16xf32>,
        %parallel_loop3A_600 = arith.mulf %parallel_loop3A_465, %parallel_loop3A_599 : vector<16xf32>
        %parallel_loop3A_601 = arith.constant dense<true> : vector<16xi1>
        %parallel_loop3A_602, %parallel_loop3A_603, %parallel_loop3A_604 = tpu.sort %parallel_loop3A_600, %parallel_loop3A_599 masked %parallel_loop3A_601 {descending = true} : (vector<16xf32>, vector<16xf32>, vector<16xi1>) -> (vector<16xi1>, vector<16xf32>, vector<16xf32>)
        %parallel_loop3A_605 = arith.maximumf %parallel_loop3A_436, %parallel_loop3A_603 : vector<16xf32>
        %parallel_loop3A_606 = arith.constant dense<true> : vector<16xi1>
        %parallel_loop3A_607, %parallel_loop3A_608, %parallel_loop3A_609 = tpu.sort %parallel_loop3A_605, %parallel_loop3A_605 masked %parallel_loop3A_606 : (vector<16xf32>, vector<16xf32>, vector<16xi1>) -> (vector<16xi1>, vector<16xf32>, vector<16xf32>)
        %parallel_loop3A_610 = arith.constant 16 : i32
        %parallel_loop3A_611 = arith.muli %parallel_loop3A_428, %parallel_loop3A_610 : i32
        %parallel_loop3A_612 = arith.constant 0 : i32
        %parallel_loop3A_613 = arith.constant 8 : i32
        %parallel_loop3A_614 = arith.index_cast %parallel_loop3A_612 : i32 to index
        %parallel_loop3A_615 = arith.index_cast %parallel_loop3A_613 : i32 to index
        %parallel_loop3A_616 = arith.index_cast %parallel_loop3A_611 : i32 to index
        %parallel_loop3A_617 = tpu.vector_load %arg7[%parallel_loop3A_614, %parallel_loop3A_615, %parallel_loop3A_616] {strides = array<i32>} : memref<2x32x1024xf32, #tpu.memory_space<vmem>>, vector<16xf32>,
        %parallel_loop3A_618 = arith.mulf %parallel_loop3A_465, %parallel_loop3A_617 : vector<16xf32>
        %parallel_loop3A_619 = arith.constant dense<true> : vector<16xi1>
        %parallel_loop3A_620, %parallel_loop3A_621, %parallel_loop3A_622 = tpu.sort %parallel_loop3A_618, %parallel_loop3A_617 masked %parallel_loop3A_619 {descending = true} : (vector<16xf32>, vector<16xf32>, vector<16xi1>) -> (vector<16xi1>, vector<16xf32>, vector<16xf32>)
        %parallel_loop3A_623 = arith.maximumf %parallel_loop3A_437, %parallel_loop3A_621 : vector<16xf32>
        %parallel_loop3A_624 = arith.constant dense<true> : vector<16xi1>
        %parallel_loop3A_625, %parallel_loop3A_626, %parallel_loop3A_627 = tpu.sort %parallel_loop3A_623, %parallel_loop3A_623 masked %parallel_loop3A_624 : (vector<16xf32>, vector<16xf32>, vector<16xi1>) -> (vector<16xi1>, vector<16xf32>, vector<16xf32>)
        %parallel_loop3A_628 = arith.constant 16 : i32
        %parallel_loop3A_629 = arith.muli %parallel_loop3A_428, %parallel_loop3A_628 : i32
        %parallel_loop3A_630 = arith.constant 0 : i32
        %parallel_loop3A_631 = arith.constant 9 : i32
        %parallel_loop3A_632 = arith.index_cast %parallel_loop3A_630 : i32 to index
        %parallel_loop3A_633 = arith.index_cast %parallel_loop3A_631 : i32 to index
        %parallel_loop3A_634 = arith.index_cast %parallel_loop3A_629 : i32 to index
        %parallel_loop3A_635 = tpu.vector_load %arg7[%parallel_loop3A_632, %parallel_loop3A_633, %parallel_loop3A_634] {strides = array<i32>} : memref<2x32x1024xf32, #tpu.memory_space<vmem>>, vector<16xf32>,
        %parallel_loop3A_636 = arith.mulf %parallel_loop3A_465, %parallel_loop3A_635 : vector<16xf32>
        %parallel_loop3A_637 = arith.constant dense<true> : vector<16xi1>
        %parallel_loop3A_638, %parallel_loop3A_639, %parallel_loop3A_640 = tpu.sort %parallel_loop3A_636, %parallel_loop3A_635 masked %parallel_loop3A_637 {descending = true} : (vector<16xf32>, vector<16xf32>, vector<16xi1>) -> (vector<16xi1>, vector<16xf32>, vector<16xf32>)
        %parallel_loop3A_641 = arith.maximumf %parallel_loop3A_438, %parallel_loop3A_639 : vector<16xf32>
        %parallel_loop3A_642 = arith.constant dense<true> : vector<16xi1>
        %parallel_loop3A_643, %parallel_loop3A_644, %parallel_loop3A_645 = tpu.sort %parallel_loop3A_641, %parallel_loop3A_641 masked %parallel_loop3A_642 : (vector<16xf32>, vector<16xf32>, vector<16xi1>) -> (vector<16xi1>, vector<16xf32>, vector<16xf32>)
        %parallel_loop3A_646 = arith.constant 16 : i32
        %parallel_loop3A_647 = arith.muli %parallel_loop3A_428, %parallel_loop3A_646 : i32
        %parallel_loop3A_648 = arith.constant 0 : i32
        %parallel_loop3A_649 = arith.constant 10 : i32
        %parallel_loop3A_650 = arith.index_cast %parallel_loop3A_648 : i32 to index
        %parallel_loop3A_651 = arith.index_cast %parallel_loop3A_649 : i32 to index
        %parallel_loop3A_652 = arith.index_cast %parallel_loop3A_647 : i32 to index
        %parallel_loop3A_653 = tpu.vector_load %arg7[%parallel_loop3A_650, %parallel_loop3A_651, %parallel_loop3A_652] {strides = array<i32>} : memref<2x32x1024xf32, #tpu.memory_space<vmem>>, vector<16xf32>,
        %parallel_loop3A_654 = arith.mulf %parallel_loop3A_465, %parallel_loop3A_653 : vector<16xf32>
        %parallel_loop3A_655 = arith.constant dense<true> : vector<16xi1>
        %parallel_loop3A_656, %parallel_loop3A_657, %parallel_loop3A_658 = tpu.sort %parallel_loop3A_654, %parallel_loop3A_653 masked %parallel_loop3A_655 {descending = true} : (vector<16xf32>, vector<16xf32>, vector<16xi1>) -> (vector<16xi1>, vector<16xf32>, vector<16xf32>)
        %parallel_loop3A_659 = arith.maximumf %parallel_loop3A_439, %parallel_loop3A_657 : vector<16xf32>
        %parallel_loop3A_660 = arith.constant dense<true> : vector<16xi1>
        %parallel_loop3A_661, %parallel_loop3A_662, %parallel_loop3A_663 = tpu.sort %parallel_loop3A_659, %parallel_loop3A_659 masked %parallel_loop3A_660 : (vector<16xf32>, vector<16xf32>, vector<16xi1>) -> (vector<16xi1>, vector<16xf32>, vector<16xf32>)
        %parallel_loop3A_664 = arith.constant 16 : i32
        %parallel_loop3A_665 = arith.muli %parallel_loop3A_428, %parallel_loop3A_664 : i32
        %parallel_loop3A_666 = arith.constant 0 : i32
        %parallel_loop3A_667 = arith.constant 11 : i32
        %parallel_loop3A_668 = arith.index_cast %parallel_loop3A_666 : i32 to index
        %parallel_loop3A_669 = arith.index_cast %parallel_loop3A_667 : i32 to index
        %parallel_loop3A_670 = arith.index_cast %parallel_loop3A_665 : i32 to index
        %parallel_loop3A_671 = tpu.vector_load %arg7[%parallel_loop3A_668, %parallel_loop3A_669, %parallel_loop3A_670] {strides = array<i32>} : memref<2x32x1024xf32, #tpu.memory_space<vmem>>, vector<16xf32>,
        %parallel_loop3A_672 = arith.mulf %parallel_loop3A_465, %parallel_loop3A_671 : vector<16xf32>
        %parallel_loop3A_673 = arith.constant dense<true> : vector<16xi1>
        %parallel_loop3A_674, %parallel_loop3A_675, %parallel_loop3A_676 = tpu.sort %parallel_loop3A_672, %parallel_loop3A_671 masked %parallel_loop3A_673 {descending = true} : (vector<16xf32>, vector<16xf32>, vector<16xi1>) -> (vector<16xi1>, vector<16xf32>, vector<16xf32>)
        %parallel_loop3A_677 = arith.maximumf %parallel_loop3A_440, %parallel_loop3A_675 : vector<16xf32>
        %parallel_loop3A_678 = arith.constant dense<true> : vector<16xi1>
        %parallel_loop3A_679, %parallel_loop3A_680, %parallel_loop3A_681 = tpu.sort %parallel_loop3A_677, %parallel_loop3A_677 masked %parallel_loop3A_678 : (vector<16xf32>, vector<16xf32>, vector<16xi1>) -> (vector<16xi1>, vector<16xf32>, vector<16xf32>)
        %parallel_loop3A_682 = arith.constant 16 : i32
        %parallel_loop3A_683 = arith.muli %parallel_loop3A_428, %parallel_loop3A_682 : i32
        %parallel_loop3A_684 = arith.constant 0 : i32
        %parallel_loop3A_685 = arith.constant 12 : i32
        %parallel_loop3A_686 = arith.index_cast %parallel_loop3A_684 : i32 to index
        %parallel_loop3A_687 = arith.index_cast %parallel_loop3A_685 : i32 to index
        %parallel_loop3A_688 = arith.index_cast %parallel_loop3A_683 : i32 to index
        %parallel_loop3A_689 = tpu.vector_load %arg7[%parallel_loop3A_686, %parallel_loop3A_687, %parallel_loop3A_688] {strides = array<i32>} : memref<2x32x1024xf32, #tpu.memory_space<vmem>>, vector<16xf32>,
        %parallel_loop3A_690 = arith.mulf %parallel_loop3A_465, %parallel_loop3A_689 : vector<16xf32>
        %parallel_loop3A_691 = arith.constant dense<true> : vector<16xi1>
        %parallel_loop3A_692, %parallel_loop3A_693, %parallel_loop3A_694 = tpu.sort %parallel_loop3A_690, %parallel_loop3A_689 masked %parallel_loop3A_691 {descending = true} : (vector<16xf32>, vector<16xf32>, vector<16xi1>) -> (vector<16xi1>, vector<16xf32>, vector<16xf32>)
        %parallel_loop3A_695 = arith.maximumf %parallel_loop3A_441, %parallel_loop3A_693 : vector<16xf32>
        %parallel_loop3A_696 = arith.constant dense<true> : vector<16xi1>
        %parallel_loop3A_697, %parallel_loop3A_698, %parallel_loop3A_699 = tpu.sort %parallel_loop3A_695, %parallel_loop3A_695 masked %parallel_loop3A_696 : (vector<16xf32>, vector<16xf32>, vector<16xi1>) -> (vector<16xi1>, vector<16xf32>, vector<16xf32>)
        %parallel_loop3A_700 = arith.constant 16 : i32
        %parallel_loop3A_701 = arith.muli %parallel_loop3A_428, %parallel_loop3A_700 : i32
        %parallel_loop3A_702 = arith.constant 0 : i32
        %parallel_loop3A_703 = arith.constant 13 : i32
        %parallel_loop3A_704 = arith.index_cast %parallel_loop3A_702 : i32 to index
        %parallel_loop3A_705 = arith.index_cast %parallel_loop3A_703 : i32 to index
        %parallel_loop3A_706 = arith.index_cast %parallel_loop3A_701 : i32 to index
        %parallel_loop3A_707 = tpu.vector_load %arg7[%parallel_loop3A_704, %parallel_loop3A_705, %parallel_loop3A_706] {strides = array<i32>} : memref<2x32x1024xf32, #tpu.memory_space<vmem>>, vector<16xf32>,
        %parallel_loop3A_708 = arith.mulf %parallel_loop3A_465, %parallel_loop3A_707 : vector<16xf32>
        %parallel_loop3A_709 = arith.constant dense<true> : vector<16xi1>
        %parallel_loop3A_710, %parallel_loop3A_711, %parallel_loop3A_712 = tpu.sort %parallel_loop3A_708, %parallel_loop3A_707 masked %parallel_loop3A_709 {descending = true} : (vector<16xf32>, vector<16xf32>, vector<16xi1>) -> (vector<16xi1>, vector<16xf32>, vector<16xf32>)
        %parallel_loop3A_713 = arith.maximumf %parallel_loop3A_442, %parallel_loop3A_711 : vector<16xf32>
        %parallel_loop3A_714 = arith.constant dense<true> : vector<16xi1>
        %parallel_loop3A_715, %parallel_loop3A_716, %parallel_loop3A_717 = tpu.sort %parallel_loop3A_713, %parallel_loop3A_713 masked %parallel_loop3A_714 : (vector<16xf32>, vector<16xf32>, vector<16xi1>) -> (vector<16xi1>, vector<16xf32>, vector<16xf32>)
        %parallel_loop3A_718 = arith.constant 16 : i32
        %parallel_loop3A_719 = arith.muli %parallel_loop3A_428, %parallel_loop3A_718 : i32
        %parallel_loop3A_720 = arith.constant 0 : i32
        %parallel_loop3A_721 = arith.constant 14 : i32
        %parallel_loop3A_722 = arith.index_cast %parallel_loop3A_720 : i32 to index
        %parallel_loop3A_723 = arith.index_cast %parallel_loop3A_721 : i32 to index
        %parallel_loop3A_724 = arith.index_cast %parallel_loop3A_719 : i32 to index
        %parallel_loop3A_725 = tpu.vector_load %arg7[%parallel_loop3A_722, %parallel_loop3A_723, %parallel_loop3A_724] {strides = array<i32>} : memref<2x32x1024xf32, #tpu.memory_space<vmem>>, vector<16xf32>,
        %parallel_loop3A_726 = arith.mulf %parallel_loop3A_465, %parallel_loop3A_725 : vector<16xf32>
        %parallel_loop3A_727 = arith.constant dense<true> : vector<16xi1>
        %parallel_loop3A_728, %parallel_loop3A_729, %parallel_loop3A_730 = tpu.sort %parallel_loop3A_726, %parallel_loop3A_725 masked %parallel_loop3A_727 {descending = true} : (vector<16xf32>, vector<16xf32>, vector<16xi1>) -> (vector<16xi1>, vector<16xf32>, vector<16xf32>)
        %parallel_loop3A_731 = arith.maximumf %parallel_loop3A_443, %parallel_loop3A_729 : vector<16xf32>
        %parallel_loop3A_732 = arith.constant dense<true> : vector<16xi1>
        %parallel_loop3A_733, %parallel_loop3A_734, %parallel_loop3A_735 = tpu.sort %parallel_loop3A_731, %parallel_loop3A_731 masked %parallel_loop3A_732 : (vector<16xf32>, vector<16xf32>, vector<16xi1>) -> (vector<16xi1>, vector<16xf32>, vector<16xf32>)
        %parallel_loop3A_736 = arith.constant 16 : i32
        %parallel_loop3A_737 = arith.muli %parallel_loop3A_428, %parallel_loop3A_736 : i32
        %parallel_loop3A_738 = arith.constant 0 : i32
        %parallel_loop3A_739 = arith.constant 15 : i32
        %parallel_loop3A_740 = arith.index_cast %parallel_loop3A_738 : i32 to index
        %parallel_loop3A_741 = arith.index_cast %parallel_loop3A_739 : i32 to index
        %parallel_loop3A_742 = arith.index_cast %parallel_loop3A_737 : i32 to index
        %parallel_loop3A_743 = tpu.vector_load %arg7[%parallel_loop3A_740, %parallel_loop3A_741, %parallel_loop3A_742] {strides = array<i32>} : memref<2x32x1024xf32, #tpu.memory_space<vmem>>, vector<16xf32>,
        %parallel_loop3A_744 = arith.mulf %parallel_loop3A_465, %parallel_loop3A_743 : vector<16xf32>
        %parallel_loop3A_745 = arith.constant dense<true> : vector<16xi1>
        %parallel_loop3A_746, %parallel_loop3A_747, %parallel_loop3A_748 = tpu.sort %parallel_loop3A_744, %parallel_loop3A_743 masked %parallel_loop3A_745 {descending = true} : (vector<16xf32>, vector<16xf32>, vector<16xi1>) -> (vector<16xi1>, vector<16xf32>, vector<16xf32>)
        %parallel_loop3A_749 = arith.maximumf %parallel_loop3A_444, %parallel_loop3A_747 : vector<16xf32>
        %parallel_loop3A_750 = arith.constant dense<true> : vector<16xi1>
        %parallel_loop3A_751, %parallel_loop3A_752, %parallel_loop3A_753 = tpu.sort %parallel_loop3A_749, %parallel_loop3A_749 masked %parallel_loop3A_750 : (vector<16xf32>, vector<16xf32>, vector<16xi1>) -> (vector<16xi1>, vector<16xf32>, vector<16xf32>)
        %parallel_loop3A_754 = arith.constant 16 : i32
        %parallel_loop3A_755 = arith.muli %parallel_loop3A_428, %parallel_loop3A_754 : i32
        %parallel_loop3A_756 = arith.constant 0 : i32
        %parallel_loop3A_757 = arith.constant 16 : i32
        %parallel_loop3A_758 = arith.index_cast %parallel_loop3A_756 : i32 to index
        %parallel_loop3A_759 = arith.index_cast %parallel_loop3A_757 : i32 to index
        %parallel_loop3A_760 = arith.index_cast %parallel_loop3A_755 : i32 to index
        %parallel_loop3A_761 = tpu.vector_load %arg7[%parallel_loop3A_758, %parallel_loop3A_759, %parallel_loop3A_760] {strides = array<i32>} : memref<2x32x1024xf32, #tpu.memory_space<vmem>>, vector<16xf32>,
        %parallel_loop3A_762 = arith.mulf %parallel_loop3A_465, %parallel_loop3A_761 : vector<16xf32>
        %parallel_loop3A_763 = arith.constant dense<true> : vector<16xi1>
        %parallel_loop3A_764, %parallel_loop3A_765, %parallel_loop3A_766 = tpu.sort %parallel_loop3A_762, %parallel_loop3A_761 masked %parallel_loop3A_763 {descending = true} : (vector<16xf32>, vector<16xf32>, vector<16xi1>) -> (vector<16xi1>, vector<16xf32>, vector<16xf32>)
        %parallel_loop3A_767 = arith.maximumf %parallel_loop3A_445, %parallel_loop3A_765 : vector<16xf32>
        %parallel_loop3A_768 = arith.constant dense<true> : vector<16xi1>
        %parallel_loop3A_769, %parallel_loop3A_770, %parallel_loop3A_771 = tpu.sort %parallel_loop3A_767, %parallel_loop3A_767 masked %parallel_loop3A_768 : (vector<16xf32>, vector<16xf32>, vector<16xi1>) -> (vector<16xi1>, vector<16xf32>, vector<16xf32>)
        %parallel_loop3A_772 = arith.constant 16 : i32
        %parallel_loop3A_773 = arith.muli %parallel_loop3A_428, %parallel_loop3A_772 : i32
        %parallel_loop3A_774 = arith.constant 0 : i32
        %parallel_loop3A_775 = arith.constant 17 : i32
        %parallel_loop3A_776 = arith.index_cast %parallel_loop3A_774 : i32 to index
        %parallel_loop3A_777 = arith.index_cast %parallel_loop3A_775 : i32 to index
        %parallel_loop3A_778 = arith.index_cast %parallel_loop3A_773 : i32 to index
        %parallel_loop3A_779 = tpu.vector_load %arg7[%parallel_loop3A_776, %parallel_loop3A_777, %parallel_loop3A_778] {strides = array<i32>} : memref<2x32x1024xf32, #tpu.memory_space<vmem>>, vector<16xf32>,
        %parallel_loop3A_780 = arith.mulf %parallel_loop3A_465, %parallel_loop3A_779 : vector<16xf32>
        %parallel_loop3A_781 = arith.constant dense<true> : vector<16xi1>
        %parallel_loop3A_782, %parallel_loop3A_783, %parallel_loop3A_784 = tpu.sort %parallel_loop3A_780, %parallel_loop3A_779 masked %parallel_loop3A_781 {descending = true} : (vector<16xf32>, vector<16xf32>, vector<16xi1>) -> (vector<16xi1>, vector<16xf32>, vector<16xf32>)
        %parallel_loop3A_785 = arith.maximumf %parallel_loop3A_446, %parallel_loop3A_783 : vector<16xf32>
        %parallel_loop3A_786 = arith.constant dense<true> : vector<16xi1>
        %parallel_loop3A_787, %parallel_loop3A_788, %parallel_loop3A_789 = tpu.sort %parallel_loop3A_785, %parallel_loop3A_785 masked %parallel_loop3A_786 : (vector<16xf32>, vector<16xf32>, vector<16xi1>) -> (vector<16xi1>, vector<16xf32>, vector<16xf32>)
        %parallel_loop3A_790 = arith.constant 16 : i32
        %parallel_loop3A_791 = arith.muli %parallel_loop3A_428, %parallel_loop3A_790 : i32
        %parallel_loop3A_792 = arith.constant 0 : i32
        %parallel_loop3A_793 = arith.constant 18 : i32
        %parallel_loop3A_794 = arith.index_cast %parallel_loop3A_792 : i32 to index
        %parallel_loop3A_795 = arith.index_cast %parallel_loop3A_793 : i32 to index
        %parallel_loop3A_796 = arith.index_cast %parallel_loop3A_791 : i32 to index
        %parallel_loop3A_797 = tpu.vector_load %arg7[%parallel_loop3A_794, %parallel_loop3A_795, %parallel_loop3A_796] {strides = array<i32>} : memref<2x32x1024xf32, #tpu.memory_space<vmem>>, vector<16xf32>,
        %parallel_loop3A_798 = arith.mulf %parallel_loop3A_465, %parallel_loop3A_797 : vector<16xf32>
        %parallel_loop3A_799 = arith.constant dense<true> : vector<16xi1>
        %parallel_loop3A_800, %parallel_loop3A_801, %parallel_loop3A_802 = tpu.sort %parallel_loop3A_798, %parallel_loop3A_797 masked %parallel_loop3A_799 {descending = true} : (vector<16xf32>, vector<16xf32>, vector<16xi1>) -> (vector<16xi1>, vector<16xf32>, vector<16xf32>)
        %parallel_loop3A_803 = arith.maximumf %parallel_loop3A_447, %parallel_loop3A_801 : vector<16xf32>
        %parallel_loop3A_804 = arith.constant dense<true> : vector<16xi1>
        %parallel_loop3A_805, %parallel_loop3A_806, %parallel_loop3A_807 = tpu.sort %parallel_loop3A_803, %parallel_loop3A_803 masked %parallel_loop3A_804 : (vector<16xf32>, vector<16xf32>, vector<16xi1>) -> (vector<16xi1>, vector<16xf32>, vector<16xf32>)
        %parallel_loop3A_808 = arith.constant 16 : i32
        %parallel_loop3A_809 = arith.muli %parallel_loop3A_428, %parallel_loop3A_808 : i32
        %parallel_loop3A_810 = arith.constant 0 : i32
        %parallel_loop3A_811 = arith.constant 19 : i32
        %parallel_loop3A_812 = arith.index_cast %parallel_loop3A_810 : i32 to index
        %parallel_loop3A_813 = arith.index_cast %parallel_loop3A_811 : i32 to index
        %parallel_loop3A_814 = arith.index_cast %parallel_loop3A_809 : i32 to index
        %parallel_loop3A_815 = tpu.vector_load %arg7[%parallel_loop3A_812, %parallel_loop3A_813, %parallel_loop3A_814] {strides = array<i32>} : memref<2x32x1024xf32, #tpu.memory_space<vmem>>, vector<16xf32>,
        %parallel_loop3A_816 = arith.mulf %parallel_loop3A_465, %parallel_loop3A_815 : vector<16xf32>
        %parallel_loop3A_817 = arith.constant dense<true> : vector<16xi1>
        %parallel_loop3A_818, %parallel_loop3A_819, %parallel_loop3A_820 = tpu.sort %parallel_loop3A_816, %parallel_loop3A_815 masked %parallel_loop3A_817 {descending = true} : (vector<16xf32>, vector<16xf32>, vector<16xi1>) -> (vector<16xi1>, vector<16xf32>, vector<16xf32>)
        %parallel_loop3A_821 = arith.maximumf %parallel_loop3A_448, %parallel_loop3A_819 : vector<16xf32>
        %parallel_loop3A_822 = arith.constant dense<true> : vector<16xi1>
        %parallel_loop3A_823, %parallel_loop3A_824, %parallel_loop3A_825 = tpu.sort %parallel_loop3A_821, %parallel_loop3A_821 masked %parallel_loop3A_822 : (vector<16xf32>, vector<16xf32>, vector<16xi1>) -> (vector<16xi1>, vector<16xf32>, vector<16xf32>)
        %parallel_loop3A_826 = arith.constant 16 : i32
        %parallel_loop3A_827 = arith.muli %parallel_loop3A_428, %parallel_loop3A_826 : i32
        %parallel_loop3A_828 = arith.constant 0 : i32
        %parallel_loop3A_829 = arith.constant 20 : i32
        %parallel_loop3A_830 = arith.index_cast %parallel_loop3A_828 : i32 to index
        %parallel_loop3A_831 = arith.index_cast %parallel_loop3A_829 : i32 to index
        %parallel_loop3A_832 = arith.index_cast %parallel_loop3A_827 : i32 to index
        %parallel_loop3A_833 = tpu.vector_load %arg7[%parallel_loop3A_830, %parallel_loop3A_831, %parallel_loop3A_832] {strides = array<i32>} : memref<2x32x1024xf32, #tpu.memory_space<vmem>>, vector<16xf32>,
        %parallel_loop3A_834 = arith.mulf %parallel_loop3A_465, %parallel_loop3A_833 : vector<16xf32>
        %parallel_loop3A_835 = arith.constant dense<true> : vector<16xi1>
        %parallel_loop3A_836, %parallel_loop3A_837, %parallel_loop3A_838 = tpu.sort %parallel_loop3A_834, %parallel_loop3A_833 masked %parallel_loop3A_835 {descending = true} : (vector<16xf32>, vector<16xf32>, vector<16xi1>) -> (vector<16xi1>, vector<16xf32>, vector<16xf32>)
        %parallel_loop3A_839 = arith.maximumf %parallel_loop3A_449, %parallel_loop3A_837 : vector<16xf32>
        %parallel_loop3A_840 = arith.constant dense<true> : vector<16xi1>
        %parallel_loop3A_841, %parallel_loop3A_842, %parallel_loop3A_843 = tpu.sort %parallel_loop3A_839, %parallel_loop3A_839 masked %parallel_loop3A_840 : (vector<16xf32>, vector<16xf32>, vector<16xi1>) -> (vector<16xi1>, vector<16xf32>, vector<16xf32>)
        %parallel_loop3A_844 = arith.constant 16 : i32
        %parallel_loop3A_845 = arith.muli %parallel_loop3A_428, %parallel_loop3A_844 : i32
        %parallel_loop3A_846 = arith.constant 0 : i32
        %parallel_loop3A_847 = arith.constant 21 : i32
        %parallel_loop3A_848 = arith.index_cast %parallel_loop3A_846 : i32 to index
        %parallel_loop3A_849 = arith.index_cast %parallel_loop3A_847 : i32 to index
        %parallel_loop3A_850 = arith.index_cast %parallel_loop3A_845 : i32 to index
        %parallel_loop3A_851 = tpu.vector_load %arg7[%parallel_loop3A_848, %parallel_loop3A_849, %parallel_loop3A_850] {strides = array<i32>} : memref<2x32x1024xf32, #tpu.memory_space<vmem>>, vector<16xf32>,
        %parallel_loop3A_852 = arith.mulf %parallel_loop3A_465, %parallel_loop3A_851 : vector<16xf32>
        %parallel_loop3A_853 = arith.constant dense<true> : vector<16xi1>
        %parallel_loop3A_854, %parallel_loop3A_855, %parallel_loop3A_856 = tpu.sort %parallel_loop3A_852, %parallel_loop3A_851 masked %parallel_loop3A_853 {descending = true} : (vector<16xf32>, vector<16xf32>, vector<16xi1>) -> (vector<16xi1>, vector<16xf32>, vector<16xf32>)
        %parallel_loop3A_857 = arith.maximumf %parallel_loop3A_450, %parallel_loop3A_855 : vector<16xf32>
        %parallel_loop3A_858 = arith.constant dense<true> : vector<16xi1>
        %parallel_loop3A_859, %parallel_loop3A_860, %parallel_loop3A_861 = tpu.sort %parallel_loop3A_857, %parallel_loop3A_857 masked %parallel_loop3A_858 : (vector<16xf32>, vector<16xf32>, vector<16xi1>) -> (vector<16xi1>, vector<16xf32>, vector<16xf32>)
        %parallel_loop3A_862 = arith.constant 16 : i32
        %parallel_loop3A_863 = arith.muli %parallel_loop3A_428, %parallel_loop3A_862 : i32
        %parallel_loop3A_864 = arith.constant 0 : i32
        %parallel_loop3A_865 = arith.constant 22 : i32
        %parallel_loop3A_866 = arith.index_cast %parallel_loop3A_864 : i32 to index
        %parallel_loop3A_867 = arith.index_cast %parallel_loop3A_865 : i32 to index
        %parallel_loop3A_868 = arith.index_cast %parallel_loop3A_863 : i32 to index
        %parallel_loop3A_869 = tpu.vector_load %arg7[%parallel_loop3A_866, %parallel_loop3A_867, %parallel_loop3A_868] {strides = array<i32>} : memref<2x32x1024xf32, #tpu.memory_space<vmem>>, vector<16xf32>,
        %parallel_loop3A_870 = arith.mulf %parallel_loop3A_465, %parallel_loop3A_869 : vector<16xf32>
        %parallel_loop3A_871 = arith.constant dense<true> : vector<16xi1>
        %parallel_loop3A_872, %parallel_loop3A_873, %parallel_loop3A_874 = tpu.sort %parallel_loop3A_870, %parallel_loop3A_869 masked %parallel_loop3A_871 {descending = true} : (vector<16xf32>, vector<16xf32>, vector<16xi1>) -> (vector<16xi1>, vector<16xf32>, vector<16xf32>)
        %parallel_loop3A_875 = arith.maximumf %parallel_loop3A_451, %parallel_loop3A_873 : vector<16xf32>
        %parallel_loop3A_876 = arith.constant dense<true> : vector<16xi1>
        %parallel_loop3A_877, %parallel_loop3A_878, %parallel_loop3A_879 = tpu.sort %parallel_loop3A_875, %parallel_loop3A_875 masked %parallel_loop3A_876 : (vector<16xf32>, vector<16xf32>, vector<16xi1>) -> (vector<16xi1>, vector<16xf32>, vector<16xf32>)
        %parallel_loop3A_880 = arith.constant 16 : i32
        %parallel_loop3A_881 = arith.muli %parallel_loop3A_428, %parallel_loop3A_880 : i32
        %parallel_loop3A_882 = arith.constant 0 : i32
        %parallel_loop3A_883 = arith.constant 23 : i32
        %parallel_loop3A_884 = arith.index_cast %parallel_loop3A_882 : i32 to index
        %parallel_loop3A_885 = arith.index_cast %parallel_loop3A_883 : i32 to index
        %parallel_loop3A_886 = arith.index_cast %parallel_loop3A_881 : i32 to index
        %parallel_loop3A_887 = tpu.vector_load %arg7[%parallel_loop3A_884, %parallel_loop3A_885, %parallel_loop3A_886] {strides = array<i32>} : memref<2x32x1024xf32, #tpu.memory_space<vmem>>, vector<16xf32>,
        %parallel_loop3A_888 = arith.mulf %parallel_loop3A_465, %parallel_loop3A_887 : vector<16xf32>
        %parallel_loop3A_889 = arith.constant dense<true> : vector<16xi1>
        %parallel_loop3A_890, %parallel_loop3A_891, %parallel_loop3A_892 = tpu.sort %parallel_loop3A_888, %parallel_loop3A_887 masked %parallel_loop3A_889 {descending = true} : (vector<16xf32>, vector<16xf32>, vector<16xi1>) -> (vector<16xi1>, vector<16xf32>, vector<16xf32>)
        %parallel_loop3A_893 = arith.maximumf %parallel_loop3A_452, %parallel_loop3A_891 : vector<16xf32>
        %parallel_loop3A_894 = arith.constant dense<true> : vector<16xi1>
        %parallel_loop3A_895, %parallel_loop3A_896, %parallel_loop3A_897 = tpu.sort %parallel_loop3A_893, %parallel_loop3A_893 masked %parallel_loop3A_894 : (vector<16xf32>, vector<16xf32>, vector<16xi1>) -> (vector<16xi1>, vector<16xf32>, vector<16xf32>)
        %parallel_loop3A_898 = arith.constant 16 : i32
        %parallel_loop3A_899 = arith.muli %parallel_loop3A_428, %parallel_loop3A_898 : i32
        %parallel_loop3A_900 = arith.constant 0 : i32
        %parallel_loop3A_901 = arith.constant 24 : i32
        %parallel_loop3A_902 = arith.index_cast %parallel_loop3A_900 : i32 to index
        %parallel_loop3A_903 = arith.index_cast %parallel_loop3A_901 : i32 to index
        %parallel_loop3A_904 = arith.index_cast %parallel_loop3A_899 : i32 to index
        %parallel_loop3A_905 = tpu.vector_load %arg7[%parallel_loop3A_902, %parallel_loop3A_903, %parallel_loop3A_904] {strides = array<i32>} : memref<2x32x1024xf32, #tpu.memory_space<vmem>>, vector<16xf32>,
        %parallel_loop3A_906 = arith.mulf %parallel_loop3A_465, %parallel_loop3A_905 : vector<16xf32>
        %parallel_loop3A_907 = arith.constant dense<true> : vector<16xi1>
        %parallel_loop3A_908, %parallel_loop3A_909, %parallel_loop3A_910 = tpu.sort %parallel_loop3A_906, %parallel_loop3A_905 masked %parallel_loop3A_907 {descending = true} : (vector<16xf32>, vector<16xf32>, vector<16xi1>) -> (vector<16xi1>, vector<16xf32>, vector<16xf32>)
        %parallel_loop3A_911 = arith.maximumf %parallel_loop3A_453, %parallel_loop3A_909 : vector<16xf32>
        %parallel_loop3A_912 = arith.constant dense<true> : vector<16xi1>
        %parallel_loop3A_913, %parallel_loop3A_914, %parallel_loop3A_915 = tpu.sort %parallel_loop3A_911, %parallel_loop3A_911 masked %parallel_loop3A_912 : (vector<16xf32>, vector<16xf32>, vector<16xi1>) -> (vector<16xi1>, vector<16xf32>, vector<16xf32>)
        %parallel_loop3A_916 = arith.constant 16 : i32
        %parallel_loop3A_917 = arith.muli %parallel_loop3A_428, %parallel_loop3A_916 : i32
        %parallel_loop3A_918 = arith.constant 0 : i32
        %parallel_loop3A_919 = arith.constant 25 : i32
        %parallel_loop3A_920 = arith.index_cast %parallel_loop3A_918 : i32 to index
        %parallel_loop3A_921 = arith.index_cast %parallel_loop3A_919 : i32 to index
        %parallel_loop3A_922 = arith.index_cast %parallel_loop3A_917 : i32 to index
        %parallel_loop3A_923 = tpu.vector_load %arg7[%parallel_loop3A_920, %parallel_loop3A_921, %parallel_loop3A_922] {strides = array<i32>} : memref<2x32x1024xf32, #tpu.memory_space<vmem>>, vector<16xf32>,
        %parallel_loop3A_924 = arith.mulf %parallel_loop3A_465, %parallel_loop3A_923 : vector<16xf32>
        %parallel_loop3A_925 = arith.constant dense<true> : vector<16xi1>
        %parallel_loop3A_926, %parallel_loop3A_927, %parallel_loop3A_928 = tpu.sort %parallel_loop3A_924, %parallel_loop3A_923 masked %parallel_loop3A_925 {descending = true} : (vector<16xf32>, vector<16xf32>, vector<16xi1>) -> (vector<16xi1>, vector<16xf32>, vector<16xf32>)
        %parallel_loop3A_929 = arith.maximumf %parallel_loop3A_454, %parallel_loop3A_927 : vector<16xf32>
        %parallel_loop3A_930 = arith.constant dense<true> : vector<16xi1>
        %parallel_loop3A_931, %parallel_loop3A_932, %parallel_loop3A_933 = tpu.sort %parallel_loop3A_929, %parallel_loop3A_929 masked %parallel_loop3A_930 : (vector<16xf32>, vector<16xf32>, vector<16xi1>) -> (vector<16xi1>, vector<16xf32>, vector<16xf32>)
        %parallel_loop3A_934 = arith.constant 16 : i32
        %parallel_loop3A_935 = arith.muli %parallel_loop3A_428, %parallel_loop3A_934 : i32
        %parallel_loop3A_936 = arith.constant 0 : i32
        %parallel_loop3A_937 = arith.constant 26 : i32
        %parallel_loop3A_938 = arith.index_cast %parallel_loop3A_936 : i32 to index
        %parallel_loop3A_939 = arith.index_cast %parallel_loop3A_937 : i32 to index
        %parallel_loop3A_940 = arith.index_cast %parallel_loop3A_935 : i32 to index
        %parallel_loop3A_941 = tpu.vector_load %arg7[%parallel_loop3A_938, %parallel_loop3A_939, %parallel_loop3A_940] {strides = array<i32>} : memref<2x32x1024xf32, #tpu.memory_space<vmem>>, vector<16xf32>,
        %parallel_loop3A_942 = arith.mulf %parallel_loop3A_465, %parallel_loop3A_941 : vector<16xf32>
        %parallel_loop3A_943 = arith.constant dense<true> : vector<16xi1>
        %parallel_loop3A_944, %parallel_loop3A_945, %parallel_loop3A_946 = tpu.sort %parallel_loop3A_942, %parallel_loop3A_941 masked %parallel_loop3A_943 {descending = true} : (vector<16xf32>, vector<16xf32>, vector<16xi1>) -> (vector<16xi1>, vector<16xf32>, vector<16xf32>)
        %parallel_loop3A_947 = arith.maximumf %parallel_loop3A_455, %parallel_loop3A_945 : vector<16xf32>
        %parallel_loop3A_948 = arith.constant dense<true> : vector<16xi1>
        %parallel_loop3A_949, %parallel_loop3A_950, %parallel_loop3A_951 = tpu.sort %parallel_loop3A_947, %parallel_loop3A_947 masked %parallel_loop3A_948 : (vector<16xf32>, vector<16xf32>, vector<16xi1>) -> (vector<16xi1>, vector<16xf32>, vector<16xf32>)
        %parallel_loop3A_952 = arith.constant 16 : i32
        %parallel_loop3A_953 = arith.muli %parallel_loop3A_428, %parallel_loop3A_952 : i32
        %parallel_loop3A_954 = arith.constant 0 : i32
        %parallel_loop3A_955 = arith.constant 27 : i32
        %parallel_loop3A_956 = arith.index_cast %parallel_loop3A_954 : i32 to index
        %parallel_loop3A_957 = arith.index_cast %parallel_loop3A_955 : i32 to index
        %parallel_loop3A_958 = arith.index_cast %parallel_loop3A_953 : i32 to index
        %parallel_loop3A_959 = tpu.vector_load %arg7[%parallel_loop3A_956, %parallel_loop3A_957, %parallel_loop3A_958] {strides = array<i32>} : memref<2x32x1024xf32, #tpu.memory_space<vmem>>, vector<16xf32>,
        %parallel_loop3A_960 = arith.mulf %parallel_loop3A_465, %parallel_loop3A_959 : vector<16xf32>
        %parallel_loop3A_961 = arith.constant dense<true> : vector<16xi1>
        %parallel_loop3A_962, %parallel_loop3A_963, %parallel_loop3A_964 = tpu.sort %parallel_loop3A_960, %parallel_loop3A_959 masked %parallel_loop3A_961 {descending = true} : (vector<16xf32>, vector<16xf32>, vector<16xi1>) -> (vector<16xi1>, vector<16xf32>, vector<16xf32>)
        %parallel_loop3A_965 = arith.maximumf %parallel_loop3A_456, %parallel_loop3A_963 : vector<16xf32>
        %parallel_loop3A_966 = arith.constant dense<true> : vector<16xi1>
        %parallel_loop3A_967, %parallel_loop3A_968, %parallel_loop3A_969 = tpu.sort %parallel_loop3A_965, %parallel_loop3A_965 masked %parallel_loop3A_966 : (vector<16xf32>, vector<16xf32>, vector<16xi1>) -> (vector<16xi1>, vector<16xf32>, vector<16xf32>)
        %parallel_loop3A_970 = arith.constant 16 : i32
        %parallel_loop3A_971 = arith.muli %parallel_loop3A_428, %parallel_loop3A_970 : i32
        %parallel_loop3A_972 = arith.constant 0 : i32
        %parallel_loop3A_973 = arith.constant 28 : i32
        %parallel_loop3A_974 = arith.index_cast %parallel_loop3A_972 : i32 to index
        %parallel_loop3A_975 = arith.index_cast %parallel_loop3A_973 : i32 to index
        %parallel_loop3A_976 = arith.index_cast %parallel_loop3A_971 : i32 to index
        %parallel_loop3A_977 = tpu.vector_load %arg7[%parallel_loop3A_974, %parallel_loop3A_975, %parallel_loop3A_976] {strides = array<i32>} : memref<2x32x1024xf32, #tpu.memory_space<vmem>>, vector<16xf32>,
        %parallel_loop3A_978 = arith.mulf %parallel_loop3A_465, %parallel_loop3A_977 : vector<16xf32>
        %parallel_loop3A_979 = arith.constant dense<true> : vector<16xi1>
        %parallel_loop3A_980, %parallel_loop3A_981, %parallel_loop3A_982 = tpu.sort %parallel_loop3A_978, %parallel_loop3A_977 masked %parallel_loop3A_979 {descending = true} : (vector<16xf32>, vector<16xf32>, vector<16xi1>) -> (vector<16xi1>, vector<16xf32>, vector<16xf32>)
        %parallel_loop3A_983 = arith.maximumf %parallel_loop3A_457, %parallel_loop3A_981 : vector<16xf32>
        %parallel_loop3A_984 = arith.constant dense<true> : vector<16xi1>
        %parallel_loop3A_985, %parallel_loop3A_986, %parallel_loop3A_987 = tpu.sort %parallel_loop3A_983, %parallel_loop3A_983 masked %parallel_loop3A_984 : (vector<16xf32>, vector<16xf32>, vector<16xi1>) -> (vector<16xi1>, vector<16xf32>, vector<16xf32>)
        %parallel_loop3A_988 = arith.constant 16 : i32
        %parallel_loop3A_989 = arith.muli %parallel_loop3A_428, %parallel_loop3A_988 : i32
        %parallel_loop3A_990 = arith.constant 0 : i32
        %parallel_loop3A_991 = arith.constant 29 : i32
        %parallel_loop3A_992 = arith.index_cast %parallel_loop3A_990 : i32 to index
        %parallel_loop3A_993 = arith.index_cast %parallel_loop3A_991 : i32 to index
        %parallel_loop3A_994 = arith.index_cast %parallel_loop3A_989 : i32 to index
        %parallel_loop3A_995 = tpu.vector_load %arg7[%parallel_loop3A_992, %parallel_loop3A_993, %parallel_loop3A_994] {strides = array<i32>} : memref<2x32x1024xf32, #tpu.memory_space<vmem>>, vector<16xf32>,
        %parallel_loop3A_996 = arith.mulf %parallel_loop3A_465, %parallel_loop3A_995 : vector<16xf32>
        %parallel_loop3A_997 = arith.constant dense<true> : vector<16xi1>
        %parallel_loop3A_998, %parallel_loop3A_999, %parallel_loop3A_1000 = tpu.sort %parallel_loop3A_996, %parallel_loop3A_995 masked %parallel_loop3A_997 {descending = true} : (vector<16xf32>, vector<16xf32>, vector<16xi1>) -> (vector<16xi1>, vector<16xf32>, vector<16xf32>)
        %parallel_loop3A_1001 = arith.maximumf %parallel_loop3A_458, %parallel_loop3A_999 : vector<16xf32>
        %parallel_loop3A_1002 = arith.constant dense<true> : vector<16xi1>
        %parallel_loop3A_1003, %parallel_loop3A_1004, %parallel_loop3A_1005 = tpu.sort %parallel_loop3A_1001, %parallel_loop3A_1001 masked %parallel_loop3A_1002 : (vector<16xf32>, vector<16xf32>, vector<16xi1>) -> (vector<16xi1>, vector<16xf32>, vector<16xf32>)
        %parallel_loop3A_1006 = arith.constant 16 : i32
        %parallel_loop3A_1007 = arith.muli %parallel_loop3A_428, %parallel_loop3A_1006 : i32
        %parallel_loop3A_1008 = arith.constant 0 : i32
        %parallel_loop3A_1009 = arith.constant 30 : i32
        %parallel_loop3A_1010 = arith.index_cast %parallel_loop3A_1008 : i32 to index
        %parallel_loop3A_1011 = arith.index_cast %parallel_loop3A_1009 : i32 to index
        %parallel_loop3A_1012 = arith.index_cast %parallel_loop3A_1007 : i32 to index
        %parallel_loop3A_1013 = tpu.vector_load %arg7[%parallel_loop3A_1010, %parallel_loop3A_1011, %parallel_loop3A_1012] {strides = array<i32>} : memref<2x32x1024xf32, #tpu.memory_space<vmem>>, vector<16xf32>,
        %parallel_loop3A_1014 = arith.mulf %parallel_loop3A_465, %parallel_loop3A_1013 : vector<16xf32>
        %parallel_loop3A_1015 = arith.constant dense<true> : vector<16xi1>
        %parallel_loop3A_1016, %parallel_loop3A_1017, %parallel_loop3A_1018 = tpu.sort %parallel_loop3A_1014, %parallel_loop3A_1013 masked %parallel_loop3A_1015 {descending = true} : (vector<16xf32>, vector<16xf32>, vector<16xi1>) -> (vector<16xi1>, vector<16xf32>, vector<16xf32>)
        %parallel_loop3A_1019 = arith.maximumf %parallel_loop3A_459, %parallel_loop3A_1017 : vector<16xf32>
        %parallel_loop3A_1020 = arith.constant dense<true> : vector<16xi1>
        %parallel_loop3A_1021, %parallel_loop3A_1022, %parallel_loop3A_1023 = tpu.sort %parallel_loop3A_1019, %parallel_loop3A_1019 masked %parallel_loop3A_1020 : (vector<16xf32>, vector<16xf32>, vector<16xi1>) -> (vector<16xi1>, vector<16xf32>, vector<16xf32>)
        %parallel_loop3A_1024 = arith.constant 16 : i32
        %parallel_loop3A_1025 = arith.muli %parallel_loop3A_428, %parallel_loop3A_1024 : i32
        %parallel_loop3A_1026 = arith.constant 0 : i32
        %parallel_loop3A_1027 = arith.constant 31 : i32
        %parallel_loop3A_1028 = arith.index_cast %parallel_loop3A_1026 : i32 to index
        %parallel_loop3A_1029 = arith.index_cast %parallel_loop3A_1027 : i32 to index
        %parallel_loop3A_1030 = arith.index_cast %parallel_loop3A_1025 : i32 to index
        %parallel_loop3A_1031 = tpu.vector_load %arg7[%parallel_loop3A_1028, %parallel_loop3A_1029, %parallel_loop3A_1030] {strides = array<i32>} : memref<2x32x1024xf32, #tpu.memory_space<vmem>>, vector<16xf32>,
        %parallel_loop3A_1032 = arith.mulf %parallel_loop3A_465, %parallel_loop3A_1031 : vector<16xf32>
        %parallel_loop3A_1033 = arith.constant dense<true> : vector<16xi1>
        %parallel_loop3A_1034, %parallel_loop3A_1035, %parallel_loop3A_1036 = tpu.sort %parallel_loop3A_1032, %parallel_loop3A_1031 masked %parallel_loop3A_1033 {descending = true} : (vector<16xf32>, vector<16xf32>, vector<16xi1>) -> (vector<16xi1>, vector<16xf32>, vector<16xf32>)
        %parallel_loop3A_1037 = arith.maximumf %parallel_loop3A_460, %parallel_loop3A_1035 : vector<16xf32>
        %parallel_loop3A_1038 = arith.constant dense<true> : vector<16xi1>
        %parallel_loop3A_1039, %parallel_loop3A_1040, %parallel_loop3A_1041 = tpu.sort %parallel_loop3A_1037, %parallel_loop3A_1037 masked %parallel_loop3A_1038 : (vector<16xf32>, vector<16xf32>, vector<16xi1>) -> (vector<16xi1>, vector<16xf32>, vector<16xf32>)
        scf.yield %parallel_loop3A_482, %parallel_loop3A_500, %parallel_loop3A_518, %parallel_loop3A_536, %parallel_loop3A_554, %parallel_loop3A_572, %parallel_loop3A_590, %parallel_loop3A_608, %parallel_loop3A_626, %parallel_loop3A_644, %parallel_loop3A_662, %parallel_loop3A_680, %parallel_loop3A_698, %parallel_loop3A_716, %parallel_loop3A_734, %parallel_loop3A_752, %parallel_loop3A_770, %parallel_loop3A_788, %parallel_loop3A_806, %parallel_loop3A_824, %parallel_loop3A_842, %parallel_loop3A_860, %parallel_loop3A_878, %parallel_loop3A_896, %parallel_loop3A_914, %parallel_loop3A_932, %parallel_loop3A_950, %parallel_loop3A_968, %parallel_loop3A_986, %parallel_loop3A_1004, %parallel_loop3A_1022, %parallel_loop3A_1040 : vector<16xf32>, vector<16xf32>, vector<16xf32>, vector<16xf32>, vector<16xf32>, vector<16xf32>, vector<16xf32>, vector<16xf32>, vector<16xf32>, vector<16xf32>, vector<16xf32>, vector<16xf32>, vector<16xf32>, vector<16xf32>, vector<16xf32>, vector<16xf32>, vector<16xf32>, vector<16xf32>, vector<16xf32>, vector<16xf32>, vector<16xf32>, vector<16xf32>, vector<16xf32>, vector<16xf32>, vector<16xf32>, vector<16xf32>, vector<16xf32>, vector<16xf32>, vector<16xf32>, vector<16xf32>, vector<16xf32>, vector<16xf32>
      } {sc.loop_unroll_factor = 1 : i64, sc.parallel_access}
      %parallel_loop3A_364 = arith.constant 0 : i32
      %parallel_loop3A_365 = vector.broadcast %parallel_loop3A_364 : i32 to vector<16xi32>
      tpu.vector_store_idx %arg8[%parallel_loop3A_295, %sub3A_25, %parallel_loop3A_365], %parallel_loop3A_363#0 : memref<32x17x32xf32, #tpu.memory_space<vmem>>[vector<16xi32>, vector<16xi32>, vector<16xi32>], vector<16xf32>,
      %parallel_loop3A_366 = arith.constant 1 : i32
      %parallel_loop3A_367 = vector.broadcast %parallel_loop3A_366 : i32 to vector<16xi32>
      tpu.vector_store_idx %arg8[%parallel_loop3A_295, %sub3A_25, %parallel_loop3A_367], %parallel_loop3A_363#1 : memref<32x17x32xf32, #tpu.memory_space<vmem>>[vector<16xi32>, vector<16xi32>, vector<16xi32>], vector<16xf32>,
      %parallel_loop3A_368 = arith.constant 2 : i32
      %parallel_loop3A_369 = vector.broadcast %parallel_loop3A_368 : i32 to vector<16xi32>
      tpu.vector_store_idx %arg8[%parallel_loop3A_295, %sub3A_25, %parallel_loop3A_369], %parallel_loop3A_363#2 : memref<32x17x32xf32, #tpu.memory_space<vmem>>[vector<16xi32>, vector<16xi32>, vector<16xi32>], vector<16xf32>,
      %parallel_loop3A_370 = arith.constant 3 : i32
      %parallel_loop3A_371 = vector.broadcast %parallel_loop3A_370 : i32 to vector<16xi32>
      tpu.vector_store_idx %arg8[%parallel_loop3A_295, %sub3A_25, %parallel_loop3A_371], %parallel_loop3A_363#3 : memref<32x17x32xf32, #tpu.memory_space<vmem>>[vector<16xi32>, vector<16xi32>, vector<16xi32>], vector<16xf32>,
      %parallel_loop3A_372 = arith.constant 4 : i32
      %parallel_loop3A_373 = vector.broadcast %parallel_loop3A_372 : i32 to vector<16xi32>
      tpu.vector_store_idx %arg8[%parallel_loop3A_295, %sub3A_25, %parallel_loop3A_373], %parallel_loop3A_363#4 : memref<32x17x32xf32, #tpu.memory_space<vmem>>[vector<16xi32>, vector<16xi32>, vector<16xi32>], vector<16xf32>,
      %parallel_loop3A_374 = arith.constant 5 : i32
      %parallel_loop3A_375 = vector.broadcast %parallel_loop3A_374 : i32 to vector<16xi32>
      tpu.vector_store_idx %arg8[%parallel_loop3A_295, %sub3A_25, %parallel_loop3A_375], %parallel_loop3A_363#5 : memref<32x17x32xf32, #tpu.memory_space<vmem>>[vector<16xi32>, vector<16xi32>, vector<16xi32>], vector<16xf32>,
      %parallel_loop3A_376 = arith.constant 6 : i32
      %parallel_loop3A_377 = vector.broadcast %parallel_loop3A_376 : i32 to vector<16xi32>
      tpu.vector_store_idx %arg8[%parallel_loop3A_295, %sub3A_25, %parallel_loop3A_377], %parallel_loop3A_363#6 : memref<32x17x32xf32, #tpu.memory_space<vmem>>[vector<16xi32>, vector<16xi32>, vector<16xi32>], vector<16xf32>,
      %parallel_loop3A_378 = arith.constant 7 : i32
      %parallel_loop3A_379 = vector.broadcast %parallel_loop3A_378 : i32 to vector<16xi32>
      tpu.vector_store_idx %arg8[%parallel_loop3A_295, %sub3A_25, %parallel_loop3A_379], %parallel_loop3A_363#7 : memref<32x17x32xf32, #tpu.memory_space<vmem>>[vector<16xi32>, vector<16xi32>, vector<16xi32>], vector<16xf32>,
      %parallel_loop3A_380 = arith.constant 8 : i32
      %parallel_loop3A_381 = vector.broadcast %parallel_loop3A_380 : i32 to vector<16xi32>
      tpu.vector_store_idx %arg8[%parallel_loop3A_295, %sub3A_25, %parallel_loop3A_381], %parallel_loop3A_363#8 : memref<32x17x32xf32, #tpu.memory_space<vmem>>[vector<16xi32>, vector<16xi32>, vector<16xi32>], vector<16xf32>,
      %parallel_loop3A_382 = arith.constant 9 : i32
      %parallel_loop3A_383 = vector.broadcast %parallel_loop3A_382 : i32 to vector<16xi32>
      tpu.vector_store_idx %arg8[%parallel_loop3A_295, %sub3A_25, %parallel_loop3A_383], %parallel_loop3A_363#9 : memref<32x17x32xf32, #tpu.memory_space<vmem>>[vector<16xi32>, vector<16xi32>, vector<16xi32>], vector<16xf32>,
      %parallel_loop3A_384 = arith.constant 10 : i32
      %parallel_loop3A_385 = vector.broadcast %parallel_loop3A_384 : i32 to vector<16xi32>
      tpu.vector_store_idx %arg8[%parallel_loop3A_295, %sub3A_25, %parallel_loop3A_385], %parallel_loop3A_363#10 : memref<32x17x32xf32, #tpu.memory_space<vmem>>[vector<16xi32>, vector<16xi32>, vector<16xi32>], vector<16xf32>,
      %parallel_loop3A_386 = arith.constant 11 : i32
      %parallel_loop3A_387 = vector.broadcast %parallel_loop3A_386 : i32 to vector<16xi32>
      tpu.vector_store_idx %arg8[%parallel_loop3A_295, %sub3A_25, %parallel_loop3A_387], %parallel_loop3A_363#11 : memref<32x17x32xf32, #tpu.memory_space<vmem>>[vector<16xi32>, vector<16xi32>, vector<16xi32>], vector<16xf32>,
      %parallel_loop3A_388 = arith.constant 12 : i32
      %parallel_loop3A_389 = vector.broadcast %parallel_loop3A_388 : i32 to vector<16xi32>
      tpu.vector_store_idx %arg8[%parallel_loop3A_295, %sub3A_25, %parallel_loop3A_389], %parallel_loop3A_363#12 : memref<32x17x32xf32, #tpu.memory_space<vmem>>[vector<16xi32>, vector<16xi32>, vector<16xi32>], vector<16xf32>,
      %parallel_loop3A_390 = arith.constant 13 : i32
      %parallel_loop3A_391 = vector.broadcast %parallel_loop3A_390 : i32 to vector<16xi32>
      tpu.vector_store_idx %arg8[%parallel_loop3A_295, %sub3A_25, %parallel_loop3A_391], %parallel_loop3A_363#13 : memref<32x17x32xf32, #tpu.memory_space<vmem>>[vector<16xi32>, vector<16xi32>, vector<16xi32>], vector<16xf32>,
      %parallel_loop3A_392 = arith.constant 14 : i32
      %parallel_loop3A_393 = vector.broadcast %parallel_loop3A_392 : i32 to vector<16xi32>
      tpu.vector_store_idx %arg8[%parallel_loop3A_295, %sub3A_25, %parallel_loop3A_393], %parallel_loop3A_363#14 : memref<32x17x32xf32, #tpu.memory_space<vmem>>[vector<16xi32>, vector<16xi32>, vector<16xi32>], vector<16xf32>,
      %parallel_loop3A_394 = arith.constant 15 : i32
      %parallel_loop3A_395 = vector.broadcast %parallel_loop3A_394 : i32 to vector<16xi32>
      tpu.vector_store_idx %arg8[%parallel_loop3A_295, %sub3A_25, %parallel_loop3A_395], %parallel_loop3A_363#15 : memref<32x17x32xf32, #tpu.memory_space<vmem>>[vector<16xi32>, vector<16xi32>, vector<16xi32>], vector<16xf32>,
      %parallel_loop3A_396 = arith.constant 16 : i32
      %parallel_loop3A_397 = vector.broadcast %parallel_loop3A_396 : i32 to vector<16xi32>
      tpu.vector_store_idx %arg8[%parallel_loop3A_295, %sub3A_25, %parallel_loop3A_397], %parallel_loop3A_363#16 : memref<32x17x32xf32, #tpu.memory_space<vmem>>[vector<16xi32>, vector<16xi32>, vector<16xi32>], vector<16xf32>,
      %parallel_loop3A_398 = arith.constant 17 : i32
      %parallel_loop3A_399 = vector.broadcast %parallel_loop3A_398 : i32 to vector<16xi32>
      tpu.vector_store_idx %arg8[%parallel_loop3A_295, %sub3A_25, %parallel_loop3A_399], %parallel_loop3A_363#17 : memref<32x17x32xf32, #tpu.memory_space<vmem>>[vector<16xi32>, vector<16xi32>, vector<16xi32>], vector<16xf32>,
      %parallel_loop3A_400 = arith.constant 18 : i32
      %parallel_loop3A_401 = vector.broadcast %parallel_loop3A_400 : i32 to vector<16xi32>
      tpu.vector_store_idx %arg8[%parallel_loop3A_295, %sub3A_25, %parallel_loop3A_401], %parallel_loop3A_363#18 : memref<32x17x32xf32, #tpu.memory_space<vmem>>[vector<16xi32>, vector<16xi32>, vector<16xi32>], vector<16xf32>,
      %parallel_loop3A_402 = arith.constant 19 : i32
      %parallel_loop3A_403 = vector.broadcast %parallel_loop3A_402 : i32 to vector<16xi32>
      tpu.vector_store_idx %arg8[%parallel_loop3A_295, %sub3A_25, %parallel_loop3A_403], %parallel_loop3A_363#19 : memref<32x17x32xf32, #tpu.memory_space<vmem>>[vector<16xi32>, vector<16xi32>, vector<16xi32>], vector<16xf32>,
      %parallel_loop3A_404 = arith.constant 20 : i32
      %parallel_loop3A_405 = vector.broadcast %parallel_loop3A_404 : i32 to vector<16xi32>
      tpu.vector_store_idx %arg8[%parallel_loop3A_295, %sub3A_25, %parallel_loop3A_405], %parallel_loop3A_363#20 : memref<32x17x32xf32, #tpu.memory_space<vmem>>[vector<16xi32>, vector<16xi32>, vector<16xi32>], vector<16xf32>,
      %parallel_loop3A_406 = arith.constant 21 : i32
      %parallel_loop3A_407 = vector.broadcast %parallel_loop3A_406 : i32 to vector<16xi32>
      tpu.vector_store_idx %arg8[%parallel_loop3A_295, %sub3A_25, %parallel_loop3A_407], %parallel_loop3A_363#21 : memref<32x17x32xf32, #tpu.memory_space<vmem>>[vector<16xi32>, vector<16xi32>, vector<16xi32>], vector<16xf32>,
      %parallel_loop3A_408 = arith.constant 22 : i32
      %parallel_loop3A_409 = vector.broadcast %parallel_loop3A_408 : i32 to vector<16xi32>
      tpu.vector_store_idx %arg8[%parallel_loop3A_295, %sub3A_25, %parallel_loop3A_409], %parallel_loop3A_363#22 : memref<32x17x32xf32, #tpu.memory_space<vmem>>[vector<16xi32>, vector<16xi32>, vector<16xi32>], vector<16xf32>,
      %parallel_loop3A_410 = arith.constant 23 : i32
      %parallel_loop3A_411 = vector.broadcast %parallel_loop3A_410 : i32 to vector<16xi32>
      tpu.vector_store_idx %arg8[%parallel_loop3A_295, %sub3A_25, %parallel_loop3A_411], %parallel_loop3A_363#23 : memref<32x17x32xf32, #tpu.memory_space<vmem>>[vector<16xi32>, vector<16xi32>, vector<16xi32>], vector<16xf32>,
      %parallel_loop3A_412 = arith.constant 24 : i32
      %parallel_loop3A_413 = vector.broadcast %parallel_loop3A_412 : i32 to vector<16xi32>
      tpu.vector_store_idx %arg8[%parallel_loop3A_295, %sub3A_25, %parallel_loop3A_413], %parallel_loop3A_363#24 : memref<32x17x32xf32, #tpu.memory_space<vmem>>[vector<16xi32>, vector<16xi32>, vector<16xi32>], vector<16xf32>,
      %parallel_loop3A_414 = arith.constant 25 : i32
      %parallel_loop3A_415 = vector.broadcast %parallel_loop3A_414 : i32 to vector<16xi32>
      tpu.vector_store_idx %arg8[%parallel_loop3A_295, %sub3A_25, %parallel_loop3A_415], %parallel_loop3A_363#25 : memref<32x17x32xf32, #tpu.memory_space<vmem>>[vector<16xi32>, vector<16xi32>, vector<16xi32>], vector<16xf32>,
      %parallel_loop3A_416 = arith.constant 26 : i32
      %parallel_loop3A_417 = vector.broadcast %parallel_loop3A_416 : i32 to vector<16xi32>
      tpu.vector_store_idx %arg8[%parallel_loop3A_295, %sub3A_25, %parallel_loop3A_417], %parallel_loop3A_363#26 : memref<32x17x32xf32, #tpu.memory_space<vmem>>[vector<16xi32>, vector<16xi32>, vector<16xi32>], vector<16xf32>,
      %parallel_loop3A_418 = arith.constant 27 : i32
      %parallel_loop3A_419 = vector.broadcast %parallel_loop3A_418 : i32 to vector<16xi32>
      tpu.vector_store_idx %arg8[%parallel_loop3A_295, %sub3A_25, %parallel_loop3A_419], %parallel_loop3A_363#27 : memref<32x17x32xf32, #tpu.memory_space<vmem>>[vector<16xi32>, vector<16xi32>, vector<16xi32>], vector<16xf32>,
      %parallel_loop3A_420 = arith.constant 28 : i32
      %parallel_loop3A_421 = vector.broadcast %parallel_loop3A_420 : i32 to vector<16xi32>
      tpu.vector_store_idx %arg8[%parallel_loop3A_295, %sub3A_25, %parallel_loop3A_421], %parallel_loop3A_363#28 : memref<32x17x32xf32, #tpu.memory_space<vmem>>[vector<16xi32>, vector<16xi32>, vector<16xi32>], vector<16xf32>,
      %parallel_loop3A_422 = arith.constant 29 : i32
      %parallel_loop3A_423 = vector.broadcast %parallel_loop3A_422 : i32 to vector<16xi32>
      tpu.vector_store_idx %arg8[%parallel_loop3A_295, %sub3A_25, %parallel_loop3A_423], %parallel_loop3A_363#29 : memref<32x17x32xf32, #tpu.memory_space<vmem>>[vector<16xi32>, vector<16xi32>, vector<16xi32>], vector<16xf32>,
      %parallel_loop3A_424 = arith.constant 30 : i32
      %parallel_loop3A_425 = vector.broadcast %parallel_loop3A_424 : i32 to vector<16xi32>
      tpu.vector_store_idx %arg8[%parallel_loop3A_295, %sub3A_25, %parallel_loop3A_425], %parallel_loop3A_363#30 : memref<32x17x32xf32, #tpu.memory_space<vmem>>[vector<16xi32>, vector<16xi32>, vector<16xi32>], vector<16xf32>,
      %parallel_loop3A_426 = arith.constant 31 : i32
      %parallel_loop3A_427 = vector.broadcast %parallel_loop3A_426 : i32 to vector<16xi32>
      tpu.vector_store_idx %arg8[%parallel_loop3A_295, %sub3A_25, %parallel_loop3A_427], %parallel_loop3A_363#31 : memref<32x17x32xf32, #tpu.memory_space<vmem>>[vector<16xi32>, vector<16xi32>, vector<16xi32>], vector<16xf32>,
    } {sc.loop_unroll_factor = 1 : i64, sc.parallel_access}
    %dma_wait3A_213 = arith.constant 0 : i32
    %dma_wait3A_214 = arith.constant 0 : i32
    %dma_wait3A_215 = arith.constant 0 : i32
    %dma_wait3A_216 = tpu.memref_slice %arg8[%dma_wait3A_214, %dma_wait3A_213, %dma_wait3A_215] : memref<32x17x32xf32, #tpu.memory_space<vmem>> -> memref<32x1x32xf32, #tpu.memory_space<vmem>>
    %dma_wait3A_217 = tpu.memref_squeeze %dma_wait3A_216 : memref<32x1x32xf32, #tpu.memory_space<vmem>> -> memref<32x32xf32, #tpu.memory_space<vmem>>
    %dma_wait3A_218 = arith.constant 64 : i32
    %dma_wait3A_219 = tpu.memref_slice %arg2[%mul3A_2, %dma_wait3A_218] : memref<1024x128xf32, #tpu.memory_space<hbm>> -> memref<32x32xf32, #tpu.memory_space<hbm>>
    %dma_wait3A_220 = arith.constant 0 : i32
    %dma_wait3A_221 = arith.constant 0 : i32
    %dma_wait3A_222 = tpu.memref_slice %arg8[%dma_wait3A_220, %dma_wait3A_213, %dma_wait3A_221] : memref<32x17x32xf32, #tpu.memory_space<vmem>> -> memref<32x1x32xf32, #tpu.memory_space<vmem>>
    %dma_wait3A_223 = tpu.memref_squeeze %dma_wait3A_222 : memref<32x1x32xf32, #tpu.memory_space<vmem>> -> memref<32x32xf32, #tpu.memory_space<vmem>>
    %dma_wait3A_224 = arith.constant 64 : i32
    %dma_wait3A_225 = tpu.memref_slice %arg2[%mul3A_2, %dma_wait3A_224] : memref<1024x128xf32, #tpu.memory_space<hbm>> -> memref<32x32xf32, #tpu.memory_space<hbm>>
    tpu.wait_dma2 semaphore(%arg9 : memref<!tpu.dma_semaphore, #tpu.memory_space<semaphore_mem>>) src(%dma_wait3A_225 : memref<32x32xf32, #tpu.memory_space<hbm>>) dst(%dma_wait3A_223 : memref<32x32xf32, #tpu.memory_space<vmem>>)
    %dma_start3A_226 = arith.constant 0 : i32
    %dma_start3A_227 = arith.constant 64 : i32
    %dma_start3A_228 = tpu.memref_slice %arg5[%mul3A_2, %dma_start3A_226, %dma_start3A_227] : memref<1024x17x128xf32, #tpu.memory_space<hbm>> -> memref<32x17x32xf32, #tpu.memory_space<hbm>>
    %dma_start3A_229 = arith.constant 0 : i32
    %dma_start3A_230 = arith.constant 64 : i32
    %dma_start3A_231 = tpu.memref_slice %arg5[%mul3A_2, %dma_start3A_229, %dma_start3A_230] : memref<1024x17x128xf32, #tpu.memory_space<hbm>> -> memref<32x17x32xf32, #tpu.memory_space<hbm>>
    tpu.enqueue_dma source(%arg8 : memref<32x17x32xf32, #tpu.memory_space<vmem>>) target(%dma_start3A_231 : memref<32x17x32xf32, #tpu.memory_space<hbm>>) target_semaphore(%arg12 : memref<!tpu.dma_semaphore, #tpu.memory_space<semaphore_mem>>)
    %dma_wait3A_232 = arith.constant 1 : i32
    %dma_wait3A_233 = arith.constant 0 : i32
    %dma_wait3A_234 = arith.constant 0 : i32
    %dma_wait3A_235 = tpu.memref_slice %arg7[%dma_wait3A_232, %dma_wait3A_233, %dma_wait3A_234] : memref<2x32x1024xf32, #tpu.memory_space<vmem>> -> memref<1x32x1024xf32, #tpu.memory_space<vmem>>
    %dma_wait3A_236 = tpu.memref_squeeze %dma_wait3A_235 : memref<1x32x1024xf32, #tpu.memory_space<vmem>> -> memref<32x1024xf32, #tpu.memory_space<vmem>>
    %dma_wait3A_237 = arith.constant 96 : i32
    %dma_wait3A_238 = arith.constant 0 : i32
    %dma_wait3A_239 = tpu.memref_slice %arg3[%dma_wait3A_237, %dma_wait3A_238] : memref<128x1024xf32, #tpu.memory_space<hbm>> -> memref<32x1024xf32, #tpu.memory_space<hbm>>
    %dma_wait3A_240 = arith.constant 0 : i32
    %dma_wait3A_241 = arith.constant 0 : i32
    %dma_wait3A_242 = tpu.memref_slice %arg7[%dma_wait3A_232, %dma_wait3A_240, %dma_wait3A_241] : memref<2x32x1024xf32, #tpu.memory_space<vmem>> -> memref<1x32x1024xf32, #tpu.memory_space<vmem>>
    %dma_wait3A_243 = tpu.memref_squeeze %dma_wait3A_242 : memref<1x32x1024xf32, #tpu.memory_space<vmem>> -> memref<32x1024xf32, #tpu.memory_space<vmem>>
    %dma_wait3A_244 = arith.constant 96 : i32
    %dma_wait3A_245 = arith.constant 0 : i32
    %dma_wait3A_246 = tpu.memref_slice %arg3[%dma_wait3A_244, %dma_wait3A_245] : memref<128x1024xf32, #tpu.memory_space<hbm>> -> memref<32x1024xf32, #tpu.memory_space<hbm>>
    tpu.wait_dma2 semaphore(%arg11 : memref<!tpu.dma_semaphore, #tpu.memory_space<semaphore_mem>>) src(%dma_wait3A_246 : memref<32x1024xf32, #tpu.memory_space<hbm>>) dst(%dma_wait3A_243 : memref<32x1024xf32, #tpu.memory_space<vmem>>)
    %dma_wait3A_247 = arith.constant 0 : i32
    %dma_wait3A_248 = arith.constant 64 : i32
    %dma_wait3A_249 = tpu.memref_slice %arg5[%mul3A_2, %dma_wait3A_247, %dma_wait3A_248] : memref<1024x17x128xf32, #tpu.memory_space<hbm>> -> memref<32x17x32xf32, #tpu.memory_space<hbm>>
    %dma_wait3A_250 = arith.constant 0 : i32
    %dma_wait3A_251 = arith.constant 64 : i32
    %dma_wait3A_252 = tpu.memref_slice %arg5[%mul3A_2, %dma_wait3A_250, %dma_wait3A_251] : memref<1024x17x128xf32, #tpu.memory_space<hbm>> -> memref<32x17x32xf32, #tpu.memory_space<hbm>>
    tpu.wait_dma2 semaphore(%arg12 : memref<!tpu.dma_semaphore, #tpu.memory_space<semaphore_mem>>) src(%arg8 : memref<32x17x32xf32, #tpu.memory_space<vmem>>) dst(%dma_wait3A_252 : memref<32x17x32xf32, #tpu.memory_space<hbm>>)
    %dma_start3A_253 = arith.constant 0 : i32
    %dma_start3A_254 = arith.constant 0 : i32
    %dma_start3A_255 = arith.constant 0 : i32
    %dma_start3A_256 = tpu.memref_slice %arg8[%dma_start3A_254, %dma_start3A_253, %dma_start3A_255] : memref<32x17x32xf32, #tpu.memory_space<vmem>> -> memref<32x1x32xf32, #tpu.memory_space<vmem>>
    %dma_start3A_257 = tpu.memref_squeeze %dma_start3A_256 : memref<32x1x32xf32, #tpu.memory_space<vmem>> -> memref<32x32xf32, #tpu.memory_space<vmem>>
    %dma_start3A_258 = arith.constant 96 : i32
    %dma_start3A_259 = tpu.memref_slice %arg2[%mul3A_2, %dma_start3A_258] : memref<1024x128xf32, #tpu.memory_space<hbm>> -> memref<32x32xf32, #tpu.memory_space<hbm>>
    %dma_start3A_260 = arith.constant 0 : i32
    %dma_start3A_261 = arith.constant 0 : i32
    %dma_start3A_262 = tpu.memref_slice %arg8[%dma_start3A_260, %dma_start3A_253, %dma_start3A_261] : memref<32x17x32xf32, #tpu.memory_space<vmem>> -> memref<32x1x32xf32, #tpu.memory_space<vmem>>
    %dma_start3A_263 = tpu.memref_squeeze %dma_start3A_262 : memref<32x1x32xf32, #tpu.memory_space<vmem>> -> memref<32x32xf32, #tpu.memory_space<vmem>>
    %dma_start3A_264 = arith.constant 96 : i32
    %dma_start3A_265 = tpu.memref_slice %arg2[%mul3A_2, %dma_start3A_264] : memref<1024x128xf32, #tpu.memory_space<hbm>> -> memref<32x32xf32, #tpu.memory_space<hbm>>
    tpu.enqueue_dma source(%dma_start3A_265 : memref<32x32xf32, #tpu.memory_space<hbm>>) target(%dma_start3A_263 : memref<32x32xf32, #tpu.memory_space<vmem>>) target_semaphore(%arg9 : memref<!tpu.dma_semaphore, #tpu.memory_space<semaphore_mem>>)
    %parallel_loop3A_266 = arith.constant 0 : i32
    %parallel_loop3A_267 = arith.constant 32 : i32
    %parallel_loop3A_268 = arith.constant 1 : i32
    scf.for %parallel_loop3A_294 = %parallel_loop3A_266 to %parallel_loop3A_267 step %parallel_loop3A_268  : i32 {
      %parallel_loop3A_295 = vector.broadcast %parallel_loop3A_294 : i32 to vector<16xi32>
      %parallel_loop3A_296 = arith.constant 0xFF800000 : f32
      %parallel_loop3A_297 = vector.broadcast %parallel_loop3A_296 : f32 to vector<16xf32>
      %parallel_loop3A_298 = arith.constant 0xFF800000 : f32
      %parallel_loop3A_299 = vector.broadcast %parallel_loop3A_298 : f32 to vector<16xf32>
      %parallel_loop3A_300 = arith.constant 0xFF800000 : f32
      %parallel_loop3A_301 = vector.broadcast %parallel_loop3A_300 : f32 to vector<16xf32>
      %parallel_loop3A_302 = arith.constant 0xFF800000 : f32
      %parallel_loop3A_303 = vector.broadcast %parallel_loop3A_302 : f32 to vector<16xf32>
      %parallel_loop3A_304 = arith.constant 0xFF800000 : f32
      %parallel_loop3A_305 = vector.broadcast %parallel_loop3A_304 : f32 to vector<16xf32>
      %parallel_loop3A_306 = arith.constant 0xFF800000 : f32
      %parallel_loop3A_307 = vector.broadcast %parallel_loop3A_306 : f32 to vector<16xf32>
      %parallel_loop3A_308 = arith.constant 0xFF800000 : f32
      %parallel_loop3A_309 = vector.broadcast %parallel_loop3A_308 : f32 to vector<16xf32>
      %parallel_loop3A_310 = arith.constant 0xFF800000 : f32
      %parallel_loop3A_311 = vector.broadcast %parallel_loop3A_310 : f32 to vector<16xf32>
      %parallel_loop3A_312 = arith.constant 0xFF800000 : f32
      %parallel_loop3A_313 = vector.broadcast %parallel_loop3A_312 : f32 to vector<16xf32>
      %parallel_loop3A_314 = arith.constant 0xFF800000 : f32
      %parallel_loop3A_315 = vector.broadcast %parallel_loop3A_314 : f32 to vector<16xf32>
      %parallel_loop3A_316 = arith.constant 0xFF800000 : f32
      %parallel_loop3A_317 = vector.broadcast %parallel_loop3A_316 : f32 to vector<16xf32>
      %parallel_loop3A_318 = arith.constant 0xFF800000 : f32
      %parallel_loop3A_319 = vector.broadcast %parallel_loop3A_318 : f32 to vector<16xf32>
      %parallel_loop3A_320 = arith.constant 0xFF800000 : f32
      %parallel_loop3A_321 = vector.broadcast %parallel_loop3A_320 : f32 to vector<16xf32>
      %parallel_loop3A_322 = arith.constant 0xFF800000 : f32
      %parallel_loop3A_323 = vector.broadcast %parallel_loop3A_322 : f32 to vector<16xf32>
      %parallel_loop3A_324 = arith.constant 0xFF800000 : f32
      %parallel_loop3A_325 = vector.broadcast %parallel_loop3A_324 : f32 to vector<16xf32>
      %parallel_loop3A_326 = arith.constant 0xFF800000 : f32
      %parallel_loop3A_327 = vector.broadcast %parallel_loop3A_326 : f32 to vector<16xf32>
      %parallel_loop3A_328 = arith.constant 0xFF800000 : f32
      %parallel_loop3A_329 = vector.broadcast %parallel_loop3A_328 : f32 to vector<16xf32>
      %parallel_loop3A_330 = arith.constant 0xFF800000 : f32
      %parallel_loop3A_331 = vector.broadcast %parallel_loop3A_330 : f32 to vector<16xf32>
      %parallel_loop3A_332 = arith.constant 0xFF800000 : f32
      %parallel_loop3A_333 = vector.broadcast %parallel_loop3A_332 : f32 to vector<16xf32>
      %parallel_loop3A_334 = arith.constant 0xFF800000 : f32
      %parallel_loop3A_335 = vector.broadcast %parallel_loop3A_334 : f32 to vector<16xf32>
      %parallel_loop3A_336 = arith.constant 0xFF800000 : f32
      %parallel_loop3A_337 = vector.broadcast %parallel_loop3A_336 : f32 to vector<16xf32>
      %parallel_loop3A_338 = arith.constant 0xFF800000 : f32
      %parallel_loop3A_339 = vector.broadcast %parallel_loop3A_338 : f32 to vector<16xf32>
      %parallel_loop3A_340 = arith.constant 0xFF800000 : f32
      %parallel_loop3A_341 = vector.broadcast %parallel_loop3A_340 : f32 to vector<16xf32>
      %parallel_loop3A_342 = arith.constant 0xFF800000 : f32
      %parallel_loop3A_343 = vector.broadcast %parallel_loop3A_342 : f32 to vector<16xf32>
      %parallel_loop3A_344 = arith.constant 0xFF800000 : f32
      %parallel_loop3A_345 = vector.broadcast %parallel_loop3A_344 : f32 to vector<16xf32>
      %parallel_loop3A_346 = arith.constant 0xFF800000 : f32
      %parallel_loop3A_347 = vector.broadcast %parallel_loop3A_346 : f32 to vector<16xf32>
      %parallel_loop3A_348 = arith.constant 0xFF800000 : f32
      %parallel_loop3A_349 = vector.broadcast %parallel_loop3A_348 : f32 to vector<16xf32>
      %parallel_loop3A_350 = arith.constant 0xFF800000 : f32
      %parallel_loop3A_351 = vector.broadcast %parallel_loop3A_350 : f32 to vector<16xf32>
      %parallel_loop3A_352 = arith.constant 0xFF800000 : f32
      %parallel_loop3A_353 = vector.broadcast %parallel_loop3A_352 : f32 to vector<16xf32>
      %parallel_loop3A_354 = arith.constant 0xFF800000 : f32
      %parallel_loop3A_355 = vector.broadcast %parallel_loop3A_354 : f32 to vector<16xf32>
      %parallel_loop3A_356 = arith.constant 0xFF800000 : f32
      %parallel_loop3A_357 = vector.broadcast %parallel_loop3A_356 : f32 to vector<16xf32>
      %parallel_loop3A_358 = arith.constant 0xFF800000 : f32
      %parallel_loop3A_359 = vector.broadcast %parallel_loop3A_358 : f32 to vector<16xf32>
      %parallel_loop3A_360 = arith.constant 0 : i32
      %parallel_loop3A_361 = arith.constant 64 : i32
      %parallel_loop3A_362 = arith.constant 1 : i32
      %parallel_loop3A_363:32 = scf.for %parallel_loop3A_428 = %parallel_loop3A_360 to %parallel_loop3A_361 step %parallel_loop3A_362 iter_args(%parallel_loop3A_429 = %parallel_loop3A_297, %parallel_loop3A_430 = %parallel_loop3A_299, %parallel_loop3A_431 = %parallel_loop3A_301, %parallel_loop3A_432 = %parallel_loop3A_303, %parallel_loop3A_433 = %parallel_loop3A_305, %parallel_loop3A_434 = %parallel_loop3A_307, %parallel_loop3A_435 = %parallel_loop3A_309, %parallel_loop3A_436 = %parallel_loop3A_311, %parallel_loop3A_437 = %parallel_loop3A_313, %parallel_loop3A_438 = %parallel_loop3A_315, %parallel_loop3A_439 = %parallel_loop3A_317, %parallel_loop3A_440 = %parallel_loop3A_319, %parallel_loop3A_441 = %parallel_loop3A_321, %parallel_loop3A_442 = %parallel_loop3A_323, %parallel_loop3A_443 = %parallel_loop3A_325, %parallel_loop3A_444 = %parallel_loop3A_327, %parallel_loop3A_445 = %parallel_loop3A_329, %parallel_loop3A_446 = %parallel_loop3A_331, %parallel_loop3A_447 = %parallel_loop3A_333, %parallel_loop3A_448 = %parallel_loop3A_335, %parallel_loop3A_449 = %parallel_loop3A_337, %parallel_loop3A_450 = %parallel_loop3A_339, %parallel_loop3A_451 = %parallel_loop3A_341, %parallel_loop3A_452 = %parallel_loop3A_343, %parallel_loop3A_453 = %parallel_loop3A_345, %parallel_loop3A_454 = %parallel_loop3A_347, %parallel_loop3A_455 = %parallel_loop3A_349, %parallel_loop3A_456 = %parallel_loop3A_351, %parallel_loop3A_457 = %parallel_loop3A_353, %parallel_loop3A_458 = %parallel_loop3A_355, %parallel_loop3A_459 = %parallel_loop3A_357, %parallel_loop3A_460 = %parallel_loop3A_359) -> (vector<16xf32>, vector<16xf32>, vector<16xf32>, vector<16xf32>, vector<16xf32>, vector<16xf32>, vector<16xf32>, vector<16xf32>, vector<16xf32>, vector<16xf32>, vector<16xf32>, vector<16xf32>, vector<16xf32>, vector<16xf32>, vector<16xf32>, vector<16xf32>, vector<16xf32>, vector<16xf32>, vector<16xf32>, vector<16xf32>, vector<16xf32>, vector<16xf32>, vector<16xf32>, vector<16xf32>, vector<16xf32>, vector<16xf32>, vector<16xf32>, vector<16xf32>, vector<16xf32>, vector<16xf32>, vector<16xf32>, vector<16xf32>)  : i32 {
        %parallel_loop3A_461 = arith.constant 16 : i32
        %parallel_loop3A_462 = arith.muli %parallel_loop3A_428, %parallel_loop3A_461 : i32
        %parallel_loop3A_463 = arith.index_cast %parallel_loop3A_294 : i32 to index
        %parallel_loop3A_464 = arith.index_cast %parallel_loop3A_462 : i32 to index
        %parallel_loop3A_465 = tpu.vector_load %arg6[%parallel_loop3A_463, %parallel_loop3A_464] {strides = array<i32>} : memref<32x1024xf32, #tpu.memory_space<vmem>>, vector<16xf32>,
        %parallel_loop3A_466 = arith.constant 16 : i32
        %parallel_loop3A_467 = arith.muli %parallel_loop3A_428, %parallel_loop3A_466 : i32
        %parallel_loop3A_468 = arith.constant 1 : i32
        %parallel_loop3A_469 = arith.constant 0 : i32
        %parallel_loop3A_470 = arith.index_cast %parallel_loop3A_468 : i32 to index
        %parallel_loop3A_471 = arith.index_cast %parallel_loop3A_469 : i32 to index
        %parallel_loop3A_472 = arith.index_cast %parallel_loop3A_467 : i32 to index
        %parallel_loop3A_473 = tpu.vector_load %arg7[%parallel_loop3A_470, %parallel_loop3A_471, %parallel_loop3A_472] {strides = array<i32>} : memref<2x32x1024xf32, #tpu.memory_space<vmem>>, vector<16xf32>,
        %parallel_loop3A_474 = arith.mulf %parallel_loop3A_465, %parallel_loop3A_473 : vector<16xf32>
        %parallel_loop3A_475 = arith.constant dense<true> : vector<16xi1>
        %parallel_loop3A_476, %parallel_loop3A_477, %parallel_loop3A_478 = tpu.sort %parallel_loop3A_474, %parallel_loop3A_473 masked %parallel_loop3A_475 {descending = true} : (vector<16xf32>, vector<16xf32>, vector<16xi1>) -> (vector<16xi1>, vector<16xf32>, vector<16xf32>)
        %parallel_loop3A_479 = arith.maximumf %parallel_loop3A_429, %parallel_loop3A_477 : vector<16xf32>
        %parallel_loop3A_480 = arith.constant dense<true> : vector<16xi1>
        %parallel_loop3A_481, %parallel_loop3A_482, %parallel_loop3A_483 = tpu.sort %parallel_loop3A_479, %parallel_loop3A_479 masked %parallel_loop3A_480 : (vector<16xf32>, vector<16xf32>, vector<16xi1>) -> (vector<16xi1>, vector<16xf32>, vector<16xf32>)
        %parallel_loop3A_484 = arith.constant 16 : i32
        %parallel_loop3A_485 = arith.muli %parallel_loop3A_428, %parallel_loop3A_484 : i32
        %parallel_loop3A_486 = arith.constant 1 : i32
        %parallel_loop3A_487 = arith.constant 1 : i32
        %parallel_loop3A_488 = arith.index_cast %parallel_loop3A_486 : i32 to index
        %parallel_loop3A_489 = arith.index_cast %parallel_loop3A_487 : i32 to index
        %parallel_loop3A_490 = arith.index_cast %parallel_loop3A_485 : i32 to index
        %parallel_loop3A_491 = tpu.vector_load %arg7[%parallel_loop3A_488, %parallel_loop3A_489, %parallel_loop3A_490] {strides = array<i32>} : memref<2x32x1024xf32, #tpu.memory_space<vmem>>, vector<16xf32>,
        %parallel_loop3A_492 = arith.mulf %parallel_loop3A_465, %parallel_loop3A_491 : vector<16xf32>
        %parallel_loop3A_493 = arith.constant dense<true> : vector<16xi1>
        %parallel_loop3A_494, %parallel_loop3A_495, %parallel_loop3A_496 = tpu.sort %parallel_loop3A_492, %parallel_loop3A_491 masked %parallel_loop3A_493 {descending = true} : (vector<16xf32>, vector<16xf32>, vector<16xi1>) -> (vector<16xi1>, vector<16xf32>, vector<16xf32>)
        %parallel_loop3A_497 = arith.maximumf %parallel_loop3A_430, %parallel_loop3A_495 : vector<16xf32>
        %parallel_loop3A_498 = arith.constant dense<true> : vector<16xi1>
        %parallel_loop3A_499, %parallel_loop3A_500, %parallel_loop3A_501 = tpu.sort %parallel_loop3A_497, %parallel_loop3A_497 masked %parallel_loop3A_498 : (vector<16xf32>, vector<16xf32>, vector<16xi1>) -> (vector<16xi1>, vector<16xf32>, vector<16xf32>)
        %parallel_loop3A_502 = arith.constant 16 : i32
        %parallel_loop3A_503 = arith.muli %parallel_loop3A_428, %parallel_loop3A_502 : i32
        %parallel_loop3A_504 = arith.constant 1 : i32
        %parallel_loop3A_505 = arith.constant 2 : i32
        %parallel_loop3A_506 = arith.index_cast %parallel_loop3A_504 : i32 to index
        %parallel_loop3A_507 = arith.index_cast %parallel_loop3A_505 : i32 to index
        %parallel_loop3A_508 = arith.index_cast %parallel_loop3A_503 : i32 to index
        %parallel_loop3A_509 = tpu.vector_load %arg7[%parallel_loop3A_506, %parallel_loop3A_507, %parallel_loop3A_508] {strides = array<i32>} : memref<2x32x1024xf32, #tpu.memory_space<vmem>>, vector<16xf32>,
        %parallel_loop3A_510 = arith.mulf %parallel_loop3A_465, %parallel_loop3A_509 : vector<16xf32>
        %parallel_loop3A_511 = arith.constant dense<true> : vector<16xi1>
        %parallel_loop3A_512, %parallel_loop3A_513, %parallel_loop3A_514 = tpu.sort %parallel_loop3A_510, %parallel_loop3A_509 masked %parallel_loop3A_511 {descending = true} : (vector<16xf32>, vector<16xf32>, vector<16xi1>) -> (vector<16xi1>, vector<16xf32>, vector<16xf32>)
        %parallel_loop3A_515 = arith.maximumf %parallel_loop3A_431, %parallel_loop3A_513 : vector<16xf32>
        %parallel_loop3A_516 = arith.constant dense<true> : vector<16xi1>
        %parallel_loop3A_517, %parallel_loop3A_518, %parallel_loop3A_519 = tpu.sort %parallel_loop3A_515, %parallel_loop3A_515 masked %parallel_loop3A_516 : (vector<16xf32>, vector<16xf32>, vector<16xi1>) -> (vector<16xi1>, vector<16xf32>, vector<16xf32>)
        %parallel_loop3A_520 = arith.constant 16 : i32
        %parallel_loop3A_521 = arith.muli %parallel_loop3A_428, %parallel_loop3A_520 : i32
        %parallel_loop3A_522 = arith.constant 1 : i32
        %parallel_loop3A_523 = arith.constant 3 : i32
        %parallel_loop3A_524 = arith.index_cast %parallel_loop3A_522 : i32 to index
        %parallel_loop3A_525 = arith.index_cast %parallel_loop3A_523 : i32 to index
        %parallel_loop3A_526 = arith.index_cast %parallel_loop3A_521 : i32 to index
        %parallel_loop3A_527 = tpu.vector_load %arg7[%parallel_loop3A_524, %parallel_loop3A_525, %parallel_loop3A_526] {strides = array<i32>} : memref<2x32x1024xf32, #tpu.memory_space<vmem>>, vector<16xf32>,
        %parallel_loop3A_528 = arith.mulf %parallel_loop3A_465, %parallel_loop3A_527 : vector<16xf32>
        %parallel_loop3A_529 = arith.constant dense<true> : vector<16xi1>
        %parallel_loop3A_530, %parallel_loop3A_531, %parallel_loop3A_532 = tpu.sort %parallel_loop3A_528, %parallel_loop3A_527 masked %parallel_loop3A_529 {descending = true} : (vector<16xf32>, vector<16xf32>, vector<16xi1>) -> (vector<16xi1>, vector<16xf32>, vector<16xf32>)
        %parallel_loop3A_533 = arith.maximumf %parallel_loop3A_432, %parallel_loop3A_531 : vector<16xf32>
        %parallel_loop3A_534 = arith.constant dense<true> : vector<16xi1>
        %parallel_loop3A_535, %parallel_loop3A_536, %parallel_loop3A_537 = tpu.sort %parallel_loop3A_533, %parallel_loop3A_533 masked %parallel_loop3A_534 : (vector<16xf32>, vector<16xf32>, vector<16xi1>) -> (vector<16xi1>, vector<16xf32>, vector<16xf32>)
        %parallel_loop3A_538 = arith.constant 16 : i32
        %parallel_loop3A_539 = arith.muli %parallel_loop3A_428, %parallel_loop3A_538 : i32
        %parallel_loop3A_540 = arith.constant 1 : i32
        %parallel_loop3A_541 = arith.constant 4 : i32
        %parallel_loop3A_542 = arith.index_cast %parallel_loop3A_540 : i32 to index
        %parallel_loop3A_543 = arith.index_cast %parallel_loop3A_541 : i32 to index
        %parallel_loop3A_544 = arith.index_cast %parallel_loop3A_539 : i32 to index
        %parallel_loop3A_545 = tpu.vector_load %arg7[%parallel_loop3A_542, %parallel_loop3A_543, %parallel_loop3A_544] {strides = array<i32>} : memref<2x32x1024xf32, #tpu.memory_space<vmem>>, vector<16xf32>,
        %parallel_loop3A_546 = arith.mulf %parallel_loop3A_465, %parallel_loop3A_545 : vector<16xf32>
        %parallel_loop3A_547 = arith.constant dense<true> : vector<16xi1>
        %parallel_loop3A_548, %parallel_loop3A_549, %parallel_loop3A_550 = tpu.sort %parallel_loop3A_546, %parallel_loop3A_545 masked %parallel_loop3A_547 {descending = true} : (vector<16xf32>, vector<16xf32>, vector<16xi1>) -> (vector<16xi1>, vector<16xf32>, vector<16xf32>)
        %parallel_loop3A_551 = arith.maximumf %parallel_loop3A_433, %parallel_loop3A_549 : vector<16xf32>
        %parallel_loop3A_552 = arith.constant dense<true> : vector<16xi1>
        %parallel_loop3A_553, %parallel_loop3A_554, %parallel_loop3A_555 = tpu.sort %parallel_loop3A_551, %parallel_loop3A_551 masked %parallel_loop3A_552 : (vector<16xf32>, vector<16xf32>, vector<16xi1>) -> (vector<16xi1>, vector<16xf32>, vector<16xf32>)
        %parallel_loop3A_556 = arith.constant 16 : i32
        %parallel_loop3A_557 = arith.muli %parallel_loop3A_428, %parallel_loop3A_556 : i32
        %parallel_loop3A_558 = arith.constant 1 : i32
        %parallel_loop3A_559 = arith.constant 5 : i32
        %parallel_loop3A_560 = arith.index_cast %parallel_loop3A_558 : i32 to index
        %parallel_loop3A_561 = arith.index_cast %parallel_loop3A_559 : i32 to index
        %parallel_loop3A_562 = arith.index_cast %parallel_loop3A_557 : i32 to index
        %parallel_loop3A_563 = tpu.vector_load %arg7[%parallel_loop3A_560, %parallel_loop3A_561, %parallel_loop3A_562] {strides = array<i32>} : memref<2x32x1024xf32, #tpu.memory_space<vmem>>, vector<16xf32>,
        %parallel_loop3A_564 = arith.mulf %parallel_loop3A_465, %parallel_loop3A_563 : vector<16xf32>
        %parallel_loop3A_565 = arith.constant dense<true> : vector<16xi1>
        %parallel_loop3A_566, %parallel_loop3A_567, %parallel_loop3A_568 = tpu.sort %parallel_loop3A_564, %parallel_loop3A_563 masked %parallel_loop3A_565 {descending = true} : (vector<16xf32>, vector<16xf32>, vector<16xi1>) -> (vector<16xi1>, vector<16xf32>, vector<16xf32>)
        %parallel_loop3A_569 = arith.maximumf %parallel_loop3A_434, %parallel_loop3A_567 : vector<16xf32>
        %parallel_loop3A_570 = arith.constant dense<true> : vector<16xi1>
        %parallel_loop3A_571, %parallel_loop3A_572, %parallel_loop3A_573 = tpu.sort %parallel_loop3A_569, %parallel_loop3A_569 masked %parallel_loop3A_570 : (vector<16xf32>, vector<16xf32>, vector<16xi1>) -> (vector<16xi1>, vector<16xf32>, vector<16xf32>)
        %parallel_loop3A_574 = arith.constant 16 : i32
        %parallel_loop3A_575 = arith.muli %parallel_loop3A_428, %parallel_loop3A_574 : i32
        %parallel_loop3A_576 = arith.constant 1 : i32
        %parallel_loop3A_577 = arith.constant 6 : i32
        %parallel_loop3A_578 = arith.index_cast %parallel_loop3A_576 : i32 to index
        %parallel_loop3A_579 = arith.index_cast %parallel_loop3A_577 : i32 to index
        %parallel_loop3A_580 = arith.index_cast %parallel_loop3A_575 : i32 to index
        %parallel_loop3A_581 = tpu.vector_load %arg7[%parallel_loop3A_578, %parallel_loop3A_579, %parallel_loop3A_580] {strides = array<i32>} : memref<2x32x1024xf32, #tpu.memory_space<vmem>>, vector<16xf32>,
        %parallel_loop3A_582 = arith.mulf %parallel_loop3A_465, %parallel_loop3A_581 : vector<16xf32>
        %parallel_loop3A_583 = arith.constant dense<true> : vector<16xi1>
        %parallel_loop3A_584, %parallel_loop3A_585, %parallel_loop3A_586 = tpu.sort %parallel_loop3A_582, %parallel_loop3A_581 masked %parallel_loop3A_583 {descending = true} : (vector<16xf32>, vector<16xf32>, vector<16xi1>) -> (vector<16xi1>, vector<16xf32>, vector<16xf32>)
        %parallel_loop3A_587 = arith.maximumf %parallel_loop3A_435, %parallel_loop3A_585 : vector<16xf32>
        %parallel_loop3A_588 = arith.constant dense<true> : vector<16xi1>
        %parallel_loop3A_589, %parallel_loop3A_590, %parallel_loop3A_591 = tpu.sort %parallel_loop3A_587, %parallel_loop3A_587 masked %parallel_loop3A_588 : (vector<16xf32>, vector<16xf32>, vector<16xi1>) -> (vector<16xi1>, vector<16xf32>, vector<16xf32>)
        %parallel_loop3A_592 = arith.constant 16 : i32
        %parallel_loop3A_593 = arith.muli %parallel_loop3A_428, %parallel_loop3A_592 : i32
        %parallel_loop3A_594 = arith.constant 1 : i32
        %parallel_loop3A_595 = arith.constant 7 : i32
        %parallel_loop3A_596 = arith.index_cast %parallel_loop3A_594 : i32 to index
        %parallel_loop3A_597 = arith.index_cast %parallel_loop3A_595 : i32 to index
        %parallel_loop3A_598 = arith.index_cast %parallel_loop3A_593 : i32 to index
        %parallel_loop3A_599 = tpu.vector_load %arg7[%parallel_loop3A_596, %parallel_loop3A_597, %parallel_loop3A_598] {strides = array<i32>} : memref<2x32x1024xf32, #tpu.memory_space<vmem>>, vector<16xf32>,
        %parallel_loop3A_600 = arith.mulf %parallel_loop3A_465, %parallel_loop3A_599 : vector<16xf32>
        %parallel_loop3A_601 = arith.constant dense<true> : vector<16xi1>
        %parallel_loop3A_602, %parallel_loop3A_603, %parallel_loop3A_604 = tpu.sort %parallel_loop3A_600, %parallel_loop3A_599 masked %parallel_loop3A_601 {descending = true} : (vector<16xf32>, vector<16xf32>, vector<16xi1>) -> (vector<16xi1>, vector<16xf32>, vector<16xf32>)
        %parallel_loop3A_605 = arith.maximumf %parallel_loop3A_436, %parallel_loop3A_603 : vector<16xf32>
        %parallel_loop3A_606 = arith.constant dense<true> : vector<16xi1>
        %parallel_loop3A_607, %parallel_loop3A_608, %parallel_loop3A_609 = tpu.sort %parallel_loop3A_605, %parallel_loop3A_605 masked %parallel_loop3A_606 : (vector<16xf32>, vector<16xf32>, vector<16xi1>) -> (vector<16xi1>, vector<16xf32>, vector<16xf32>)
        %parallel_loop3A_610 = arith.constant 16 : i32
        %parallel_loop3A_611 = arith.muli %parallel_loop3A_428, %parallel_loop3A_610 : i32
        %parallel_loop3A_612 = arith.constant 1 : i32
        %parallel_loop3A_613 = arith.constant 8 : i32
        %parallel_loop3A_614 = arith.index_cast %parallel_loop3A_612 : i32 to index
        %parallel_loop3A_615 = arith.index_cast %parallel_loop3A_613 : i32 to index
        %parallel_loop3A_616 = arith.index_cast %parallel_loop3A_611 : i32 to index
        %parallel_loop3A_617 = tpu.vector_load %arg7[%parallel_loop3A_614, %parallel_loop3A_615, %parallel_loop3A_616] {strides = array<i32>} : memref<2x32x1024xf32, #tpu.memory_space<vmem>>, vector<16xf32>,
        %parallel_loop3A_618 = arith.mulf %parallel_loop3A_465, %parallel_loop3A_617 : vector<16xf32>
        %parallel_loop3A_619 = arith.constant dense<true> : vector<16xi1>
        %parallel_loop3A_620, %parallel_loop3A_621, %parallel_loop3A_622 = tpu.sort %parallel_loop3A_618, %parallel_loop3A_617 masked %parallel_loop3A_619 {descending = true} : (vector<16xf32>, vector<16xf32>, vector<16xi1>) -> (vector<16xi1>, vector<16xf32>, vector<16xf32>)
        %parallel_loop3A_623 = arith.maximumf %parallel_loop3A_437, %parallel_loop3A_621 : vector<16xf32>
        %parallel_loop3A_624 = arith.constant dense<true> : vector<16xi1>
        %parallel_loop3A_625, %parallel_loop3A_626, %parallel_loop3A_627 = tpu.sort %parallel_loop3A_623, %parallel_loop3A_623 masked %parallel_loop3A_624 : (vector<16xf32>, vector<16xf32>, vector<16xi1>) -> (vector<16xi1>, vector<16xf32>, vector<16xf32>)
        %parallel_loop3A_628 = arith.constant 16 : i32
        %parallel_loop3A_629 = arith.muli %parallel_loop3A_428, %parallel_loop3A_628 : i32
        %parallel_loop3A_630 = arith.constant 1 : i32
        %parallel_loop3A_631 = arith.constant 9 : i32
        %parallel_loop3A_632 = arith.index_cast %parallel_loop3A_630 : i32 to index
        %parallel_loop3A_633 = arith.index_cast %parallel_loop3A_631 : i32 to index
        %parallel_loop3A_634 = arith.index_cast %parallel_loop3A_629 : i32 to index
        %parallel_loop3A_635 = tpu.vector_load %arg7[%parallel_loop3A_632, %parallel_loop3A_633, %parallel_loop3A_634] {strides = array<i32>} : memref<2x32x1024xf32, #tpu.memory_space<vmem>>, vector<16xf32>,
        %parallel_loop3A_636 = arith.mulf %parallel_loop3A_465, %parallel_loop3A_635 : vector<16xf32>
        %parallel_loop3A_637 = arith.constant dense<true> : vector<16xi1>
        %parallel_loop3A_638, %parallel_loop3A_639, %parallel_loop3A_640 = tpu.sort %parallel_loop3A_636, %parallel_loop3A_635 masked %parallel_loop3A_637 {descending = true} : (vector<16xf32>, vector<16xf32>, vector<16xi1>) -> (vector<16xi1>, vector<16xf32>, vector<16xf32>)
        %parallel_loop3A_641 = arith.maximumf %parallel_loop3A_438, %parallel_loop3A_639 : vector<16xf32>
        %parallel_loop3A_642 = arith.constant dense<true> : vector<16xi1>
        %parallel_loop3A_643, %parallel_loop3A_644, %parallel_loop3A_645 = tpu.sort %parallel_loop3A_641, %parallel_loop3A_641 masked %parallel_loop3A_642 : (vector<16xf32>, vector<16xf32>, vector<16xi1>) -> (vector<16xi1>, vector<16xf32>, vector<16xf32>)
        %parallel_loop3A_646 = arith.constant 16 : i32
        %parallel_loop3A_647 = arith.muli %parallel_loop3A_428, %parallel_loop3A_646 : i32
        %parallel_loop3A_648 = arith.constant 1 : i32
        %parallel_loop3A_649 = arith.constant 10 : i32
        %parallel_loop3A_650 = arith.index_cast %parallel_loop3A_648 : i32 to index
        %parallel_loop3A_651 = arith.index_cast %parallel_loop3A_649 : i32 to index
        %parallel_loop3A_652 = arith.index_cast %parallel_loop3A_647 : i32 to index
        %parallel_loop3A_653 = tpu.vector_load %arg7[%parallel_loop3A_650, %parallel_loop3A_651, %parallel_loop3A_652] {strides = array<i32>} : memref<2x32x1024xf32, #tpu.memory_space<vmem>>, vector<16xf32>,
        %parallel_loop3A_654 = arith.mulf %parallel_loop3A_465, %parallel_loop3A_653 : vector<16xf32>
        %parallel_loop3A_655 = arith.constant dense<true> : vector<16xi1>
        %parallel_loop3A_656, %parallel_loop3A_657, %parallel_loop3A_658 = tpu.sort %parallel_loop3A_654, %parallel_loop3A_653 masked %parallel_loop3A_655 {descending = true} : (vector<16xf32>, vector<16xf32>, vector<16xi1>) -> (vector<16xi1>, vector<16xf32>, vector<16xf32>)
        %parallel_loop3A_659 = arith.maximumf %parallel_loop3A_439, %parallel_loop3A_657 : vector<16xf32>
        %parallel_loop3A_660 = arith.constant dense<true> : vector<16xi1>
        %parallel_loop3A_661, %parallel_loop3A_662, %parallel_loop3A_663 = tpu.sort %parallel_loop3A_659, %parallel_loop3A_659 masked %parallel_loop3A_660 : (vector<16xf32>, vector<16xf32>, vector<16xi1>) -> (vector<16xi1>, vector<16xf32>, vector<16xf32>)
        %parallel_loop3A_664 = arith.constant 16 : i32
        %parallel_loop3A_665 = arith.muli %parallel_loop3A_428, %parallel_loop3A_664 : i32
        %parallel_loop3A_666 = arith.constant 1 : i32
        %parallel_loop3A_667 = arith.constant 11 : i32
        %parallel_loop3A_668 = arith.index_cast %parallel_loop3A_666 : i32 to index
        %parallel_loop3A_669 = arith.index_cast %parallel_loop3A_667 : i32 to index
        %parallel_loop3A_670 = arith.index_cast %parallel_loop3A_665 : i32 to index
        %parallel_loop3A_671 = tpu.vector_load %arg7[%parallel_loop3A_668, %parallel_loop3A_669, %parallel_loop3A_670] {strides = array<i32>} : memref<2x32x1024xf32, #tpu.memory_space<vmem>>, vector<16xf32>,
        %parallel_loop3A_672 = arith.mulf %parallel_loop3A_465, %parallel_loop3A_671 : vector<16xf32>
        %parallel_loop3A_673 = arith.constant dense<true> : vector<16xi1>
        %parallel_loop3A_674, %parallel_loop3A_675, %parallel_loop3A_676 = tpu.sort %parallel_loop3A_672, %parallel_loop3A_671 masked %parallel_loop3A_673 {descending = true} : (vector<16xf32>, vector<16xf32>, vector<16xi1>) -> (vector<16xi1>, vector<16xf32>, vector<16xf32>)
        %parallel_loop3A_677 = arith.maximumf %parallel_loop3A_440, %parallel_loop3A_675 : vector<16xf32>
        %parallel_loop3A_678 = arith.constant dense<true> : vector<16xi1>
        %parallel_loop3A_679, %parallel_loop3A_680, %parallel_loop3A_681 = tpu.sort %parallel_loop3A_677, %parallel_loop3A_677 masked %parallel_loop3A_678 : (vector<16xf32>, vector<16xf32>, vector<16xi1>) -> (vector<16xi1>, vector<16xf32>, vector<16xf32>)
        %parallel_loop3A_682 = arith.constant 16 : i32
        %parallel_loop3A_683 = arith.muli %parallel_loop3A_428, %parallel_loop3A_682 : i32
        %parallel_loop3A_684 = arith.constant 1 : i32
        %parallel_loop3A_685 = arith.constant 12 : i32
        %parallel_loop3A_686 = arith.index_cast %parallel_loop3A_684 : i32 to index
        %parallel_loop3A_687 = arith.index_cast %parallel_loop3A_685 : i32 to index
        %parallel_loop3A_688 = arith.index_cast %parallel_loop3A_683 : i32 to index
        %parallel_loop3A_689 = tpu.vector_load %arg7[%parallel_loop3A_686, %parallel_loop3A_687, %parallel_loop3A_688] {strides = array<i32>} : memref<2x32x1024xf32, #tpu.memory_space<vmem>>, vector<16xf32>,
        %parallel_loop3A_690 = arith.mulf %parallel_loop3A_465, %parallel_loop3A_689 : vector<16xf32>
        %parallel_loop3A_691 = arith.constant dense<true> : vector<16xi1>
        %parallel_loop3A_692, %parallel_loop3A_693, %parallel_loop3A_694 = tpu.sort %parallel_loop3A_690, %parallel_loop3A_689 masked %parallel_loop3A_691 {descending = true} : (vector<16xf32>, vector<16xf32>, vector<16xi1>) -> (vector<16xi1>, vector<16xf32>, vector<16xf32>)
        %parallel_loop3A_695 = arith.maximumf %parallel_loop3A_441, %parallel_loop3A_693 : vector<16xf32>
        %parallel_loop3A_696 = arith.constant dense<true> : vector<16xi1>
        %parallel_loop3A_697, %parallel_loop3A_698, %parallel_loop3A_699 = tpu.sort %parallel_loop3A_695, %parallel_loop3A_695 masked %parallel_loop3A_696 : (vector<16xf32>, vector<16xf32>, vector<16xi1>) -> (vector<16xi1>, vector<16xf32>, vector<16xf32>)
        %parallel_loop3A_700 = arith.constant 16 : i32
        %parallel_loop3A_701 = arith.muli %parallel_loop3A_428, %parallel_loop3A_700 : i32
        %parallel_loop3A_702 = arith.constant 1 : i32
        %parallel_loop3A_703 = arith.constant 13 : i32
        %parallel_loop3A_704 = arith.index_cast %parallel_loop3A_702 : i32 to index
        %parallel_loop3A_705 = arith.index_cast %parallel_loop3A_703 : i32 to index
        %parallel_loop3A_706 = arith.index_cast %parallel_loop3A_701 : i32 to index
        %parallel_loop3A_707 = tpu.vector_load %arg7[%parallel_loop3A_704, %parallel_loop3A_705, %parallel_loop3A_706] {strides = array<i32>} : memref<2x32x1024xf32, #tpu.memory_space<vmem>>, vector<16xf32>,
        %parallel_loop3A_708 = arith.mulf %parallel_loop3A_465, %parallel_loop3A_707 : vector<16xf32>
        %parallel_loop3A_709 = arith.constant dense<true> : vector<16xi1>
        %parallel_loop3A_710, %parallel_loop3A_711, %parallel_loop3A_712 = tpu.sort %parallel_loop3A_708, %parallel_loop3A_707 masked %parallel_loop3A_709 {descending = true} : (vector<16xf32>, vector<16xf32>, vector<16xi1>) -> (vector<16xi1>, vector<16xf32>, vector<16xf32>)
        %parallel_loop3A_713 = arith.maximumf %parallel_loop3A_442, %parallel_loop3A_711 : vector<16xf32>
        %parallel_loop3A_714 = arith.constant dense<true> : vector<16xi1>
        %parallel_loop3A_715, %parallel_loop3A_716, %parallel_loop3A_717 = tpu.sort %parallel_loop3A_713, %parallel_loop3A_713 masked %parallel_loop3A_714 : (vector<16xf32>, vector<16xf32>, vector<16xi1>) -> (vector<16xi1>, vector<16xf32>, vector<16xf32>)
        %parallel_loop3A_718 = arith.constant 16 : i32
        %parallel_loop3A_719 = arith.muli %parallel_loop3A_428, %parallel_loop3A_718 : i32
        %parallel_loop3A_720 = arith.constant 1 : i32
        %parallel_loop3A_721 = arith.constant 14 : i32
        %parallel_loop3A_722 = arith.index_cast %parallel_loop3A_720 : i32 to index
        %parallel_loop3A_723 = arith.index_cast %parallel_loop3A_721 : i32 to index
        %parallel_loop3A_724 = arith.index_cast %parallel_loop3A_719 : i32 to index
        %parallel_loop3A_725 = tpu.vector_load %arg7[%parallel_loop3A_722, %parallel_loop3A_723, %parallel_loop3A_724] {strides = array<i32>} : memref<2x32x1024xf32, #tpu.memory_space<vmem>>, vector<16xf32>,
        %parallel_loop3A_726 = arith.mulf %parallel_loop3A_465, %parallel_loop3A_725 : vector<16xf32>
        %parallel_loop3A_727 = arith.constant dense<true> : vector<16xi1>
        %parallel_loop3A_728, %parallel_loop3A_729, %parallel_loop3A_730 = tpu.sort %parallel_loop3A_726, %parallel_loop3A_725 masked %parallel_loop3A_727 {descending = true} : (vector<16xf32>, vector<16xf32>, vector<16xi1>) -> (vector<16xi1>, vector<16xf32>, vector<16xf32>)
        %parallel_loop3A_731 = arith.maximumf %parallel_loop3A_443, %parallel_loop3A_729 : vector<16xf32>
        %parallel_loop3A_732 = arith.constant dense<true> : vector<16xi1>
        %parallel_loop3A_733, %parallel_loop3A_734, %parallel_loop3A_735 = tpu.sort %parallel_loop3A_731, %parallel_loop3A_731 masked %parallel_loop3A_732 : (vector<16xf32>, vector<16xf32>, vector<16xi1>) -> (vector<16xi1>, vector<16xf32>, vector<16xf32>)
        %parallel_loop3A_736 = arith.constant 16 : i32
        %parallel_loop3A_737 = arith.muli %parallel_loop3A_428, %parallel_loop3A_736 : i32
        %parallel_loop3A_738 = arith.constant 1 : i32
        %parallel_loop3A_739 = arith.constant 15 : i32
        %parallel_loop3A_740 = arith.index_cast %parallel_loop3A_738 : i32 to index
        %parallel_loop3A_741 = arith.index_cast %parallel_loop3A_739 : i32 to index
        %parallel_loop3A_742 = arith.index_cast %parallel_loop3A_737 : i32 to index
        %parallel_loop3A_743 = tpu.vector_load %arg7[%parallel_loop3A_740, %parallel_loop3A_741, %parallel_loop3A_742] {strides = array<i32>} : memref<2x32x1024xf32, #tpu.memory_space<vmem>>, vector<16xf32>,
        %parallel_loop3A_744 = arith.mulf %parallel_loop3A_465, %parallel_loop3A_743 : vector<16xf32>
        %parallel_loop3A_745 = arith.constant dense<true> : vector<16xi1>
        %parallel_loop3A_746, %parallel_loop3A_747, %parallel_loop3A_748 = tpu.sort %parallel_loop3A_744, %parallel_loop3A_743 masked %parallel_loop3A_745 {descending = true} : (vector<16xf32>, vector<16xf32>, vector<16xi1>) -> (vector<16xi1>, vector<16xf32>, vector<16xf32>)
        %parallel_loop3A_749 = arith.maximumf %parallel_loop3A_444, %parallel_loop3A_747 : vector<16xf32>
        %parallel_loop3A_750 = arith.constant dense<true> : vector<16xi1>
        %parallel_loop3A_751, %parallel_loop3A_752, %parallel_loop3A_753 = tpu.sort %parallel_loop3A_749, %parallel_loop3A_749 masked %parallel_loop3A_750 : (vector<16xf32>, vector<16xf32>, vector<16xi1>) -> (vector<16xi1>, vector<16xf32>, vector<16xf32>)
        %parallel_loop3A_754 = arith.constant 16 : i32
        %parallel_loop3A_755 = arith.muli %parallel_loop3A_428, %parallel_loop3A_754 : i32
        %parallel_loop3A_756 = arith.constant 1 : i32
        %parallel_loop3A_757 = arith.constant 16 : i32
        %parallel_loop3A_758 = arith.index_cast %parallel_loop3A_756 : i32 to index
        %parallel_loop3A_759 = arith.index_cast %parallel_loop3A_757 : i32 to index
        %parallel_loop3A_760 = arith.index_cast %parallel_loop3A_755 : i32 to index
        %parallel_loop3A_761 = tpu.vector_load %arg7[%parallel_loop3A_758, %parallel_loop3A_759, %parallel_loop3A_760] {strides = array<i32>} : memref<2x32x1024xf32, #tpu.memory_space<vmem>>, vector<16xf32>,
        %parallel_loop3A_762 = arith.mulf %parallel_loop3A_465, %parallel_loop3A_761 : vector<16xf32>
        %parallel_loop3A_763 = arith.constant dense<true> : vector<16xi1>
        %parallel_loop3A_764, %parallel_loop3A_765, %parallel_loop3A_766 = tpu.sort %parallel_loop3A_762, %parallel_loop3A_761 masked %parallel_loop3A_763 {descending = true} : (vector<16xf32>, vector<16xf32>, vector<16xi1>) -> (vector<16xi1>, vector<16xf32>, vector<16xf32>)
        %parallel_loop3A_767 = arith.maximumf %parallel_loop3A_445, %parallel_loop3A_765 : vector<16xf32>
        %parallel_loop3A_768 = arith.constant dense<true> : vector<16xi1>
        %parallel_loop3A_769, %parallel_loop3A_770, %parallel_loop3A_771 = tpu.sort %parallel_loop3A_767, %parallel_loop3A_767 masked %parallel_loop3A_768 : (vector<16xf32>, vector<16xf32>, vector<16xi1>) -> (vector<16xi1>, vector<16xf32>, vector<16xf32>)
        %parallel_loop3A_772 = arith.constant 16 : i32
        %parallel_loop3A_773 = arith.muli %parallel_loop3A_428, %parallel_loop3A_772 : i32
        %parallel_loop3A_774 = arith.constant 1 : i32
        %parallel_loop3A_775 = arith.constant 17 : i32
        %parallel_loop3A_776 = arith.index_cast %parallel_loop3A_774 : i32 to index
        %parallel_loop3A_777 = arith.index_cast %parallel_loop3A_775 : i32 to index
        %parallel_loop3A_778 = arith.index_cast %parallel_loop3A_773 : i32 to index
        %parallel_loop3A_779 = tpu.vector_load %arg7[%parallel_loop3A_776, %parallel_loop3A_777, %parallel_loop3A_778] {strides = array<i32>} : memref<2x32x1024xf32, #tpu.memory_space<vmem>>, vector<16xf32>,
        %parallel_loop3A_780 = arith.mulf %parallel_loop3A_465, %parallel_loop3A_779 : vector<16xf32>
        %parallel_loop3A_781 = arith.constant dense<true> : vector<16xi1>
        %parallel_loop3A_782, %parallel_loop3A_783, %parallel_loop3A_784 = tpu.sort %parallel_loop3A_780, %parallel_loop3A_779 masked %parallel_loop3A_781 {descending = true} : (vector<16xf32>, vector<16xf32>, vector<16xi1>) -> (vector<16xi1>, vector<16xf32>, vector<16xf32>)
        %parallel_loop3A_785 = arith.maximumf %parallel_loop3A_446, %parallel_loop3A_783 : vector<16xf32>
        %parallel_loop3A_786 = arith.constant dense<true> : vector<16xi1>
        %parallel_loop3A_787, %parallel_loop3A_788, %parallel_loop3A_789 = tpu.sort %parallel_loop3A_785, %parallel_loop3A_785 masked %parallel_loop3A_786 : (vector<16xf32>, vector<16xf32>, vector<16xi1>) -> (vector<16xi1>, vector<16xf32>, vector<16xf32>)
        %parallel_loop3A_790 = arith.constant 16 : i32
        %parallel_loop3A_791 = arith.muli %parallel_loop3A_428, %parallel_loop3A_790 : i32
        %parallel_loop3A_792 = arith.constant 1 : i32
        %parallel_loop3A_793 = arith.constant 18 : i32
        %parallel_loop3A_794 = arith.index_cast %parallel_loop3A_792 : i32 to index
        %parallel_loop3A_795 = arith.index_cast %parallel_loop3A_793 : i32 to index
        %parallel_loop3A_796 = arith.index_cast %parallel_loop3A_791 : i32 to index
        %parallel_loop3A_797 = tpu.vector_load %arg7[%parallel_loop3A_794, %parallel_loop3A_795, %parallel_loop3A_796] {strides = array<i32>} : memref<2x32x1024xf32, #tpu.memory_space<vmem>>, vector<16xf32>,
        %parallel_loop3A_798 = arith.mulf %parallel_loop3A_465, %parallel_loop3A_797 : vector<16xf32>
        %parallel_loop3A_799 = arith.constant dense<true> : vector<16xi1>
        %parallel_loop3A_800, %parallel_loop3A_801, %parallel_loop3A_802 = tpu.sort %parallel_loop3A_798, %parallel_loop3A_797 masked %parallel_loop3A_799 {descending = true} : (vector<16xf32>, vector<16xf32>, vector<16xi1>) -> (vector<16xi1>, vector<16xf32>, vector<16xf32>)
        %parallel_loop3A_803 = arith.maximumf %parallel_loop3A_447, %parallel_loop3A_801 : vector<16xf32>
        %parallel_loop3A_804 = arith.constant dense<true> : vector<16xi1>
        %parallel_loop3A_805, %parallel_loop3A_806, %parallel_loop3A_807 = tpu.sort %parallel_loop3A_803, %parallel_loop3A_803 masked %parallel_loop3A_804 : (vector<16xf32>, vector<16xf32>, vector<16xi1>) -> (vector<16xi1>, vector<16xf32>, vector<16xf32>)
        %parallel_loop3A_808 = arith.constant 16 : i32
        %parallel_loop3A_809 = arith.muli %parallel_loop3A_428, %parallel_loop3A_808 : i32
        %parallel_loop3A_810 = arith.constant 1 : i32
        %parallel_loop3A_811 = arith.constant 19 : i32
        %parallel_loop3A_812 = arith.index_cast %parallel_loop3A_810 : i32 to index
        %parallel_loop3A_813 = arith.index_cast %parallel_loop3A_811 : i32 to index
        %parallel_loop3A_814 = arith.index_cast %parallel_loop3A_809 : i32 to index
        %parallel_loop3A_815 = tpu.vector_load %arg7[%parallel_loop3A_812, %parallel_loop3A_813, %parallel_loop3A_814] {strides = array<i32>} : memref<2x32x1024xf32, #tpu.memory_space<vmem>>, vector<16xf32>,
        %parallel_loop3A_816 = arith.mulf %parallel_loop3A_465, %parallel_loop3A_815 : vector<16xf32>
        %parallel_loop3A_817 = arith.constant dense<true> : vector<16xi1>
        %parallel_loop3A_818, %parallel_loop3A_819, %parallel_loop3A_820 = tpu.sort %parallel_loop3A_816, %parallel_loop3A_815 masked %parallel_loop3A_817 {descending = true} : (vector<16xf32>, vector<16xf32>, vector<16xi1>) -> (vector<16xi1>, vector<16xf32>, vector<16xf32>)
        %parallel_loop3A_821 = arith.maximumf %parallel_loop3A_448, %parallel_loop3A_819 : vector<16xf32>
        %parallel_loop3A_822 = arith.constant dense<true> : vector<16xi1>
        %parallel_loop3A_823, %parallel_loop3A_824, %parallel_loop3A_825 = tpu.sort %parallel_loop3A_821, %parallel_loop3A_821 masked %parallel_loop3A_822 : (vector<16xf32>, vector<16xf32>, vector<16xi1>) -> (vector<16xi1>, vector<16xf32>, vector<16xf32>)
        %parallel_loop3A_826 = arith.constant 16 : i32
        %parallel_loop3A_827 = arith.muli %parallel_loop3A_428, %parallel_loop3A_826 : i32
        %parallel_loop3A_828 = arith.constant 1 : i32
        %parallel_loop3A_829 = arith.constant 20 : i32
        %parallel_loop3A_830 = arith.index_cast %parallel_loop3A_828 : i32 to index
        %parallel_loop3A_831 = arith.index_cast %parallel_loop3A_829 : i32 to index
        %parallel_loop3A_832 = arith.index_cast %parallel_loop3A_827 : i32 to index
        %parallel_loop3A_833 = tpu.vector_load %arg7[%parallel_loop3A_830, %parallel_loop3A_831, %parallel_loop3A_832] {strides = array<i32>} : memref<2x32x1024xf32, #tpu.memory_space<vmem>>, vector<16xf32>,
        %parallel_loop3A_834 = arith.mulf %parallel_loop3A_465, %parallel_loop3A_833 : vector<16xf32>
        %parallel_loop3A_835 = arith.constant dense<true> : vector<16xi1>
        %parallel_loop3A_836, %parallel_loop3A_837, %parallel_loop3A_838 = tpu.sort %parallel_loop3A_834, %parallel_loop3A_833 masked %parallel_loop3A_835 {descending = true} : (vector<16xf32>, vector<16xf32>, vector<16xi1>) -> (vector<16xi1>, vector<16xf32>, vector<16xf32>)
        %parallel_loop3A_839 = arith.maximumf %parallel_loop3A_449, %parallel_loop3A_837 : vector<16xf32>
        %parallel_loop3A_840 = arith.constant dense<true> : vector<16xi1>
        %parallel_loop3A_841, %parallel_loop3A_842, %parallel_loop3A_843 = tpu.sort %parallel_loop3A_839, %parallel_loop3A_839 masked %parallel_loop3A_840 : (vector<16xf32>, vector<16xf32>, vector<16xi1>) -> (vector<16xi1>, vector<16xf32>, vector<16xf32>)
        %parallel_loop3A_844 = arith.constant 16 : i32
        %parallel_loop3A_845 = arith.muli %parallel_loop3A_428, %parallel_loop3A_844 : i32
        %parallel_loop3A_846 = arith.constant 1 : i32
        %parallel_loop3A_847 = arith.constant 21 : i32
        %parallel_loop3A_848 = arith.index_cast %parallel_loop3A_846 : i32 to index
        %parallel_loop3A_849 = arith.index_cast %parallel_loop3A_847 : i32 to index
        %parallel_loop3A_850 = arith.index_cast %parallel_loop3A_845 : i32 to index
        %parallel_loop3A_851 = tpu.vector_load %arg7[%parallel_loop3A_848, %parallel_loop3A_849, %parallel_loop3A_850] {strides = array<i32>} : memref<2x32x1024xf32, #tpu.memory_space<vmem>>, vector<16xf32>,
        %parallel_loop3A_852 = arith.mulf %parallel_loop3A_465, %parallel_loop3A_851 : vector<16xf32>
        %parallel_loop3A_853 = arith.constant dense<true> : vector<16xi1>
        %parallel_loop3A_854, %parallel_loop3A_855, %parallel_loop3A_856 = tpu.sort %parallel_loop3A_852, %parallel_loop3A_851 masked %parallel_loop3A_853 {descending = true} : (vector<16xf32>, vector<16xf32>, vector<16xi1>) -> (vector<16xi1>, vector<16xf32>, vector<16xf32>)
        %parallel_loop3A_857 = arith.maximumf %parallel_loop3A_450, %parallel_loop3A_855 : vector<16xf32>
        %parallel_loop3A_858 = arith.constant dense<true> : vector<16xi1>
        %parallel_loop3A_859, %parallel_loop3A_860, %parallel_loop3A_861 = tpu.sort %parallel_loop3A_857, %parallel_loop3A_857 masked %parallel_loop3A_858 : (vector<16xf32>, vector<16xf32>, vector<16xi1>) -> (vector<16xi1>, vector<16xf32>, vector<16xf32>)
        %parallel_loop3A_862 = arith.constant 16 : i32
        %parallel_loop3A_863 = arith.muli %parallel_loop3A_428, %parallel_loop3A_862 : i32
        %parallel_loop3A_864 = arith.constant 1 : i32
        %parallel_loop3A_865 = arith.constant 22 : i32
        %parallel_loop3A_866 = arith.index_cast %parallel_loop3A_864 : i32 to index
        %parallel_loop3A_867 = arith.index_cast %parallel_loop3A_865 : i32 to index
        %parallel_loop3A_868 = arith.index_cast %parallel_loop3A_863 : i32 to index
        %parallel_loop3A_869 = tpu.vector_load %arg7[%parallel_loop3A_866, %parallel_loop3A_867, %parallel_loop3A_868] {strides = array<i32>} : memref<2x32x1024xf32, #tpu.memory_space<vmem>>, vector<16xf32>,
        %parallel_loop3A_870 = arith.mulf %parallel_loop3A_465, %parallel_loop3A_869 : vector<16xf32>
        %parallel_loop3A_871 = arith.constant dense<true> : vector<16xi1>
        %parallel_loop3A_872, %parallel_loop3A_873, %parallel_loop3A_874 = tpu.sort %parallel_loop3A_870, %parallel_loop3A_869 masked %parallel_loop3A_871 {descending = true} : (vector<16xf32>, vector<16xf32>, vector<16xi1>) -> (vector<16xi1>, vector<16xf32>, vector<16xf32>)
        %parallel_loop3A_875 = arith.maximumf %parallel_loop3A_451, %parallel_loop3A_873 : vector<16xf32>
        %parallel_loop3A_876 = arith.constant dense<true> : vector<16xi1>
        %parallel_loop3A_877, %parallel_loop3A_878, %parallel_loop3A_879 = tpu.sort %parallel_loop3A_875, %parallel_loop3A_875 masked %parallel_loop3A_876 : (vector<16xf32>, vector<16xf32>, vector<16xi1>) -> (vector<16xi1>, vector<16xf32>, vector<16xf32>)
        %parallel_loop3A_880 = arith.constant 16 : i32
        %parallel_loop3A_881 = arith.muli %parallel_loop3A_428, %parallel_loop3A_880 : i32
        %parallel_loop3A_882 = arith.constant 1 : i32
        %parallel_loop3A_883 = arith.constant 23 : i32
        %parallel_loop3A_884 = arith.index_cast %parallel_loop3A_882 : i32 to index
        %parallel_loop3A_885 = arith.index_cast %parallel_loop3A_883 : i32 to index
        %parallel_loop3A_886 = arith.index_cast %parallel_loop3A_881 : i32 to index
        %parallel_loop3A_887 = tpu.vector_load %arg7[%parallel_loop3A_884, %parallel_loop3A_885, %parallel_loop3A_886] {strides = array<i32>} : memref<2x32x1024xf32, #tpu.memory_space<vmem>>, vector<16xf32>,
        %parallel_loop3A_888 = arith.mulf %parallel_loop3A_465, %parallel_loop3A_887 : vector<16xf32>
        %parallel_loop3A_889 = arith.constant dense<true> : vector<16xi1>
        %parallel_loop3A_890, %parallel_loop3A_891, %parallel_loop3A_892 = tpu.sort %parallel_loop3A_888, %parallel_loop3A_887 masked %parallel_loop3A_889 {descending = true} : (vector<16xf32>, vector<16xf32>, vector<16xi1>) -> (vector<16xi1>, vector<16xf32>, vector<16xf32>)
        %parallel_loop3A_893 = arith.maximumf %parallel_loop3A_452, %parallel_loop3A_891 : vector<16xf32>
        %parallel_loop3A_894 = arith.constant dense<true> : vector<16xi1>
        %parallel_loop3A_895, %parallel_loop3A_896, %parallel_loop3A_897 = tpu.sort %parallel_loop3A_893, %parallel_loop3A_893 masked %parallel_loop3A_894 : (vector<16xf32>, vector<16xf32>, vector<16xi1>) -> (vector<16xi1>, vector<16xf32>, vector<16xf32>)
        %parallel_loop3A_898 = arith.constant 16 : i32
        %parallel_loop3A_899 = arith.muli %parallel_loop3A_428, %parallel_loop3A_898 : i32
        %parallel_loop3A_900 = arith.constant 1 : i32
        %parallel_loop3A_901 = arith.constant 24 : i32
        %parallel_loop3A_902 = arith.index_cast %parallel_loop3A_900 : i32 to index
        %parallel_loop3A_903 = arith.index_cast %parallel_loop3A_901 : i32 to index
        %parallel_loop3A_904 = arith.index_cast %parallel_loop3A_899 : i32 to index
        %parallel_loop3A_905 = tpu.vector_load %arg7[%parallel_loop3A_902, %parallel_loop3A_903, %parallel_loop3A_904] {strides = array<i32>} : memref<2x32x1024xf32, #tpu.memory_space<vmem>>, vector<16xf32>,
        %parallel_loop3A_906 = arith.mulf %parallel_loop3A_465, %parallel_loop3A_905 : vector<16xf32>
        %parallel_loop3A_907 = arith.constant dense<true> : vector<16xi1>
        %parallel_loop3A_908, %parallel_loop3A_909, %parallel_loop3A_910 = tpu.sort %parallel_loop3A_906, %parallel_loop3A_905 masked %parallel_loop3A_907 {descending = true} : (vector<16xf32>, vector<16xf32>, vector<16xi1>) -> (vector<16xi1>, vector<16xf32>, vector<16xf32>)
        %parallel_loop3A_911 = arith.maximumf %parallel_loop3A_453, %parallel_loop3A_909 : vector<16xf32>
        %parallel_loop3A_912 = arith.constant dense<true> : vector<16xi1>
        %parallel_loop3A_913, %parallel_loop3A_914, %parallel_loop3A_915 = tpu.sort %parallel_loop3A_911, %parallel_loop3A_911 masked %parallel_loop3A_912 : (vector<16xf32>, vector<16xf32>, vector<16xi1>) -> (vector<16xi1>, vector<16xf32>, vector<16xf32>)
        %parallel_loop3A_916 = arith.constant 16 : i32
        %parallel_loop3A_917 = arith.muli %parallel_loop3A_428, %parallel_loop3A_916 : i32
        %parallel_loop3A_918 = arith.constant 1 : i32
        %parallel_loop3A_919 = arith.constant 25 : i32
        %parallel_loop3A_920 = arith.index_cast %parallel_loop3A_918 : i32 to index
        %parallel_loop3A_921 = arith.index_cast %parallel_loop3A_919 : i32 to index
        %parallel_loop3A_922 = arith.index_cast %parallel_loop3A_917 : i32 to index
        %parallel_loop3A_923 = tpu.vector_load %arg7[%parallel_loop3A_920, %parallel_loop3A_921, %parallel_loop3A_922] {strides = array<i32>} : memref<2x32x1024xf32, #tpu.memory_space<vmem>>, vector<16xf32>,
        %parallel_loop3A_924 = arith.mulf %parallel_loop3A_465, %parallel_loop3A_923 : vector<16xf32>
        %parallel_loop3A_925 = arith.constant dense<true> : vector<16xi1>
        %parallel_loop3A_926, %parallel_loop3A_927, %parallel_loop3A_928 = tpu.sort %parallel_loop3A_924, %parallel_loop3A_923 masked %parallel_loop3A_925 {descending = true} : (vector<16xf32>, vector<16xf32>, vector<16xi1>) -> (vector<16xi1>, vector<16xf32>, vector<16xf32>)
        %parallel_loop3A_929 = arith.maximumf %parallel_loop3A_454, %parallel_loop3A_927 : vector<16xf32>
        %parallel_loop3A_930 = arith.constant dense<true> : vector<16xi1>
        %parallel_loop3A_931, %parallel_loop3A_932, %parallel_loop3A_933 = tpu.sort %parallel_loop3A_929, %parallel_loop3A_929 masked %parallel_loop3A_930 : (vector<16xf32>, vector<16xf32>, vector<16xi1>) -> (vector<16xi1>, vector<16xf32>, vector<16xf32>)
        %parallel_loop3A_934 = arith.constant 16 : i32
        %parallel_loop3A_935 = arith.muli %parallel_loop3A_428, %parallel_loop3A_934 : i32
        %parallel_loop3A_936 = arith.constant 1 : i32
        %parallel_loop3A_937 = arith.constant 26 : i32
        %parallel_loop3A_938 = arith.index_cast %parallel_loop3A_936 : i32 to index
        %parallel_loop3A_939 = arith.index_cast %parallel_loop3A_937 : i32 to index
        %parallel_loop3A_940 = arith.index_cast %parallel_loop3A_935 : i32 to index
        %parallel_loop3A_941 = tpu.vector_load %arg7[%parallel_loop3A_938, %parallel_loop3A_939, %parallel_loop3A_940] {strides = array<i32>} : memref<2x32x1024xf32, #tpu.memory_space<vmem>>, vector<16xf32>,
        %parallel_loop3A_942 = arith.mulf %parallel_loop3A_465, %parallel_loop3A_941 : vector<16xf32>
        %parallel_loop3A_943 = arith.constant dense<true> : vector<16xi1>
        %parallel_loop3A_944, %parallel_loop3A_945, %parallel_loop3A_946 = tpu.sort %parallel_loop3A_942, %parallel_loop3A_941 masked %parallel_loop3A_943 {descending = true} : (vector<16xf32>, vector<16xf32>, vector<16xi1>) -> (vector<16xi1>, vector<16xf32>, vector<16xf32>)
        %parallel_loop3A_947 = arith.maximumf %parallel_loop3A_455, %parallel_loop3A_945 : vector<16xf32>
        %parallel_loop3A_948 = arith.constant dense<true> : vector<16xi1>
        %parallel_loop3A_949, %parallel_loop3A_950, %parallel_loop3A_951 = tpu.sort %parallel_loop3A_947, %parallel_loop3A_947 masked %parallel_loop3A_948 : (vector<16xf32>, vector<16xf32>, vector<16xi1>) -> (vector<16xi1>, vector<16xf32>, vector<16xf32>)
        %parallel_loop3A_952 = arith.constant 16 : i32
        %parallel_loop3A_953 = arith.muli %parallel_loop3A_428, %parallel_loop3A_952 : i32
        %parallel_loop3A_954 = arith.constant 1 : i32
        %parallel_loop3A_955 = arith.constant 27 : i32
        %parallel_loop3A_956 = arith.index_cast %parallel_loop3A_954 : i32 to index
        %parallel_loop3A_957 = arith.index_cast %parallel_loop3A_955 : i32 to index
        %parallel_loop3A_958 = arith.index_cast %parallel_loop3A_953 : i32 to index
        %parallel_loop3A_959 = tpu.vector_load %arg7[%parallel_loop3A_956, %parallel_loop3A_957, %parallel_loop3A_958] {strides = array<i32>} : memref<2x32x1024xf32, #tpu.memory_space<vmem>>, vector<16xf32>,
        %parallel_loop3A_960 = arith.mulf %parallel_loop3A_465, %parallel_loop3A_959 : vector<16xf32>
        %parallel_loop3A_961 = arith.constant dense<true> : vector<16xi1>
        %parallel_loop3A_962, %parallel_loop3A_963, %parallel_loop3A_964 = tpu.sort %parallel_loop3A_960, %parallel_loop3A_959 masked %parallel_loop3A_961 {descending = true} : (vector<16xf32>, vector<16xf32>, vector<16xi1>) -> (vector<16xi1>, vector<16xf32>, vector<16xf32>)
        %parallel_loop3A_965 = arith.maximumf %parallel_loop3A_456, %parallel_loop3A_963 : vector<16xf32>
        %parallel_loop3A_966 = arith.constant dense<true> : vector<16xi1>
        %parallel_loop3A_967, %parallel_loop3A_968, %parallel_loop3A_969 = tpu.sort %parallel_loop3A_965, %parallel_loop3A_965 masked %parallel_loop3A_966 : (vector<16xf32>, vector<16xf32>, vector<16xi1>) -> (vector<16xi1>, vector<16xf32>, vector<16xf32>)
        %parallel_loop3A_970 = arith.constant 16 : i32
        %parallel_loop3A_971 = arith.muli %parallel_loop3A_428, %parallel_loop3A_970 : i32
        %parallel_loop3A_972 = arith.constant 1 : i32
        %parallel_loop3A_973 = arith.constant 28 : i32
        %parallel_loop3A_974 = arith.index_cast %parallel_loop3A_972 : i32 to index
        %parallel_loop3A_975 = arith.index_cast %parallel_loop3A_973 : i32 to index
        %parallel_loop3A_976 = arith.index_cast %parallel_loop3A_971 : i32 to index
        %parallel_loop3A_977 = tpu.vector_load %arg7[%parallel_loop3A_974, %parallel_loop3A_975, %parallel_loop3A_976] {strides = array<i32>} : memref<2x32x1024xf32, #tpu.memory_space<vmem>>, vector<16xf32>,
        %parallel_loop3A_978 = arith.mulf %parallel_loop3A_465, %parallel_loop3A_977 : vector<16xf32>
        %parallel_loop3A_979 = arith.constant dense<true> : vector<16xi1>
        %parallel_loop3A_980, %parallel_loop3A_981, %parallel_loop3A_982 = tpu.sort %parallel_loop3A_978, %parallel_loop3A_977 masked %parallel_loop3A_979 {descending = true} : (vector<16xf32>, vector<16xf32>, vector<16xi1>) -> (vector<16xi1>, vector<16xf32>, vector<16xf32>)
        %parallel_loop3A_983 = arith.maximumf %parallel_loop3A_457, %parallel_loop3A_981 : vector<16xf32>
        %parallel_loop3A_984 = arith.constant dense<true> : vector<16xi1>
        %parallel_loop3A_985, %parallel_loop3A_986, %parallel_loop3A_987 = tpu.sort %parallel_loop3A_983, %parallel_loop3A_983 masked %parallel_loop3A_984 : (vector<16xf32>, vector<16xf32>, vector<16xi1>) -> (vector<16xi1>, vector<16xf32>, vector<16xf32>)
        %parallel_loop3A_988 = arith.constant 16 : i32
        %parallel_loop3A_989 = arith.muli %parallel_loop3A_428, %parallel_loop3A_988 : i32
        %parallel_loop3A_990 = arith.constant 1 : i32
        %parallel_loop3A_991 = arith.constant 29 : i32
        %parallel_loop3A_992 = arith.index_cast %parallel_loop3A_990 : i32 to index
        %parallel_loop3A_993 = arith.index_cast %parallel_loop3A_991 : i32 to index
        %parallel_loop3A_994 = arith.index_cast %parallel_loop3A_989 : i32 to index
        %parallel_loop3A_995 = tpu.vector_load %arg7[%parallel_loop3A_992, %parallel_loop3A_993, %parallel_loop3A_994] {strides = array<i32>} : memref<2x32x1024xf32, #tpu.memory_space<vmem>>, vector<16xf32>,
        %parallel_loop3A_996 = arith.mulf %parallel_loop3A_465, %parallel_loop3A_995 : vector<16xf32>
        %parallel_loop3A_997 = arith.constant dense<true> : vector<16xi1>
        %parallel_loop3A_998, %parallel_loop3A_999, %parallel_loop3A_1000 = tpu.sort %parallel_loop3A_996, %parallel_loop3A_995 masked %parallel_loop3A_997 {descending = true} : (vector<16xf32>, vector<16xf32>, vector<16xi1>) -> (vector<16xi1>, vector<16xf32>, vector<16xf32>)
        %parallel_loop3A_1001 = arith.maximumf %parallel_loop3A_458, %parallel_loop3A_999 : vector<16xf32>
        %parallel_loop3A_1002 = arith.constant dense<true> : vector<16xi1>
        %parallel_loop3A_1003, %parallel_loop3A_1004, %parallel_loop3A_1005 = tpu.sort %parallel_loop3A_1001, %parallel_loop3A_1001 masked %parallel_loop3A_1002 : (vector<16xf32>, vector<16xf32>, vector<16xi1>) -> (vector<16xi1>, vector<16xf32>, vector<16xf32>)
        %parallel_loop3A_1006 = arith.constant 16 : i32
        %parallel_loop3A_1007 = arith.muli %parallel_loop3A_428, %parallel_loop3A_1006 : i32
        %parallel_loop3A_1008 = arith.constant 1 : i32
        %parallel_loop3A_1009 = arith.constant 30 : i32
        %parallel_loop3A_1010 = arith.index_cast %parallel_loop3A_1008 : i32 to index
        %parallel_loop3A_1011 = arith.index_cast %parallel_loop3A_1009 : i32 to index
        %parallel_loop3A_1012 = arith.index_cast %parallel_loop3A_1007 : i32 to index
        %parallel_loop3A_1013 = tpu.vector_load %arg7[%parallel_loop3A_1010, %parallel_loop3A_1011, %parallel_loop3A_1012] {strides = array<i32>} : memref<2x32x1024xf32, #tpu.memory_space<vmem>>, vector<16xf32>,
        %parallel_loop3A_1014 = arith.mulf %parallel_loop3A_465, %parallel_loop3A_1013 : vector<16xf32>
        %parallel_loop3A_1015 = arith.constant dense<true> : vector<16xi1>
        %parallel_loop3A_1016, %parallel_loop3A_1017, %parallel_loop3A_1018 = tpu.sort %parallel_loop3A_1014, %parallel_loop3A_1013 masked %parallel_loop3A_1015 {descending = true} : (vector<16xf32>, vector<16xf32>, vector<16xi1>) -> (vector<16xi1>, vector<16xf32>, vector<16xf32>)
        %parallel_loop3A_1019 = arith.maximumf %parallel_loop3A_459, %parallel_loop3A_1017 : vector<16xf32>
        %parallel_loop3A_1020 = arith.constant dense<true> : vector<16xi1>
        %parallel_loop3A_1021, %parallel_loop3A_1022, %parallel_loop3A_1023 = tpu.sort %parallel_loop3A_1019, %parallel_loop3A_1019 masked %parallel_loop3A_1020 : (vector<16xf32>, vector<16xf32>, vector<16xi1>) -> (vector<16xi1>, vector<16xf32>, vector<16xf32>)
        %parallel_loop3A_1024 = arith.constant 16 : i32
        %parallel_loop3A_1025 = arith.muli %parallel_loop3A_428, %parallel_loop3A_1024 : i32
        %parallel_loop3A_1026 = arith.constant 1 : i32
        %parallel_loop3A_1027 = arith.constant 31 : i32
        %parallel_loop3A_1028 = arith.index_cast %parallel_loop3A_1026 : i32 to index
        %parallel_loop3A_1029 = arith.index_cast %parallel_loop3A_1027 : i32 to index
        %parallel_loop3A_1030 = arith.index_cast %parallel_loop3A_1025 : i32 to index
        %parallel_loop3A_1031 = tpu.vector_load %arg7[%parallel_loop3A_1028, %parallel_loop3A_1029, %parallel_loop3A_1030] {strides = array<i32>} : memref<2x32x1024xf32, #tpu.memory_space<vmem>>, vector<16xf32>,
        %parallel_loop3A_1032 = arith.mulf %parallel_loop3A_465, %parallel_loop3A_1031 : vector<16xf32>
        %parallel_loop3A_1033 = arith.constant dense<true> : vector<16xi1>
        %parallel_loop3A_1034, %parallel_loop3A_1035, %parallel_loop3A_1036 = tpu.sort %parallel_loop3A_1032, %parallel_loop3A_1031 masked %parallel_loop3A_1033 {descending = true} : (vector<16xf32>, vector<16xf32>, vector<16xi1>) -> (vector<16xi1>, vector<16xf32>, vector<16xf32>)
        %parallel_loop3A_1037 = arith.maximumf %parallel_loop3A_460, %parallel_loop3A_1035 : vector<16xf32>
        %parallel_loop3A_1038 = arith.constant dense<true> : vector<16xi1>
        %parallel_loop3A_1039, %parallel_loop3A_1040, %parallel_loop3A_1041 = tpu.sort %parallel_loop3A_1037, %parallel_loop3A_1037 masked %parallel_loop3A_1038 : (vector<16xf32>, vector<16xf32>, vector<16xi1>) -> (vector<16xi1>, vector<16xf32>, vector<16xf32>)
        scf.yield %parallel_loop3A_482, %parallel_loop3A_500, %parallel_loop3A_518, %parallel_loop3A_536, %parallel_loop3A_554, %parallel_loop3A_572, %parallel_loop3A_590, %parallel_loop3A_608, %parallel_loop3A_626, %parallel_loop3A_644, %parallel_loop3A_662, %parallel_loop3A_680, %parallel_loop3A_698, %parallel_loop3A_716, %parallel_loop3A_734, %parallel_loop3A_752, %parallel_loop3A_770, %parallel_loop3A_788, %parallel_loop3A_806, %parallel_loop3A_824, %parallel_loop3A_842, %parallel_loop3A_860, %parallel_loop3A_878, %parallel_loop3A_896, %parallel_loop3A_914, %parallel_loop3A_932, %parallel_loop3A_950, %parallel_loop3A_968, %parallel_loop3A_986, %parallel_loop3A_1004, %parallel_loop3A_1022, %parallel_loop3A_1040 : vector<16xf32>, vector<16xf32>, vector<16xf32>, vector<16xf32>, vector<16xf32>, vector<16xf32>, vector<16xf32>, vector<16xf32>, vector<16xf32>, vector<16xf32>, vector<16xf32>, vector<16xf32>, vector<16xf32>, vector<16xf32>, vector<16xf32>, vector<16xf32>, vector<16xf32>, vector<16xf32>, vector<16xf32>, vector<16xf32>, vector<16xf32>, vector<16xf32>, vector<16xf32>, vector<16xf32>, vector<16xf32>, vector<16xf32>, vector<16xf32>, vector<16xf32>, vector<16xf32>, vector<16xf32>, vector<16xf32>, vector<16xf32>
      } {sc.loop_unroll_factor = 1 : i64, sc.parallel_access}
      %parallel_loop3A_364 = arith.constant 0 : i32
      %parallel_loop3A_365 = vector.broadcast %parallel_loop3A_364 : i32 to vector<16xi32>
      tpu.vector_store_idx %arg8[%parallel_loop3A_295, %sub3A_25, %parallel_loop3A_365], %parallel_loop3A_363#0 : memref<32x17x32xf32, #tpu.memory_space<vmem>>[vector<16xi32>, vector<16xi32>, vector<16xi32>], vector<16xf32>,
      %parallel_loop3A_366 = arith.constant 1 : i32
      %parallel_loop3A_367 = vector.broadcast %parallel_loop3A_366 : i32 to vector<16xi32>
      tpu.vector_store_idx %arg8[%parallel_loop3A_295, %sub3A_25, %parallel_loop3A_367], %parallel_loop3A_363#1 : memref<32x17x32xf32, #tpu.memory_space<vmem>>[vector<16xi32>, vector<16xi32>, vector<16xi32>], vector<16xf32>,
      %parallel_loop3A_368 = arith.constant 2 : i32
      %parallel_loop3A_369 = vector.broadcast %parallel_loop3A_368 : i32 to vector<16xi32>
      tpu.vector_store_idx %arg8[%parallel_loop3A_295, %sub3A_25, %parallel_loop3A_369], %parallel_loop3A_363#2 : memref<32x17x32xf32, #tpu.memory_space<vmem>>[vector<16xi32>, vector<16xi32>, vector<16xi32>], vector<16xf32>,
      %parallel_loop3A_370 = arith.constant 3 : i32
      %parallel_loop3A_371 = vector.broadcast %parallel_loop3A_370 : i32 to vector<16xi32>
      tpu.vector_store_idx %arg8[%parallel_loop3A_295, %sub3A_25, %parallel_loop3A_371], %parallel_loop3A_363#3 : memref<32x17x32xf32, #tpu.memory_space<vmem>>[vector<16xi32>, vector<16xi32>, vector<16xi32>], vector<16xf32>,
      %parallel_loop3A_372 = arith.constant 4 : i32
      %parallel_loop3A_373 = vector.broadcast %parallel_loop3A_372 : i32 to vector<16xi32>
      tpu.vector_store_idx %arg8[%parallel_loop3A_295, %sub3A_25, %parallel_loop3A_373], %parallel_loop3A_363#4 : memref<32x17x32xf32, #tpu.memory_space<vmem>>[vector<16xi32>, vector<16xi32>, vector<16xi32>], vector<16xf32>,
      %parallel_loop3A_374 = arith.constant 5 : i32
      %parallel_loop3A_375 = vector.broadcast %parallel_loop3A_374 : i32 to vector<16xi32>
      tpu.vector_store_idx %arg8[%parallel_loop3A_295, %sub3A_25, %parallel_loop3A_375], %parallel_loop3A_363#5 : memref<32x17x32xf32, #tpu.memory_space<vmem>>[vector<16xi32>, vector<16xi32>, vector<16xi32>], vector<16xf32>,
      %parallel_loop3A_376 = arith.constant 6 : i32
      %parallel_loop3A_377 = vector.broadcast %parallel_loop3A_376 : i32 to vector<16xi32>
      tpu.vector_store_idx %arg8[%parallel_loop3A_295, %sub3A_25, %parallel_loop3A_377], %parallel_loop3A_363#6 : memref<32x17x32xf32, #tpu.memory_space<vmem>>[vector<16xi32>, vector<16xi32>, vector<16xi32>], vector<16xf32>,
      %parallel_loop3A_378 = arith.constant 7 : i32
      %parallel_loop3A_379 = vector.broadcast %parallel_loop3A_378 : i32 to vector<16xi32>
      tpu.vector_store_idx %arg8[%parallel_loop3A_295, %sub3A_25, %parallel_loop3A_379], %parallel_loop3A_363#7 : memref<32x17x32xf32, #tpu.memory_space<vmem>>[vector<16xi32>, vector<16xi32>, vector<16xi32>], vector<16xf32>,
      %parallel_loop3A_380 = arith.constant 8 : i32
      %parallel_loop3A_381 = vector.broadcast %parallel_loop3A_380 : i32 to vector<16xi32>
      tpu.vector_store_idx %arg8[%parallel_loop3A_295, %sub3A_25, %parallel_loop3A_381], %parallel_loop3A_363#8 : memref<32x17x32xf32, #tpu.memory_space<vmem>>[vector<16xi32>, vector<16xi32>, vector<16xi32>], vector<16xf32>,
      %parallel_loop3A_382 = arith.constant 9 : i32
      %parallel_loop3A_383 = vector.broadcast %parallel_loop3A_382 : i32 to vector<16xi32>
      tpu.vector_store_idx %arg8[%parallel_loop3A_295, %sub3A_25, %parallel_loop3A_383], %parallel_loop3A_363#9 : memref<32x17x32xf32, #tpu.memory_space<vmem>>[vector<16xi32>, vector<16xi32>, vector<16xi32>], vector<16xf32>,
      %parallel_loop3A_384 = arith.constant 10 : i32
      %parallel_loop3A_385 = vector.broadcast %parallel_loop3A_384 : i32 to vector<16xi32>
      tpu.vector_store_idx %arg8[%parallel_loop3A_295, %sub3A_25, %parallel_loop3A_385], %parallel_loop3A_363#10 : memref<32x17x32xf32, #tpu.memory_space<vmem>>[vector<16xi32>, vector<16xi32>, vector<16xi32>], vector<16xf32>,
      %parallel_loop3A_386 = arith.constant 11 : i32
      %parallel_loop3A_387 = vector.broadcast %parallel_loop3A_386 : i32 to vector<16xi32>
      tpu.vector_store_idx %arg8[%parallel_loop3A_295, %sub3A_25, %parallel_loop3A_387], %parallel_loop3A_363#11 : memref<32x17x32xf32, #tpu.memory_space<vmem>>[vector<16xi32>, vector<16xi32>, vector<16xi32>], vector<16xf32>,
      %parallel_loop3A_388 = arith.constant 12 : i32
      %parallel_loop3A_389 = vector.broadcast %parallel_loop3A_388 : i32 to vector<16xi32>
      tpu.vector_store_idx %arg8[%parallel_loop3A_295, %sub3A_25, %parallel_loop3A_389], %parallel_loop3A_363#12 : memref<32x17x32xf32, #tpu.memory_space<vmem>>[vector<16xi32>, vector<16xi32>, vector<16xi32>], vector<16xf32>,
      %parallel_loop3A_390 = arith.constant 13 : i32
      %parallel_loop3A_391 = vector.broadcast %parallel_loop3A_390 : i32 to vector<16xi32>
      tpu.vector_store_idx %arg8[%parallel_loop3A_295, %sub3A_25, %parallel_loop3A_391], %parallel_loop3A_363#13 : memref<32x17x32xf32, #tpu.memory_space<vmem>>[vector<16xi32>, vector<16xi32>, vector<16xi32>], vector<16xf32>,
      %parallel_loop3A_392 = arith.constant 14 : i32
      %parallel_loop3A_393 = vector.broadcast %parallel_loop3A_392 : i32 to vector<16xi32>
      tpu.vector_store_idx %arg8[%parallel_loop3A_295, %sub3A_25, %parallel_loop3A_393], %parallel_loop3A_363#14 : memref<32x17x32xf32, #tpu.memory_space<vmem>>[vector<16xi32>, vector<16xi32>, vector<16xi32>], vector<16xf32>,
      %parallel_loop3A_394 = arith.constant 15 : i32
      %parallel_loop3A_395 = vector.broadcast %parallel_loop3A_394 : i32 to vector<16xi32>
      tpu.vector_store_idx %arg8[%parallel_loop3A_295, %sub3A_25, %parallel_loop3A_395], %parallel_loop3A_363#15 : memref<32x17x32xf32, #tpu.memory_space<vmem>>[vector<16xi32>, vector<16xi32>, vector<16xi32>], vector<16xf32>,
      %parallel_loop3A_396 = arith.constant 16 : i32
      %parallel_loop3A_397 = vector.broadcast %parallel_loop3A_396 : i32 to vector<16xi32>
      tpu.vector_store_idx %arg8[%parallel_loop3A_295, %sub3A_25, %parallel_loop3A_397], %parallel_loop3A_363#16 : memref<32x17x32xf32, #tpu.memory_space<vmem>>[vector<16xi32>, vector<16xi32>, vector<16xi32>], vector<16xf32>,
      %parallel_loop3A_398 = arith.constant 17 : i32
      %parallel_loop3A_399 = vector.broadcast %parallel_loop3A_398 : i32 to vector<16xi32>
      tpu.vector_store_idx %arg8[%parallel_loop3A_295, %sub3A_25, %parallel_loop3A_399], %parallel_loop3A_363#17 : memref<32x17x32xf32, #tpu.memory_space<vmem>>[vector<16xi32>, vector<16xi32>, vector<16xi32>], vector<16xf32>,
      %parallel_loop3A_400 = arith.constant 18 : i32
      %parallel_loop3A_401 = vector.broadcast %parallel_loop3A_400 : i32 to vector<16xi32>
      tpu.vector_store_idx %arg8[%parallel_loop3A_295, %sub3A_25, %parallel_loop3A_401], %parallel_loop3A_363#18 : memref<32x17x32xf32, #tpu.memory_space<vmem>>[vector<16xi32>, vector<16xi32>, vector<16xi32>], vector<16xf32>,
      %parallel_loop3A_402 = arith.constant 19 : i32
      %parallel_loop3A_403 = vector.broadcast %parallel_loop3A_402 : i32 to vector<16xi32>
      tpu.vector_store_idx %arg8[%parallel_loop3A_295, %sub3A_25, %parallel_loop3A_403], %parallel_loop3A_363#19 : memref<32x17x32xf32, #tpu.memory_space<vmem>>[vector<16xi32>, vector<16xi32>, vector<16xi32>], vector<16xf32>,
      %parallel_loop3A_404 = arith.constant 20 : i32
      %parallel_loop3A_405 = vector.broadcast %parallel_loop3A_404 : i32 to vector<16xi32>
      tpu.vector_store_idx %arg8[%parallel_loop3A_295, %sub3A_25, %parallel_loop3A_405], %parallel_loop3A_363#20 : memref<32x17x32xf32, #tpu.memory_space<vmem>>[vector<16xi32>, vector<16xi32>, vector<16xi32>], vector<16xf32>,
      %parallel_loop3A_406 = arith.constant 21 : i32
      %parallel_loop3A_407 = vector.broadcast %parallel_loop3A_406 : i32 to vector<16xi32>
      tpu.vector_store_idx %arg8[%parallel_loop3A_295, %sub3A_25, %parallel_loop3A_407], %parallel_loop3A_363#21 : memref<32x17x32xf32, #tpu.memory_space<vmem>>[vector<16xi32>, vector<16xi32>, vector<16xi32>], vector<16xf32>,
      %parallel_loop3A_408 = arith.constant 22 : i32
      %parallel_loop3A_409 = vector.broadcast %parallel_loop3A_408 : i32 to vector<16xi32>
      tpu.vector_store_idx %arg8[%parallel_loop3A_295, %sub3A_25, %parallel_loop3A_409], %parallel_loop3A_363#22 : memref<32x17x32xf32, #tpu.memory_space<vmem>>[vector<16xi32>, vector<16xi32>, vector<16xi32>], vector<16xf32>,
      %parallel_loop3A_410 = arith.constant 23 : i32
      %parallel_loop3A_411 = vector.broadcast %parallel_loop3A_410 : i32 to vector<16xi32>
      tpu.vector_store_idx %arg8[%parallel_loop3A_295, %sub3A_25, %parallel_loop3A_411], %parallel_loop3A_363#23 : memref<32x17x32xf32, #tpu.memory_space<vmem>>[vector<16xi32>, vector<16xi32>, vector<16xi32>], vector<16xf32>,
      %parallel_loop3A_412 = arith.constant 24 : i32
      %parallel_loop3A_413 = vector.broadcast %parallel_loop3A_412 : i32 to vector<16xi32>
      tpu.vector_store_idx %arg8[%parallel_loop3A_295, %sub3A_25, %parallel_loop3A_413], %parallel_loop3A_363#24 : memref<32x17x32xf32, #tpu.memory_space<vmem>>[vector<16xi32>, vector<16xi32>, vector<16xi32>], vector<16xf32>,
      %parallel_loop3A_414 = arith.constant 25 : i32
      %parallel_loop3A_415 = vector.broadcast %parallel_loop3A_414 : i32 to vector<16xi32>
      tpu.vector_store_idx %arg8[%parallel_loop3A_295, %sub3A_25, %parallel_loop3A_415], %parallel_loop3A_363#25 : memref<32x17x32xf32, #tpu.memory_space<vmem>>[vector<16xi32>, vector<16xi32>, vector<16xi32>], vector<16xf32>,
      %parallel_loop3A_416 = arith.constant 26 : i32
      %parallel_loop3A_417 = vector.broadcast %parallel_loop3A_416 : i32 to vector<16xi32>
      tpu.vector_store_idx %arg8[%parallel_loop3A_295, %sub3A_25, %parallel_loop3A_417], %parallel_loop3A_363#26 : memref<32x17x32xf32, #tpu.memory_space<vmem>>[vector<16xi32>, vector<16xi32>, vector<16xi32>], vector<16xf32>,
      %parallel_loop3A_418 = arith.constant 27 : i32
      %parallel_loop3A_419 = vector.broadcast %parallel_loop3A_418 : i32 to vector<16xi32>
      tpu.vector_store_idx %arg8[%parallel_loop3A_295, %sub3A_25, %parallel_loop3A_419], %parallel_loop3A_363#27 : memref<32x17x32xf32, #tpu.memory_space<vmem>>[vector<16xi32>, vector<16xi32>, vector<16xi32>], vector<16xf32>,
      %parallel_loop3A_420 = arith.constant 28 : i32
      %parallel_loop3A_421 = vector.broadcast %parallel_loop3A_420 : i32 to vector<16xi32>
      tpu.vector_store_idx %arg8[%parallel_loop3A_295, %sub3A_25, %parallel_loop3A_421], %parallel_loop3A_363#28 : memref<32x17x32xf32, #tpu.memory_space<vmem>>[vector<16xi32>, vector<16xi32>, vector<16xi32>], vector<16xf32>,
      %parallel_loop3A_422 = arith.constant 29 : i32
      %parallel_loop3A_423 = vector.broadcast %parallel_loop3A_422 : i32 to vector<16xi32>
      tpu.vector_store_idx %arg8[%parallel_loop3A_295, %sub3A_25, %parallel_loop3A_423], %parallel_loop3A_363#29 : memref<32x17x32xf32, #tpu.memory_space<vmem>>[vector<16xi32>, vector<16xi32>, vector<16xi32>], vector<16xf32>,
      %parallel_loop3A_424 = arith.constant 30 : i32
      %parallel_loop3A_425 = vector.broadcast %parallel_loop3A_424 : i32 to vector<16xi32>
      tpu.vector_store_idx %arg8[%parallel_loop3A_295, %sub3A_25, %parallel_loop3A_425], %parallel_loop3A_363#30 : memref<32x17x32xf32, #tpu.memory_space<vmem>>[vector<16xi32>, vector<16xi32>, vector<16xi32>], vector<16xf32>,
      %parallel_loop3A_426 = arith.constant 31 : i32
      %parallel_loop3A_427 = vector.broadcast %parallel_loop3A_426 : i32 to vector<16xi32>
      tpu.vector_store_idx %arg8[%parallel_loop3A_295, %sub3A_25, %parallel_loop3A_427], %parallel_loop3A_363#31 : memref<32x17x32xf32, #tpu.memory_space<vmem>>[vector<16xi32>, vector<16xi32>, vector<16xi32>], vector<16xf32>,
    } {sc.loop_unroll_factor = 1 : i64, sc.parallel_access}
    %dma_wait3A_269 = arith.constant 0 : i32
    %dma_wait3A_270 = arith.constant 0 : i32
    %dma_wait3A_271 = arith.constant 0 : i32
    %dma_wait3A_272 = tpu.memref_slice %arg8[%dma_wait3A_270, %dma_wait3A_269, %dma_wait3A_271] : memref<32x17x32xf32, #tpu.memory_space<vmem>> -> memref<32x1x32xf32, #tpu.memory_space<vmem>>
    %dma_wait3A_273 = tpu.memref_squeeze %dma_wait3A_272 : memref<32x1x32xf32, #tpu.memory_space<vmem>> -> memref<32x32xf32, #tpu.memory_space<vmem>>
    %dma_wait3A_274 = arith.constant 96 : i32
    %dma_wait3A_275 = tpu.memref_slice %arg2[%mul3A_2, %dma_wait3A_274] : memref<1024x128xf32, #tpu.memory_space<hbm>> -> memref<32x32xf32, #tpu.memory_space<hbm>>
    %dma_wait3A_276 = arith.constant 0 : i32
    %dma_wait3A_277 = arith.constant 0 : i32
    %dma_wait3A_278 = tpu.memref_slice %arg8[%dma_wait3A_276, %dma_wait3A_269, %dma_wait3A_277] : memref<32x17x32xf32, #tpu.memory_space<vmem>> -> memref<32x1x32xf32, #tpu.memory_space<vmem>>
    %dma_wait3A_279 = tpu.memref_squeeze %dma_wait3A_278 : memref<32x1x32xf32, #tpu.memory_space<vmem>> -> memref<32x32xf32, #tpu.memory_space<vmem>>
    %dma_wait3A_280 = arith.constant 96 : i32
    %dma_wait3A_281 = tpu.memref_slice %arg2[%mul3A_2, %dma_wait3A_280] : memref<1024x128xf32, #tpu.memory_space<hbm>> -> memref<32x32xf32, #tpu.memory_space<hbm>>
    tpu.wait_dma2 semaphore(%arg9 : memref<!tpu.dma_semaphore, #tpu.memory_space<semaphore_mem>>) src(%dma_wait3A_281 : memref<32x32xf32, #tpu.memory_space<hbm>>) dst(%dma_wait3A_279 : memref<32x32xf32, #tpu.memory_space<vmem>>)
    %dma_start3A_282 = arith.constant 0 : i32
    %dma_start3A_283 = arith.constant 96 : i32
    %dma_start3A_284 = tpu.memref_slice %arg5[%mul3A_2, %dma_start3A_282, %dma_start3A_283] : memref<1024x17x128xf32, #tpu.memory_space<hbm>> -> memref<32x17x32xf32, #tpu.memory_space<hbm>>
    %dma_start3A_285 = arith.constant 0 : i32
    %dma_start3A_286 = arith.constant 96 : i32
    %dma_start3A_287 = tpu.memref_slice %arg5[%mul3A_2, %dma_start3A_285, %dma_start3A_286] : memref<1024x17x128xf32, #tpu.memory_space<hbm>> -> memref<32x17x32xf32, #tpu.memory_space<hbm>>
    tpu.enqueue_dma source(%arg8 : memref<32x17x32xf32, #tpu.memory_space<vmem>>) target(%dma_start3A_287 : memref<32x17x32xf32, #tpu.memory_space<hbm>>) target_semaphore(%arg12 : memref<!tpu.dma_semaphore, #tpu.memory_space<semaphore_mem>>)
    %dma_wait3A_288 = arith.constant 0 : i32
    %dma_wait3A_289 = arith.constant 96 : i32
    %dma_wait3A_290 = tpu.memref_slice %arg5[%mul3A_2, %dma_wait3A_288, %dma_wait3A_289] : memref<1024x17x128xf32, #tpu.memory_space<hbm>> -> memref<32x17x32xf32, #tpu.memory_space<hbm>>
    %dma_wait3A_291 = arith.constant 0 : i32
    %dma_wait3A_292 = arith.constant 96 : i32
    %dma_wait3A_293 = tpu.memref_slice %arg5[%mul3A_2, %dma_wait3A_291, %dma_wait3A_292] : memref<1024x17x128xf32, #tpu.memory_space<hbm>> -> memref<32x17x32xf32, #tpu.memory_space<hbm>>
    tpu.wait_dma2 semaphore(%arg12 : memref<!tpu.dma_semaphore, #tpu.memory_space<semaphore_mem>>) src(%arg8 : memref<32x17x32xf32, #tpu.memory_space<vmem>>) dst(%dma_wait3A_293 : memref<32x17x32xf32, #tpu.memory_space<hbm>>)
    return
  }
}

</mosaic_0001>

<sc_bundles>
// kernel: kernel.3.cloned.1.call-start
scs
__scs_entry_jumppad:
0x0: {  	(pc) =	sbr.rel $0x88, $3  }
0x1: {  	(tag) =	ssettag $0x0;
	lr =	simm.s32 $0x1  }
0x2: {  	[smem:$0x3F9F] =	sst lr;
	_ =	strace $0xD0000000  }
0x3: {  	_ = 	snop  }
0x4: {  	_ = 	snop  }
0x5: {  	_ = 	snop  }
0x6: {  	_ = 	snop  }
0x7: {  	_ = 	snop  }
__scs_overlays_trampoline_lowered:
0x8: {  	[smem:$0x3FAE] =	sst s0  }
0x9: {  	[smem:$0x3FAF] =	sst s1  }
0xa: {  	[smem:$0x3FB0] =	sst s2  }
0xb: {  	[smem:$0x3FB1] =	sst s3  }
0xc: {  	[smem:$0x3FB2] =	sst s4  }
0xd: {  	[smem:$0x3FB3] =	sst s5  }
0xe: {  	[smem:$0x3FB4] =	sst s6  }
0xf: {  	[smem:$0x3FB5] =	sst s7  }
0x10: {  	[smem:$0x3FB6] =	sst s8  }
0x11: {  	[smem:$0x3FB7] =	sst s9;
	s0 =	simm.s32 @!p0 $0x0  }
0x12: {  	s1 =	sld [smem:$0x3F9D];
	s0 =	simm.s32 @p0 $0x1  }
0x13: {  	[smem:$0x3FB8] =	sst s0;
	s0 =	simm.s32 @!p1 $0x0  }
0x14: {  	s2 =	sld [smem:$0x3F9C];
	s0 =	simm.s32 @p1 $0x1  }
0x15: {  	[smem:$0x3FB9] =	sst s0;
	s0 =	simm.s32 @!p2 $0x0  }
0x16: {  	s3 =	sld [smem:$0x3FDB];
	s0 =	simm.s32 @p2 $0x1  }
0x17: {  	s4 =	simm.s32 $0x1BF5;
	[smem:$0x3FBB] =	sst s0  }
0x18: {  	s0 =	sld [smem:$0x3F9E];
	_ =	swait.ge [sflag:s4], $0x0  }
0x19: {  	s7 =	sld [smem:$0x3F9F]  }
0x1a: {  	s8 =	sadd.s32 $0xFFFFE003, lr  }
0x1b: {  	s9 =	sadd.s32 $0xFFFFFEF7, lr;
	s5 =	simm.s32 $0xFFFFFFFF;
	p2 =	slt.u32 s8, $0xFFFFF086  }
0x1c: {  	p1 =	slt.u32 s9, $0xF7A;
	s5 =	simm.s32 @!p2 $0x0  }
0x1d: {  	s5 =	simm.s32 @p1 $0x1;
	p0 =	seq.s32 s7, s2  }
0x1e: {  	s7 =	smul.u32 @!p0 $0xF7A, s2;
	p2 =	seq.s32 @!p0 s5, $0x0  }
0x1f: {  	s9 =	smul.u32 $0xF7A, s1;
	s8 =	simm.s32 @!p0 $0x1BF5;
	p2 =	por !p2, p0  }
0x20: {  	[sflag:s8] =	ssyncset.s32 @!p0 $0xFFFFF086;
	s6 =	sadd.s32 @!p0 s3, s7;
	s7 =	simm.s32 @!p0 $0x108  }
0x21: {  	s3 =	sadd.s32 s3, s9;
	s6 =	sadd.s32 @!p0 $0x88, s6;
	s7 =	simm.s32 @p2 $0x1082  }
0x22: {  	[simem:s7], [sflag:s8] =	dma.local @!p0 [hbm:s6], $0xF7A  }
0x23: {  	s9 =	sor.u32 $0xD0000000, s2;
	s6 =	simm.s32 $0x108;
	_ =	swait.ge @!p0 [sflag:s8], $0x0  }
0x24: {  	s3 =	sadd.s32 $0x88, s3;
	s6 =	simm.s32 @!p1 $0x1082;
	[sflag:s4] =	ssyncset.s32 $0xFFFFF086  }
0x25: {  	[simem:s6], [sflag:s4] =	dma.local [hbm:s3], $0xF7A  }
0x26: {  	[smem:$0x3F9F] =	sst s1;
	(tag) =	ssettag s2;
	_ =	strace s9  }
0x27: {  	s1 =	sld [smem:$0x3FAF]  }
0x28: {  	s2 =	sld [smem:$0x3FB0]  }
0x29: {  	s4 =	sld [smem:$0x3FB2]  }
0x2a: {  	p0 =	seq.s32 s5, $0x0;
	s5 =	sld [smem:$0x3FB3]  }
0x2b: {  	s6 =	sld [smem:$0x3FB4]  }
0x2c: {  	s7 =	sld [smem:$0x3FB5]  }
0x2d: {  	s3 =	simm.s32 $0x108;
	s8 =	sld [smem:$0x3FB6]  }
0x2e: {  	s3 =	simm.s32 @!p0 $0x1082;
	s9 =	sld [smem:$0x3FB7]  }
0x2f: {  	lr =	sadd.s32 s0, s3;
	s0 =	sld [smem:$0x3FAE]  }
0x30: {  	s3 =	sld [smem:$0x3FB1]  }
0x31: {  	[smem:$0x3FBA] =	sst s10  }
0x32: {  	s10 =	sld [smem:$0x3FB8];
	_ =	sdelay $0x3  }
0x33: {  	p0 =	seq.s32 s10, $0x1;
	s10 =	sld [smem:$0x3FBA];
	_ =	sdelay $0x3  }
0x34: {  	[smem:$0x3FBA] =	sst s10  }
0x35: {  	s10 =	sld [smem:$0x3FB9];
	_ =	sdelay $0x3  }
0x36: {  	p1 =	seq.s32 s10, $0x1;
	s10 =	sld [smem:$0x3FBA];
	_ =	sdelay $0x3  }
0x37: {  	[smem:$0x3FBA] =	sst s10  }
0x38: {  	s10 =	sld [smem:$0x3FBB]  }
0x39: {  	_ = 	snop;
	(pc) =	sbr.ind lr, $3  }
0x3a: {  	_ = 	snop  }
0x3b: {  	_ = 	snop  }
0x3c: {  	p2 =	seq.s32 s10, $0x1;
	s10 =	sld [smem:$0x3FBA]  }
0x3d: {  	_ =	shalt  }
0x3e: {  	_ =	shalt  }
0x3f: {  	_ =	shalt  }
0x40: {  	_ =	shalt  }
0x41: {  	_ =	shalt  }
0x42: {  	_ =	shalt  }
0x43: {  	_ =	shalt  }
0x44: {  	_ =	shalt  }
0x45: {  	_ =	shalt  }
0x46: {  	_ =	shalt  }
0x47: {  	_ =	shalt  }
0x48: {  	_ =	shalt  }
0x49: {  	_ =	shalt  }
0x4a: {  	_ =	shalt  }
0x4b: {  	_ =	shalt  }
0x4c: {  	_ =	shalt  }
0x4d: {  	_ =	shalt  }
0x4e: {  	_ =	shalt  }
0x4f: {  	_ =	shalt  }
0x50: {  	_ =	shalt  }
0x51: {  	_ =	shalt  }
0x52: {  	_ =	shalt  }
0x53: {  	_ =	shalt  }
0x54: {  	_ =	shalt  }
0x55: {  	_ =	shalt  }
0x56: {  	_ =	shalt  }
0x57: {  	_ =	shalt  }
0x58: {  	_ =	shalt  }
0x59: {  	_ =	shalt  }
0x5a: {  	_ =	shalt  }
0x5b: {  	_ =	shalt  }
0x5c: {  	_ =	shalt  }
0x5d: {  	_ =	shalt  }
0x5e: {  	_ =	shalt  }
0x5f: {  	_ =	shalt  }
0x60: {  	_ =	shalt  }
0x61: {  	_ =	shalt  }
0x62: {  	_ =	shalt  }
0x63: {  	_ =	shalt  }
0x64: {  	_ =	shalt  }
0x65: {  	_ =	shalt  }
0x66: {  	_ =	shalt  }
0x67: {  	_ =	shalt  }
0x68: {  	_ =	shalt  }
0x69: {  	_ =	shalt  }
0x6a: {  	_ =	shalt  }
0x6b: {  	_ =	shalt  }
0x6c: {  	_ =	shalt  }
0x6d: {  	_ =	shalt  }
0x6e: {  	_ =	shalt  }
0x6f: {  	_ =	shalt  }
0x70: {  	_ =	shalt  }
0x71: {  	_ =	shalt  }
0x72: {  	_ =	shalt  }
0x73: {  	_ =	shalt  }
0x74: {  	_ =	shalt  }
0x75: {  	_ =	shalt  }
0x76: {  	_ =	shalt  }
0x77: {  	_ =	shalt  }
0x78: {  	_ =	shalt  }
0x79: {  	_ =	shalt  }
0x7a: {  	_ =	shalt  }
0x7b: {  	_ =	shalt  }
0x7c: {  	_ =	shalt  }
0x7d: {  	_ =	shalt  }
0x7e: {  	_ =	shalt  }
0x7f: {  	_ =	shalt  }
0x80: {  	_ =	shalt  }
0x81: {  	_ =	shalt  }
0x82: {  	_ =	shalt  }
0x83: {  	_ =	shalt  }
0x84: {  	_ =	shalt  }
0x85: {  	_ =	shalt  }
0x86: {  	_ =	shalt  }
0x87: {  	_ =	shalt  }
.Lfunc_end0:
.L_simem_size_0:
called_computation_lowered:
.L_overlay_start_0:
0x88: {  	s2 =	sld [smem:$0x3FD9]  }
0x89: {  	s3 =	sld [smem:$0x3FFE];
	_ =	sdelay $0x1  }
0x8a: {  	s1 =	srdreg.scid  }
0x8b: {  	s0 =	sand.u32 $0x1, s1  }
0x8c: {  	s17 =	sshll.u32 s0, $0xA;
	s2 =	sadd.s32 s3, s2  }
0x8d: {  	s2 =	sadd.s32 s2, s17  }
0x8e: {  	[smem:$0x3FC6] =	sst s2  }
0x8f: {  	_ = 	snop  }
0x90: {  	s2 =	sld [smem:$0x3FC9]  }
0x91: {  	s18 =	sld [smem:$0x3FD0];
	(tm) =	ssettm $0x1  }
0x92: {  	s4 =	sld [smem:$0x3FFB];
	_ =	sdelay $0x3  }
0x93: {  	_ =	strace s4  }
0x94: {  	s4 =	sld [smem:$0x3FFC];
	_ =	sdelay $0x3  }
0x95: {  	_ =	strace s4  }
0x96: {  	s4 =	sld [smem:$0x3FFD];
	_ =	sdelay $0x3  }
0x97: {  	_ =	strace s4  }
0x98: {  	_ =	strace $0x8FFFFFFF  }
0x99: {  	s19 =	sld [smem:$0x3FDB];
	_ =	sdelay $0x1  }
0x9a: {  	s5 =	simm.s32 $_scs_section_size  }
0x9b: {  	s6 =	simm.s32 $_size__tile_overlayer_lowered;
	s7 =	simm.s32 $_tile_overlayer_lowered  }
0x9c: {  	s22 =	simm.s32 $0x1BFF;
	s21 =	sshll.u32 s7, $0x1;
	s4 =	sadd.s32 s5, s19  }
0x9d: {  	s8 =	simm.s32 $0x0;
	s20 =	sshll.u32 s6, $0x1;
	s6 =	sadd.s32 s21, s4  }
0x9e: {  	[timem:s8], [sflag:s22] =	dma.local [hbm:s6], s20  }
0x9f: {  	_ =	swait.ge [sflag:s22], s20  }
0xa0: {  	s5 =	ssub.s32 $0x0, s20;
	[sflag:s22] =	ssyncset.done $0x0  }
0xa1: {  	[sflag:s22] =	ssyncadd.s32 s5;
	_ =	sdelay $0x1  }
0xa2: {  	s23 =	simm.s32 $0x1B8B  }
0xa3: {  	_ =	swait.ge [sflag:s23], $0x1  }
0xa4: {  	[sflag:s23] =	ssyncset.done $0x0  }
0xa5: {  	s25 =	simm.s32 $0x1B8E;
	s24 =	sld [smem:$0x3FFE];
	[sflag:s23] =	ssyncadd.s32 $0xFFFFFFFF  }
0xa6: {  	s26 =	simm.s32 $execute0_lowered;
	[smem:$0x3FD2] =	sst s25  }
0xa7: {  	s6 =	sshll.u32 s26, $0x1;
	_ =	strace $0x80000046;
	[dreg:$0x1] =	wrdreg $0xFFFFFFFF  }
0xa8: {  	s28 =	simm.s32 $_size_execute0_lowered;
	s4 =	sadd.s32 s4, s6;
	[dreg:$0x0] =	wrdreg $0x0  }
0xa9: {  	s6 =	sshll.u32 s28, $0x1;
	[dreg:$0x2] =	wrdreg s4  }
0xaa: {  	[dreg:$0x3] =	wrdreg s6  }
0xab: {  	[dreg:$0x4] =	wrdreg $0xC0  }
0xac: {  	_ =	task [dreg:s8], $0x5FFFF  }
0xad: {  	[dreg:$0x1] =	wrdreg $0xFFFFFFFF  }
0xae: {  	[dreg:$0x0] =	wrdreg $0x60  }
0xaf: {  	[dreg:$0x2] =	wrdreg s2  }
0xb0: {  	[dreg:$0x3] =	wrdreg s24  }
0xb1: {  	[dreg:$0x4] =	wrdreg s18  }
0xb2: {  	[dreg:$0x5] =	wrdreg $0x9  }
0xb3: {  	_ =	task.clear_ibuf [dreg:s8], $0x6FFFF;
	_ =	strace $0x90000046  }
0xb4: {  	s29 =	simm.s32 $0x9;
	_ =	strace $0x80000048  }
0xb5: {  	_ =	swait.ge [sflag:s29], $0x1  }
0xb6: {  	[sflag:s29] =	ssyncadd.s32 $0xFFFFFFFF  }
0xb7: {  	_ =	strace $0x90000048  }
0xb8: {  	_ =	sfence  }
0xb9: {  	s30 =	sld [smem:$0x0];
	_ =	sdelay $0x2  }
0xba: {  	s31 =	sshll.u32 s1, $0xD;
	s1 =	sshrl.u32 s1, $0x2  }
0xbb: {  	s3 =	sand.u32 $0x4000, s31;
	s1 =	sadd.s32 s1, s30  }
0xbc: {  	s0 =	sor.u32 s3, s0;
	s1 =	sshll.u32 s1, $0x11  }
0xbd: {  	s0 =	sor.u32 s1, s0  }
0xbe: {  	s0 =	sadd.s32 $0x8F2B, s0  }
0xbf: {  	[sflag:s0] =	ssyncadd.remote.s32 $0x1  }
0xc0: {  	_ =	sfence.sel $0xFFFF  }
0xc1: {  	[dreg:$0x0] =	wrdreg $0xFFFFFFFF;
	(pc) =	sbr.abs _section_cstart, $3  }
0xc2: {  	[dreg:$0x1] =	wrdreg $0xFFFFFFFF  }
0xc3: {  	_ =	task.clear_ibuf [dreg:s8], $0x2FFFF;
	_ =	strace $0x9FFFFFFF  }
0xc4: {  	(tm) =	ssettm $0x7FFFFFFF  }
0xc5: {  	_ =	shalt  }
tec
execute0_lowered:
.L_overlay_start_1:
0x0: {  	(tag) =	ssettag $0x1  }
0x1: {  	s0 =	rddreg [dreg:$0x0]  }
0x2: {  	s11 =	rddreg [dreg:$0x1]  }
0x3: {  	s7 =	rddreg [dreg:$0x2];
	s3 =	srdreg.scid  }
0x4: {  	s2 =	simm.s32 $0x0;
	s1 =	stileid.u32;
	s17 =	simm.s32 $0x8000  }
0x5: {  	s18 =	simm.s32 $0x1;
	s19 =	simm.s32 $0x2;
	s20 =	simm.s32 $0x10000  }
0x6: {  	s21 =	simm.s32 $0x18000;
	s22 =	simm.s32 $0x20;
	s23 =	simm.s32 $0x80  }
0x7: {  	s24 =	simm.s32 $0x3;
	s25 =	simm.s32 $0x4;
	s26 =	simm.s32 $0x0  }
0x8: {  	s3 =	sand.u32 $0x1, s3;
	[smem:$0x7FF] =	sst s2;
	s4 =	sshll.u32 s1, $0x6  }
0x9: {  	s5 =	sshll.u32 s3, $0x5;
	_ =	strace $0x80000047;
	s30 =	ssub.s32 $0x2, s3  }
0xa: {  	s3 =	sadd.s32 $0x400, s11;
	s6 =	sor.u32 s5, s4;
	s8 =	sshrl.u32 s30, $0x1  }
0xb: {  	s5 =	sshll.u32 s6, $0x7;
	s16 =	ssub.s32 s30, s8;
	s31 =	smul.u32 $0x110, s6  }
0xc: {  	s6 =	sshll.u32 s6, $0x4;
	s8 =	sadd.s32 $0x2400, s11;
	s5 =	sadd.s32 s5, s11  }
0xd: {  	s6 =	sadd.s32 s0, s6;
	s16 =	smax.u32 s16, $0x1;
	s4 =	sadd.s32 $0x4400, s5  }
0xe: {  	s5 =	sadd.s32 $0x1400, s11;
	s7 =	sadd.s32 s7, s31;
	s9 =	sadd.s32 $0x4, s6  }
0xf: {  	v0 =	vlaneseq.u32;
	s11 =	sadd.s32 $0x3400, s11;
	s12 =	sadd.s32 $0x8, s6;
	s14 =	sadd.s32 $0xC, s6  }
0x10: {  	v0 =	vmul.u32 $0xFFFFFFE0, v0;
	s10 =	sadd.s32 $0x4, s7;
	s13 =	sadd.s32 $0x8, s7;
	s15 =	sadd.s32 $0xC, s7  }
.LBB2_1:
0x11: {  	[tilespmem:s2], [sflag:$0x1] =	stream.linear.gather [hbm4b:s4+s2], $0x8000, $0x38;
	[tilespmem:$0x1C400] =	vst v63  }
0x12: {  	_ = 	snop  }
0x13: {  	[tilespmem:s17], [sflag:$0x2] =	stream.linear.gather [hbm4b:s3+s2], $0x8000, $0x38;
	[tilespmem:$0x1C400] =	vst v63  }
0x14: {  	_ =	swait.ge [sflag:s18], $0x8000  }
0x15: {  	[sflag:s18] =	ssyncset.done $0x0  }
0x16: {  	[sflag:s18] =	ssyncadd.s32 $0xFFFF8000  }
0x17: {  	_ =	swait.ge [sflag:s19], $0x8000  }
0x18: {  	[sflag:s19] =	ssyncset.done $0x0  }
0x19: {  	[sflag:s19] =	ssyncadd.s32 $0xFFFF8000  }
0x1a: {  	[tilespmem:s20], [sflag:$0x3] =	stream.linear.gather [hbm4b:s5+s2], $0x8000, $0x38;
	[tilespmem:$0x1C400] =	vst v63  }
0x1b: {  	s0 =	sadd.s32 $0x0, s6;
	s29 =	simm.s32 $0x10;
	s30 =	simm.s32 $0x18000  }
0x1c: {  	[tilespmem:s21], [sflag:$0x1] =	stream.linear.gather [hbm4b:s0+s2], $0x20, $0x38;
	[tilespmem:$0x1C400] =	vst v63  }
.LBB2_2:
0x1d: {  	p0 =	sne.s32 s29, $0x1F0  }
.Ltmp0:
0x1e: {  	_ = 	snop;
	(pc) =	sbr.rel @p0 .LBB2_2-.Ltmp0, $4  }
0x1f: {  	_ = 	snop  }
0x20: {  	s0 =	sadd.s32 s29, s6;
	s30 =	sadd.s32 $0x220, s30  }
0x21: {  	s28 =	simm.s32 $0x0;
	s29 =	sadd.s32 $0x10, s29  }
0x22: {  	[tilespmem:s30], [sflag:$0x1] =	stream.linear.gather [hbm4b:s0+s28], $0x20, $0x38;
	[tilespmem:$0x1C400] =	vst v63  }
0x23: {  	s29 =	simm.s32 $0x0  }
.LBB2_4:
0x24: {  	v1 =	vmov s28;
	_ =	sdelay $0x1  }
0x25: {  	s30 =	simm.s32 $0x0  }
0x26: {  	v2 =	vld [tilespmem:s30+$0x8000]  }
0x27: {  	v4 =	vld [tilespmem:s30+$0x8400]  }
0x28: {  	v3 =	vld.idx.msk [tilespmem:v1+s30+$0x0 ss:$0x1], $0xffff  }
0x29: {  	v5 =	vld [tilespmem:s30+$0x8800]  }
0x2a: {  	v6 =	vld [tilespmem:s30+$0x8C00]  }
0x2b: {  	v7 =	vld [tilespmem:s30+$0x9000]  }
0x2c: {  	v9 =	vld [tilespmem:s30+$0x9400]  }
0x2d: {  	v11 =	vld [tilespmem:s30+$0x9800];
	v8 =	vmul.f32 v2, v3  }
0x2e: {  	v13 =	vld [tilespmem:s30+$0x9C00];
	v10 =	vmul.f32 v4, v3  }
0x2f: {  	v12 =	vmul.f32 v5, v3;
	(xrf1) =	vsort.dscd.msk.f32 $0xffff, v8, v2;
	v8 =	vld [tilespmem:s30+$0xA000]  }
0x30: {  	v2 =	vmul.f32 v6, v3;
	(xrf1) =	vsort.dscd.msk.f32 $0xffff, v10, v4;
	v10 =	vld [tilespmem:s30+$0xA400]  }
0x31: {  	v4 =	vmul.f32 v7, v3;
	(xrf1) =	vsort.dscd.msk.f32 $0xffff, v12, v5;
	v12 =	vld [tilespmem:s30+$0xA800]  }
0x32: {  	v5 =	vmul.f32 v9, v3;
	(xrf1) =	vsort.dscd.msk.f32 $0xffff, v2, v6;
	v6 =	vld [tilespmem:s30+$0xAC00]  }
0x33: {  	v2 =	vmul.f32 v11, v3;
	(xrf1) =	vsort.dscd.msk.f32 $0xffff, v4, v7;
	v7 =	vld [tilespmem:s30+$0xB000]  }
0x34: {  	v4 =	vmul.f32 v13, v3;
	(xrf1) =	vsort.dscd.msk.f32 $0xffff, v5, v9;
	v9 =	vld [tilespmem:s30+$0xB400]  }
0x35: {  	v5 =	vmul.f32 v8, v3;
	(xrf1) =	vsort.dscd.msk.f32 $0xffff, v2, v11;
	v11 =	vld [tilespmem:s30+$0xB800]  }
0x36: {  	v2 =	vmul.f32 v10, v3;
	(xrf1) =	vsort.dscd.msk.f32 $0xffff, v4, v13  }
0x37: {  	v4 =	vmul.f32 v12, v3;
	(xrf1) =	vsort.dscd.msk.f32 $0xffff, v5, v8;
	v8 =	vld [tilespmem:s30+$0xC000]  }
0x38: {  	v13 =	vld [tilespmem:s30+$0xBC00];
	v5 =	vmul.f32 v6, v3;
	(xrf1) =	vsort.dscd.msk.f32 $0xffff, v2, v10  }
0x39: {  	v2 =	vmul.f32 v7, v3;
	(xrf1) =	vsort.dscd.msk.f32 $0xffff, v4, v12  }
0x3a: {  	v10 =	vld [tilespmem:s30+$0xC400];
	v4 =	vmul.f32 v9, v3;
	(xrf1) =	vsort.dscd.msk.f32 $0xffff, v5, v6;
	v5 =	vmul.f32 v11, v3  }
0x3b: {  	v12 =	vld [tilespmem:s30+$0xC800];
	(xrf1) =	vsort.dscd.msk.f32 $0xffff, v2, v7  }
0x3c: {  	v6 =	vld [tilespmem:s30+$0xCC00];
	(xrf1) =	vsort.dscd.msk.f32 $0xffff, v4, v9;
	v4 =	vmul.f32 v8, v3  }
0x3d: {  	v2 =	vmul.f32 v13, v3;
	v7 =	vld [tilespmem:s30+$0xD000]  }
0x3e: {  	v9 =	vld [tilespmem:s30+$0xD400];
	(xrf1) =	vsort.dscd.msk.f32 $0xffff, v5, v11;
	v5, _, _ =	vpop (xrf1)  }
0x3f: {  	v14 =	vld [tilespmem:s30+$0xD800];
	v11 =	vmul.f32 v10, v3;
	(xrf1) =	vsort.dscd.msk.f32 $0xffff, v2, v13;
	v13, _, _ =	vpop (xrf1)  }
0x40: {  	v15 =	vld [tilespmem:s30+$0xDC00];
	v2 =	vmul.f32 v12, v3;
	(xrf1) =	vsort.dscd.msk.f32 $0xffff, v4, v8;
	v4, _, _ =	vpop (xrf1)  }
0x41: {  	v16 =	vld [tilespmem:s30+$0xE000];
	v8 =	vmul.f32 v6, v3;
	(xrf1) =	vsort.dscd.msk.f32 $0xffff, v11, v10;
	v10, _, _ =	vpop (xrf1)  }
0x42: {  	v17 =	vld [tilespmem:s30+$0xE400];
	v11 =	vmul.f32 v7, v3;
	(xrf1) =	vsort.dscd.msk.f32 $0xffff, v2, v12;
	v12, _, _ =	vpop (xrf1)  }
0x43: {  	v18 =	vld [tilespmem:s30+$0xE800];
	v2 =	vmul.f32 v9, v3;
	(xrf1) =	vsort.dscd.msk.f32 $0xffff, v8, v6;
	v6, _, _ =	vpop (xrf1)  }
0x44: {  	v19 =	vld [tilespmem:s30+$0xEC00];
	v8 =	vmul.f32 v14, v3;
	(xrf1) =	vsort.dscd.msk.f32 $0xffff, v11, v7;
	v7, _, _ =	vpop (xrf1)  }
0x45: {  	v20 =	vld [tilespmem:s30+$0xF000];
	v11 =	vmul.f32 v15, v3;
	(xrf1) =	vsort.dscd.msk.f32 $0xffff, v2, v9;
	v9, _, _ =	vpop (xrf1)  }
0x46: {  	v21 =	vld [tilespmem:s30+$0xF400];
	v2 =	vmul.f32 v16, v3;
	(xrf1) =	vsort.dscd.msk.f32 $0xffff, v8, v14;
	v35, _, _ =	vpop (xrf1)  }
0x47: {  	v8 =	vmul.f32 v17, v3;
	v14 =	vld [tilespmem:s30+$0xF800];
	(xrf1) =	vsort.dscd.msk.f32 $0xffff, v11, v15;
	v36, _, _ =	vpop (xrf1)  }
0x48: {  	v11 =	vmul.f32 v18, v3;
	v15 =	vld [tilespmem:s30+$0xFC00];
	(xrf1) =	vsort.dscd.msk.f32 $0xffff, v2, v16;
	v37, _, _ =	vpop (xrf1)  }
0x49: {  	v2 =	vmul.f32 v19, v3;
	(xrf1) =	vsort.dscd.msk.f32 $0xffff, v8, v17;
	v38, _, _ =	vpop (xrf1)  }
0x4a: {  	v8 =	vmul.f32 v20, v3;
	(xrf1) =	vsort.dscd.msk.f32 $0xffff, v11, v18;
	v39, _, _ =	vpop (xrf1)  }
0x4b: {  	v24 =	vimm.f32 $-Inf;
	v11 =	vmul.f32 v21, v3;
	(xrf1) =	vsort.dscd.msk.f32 $0xffff, v2, v19;
	v40, _, _ =	vpop (xrf1)  }
0x4c: {  	v25 =	vimm.f32 $-Inf;
	v16 =	vmul.f32 v14, v3;
	v2 =	vimm.f32 $-Inf;
	(xrf1) =	vsort.dscd.msk.f32 $0xffff, v8, v20;
	v41, _, _ =	vpop (xrf1)  }
0x4d: {  	v22 =	vimm.f32 $-Inf;
	v3 =	vmul.f32 v15, v3;
	v5 =	vmax.f32 v2, v5;
	(xrf1) =	vsort.dscd.msk.f32 $0xffff, v11, v21;
	v42, _, _ =	vpop (xrf1)  }
0x4e: {  	v23 =	vimm.f32 $-Inf;
	v8 =	vmax.f32 v2, v13;
	v4 =	vmax.f32 v2, v4;
	(xrf1) =	vsort.dscd.msk.f32 $0xffff, v16, v14;
	v34, _, _ =	vpop (xrf1)  }
0x4f: {  	v18 =	vimm.f32 $-Inf;
	v13 =	vmax.f32 v2, v12;
	v17 =	vmax.f32 v2, v6;
	(xrf1) =	vsort.dscd.msk.f32 $0xffff, v3, v15;
	v43, _, _ =	vpop (xrf1)  }
0x50: {  	v19 =	vmax.f32 v2, v7;
	v26 =	vmax.f32 v2, v9;
	v20 =	vimm.f32 $-Inf;
	(xrf1) =	vsort.ascd.msk.f32 $0xffff, v5, v5;
	v44, _, _ =	vpop (xrf1)  }
0x51: {  	v12 =	vimm.f32 $-Inf;
	v6 =	vimm.f32 $-Inf;
	v7 =	vimm.f32 $-Inf;
	(xrf1) =	vsort.ascd.msk.f32 $0xffff, v8, v8;
	v45, _, _ =	vpop (xrf1)  }
0x52: {  	v9 =	vimm.f32 $-Inf;
	v11 =	vmax.f32 v2, v10;
	v10 =	vimm.f32 $-Inf;
	(xrf1) =	vsort.ascd.msk.f32 $0xffff, v4, v4;
	v46, _, _ =	vpop (xrf1)  }
0x53: {  	v21 =	vimm.f32 $-Inf;
	v14 =	vimm.f32 $-Inf;
	v16 =	vimm.f32 $-Inf;
	(xrf1) =	vsort.ascd.msk.f32 $0xffff, v11, v11;
	v47, _, _ =	vpop (xrf1)  }
0x54: {  	v3 =	vimm.f32 $-Inf;
	v15 =	vimm.f32 $-Inf;
	v5 =	vimm.f32 $-Inf;
	(xrf1) =	vsort.ascd.msk.f32 $0xffff, v13, v13;
	v48, _, _ =	vpop (xrf1)  }
0x55: {  	v8 =	vimm.f32 $-Inf;
	v4 =	vimm.f32 $-Inf;
	v11 =	vimm.f32 $-Inf;
	(xrf1) =	vsort.ascd.msk.f32 $0xffff, v17, v17;
	v49, _, _ =	vpop (xrf1)  }
0x56: {  	s30 =	simm.s32 $0x40;
	v13 =	vimm.f32 $-Inf;
	v17 =	vimm.f32 $-Inf;
	(xrf1) =	vsort.ascd.msk.f32 $0xffff, v19, v19;
	v19 =	vimm.f32 $-Inf;
	v50, _, _ =	vpop (xrf1)  }
.LBB2_5:
0x57: {  	p0 =	sne.s32 s30, $0xFC0;
	v2 =	vmax.f32 v2, v35;
	(xrf1) =	vsort.ascd.msk.f32 $0xffff, v26, v26;
	v35, _, _ =	vpop (xrf1)  }
0x58: {  	v24 =	vmax.f32 v24, v36;
	(xrf1) =	vsort.ascd.msk.f32 $0xffff, v2, v2;
	v36, _, _ =	vpop (xrf1)  }
0x59: {  	v2 =	vmax.f32 v20, v37;
	(xrf1) =	vsort.ascd.msk.f32 $0xffff, v24, v24;
	v37, _, _ =	vpop (xrf1)  }
0x5a: {  	v20 =	vmax.f32 v25, v38;
	(xrf1) =	vsort.ascd.msk.f32 $0xffff, v2, v2;
	v38, _, _ =	vpop (xrf1)  }
0x5b: {  	v2 =	vmax.f32 v22, v39;
	(xrf1) =	vsort.ascd.msk.f32 $0xffff, v20, v20;
	v39, _, _ =	vpop (xrf1)  }
0x5c: {  	v18 =	vmax.f32 v18, v40;
	(xrf1) =	vsort.ascd.msk.f32 $0xffff, v2, v2;
	v40, _, _ =	vpop (xrf1)  }
0x5d: {  	v2 =	vmax.f32 v23, v41;
	(xrf1) =	vsort.ascd.msk.f32 $0xffff, v18, v18;
	v41, _, _ =	vpop (xrf1)  }
0x5e: {  	v14 =	vmax.f32 v14, v42;
	v26, _, _ =	vpop (xrf1);
	(xrf1) =	vsort.ascd.msk.f32 $0xffff, v2, v2  }
0x5f: {  	v2 =	vmax.f32 v10, v34;
	v27, _, _ =	vpop (xrf1);
	(xrf1) =	vsort.ascd.msk.f32 $0xffff, v14, v14  }
0x60: {  	v10 =	vmax.f32 v16, v43;
	v28, _, _ =	vpop (xrf1);
	(xrf1) =	vsort.ascd.msk.f32 $0xffff, v2, v2  }
0x61: {  	v2 =	vmax.f32 v12, v44;
	v29, _, _ =	vpop (xrf1);
	(xrf1) =	vsort.ascd.msk.f32 $0xffff, v10, v10  }
0x62: {  	v8 =	vmax.f32 v8, v45;
	v30, _, _ =	vpop (xrf1);
	(xrf1) =	vsort.ascd.msk.f32 $0xffff, v2, v2  }
0x63: {  	v2 =	vmax.f32 v3, v46;
	v31, _, _ =	vpop (xrf1);
	(xrf1) =	vsort.ascd.msk.f32 $0xffff, v8, v8  }
0x64: {  	v3 =	vmax.f32 v4, v47;
	v32, _, _ =	vpop (xrf1);
	(xrf1) =	vsort.ascd.msk.f32 $0xffff, v2, v2  }
0x65: {  	v4 =	vmax.f32 v5, v48;
	v33, _, _ =	vpop (xrf1);
	(xrf1) =	vsort.ascd.msk.f32 $0xffff, v3, v3  }
0x66: {  	v3 =	vmax.f32 v6, v49;
	v2, _, _ =	vpop (xrf1);
	(xrf1) =	vsort.ascd.msk.f32 $0xffff, v4, v4  }
0x67: {  	s31 =	sshra.s32 s30, $0x2;
	v4 =	vmax.f32 v7, v50;
	v24, _, _ =	vpop (xrf1);
	(xrf1) =	vsort.ascd.msk.f32 $0xffff, v3, v3  }
0x68: {  	v3 =	vmax.f32 v9, v35;
	v34 =	vld.idx.msk [tilespmem:v1+s31+$0x0 ss:$0x1], $0xffff;
	v20, _, _ =	vpop (xrf1);
	(xrf1) =	vsort.ascd.msk.f32 $0xffff, v4, v4  }
0x69: {  	v5 =	vmax.f32 v11, v36;
	v4 =	vld [tilespmem:s31+$0x8000];
	v25, _, _ =	vpop (xrf1);
	(xrf1) =	vsort.ascd.msk.f32 $0xffff, v3, v3  }
0x6a: {  	v6 =	vmax.f32 v13, v37;
	v3 =	vld [tilespmem:s31+$0x8400];
	v22, _, _ =	vpop (xrf1);
	(xrf1) =	vsort.ascd.msk.f32 $0xffff, v5, v5  }
0x6b: {  	v7 =	vmax.f32 v15, v38;
	v5 =	vld [tilespmem:s31+$0x8800];
	v18, _, _ =	vpop (xrf1);
	(xrf1) =	vsort.ascd.msk.f32 $0xffff, v6, v6  }
0x6c: {  	v8 =	vmax.f32 v17, v39;
	v6 =	vld [tilespmem:s31+$0x8C00];
	v23, _, _ =	vpop (xrf1);
	(xrf1) =	vsort.ascd.msk.f32 $0xffff, v7, v7  }
0x6d: {  	v9 =	vmax.f32 v19, v40;
	v7 =	vld [tilespmem:s31+$0x9000];
	v14, _, _ =	vpop (xrf1);
	(xrf1) =	vsort.ascd.msk.f32 $0xffff, v8, v8  }
0x6e: {  	v19 =	vmax.f32 v21, v41;
	v35 =	vmul.f32 v4, v34;
	v11 =	vld [tilespmem:s31+$0x9400];
	v10, _, _ =	vpop (xrf1);
	(xrf1) =	vsort.ascd.msk.f32 $0xffff, v9, v9  }
0x6f: {  	v9 =	vmul.f32 v3, v34;
	v13 =	vld [tilespmem:s31+$0x9800];
	v16, _, _ =	vpop (xrf1);
	(xrf1) =	vsort.ascd.msk.f32 $0xffff, v19, v19  }
0x70: {  	v15 =	vmul.f32 v5, v34;
	v17 =	vld [tilespmem:s31+$0x9C00];
	(xrf1) =	vsort.dscd.msk.f32 $0xffff, v35, v4;
	v12, _, _ =	vpop (xrf1)  }
0x71: {  	v36 =	vmul.f32 v6, v34;
	v19 =	vld [tilespmem:s31+$0xA000];
	(xrf1) =	vsort.dscd.msk.f32 $0xffff, v9, v3;
	v8, _, _ =	vpop (xrf1)  }
0x72: {  	v9 =	vmul.f32 v7, v34;
	v21 =	vld [tilespmem:s31+$0xA400];
	(xrf1) =	vsort.dscd.msk.f32 $0xffff, v15, v5;
	v3, _, _ =	vpop (xrf1)  }
0x73: {  	v15 =	vmul.f32 v11, v34;
	v35 =	vld [tilespmem:s31+$0xA800];
	(xrf1) =	vsort.dscd.msk.f32 $0xffff, v36, v6;
	v4, _, _ =	vpop (xrf1)  }
0x74: {  	v36 =	vmul.f32 v13, v34;
	v37 =	vld [tilespmem:s31+$0xAC00];
	(xrf1) =	vsort.dscd.msk.f32 $0xffff, v9, v7;
	v5, _, _ =	vpop (xrf1)  }
0x75: {  	v40 =	vmul.f32 v17, v34;
	v38 =	vld [tilespmem:s31+$0xB000];
	(xrf1) =	vsort.dscd.msk.f32 $0xffff, v15, v11;
	v6, _, _ =	vpop (xrf1)  }
0x76: {  	v41 =	vmul.f32 v19, v34;
	v39 =	vld [tilespmem:s31+$0xB400];
	(xrf1) =	vsort.dscd.msk.f32 $0xffff, v36, v13;
	v7, _, _ =	vpop (xrf1)  }
0x77: {  	v42 =	vmul.f32 v21, v34;
	v36 =	vld [tilespmem:s31+$0xB800];
	(xrf1) =	vsort.dscd.msk.f32 $0xffff, v40, v17;
	v9, _, _ =	vpop (xrf1)  }
0x78: {  	v43 =	vmul.f32 v35, v34;
	v40 =	vld [tilespmem:s31+$0xBC00];
	(xrf1) =	vsort.dscd.msk.f32 $0xffff, v41, v19;
	v11, _, _ =	vpop (xrf1)  }
0x79: {  	v44 =	vmul.f32 v37, v34;
	v41 =	vld [tilespmem:s31+$0xC000];
	(xrf1) =	vsort.dscd.msk.f32 $0xffff, v42, v21;
	v13, _, _ =	vpop (xrf1)  }
0x7a: {  	v45 =	vmul.f32 v38, v34;
	v42 =	vld [tilespmem:s31+$0xC400];
	(xrf1) =	vsort.dscd.msk.f32 $0xffff, v43, v35;
	v15, _, _ =	vpop (xrf1)  }
0x7b: {  	v47 =	vmul.f32 v39, v34;
	v35 =	vld [tilespmem:s31+$0xC800];
	(xrf1) =	vsort.dscd.msk.f32 $0xffff, v44, v37;
	v17, _, _ =	vpop (xrf1)  }
0x7c: {  	v37 =	vmul.f32 v36, v34;
	v43 =	vld [tilespmem:s31+$0xCC00];
	(xrf1) =	vsort.dscd.msk.f32 $0xffff, v45, v38;
	v19, _, _ =	vpop (xrf1)  }
0x7d: {  	v38 =	vmul.f32 v40, v34;
	v44 =	vld [tilespmem:s31+$0xD000];
	(xrf1) =	vsort.dscd.msk.f32 $0xffff, v47, v39;
	v21, _, _ =	vpop (xrf1)  }
0x7e: {  	v39 =	vmul.f32 v41, v34;
	v45 =	vld [tilespmem:s31+$0xD400];
	v46, _, _ =	vpop (xrf1);
	(xrf1) =	vsort.dscd.msk.f32 $0xffff, v37, v36  }
0x7f: {  	v36 =	vmul.f32 v42, v34;
	v37 =	vld [tilespmem:s31+$0xD800];
	v47, _, _ =	vpop (xrf1);
	(xrf1) =	vsort.dscd.msk.f32 $0xffff, v38, v40  }
0x80: {  	v38 =	vmul.f32 v35, v34;
	v40 =	vld [tilespmem:s31+$0xDC00];
	v48, _, _ =	vpop (xrf1);
	(xrf1) =	vsort.dscd.msk.f32 $0xffff, v39, v41  }
0x81: {  	v39 =	vmul.f32 v43, v34;
	v41 =	vld [tilespmem:s31+$0xE000];
	v49, _, _ =	vpop (xrf1);
	(xrf1) =	vsort.dscd.msk.f32 $0xffff, v36, v42  }
0x82: {  	v36 =	vmul.f32 v44, v34;
	v42 =	vld [tilespmem:s31+$0xE400];
	v50, _, _ =	vpop (xrf1);
	(xrf1) =	vsort.dscd.msk.f32 $0xffff, v38, v35  }
0x83: {  	v56 =	vmul.f32 v45, v34;
	v51 =	vld [tilespmem:s31+$0xE800];
	v52, _, _ =	vpop (xrf1);
	(xrf1) =	vsort.dscd.msk.f32 $0xffff, v39, v43  }
0x84: {  	v38 =	vmul.f32 v37, v34;
	v43 =	vld [tilespmem:s31+$0xEC00];
	v53, _, _ =	vpop (xrf1);
	(xrf1) =	vsort.dscd.msk.f32 $0xffff, v36, v44  }
0x85: {  	v39 =	vmul.f32 v40, v34;
	v44 =	vld [tilespmem:s31+$0xF000];
	v54, _, _ =	vpop (xrf1);
	(xrf1) =	vsort.dscd.msk.f32 $0xffff, v56, v45  }
0x86: {  	v45 =	vmul.f32 v41, v34;
	v55 =	vld [tilespmem:s31+$0xF400];
	v35, _, _ =	vpop (xrf1);
	(xrf1) =	vsort.dscd.msk.f32 $0xffff, v38, v37  }
0x87: {  	v56 =	vmul.f32 v42, v34;
	v57 =	vld [tilespmem:s31+$0xF800];
	v36, _, _ =	vpop (xrf1);
	(xrf1) =	vsort.dscd.msk.f32 $0xffff, v39, v40  }
0x88: {  	v59 =	vmul.f32 v51, v34;
	v58 =	vld [tilespmem:s31+$0xFC00];
	v37, _, _ =	vpop (xrf1);
	(xrf1) =	vsort.dscd.msk.f32 $0xffff, v45, v41  }
0x89: {  	v60 =	vmul.f32 v43, v34;
	v38, _, _ =	vpop (xrf1);
	(xrf1) =	vsort.dscd.msk.f32 $0xffff, v56, v42  }
0x8a: {  	v56 =	vmul.f32 v44, v34;
	v39, _, _ =	vpop (xrf1);
	(xrf1) =	vsort.dscd.msk.f32 $0xffff, v59, v51  }
0x8b: {  	v45 =	vmul.f32 v55, v34;
	v40, _, _ =	vpop (xrf1);
	(xrf1) =	vsort.dscd.msk.f32 $0xffff, v60, v43  }
0x8c: {  	v51 =	vmul.f32 v57, v34;
	v41, _, _ =	vpop (xrf1);
	(xrf1) =	vsort.dscd.msk.f32 $0xffff, v56, v44  }
0x8d: {  	v56 =	vmul.f32 v58, v34;
	v42, _, _ =	vpop (xrf1);
	(xrf1) =	vsort.dscd.msk.f32 $0xffff, v45, v55  }
0x8e: {  	v34, _, _ =	vpop (xrf1);
	(xrf1) =	vsort.dscd.msk.f32 $0xffff, v51, v57  }
0x8f: {  	v26 =	vmax.f32 v26, v46;
	v43, _, _ =	vpop (xrf1);
	(xrf1) =	vsort.dscd.msk.f32 $0xffff, v56, v58  }
0x90: {  	v27 =	vmax.f32 v27, v47;
	(xrf1) =	vsort.ascd.msk.f32 $0xffff, v26, v26;
	v44, _, _ =	vpop (xrf1)  }
0x91: {  	v26 =	vmax.f32 v28, v48;
	(xrf1) =	vsort.ascd.msk.f32 $0xffff, v27, v27;
	v45, _, _ =	vpop (xrf1)  }
.Ltmp1:
0x92: {  	v27 =	vmax.f32 v29, v49;
	(xrf1) =	vsort.ascd.msk.f32 $0xffff, v26, v26;
	v46, _, _ =	vpop (xrf1);
	(pc) =	sbr.rel @p0 .LBB2_5-.Ltmp1, $4  }
0x93: {  	v26 =	vmax.f32 v30, v50;
	(xrf1) =	vsort.ascd.msk.f32 $0xffff, v27, v27;
	v47, _, _ =	vpop (xrf1)  }
0x94: {  	v27 =	vmax.f32 v31, v52;
	(xrf1) =	vsort.ascd.msk.f32 $0xffff, v26, v26;
	v48, _, _ =	vpop (xrf1)  }
0x95: {  	v28 =	vmax.f32 v32, v53;
	(xrf1) =	vsort.ascd.msk.f32 $0xffff, v27, v27;
	v49, _, _ =	vpop (xrf1)  }
0x96: {  	s30 =	sadd.s32 $0x40, s30;
	v26 =	vmax.f32 v33, v54;
	(xrf1) =	vsort.ascd.msk.f32 $0xffff, v28, v28;
	v50, _, _ =	vpop (xrf1)  }
0x97: {  	v1 =	vmax.f32 v2, v35;
	(xrf1) =	vsort.ascd.msk.f32 $0xffff, v26, v26  }
0x98: {  	v24 =	vmax.f32 v24, v36;
	(xrf1) =	vsort.ascd.msk.f32 $0xffff, v1, v1  }
0x99: {  	v2, _, _ =	vpop (xrf1);
	v1 =	vmax.f32 v20, v37;
	(xrf1) =	vsort.ascd.msk.f32 $0xffff, v24, v24  }
0x9a: {  	v26, _, _ =	vpop (xrf1);
	v24 =	vmax.f32 v25, v38;
	(xrf1) =	vsort.ascd.msk.f32 $0xffff, v1, v1  }
0x9b: {  	v20, _, _ =	vpop (xrf1);
	v1 =	vmax.f32 v22, v39;
	(xrf1) =	vsort.ascd.msk.f32 $0xffff, v24, v24  }
0x9c: {  	v18 =	vmax.f32 v18, v40;
	v25, _, _ =	vpop (xrf1);
	(xrf1) =	vsort.ascd.msk.f32 $0xffff, v1, v1  }
0x9d: {  	v22, _, _ =	vpop (xrf1);
	(xrf1) =	vsort.ascd.msk.f32 $0xffff, v18, v18;
	v18 =	vmov s29  }
0x9e: {  	v24, _, _ =	vpop (xrf1);
	v1 =	vmax.f32 v23, v41  }
0x9f: {  	v14 =	vmax.f32 v14, v42;
	v23, _, _ =	vpop (xrf1);
	(xrf1) =	vsort.ascd.msk.f32 $0xffff, v1, v1;
	v1 =	vmul.u32 $0x220, v18  }
0xa0: {  	v10 =	vmax.f32 v10, v34;
	v16 =	vmax.f32 v16, v43;
	v18, _, _ =	vpop (xrf1);
	(xrf1) =	vsort.ascd.msk.f32 $0xffff, v14, v14  }
0xa1: {  	v12 =	vmax.f32 v12, v44;
	v33 =	vadd.s32 $0x200, v0;
	v1 =	vbroadcast v1, $0x0;
	(xrf1) =	vsort.ascd.msk.f32 $0xffff, v10, v10  }
0xa2: {  	v8 =	vmax.f32 v8, v45;
	v53 =	vadd.s32 $0x201, v0;
	v3 =	vmax.f32 v3, v46;
	v14, _, _ =	vpop (xrf1);
	(xrf1) =	vsort.ascd.msk.f32 $0xffff, v16, v16  }
0xa3: {  	v46 =	vadd.s32 $0x202, v0;
	v4 =	vmax.f32 v4, v47;
	v10, _, _ =	vpop (xrf1);
	(xrf1) =	vsort.ascd.msk.f32 $0xffff, v12, v12;
	v12 =	vadd.s32 v33, v1  }
0xa4: {  	v54 =	vadd.s32 $0x203, v0;
	v5 =	vmax.f32 v5, v48;
	v16, _, _ =	vpop (xrf1);
	(xrf1) =	vsort.ascd.msk.f32 $0xffff, v8, v8;
	v8 =	vadd.s32 v53, v1  }
0xa5: {  	v55 =	vadd.s32 $0x204, v0;
	v6 =	vmax.f32 v6, v49;
	v27, _, _ =	vpop (xrf1);
	(xrf1) =	vsort.ascd.msk.f32 $0xffff, v3, v3;
	v3 =	vadd.s32 v46, v1  }
0xa6: {  	v49 =	vadd.s32 $0x205, v0;
	v7 =	vmax.f32 v7, v50;
	v59 =	vadd.s32 v54, v1  }
0xa7: {  	v2 =	vmax.f32 v9, v2;
	v9 =	vmax.f32 v11, v26;
	v60 =	vadd.s32 v55, v1  }
0xa8: {  	v50 =	vadd.s32 $0x206, v0;
	v11 =	vmax.f32 v13, v20;
	[tilespmem:v12+s21+$0x0] =	vst.idx.msk $0xffff, v18;
	v12 =	vadd.s32 v49, v1  }
0xa9: {  	v51 =	vadd.s32 $0x207, v0;
	v61 =	vadd.s32 v50, v1;
	v28, _, _ =	vpop (xrf1);
	(xrf1) =	vsort.ascd.msk.f32 $0xffff, v4, v4;
	[tilespmem:v8+s21+$0x0] =	vst.idx.msk $0xffff, v14  }
0xaa: {  	v48 =	vadd.s32 $0x208, v0;
	v29, _, _ =	vpop (xrf1);
	(xrf1) =	vsort.ascd.msk.f32 $0xffff, v5, v5;
	[tilespmem:v3+s21+$0x0] =	vst.idx.msk $0xffff, v10;
	v3 =	vadd.s32 v51, v1  }
0xab: {  	v62 =	vadd.s32 v48, v1;
	v30, _, _ =	vpop (xrf1);
	(xrf1) =	vsort.ascd.msk.f32 $0xffff, v6, v6;
	[tilespmem:v59+s21+$0x0] =	vst.idx.msk $0xffff, v16;
	v16 =	vadd.s32 $0x209, v0  }
0xac: {  	v18 =	vadd.s32 $0x20A, v0;
	v8, _, _ =	vpop (xrf1);
	(xrf1) =	vsort.ascd.msk.f32 $0xffff, v7, v7;
	[tilespmem:v60+s21+$0x0] =	vst.idx.msk $0xffff, v27;
	v32 =	vadd.s32 v16, v1  }
0xad: {  	v26 =	vadd.s32 $0x20B, v0;
	v63, _, _ =	vpop (xrf1);
	(xrf1) =	vsort.ascd.msk.f32 $0xffff, v2, v2;
	v2 =	vadd.s32 v18, v1;
	[tilespmem:v12+s21+$0x0] =	vst.idx.msk $0xffff, v28  }
0xae: {  	v13 =	vadd.s32 $0x20E, v0;
	v34 =	vadd.s32 v26, v1;
	v27 =	vadd.s32 $0x20C, v0;
	[tilespmem:v61+s21+$0x0] =	vst.idx.msk $0xffff, v29  }
0xaf: {  	v36 =	vadd.s32 v13, v1;
	v28 =	vadd.s32 $0x20D, v0;
	[tilespmem:v3+s21+$0x0] =	vst.idx.msk $0xffff, v30;
	v3 =	vadd.s32 v27, v1  }
0xb0: {  	v14 =	vadd.s32 $0x20F, v0;
	v10, _, _ =	vpop (xrf1);
	(xrf1) =	vsort.ascd.msk.f32 $0xffff, v9, v9;
	v35 =	vadd.s32 v28, v1;
	[tilespmem:v62+s21+$0x0] =	vst.idx.msk $0xffff, v8  }
0xb1: {  	v9, _, _ =	vpop (xrf1);
	(xrf1) =	vsort.ascd.msk.f32 $0xffff, v11, v11;
	v11 =	vadd.s32 $0x210, v0;
	v12 =	vmax.f32 v15, v25;
	[tilespmem:v32+s21+$0x0] =	vst.idx.msk $0xffff, v63  }
0xb2: {  	v38 =	vadd.s32 v11, v1;
	v15 =	vadd.s32 $0x212, v0;
	[tilespmem:v2+s21+$0x0] =	vst.idx.msk $0xffff, v10;
	v2 =	vadd.s32 v14, v1  }
0xb3: {  	v37, _, _ =	vpop (xrf1);
	(xrf1) =	vsort.ascd.msk.f32 $0xffff, v12, v12;
	v12 =	vadd.s32 $0x211, v0;
	v8 =	vmax.f32 v17, v22;
	[tilespmem:v34+s21+$0x0] =	vst.idx.msk $0xffff, v9  }
0xb4: {  	v40 =	vadd.s32 v15, v1;
	v17 =	vadd.s32 $0x213, v0;
	v9, _, _ =	vpop (xrf1);
	[tilespmem:v3+s21+$0x0] =	vst.idx.msk $0xffff, v37;
	v3 =	vadd.s32 v12, v1  }
0xb5: {  	v41 =	vadd.s32 v17, v1;
	v10 =	vmax.f32 v19, v24;
	v39, _, _ =	vpop (xrf1);
	[tilespmem:v35+s21+$0x0] =	vst.idx.msk $0xffff, v9  }
0xb6: {  	v19 =	vadd.s32 $0x214, v0;
	(xrf1) =	vsort.ascd.msk.f32 $0xffff, v8, v8;
	v8, _, _ =	vpop (xrf1);
	v9 =	vmax.f32 v21, v23;
	[tilespmem:v36+s21+$0x0] =	vst.idx.msk $0xffff, v39  }
0xb7: {  	v42, _, _ =	vpop (xrf1);
	(xrf1) =	vsort.ascd.msk.f32 $0xffff, v10, v10;
	v10 =	vadd.s32 $0x215, v0;
	[tilespmem:v2+s21+$0x0] =	vst.idx.msk $0xffff, v8;
	v2 =	vadd.s32 v19, v1  }
0xb8: {  	v8, _, _ =	vpop (xrf1);
	(xrf1) =	vsort.ascd.msk.f32 $0xffff, v9, v9;
	v43 =	vadd.s32 v10, v1;
	v9 =	vadd.s32 $0x216, v0;
	[tilespmem:v38+s21+$0x0] =	vst.idx.msk $0xffff, v42  }
0xb9: {  	v20 =	vadd.s32 $0x217, v0;
	v44, _, _ =	vpop (xrf1);
	[tilespmem:v3+s21+$0x0] =	vst.idx.msk $0xffff, v8;
	v3 =	vadd.s32 v9, v1  }
0xba: {  	v45 =	vadd.s32 v20, v1;
	v21 =	vadd.s32 $0x218, v0;
	v8, _, _ =	vpop (xrf1);
	[tilespmem:v40+s21+$0x0] =	vst.idx.msk $0xffff, v44  }
0xbb: {  	v22 =	vadd.s32 $0x219, v0;
	v52 =	vadd.s32 v21, v1;
	v47, _, _ =	vpop (xrf1);
	[tilespmem:v41+s21+$0x0] =	vst.idx.msk $0xffff, v8  }
0xbc: {  	v23 =	vadd.s32 $0x21A, v0;
	v8, _, _ =	vpop (xrf1);
	[tilespmem:v2+s21+$0x0] =	vst.idx.msk $0xffff, v47;
	v2 =	vadd.s32 v22, v1  }
0xbd: {  	v24 =	vadd.s32 $0x21B, v0;
	v57 =	vadd.s32 v23, v1;
	v56, _, _ =	vpop (xrf1);
	[tilespmem:v43+s21+$0x0] =	vst.idx.msk $0xffff, v8  }
0xbe: {  	v29 =	vadd.s32 $0x21C, v0;
	v8, _, _ =	vpop (xrf1);
	[tilespmem:v3+s21+$0x0] =	vst.idx.msk $0xffff, v56;
	v3 =	vadd.s32 v24, v1  }
0xbf: {  	v59 =	vadd.s32 v29, v1;
	v30 =	vadd.s32 $0x21D, v0;
	v58, _, _ =	vpop (xrf1);
	[tilespmem:v45+s21+$0x0] =	vst.idx.msk $0xffff, v8  }
0xc0: {  	v31 =	vadd.s32 $0x21E, v0;
	v60 =	vadd.s32 v30, v1;
	v8, _, _ =	vpop (xrf1);
	[tilespmem:v52+s21+$0x0] =	vst.idx.msk $0xffff, v58  }
0xc1: {  	s29 =	sadd.s32 $0x1, s29;
	v32 =	vadd.s32 $0x21F, v0;
	v61, _, _ =	vpop (xrf1);
	[tilespmem:v2+s21+$0x0] =	vst.idx.msk $0xffff, v8;
	v2 =	vadd.s32 v31, v1  }
0xc2: {  	p0 =	sne.s32 s29, $0x20;
	v8, _, _ =	vpop (xrf1);
	v1 =	vadd.s32 v32, v1;
	[tilespmem:v57+s21+$0x0] =	vst.idx.msk $0xffff, v61  }
.Ltmp2:
0xc3: {  	v62, _, _ =	vpop (xrf1);
	[tilespmem:v3+s21+$0x0] =	vst.idx.msk $0xffff, v8;
	(pc) =	sbr.rel @p0 .LBB2_4-.Ltmp2, $4  }
0xc4: {  	v3, _, _ =	vpop (xrf1);
	[tilespmem:v59+s21+$0x0] =	vst.idx.msk $0xffff, v62  }
0xc5: {  	v63, _, _ =	vpop (xrf1);
	[tilespmem:v60+s21+$0x0] =	vst.idx.msk $0xffff, v3  }
0xc6: {  	v3, _, _ =	vpop (xrf1);
	[tilespmem:v2+s21+$0x0] =	vst.idx.msk $0xffff, v63  }
0xc7: {  	s28 =	sadd.s32 $0x400, s28;
	[tilespmem:v1+s21+$0x0] =	vst.idx.msk $0xffff, v3  }
0xc8: {  	_ =	swait.ge [sflag:s18], $0x400  }
0xc9: {  	[sflag:s18] =	ssyncset.done $0x0  }
0xca: {  	s29 =	simm.s32 $0x18000;
	[sflag:s18] =	ssyncadd.s32 $0xFFFFFC00  }
0xcb: {  	[hbm4b:s7+s22] =	stream.strided.scatter [tilespmem:s29], [sflag:$0x4], $0x4400, s23, s22, $0x38;
	[tilespmem:$0x1C400] =	vst v63  }
0xcc: {  	_ =	swait.ge [sflag:s24], $0x8000  }
0xcd: {  	[sflag:s24] =	ssyncset.done $0x0  }
0xce: {  	s28 =	simm.s32 $0x0;
	[sflag:s24] =	ssyncadd.s32 $0xFFFF8000  }
0xcf: {  	[tilespmem:s17], [sflag:$0x2] =	stream.linear.gather [hbm4b:s8+s28], $0x8000, $0x38;
	[tilespmem:$0x1C400] =	vst v63  }
0xd0: {  	_ =	swait.ge [sflag:s25], $0x4400  }
0xd1: {  	s30 =	simm.s32 $0x10;
	[sflag:s25] =	ssyncset.done $0x0  }
0xd2: {  	s0 =	sadd.s32 $0x0, s9;
	s31 =	simm.s32 $0x18220;
	[sflag:s25] =	ssyncadd.s32 $0xFFFFBC00  }
.LBB2_8:
0xd3: {  	[tilespmem:s29], [sflag:$0x1] =	stream.linear.gather [hbm4b:s0+s28], $0x20, $0x38;
	[tilespmem:$0x1C400] =	vst v63  }
0xd4: {  	s0 =	smov.u32 s30;
	s29 =	smov.u32 s31;
	p0 =	sne.s32 s30, $0x1F0  }
.Ltmp3:
0xd5: {  	s30 =	sadd.s32 $0x10, s30;
	(pc) =	sbr.rel @p0 .LBB2_8-.Ltmp3, $2  }
0xd6: {  	_ =	sdelay $0x2  }
0xd7: {  	s31 =	sadd.s32 $0x220, s31;
	s0 =	sadd.s32 s0, s9  }
0xd8: {  	[tilespmem:s29], [sflag:$0x1] =	stream.linear.gather [hbm4b:s0+s28], $0x20, $0x38;
	[tilespmem:$0x1C400] =	vst v63  }
0xd9: {  	[tilespmem:$0x1FE40] =	vst v33  }
0xda: {  	[tilespmem:$0x1FE50] =	vst v53  }
0xdb: {  	[tilespmem:$0x1FE60] =	vst v46  }
0xdc: {  	[tilespmem:$0x1FE70] =	vst v54  }
0xdd: {  	[tilespmem:$0x1FE80] =	vst v55  }
0xde: {  	[tilespmem:$0x1FE90] =	vst v49  }
0xdf: {  	[tilespmem:$0x1FEA0] =	vst v50  }
0xe0: {  	[tilespmem:$0x1FEB0] =	vst v51  }
0xe1: {  	[tilespmem:$0x1FEC0] =	vst v48  }
0xe2: {  	[tilespmem:$0x1FED0] =	vst v16  }
0xe3: {  	[tilespmem:$0x1FEE0] =	vst v18  }
0xe4: {  	[tilespmem:$0x1FEF0] =	vst v26  }
0xe5: {  	[tilespmem:$0x1FF00] =	vst v27  }
0xe6: {  	[tilespmem:$0x1FF10] =	vst v28  }
0xe7: {  	[tilespmem:$0x1FF20] =	vst v13  }
0xe8: {  	[tilespmem:$0x1FF30] =	vst v14  }
0xe9: {  	[tilespmem:$0x1FF40] =	vst v11  }
0xea: {  	[tilespmem:$0x1FF50] =	vst v12  }
0xeb: {  	[tilespmem:$0x1FF60] =	vst v15  }
0xec: {  	[tilespmem:$0x1FF70] =	vst v17  }
0xed: {  	[tilespmem:$0x1FF80] =	vst v19  }
0xee: {  	[tilespmem:$0x1FF90] =	vst v10  }
0xef: {  	[tilespmem:$0x1FFA0] =	vst v9  }
0xf0: {  	[tilespmem:$0x1FFB0] =	vst v20  }
0xf1: {  	[tilespmem:$0x1FFC0] =	vst v21  }
0xf2: {  	[tilespmem:$0x1FFD0] =	vst v22  }
0xf3: {  	[tilespmem:$0x1FFE0] =	vst v23  }
0xf4: {  	s29 =	simm.s32 $0x0;
	[tilespmem:$0x1FFF0] =	vst v24  }
.LBB2_10:
0xf5: {  	v33 =	vmov s28;
	_ =	sdelay $0x1  }
0xf6: {  	s30 =	simm.s32 $0x0  }
0xf7: {  	v2 =	vld [tilespmem:s30+$0x10000]  }
0xf8: {  	v3 =	vld [tilespmem:s30+$0x10400]  }
0xf9: {  	v1 =	vld.idx.msk [tilespmem:v33+s30+$0x0 ss:$0x1], $0xffff  }
0xfa: {  	v4 =	vld [tilespmem:s30+$0x10800]  }
0xfb: {  	v5 =	vld [tilespmem:s30+$0x10C00]  }
0xfc: {  	v6 =	vld [tilespmem:s30+$0x11000]  }
0xfd: {  	v8 =	vld [tilespmem:s30+$0x11400]  }
0xfe: {  	v10 =	vld [tilespmem:s30+$0x11800];
	v7 =	vmul.f32 v2, v1  }
0xff: {  	v12 =	vld [tilespmem:s30+$0x11C00];
	v9 =	vmul.f32 v3, v1  }
0x100: {  	v11 =	vmul.f32 v4, v1;
	(xrf1) =	vsort.dscd.msk.f32 $0xffff, v7, v2;
	v7 =	vld [tilespmem:s30+$0x12000]  }
0x101: {  	v2 =	vmul.f32 v5, v1;
	(xrf1) =	vsort.dscd.msk.f32 $0xffff, v9, v3;
	v9 =	vld [tilespmem:s30+$0x12400]  }
0x102: {  	v3 =	vmul.f32 v6, v1;
	(xrf1) =	vsort.dscd.msk.f32 $0xffff, v11, v4;
	v11 =	vld [tilespmem:s30+$0x12800]  }
0x103: {  	v4 =	vmul.f32 v8, v1;
	(xrf1) =	vsort.dscd.msk.f32 $0xffff, v2, v5;
	v5 =	vld [tilespmem:s30+$0x12C00]  }
0x104: {  	v2 =	vmul.f32 v10, v1;
	(xrf1) =	vsort.dscd.msk.f32 $0xffff, v3, v6;
	v6 =	vld [tilespmem:s30+$0x13000]  }
0x105: {  	v3 =	vmul.f32 v12, v1;
	(xrf1) =	vsort.dscd.msk.f32 $0xffff, v4, v8;
	v8 =	vld [tilespmem:s30+$0x13400]  }
0x106: {  	v4 =	vmul.f32 v7, v1;
	(xrf1) =	vsort.dscd.msk.f32 $0xffff, v2, v10;
	v10 =	vld [tilespmem:s30+$0x13800]  }
0x107: {  	v2 =	vmul.f32 v9, v1;
	(xrf1) =	vsort.dscd.msk.f32 $0xffff, v3, v12;
	v12 =	vld [tilespmem:s30+$0x13C00]  }
0x108: {  	v3 =	vmul.f32 v11, v1;
	(xrf1) =	vsort.dscd.msk.f32 $0xffff, v4, v7;
	v7 =	vld [tilespmem:s30+$0x14000]  }
0x109: {  	v13 =	vld [tilespmem:s30+$0x15800];
	v4 =	vmul.f32 v5, v1;
	(xrf1) =	vsort.dscd.msk.f32 $0xffff, v2, v9  }
0x10a: {  	v2 =	vmul.f32 v6, v1;
	v9 =	vld [tilespmem:s30+$0x14400];
	(xrf1) =	vsort.dscd.msk.f32 $0xffff, v3, v11  }
0x10b: {  	v3 =	vmul.f32 v8, v1;
	v11 =	vld [tilespmem:s30+$0x14800];
	(xrf1) =	vsort.dscd.msk.f32 $0xffff, v4, v5;
	v4 =	vmul.f32 v10, v1  }
0x10c: {  	v5 =	vld [tilespmem:s30+$0x14C00];
	(xrf1) =	vsort.dscd.msk.f32 $0xffff, v2, v6;
	v2 =	vmul.f32 v12, v1  }
0x10d: {  	v6 =	vld [tilespmem:s30+$0x15000];
	(xrf1) =	vsort.dscd.msk.f32 $0xffff, v3, v8;
	v3 =	vmul.f32 v7, v1  }
0x10e: {  	v8 =	vld [tilespmem:s30+$0x15400];
	(xrf1) =	vsort.dscd.msk.f32 $0xffff, v4, v10  }
0x10f: {  	v14 =	vld [tilespmem:s30+$0x15C00];
	v10 =	vmul.f32 v9, v1;
	v4, _, _ =	vpop (xrf1);
	(xrf1) =	vsort.dscd.msk.f32 $0xffff, v2, v12  }
0x110: {  	v15 =	vld [tilespmem:s30+$0x16000];
	v12 =	vmul.f32 v11, v1;
	v2, _, _ =	vpop (xrf1);
	(xrf1) =	vsort.dscd.msk.f32 $0xffff, v3, v7  }
0x111: {  	v17 =	vld [tilespmem:s30+$0x16800];
	v7 =	vmul.f32 v5, v1;
	v3, _, _ =	vpop (xrf1);
	(xrf1) =	vsort.dscd.msk.f32 $0xffff, v10, v9  }
0x112: {  	v9 =	vmul.f32 v6, v1;
	v10 =	vld [tilespmem:s30+$0x16400];
	v16, _, _ =	vpop (xrf1);
	(xrf1) =	vsort.dscd.msk.f32 $0xffff, v12, v11  }
0x113: {  	v18 =	vld [tilespmem:s30+$0x16C00];
	v12 =	vmul.f32 v8, v1;
	v11, _, _ =	vpop (xrf1);
	(xrf1) =	vsort.dscd.msk.f32 $0xffff, v7, v5;
	v7 =	vmul.f32 v13, v1  }
0x114: {  	v19 =	vld [tilespmem:s30+$0x17000];
	v5, _, _ =	vpop (xrf1);
	(xrf1) =	vsort.dscd.msk.f32 $0xffff, v9, v6;
	v9 =	vmul.f32 v14, v1  }
0x115: {  	v34 =	vld [tilespmem:s30+$0x17400];
	v6, _, _ =	vpop (xrf1);
	(xrf1) =	vsort.dscd.msk.f32 $0xffff, v12, v8;
	v12 =	vmul.f32 v15, v1  }
0x116: {  	v35 =	vld [tilespmem:s30+$0x17800];
	v8, _, _ =	vpop (xrf1);
	(xrf1) =	vsort.dscd.msk.f32 $0xffff, v7, v13  }
0x117: {  	v13 =	vmul.f32 v10, v1;
	v7, _, _ =	vpop (xrf1);
	(xrf1) =	vsort.dscd.msk.f32 $0xffff, v9, v14  }
0x118: {  	v14 =	vmul.f32 v17, v1;
	v9, _, _ =	vpop (xrf1);
	(xrf1) =	vsort.dscd.msk.f32 $0xffff, v12, v15  }
0x119: {  	v36 =	vld [tilespmem:s30+$0x17C00];
	v15 =	vmul.f32 v18, v1;
	v12, _, _ =	vpop (xrf1);
	(xrf1) =	vsort.dscd.msk.f32 $0xffff, v13, v10  }
0x11a: {  	v10, _, _ =	vpop (xrf1);
	(xrf1) =	vsort.dscd.msk.f32 $0xffff, v14, v17;
	v17 =	vmul.f32 v34, v1  }
0x11b: {  	v37 =	vmul.f32 v19, v1;
	v13, _, _ =	vpop (xrf1);
	(xrf1) =	vsort.dscd.msk.f32 $0xffff, v15, v18;
	v18 =	vmul.f32 v35, v1  }
0x11c: {  	v14, _, _ =	vpop (xrf1)  }
0x11d: {  	v46 =	vimm.f32 $-Inf;
	v57 =	vimm.f32 $-Inf;
	v53 =	vimm.f32 $-Inf;
	(xrf1) =	vsort.dscd.msk.f32 $0xffff, v37, v19;
	v15, _, _ =	vpop (xrf1)  }
0x11e: {  	v54 =	vimm.f32 $-Inf;
	v55 =	vimm.f32 $-Inf;
	v1 =	vmul.f32 v36, v1;
	(xrf1) =	vsort.dscd.msk.f32 $0xffff, v17, v34;
	v17, _, _ =	vpop (xrf1)  }
0x11f: {  	v49 =	vimm.f32 $-Inf;
	v56 =	vimm.f32 $-Inf;
	v50 =	vimm.f32 $-Inf;
	(xrf1) =	vsort.dscd.msk.f32 $0xffff, v18, v35;
	v18, _, _ =	vpop (xrf1)  }
0x120: {  	v51 =	vimm.f32 $-Inf;
	v52 =	vimm.f32 $-Inf;
	v4 =	vmax.f32 v46, v4;
	(xrf1) =	vsort.dscd.msk.f32 $0xffff, v1, v36;
	v19, _, _ =	vpop (xrf1)  }
0x121: {  	v48 =	vimm.f32 $-Inf;
	v61 =	vmax.f32 v46, v2;
	v62 =	vmax.f32 v46, v16;
	(xrf1) =	vsort.ascd.msk.f32 $0xffff, v4, v4;
	v16, _, _ =	vpop (xrf1)  }
0x122: {  	v47 =	vimm.f32 $-Inf;
	v3 =	vmax.f32 v46, v3;
	v63 =	vmax.f32 v46, v11;
	(xrf1) =	vsort.ascd.msk.f32 $0xffff, v61, v61;
	v11, _, _ =	vpop (xrf1)  }
0x123: {  	v45 =	vimm.f32 $-Inf;
	v44 =	vimm.f32 $-Inf;
	v2 =	vmax.f32 v46, v8;
	(xrf1) =	vsort.ascd.msk.f32 $0xffff, v3, v3;
	v8, _, _ =	vpop (xrf1)  }
0x124: {  	v42 =	vimm.f32 $-Inf;
	v5 =	vmax.f32 v46, v5;
	v58 =	vmax.f32 v46, v6;
	(xrf1) =	vsort.ascd.msk.f32 $0xffff, v62, v62;
	v6, _, _ =	vpop (xrf1)  }
0x125: {  	v43 =	vimm.f32 $-Inf;
	v41 =	vimm.f32 $-Inf;
	v40 =	vimm.f32 $-Inf;
	(xrf1) =	vsort.ascd.msk.f32 $0xffff, v63, v63;
	v3, _, _ =	vpop (xrf1)  }
0x126: {  	v39 =	vimm.f32 $-Inf;
	v38 =	vimm.f32 $-Inf;
	v37 =	vimm.f32 $-Inf;
	(xrf1) =	vsort.ascd.msk.f32 $0xffff, v5, v5;
	v4, _, _ =	vpop (xrf1)  }
0x127: {  	s30 =	simm.s32 $0x40;
	v34 =	vimm.f32 $-Inf;
	v35 =	vimm.f32 $-Inf;
	v36 =	vimm.f32 $-Inf;
	(xrf1) =	vsort.ascd.msk.f32 $0xffff, v58, v58;
	v5, _, _ =	vpop (xrf1)  }
.LBB2_11:
0x128: {  	p0 =	sne.s32 s30, $0xFC0;
	v1 =	vmax.f32 v46, v7;
	(xrf1) =	vsort.ascd.msk.f32 $0xffff, v2, v2;
	v7, _, _ =	vpop (xrf1)  }
0x129: {  	v2 =	vmax.f32 v57, v9;
	(xrf1) =	vsort.ascd.msk.f32 $0xffff, v1, v1;
	v9, _, _ =	vpop (xrf1)  }
0x12a: {  	v1 =	vmax.f32 v53, v12;
	(xrf1) =	vsort.ascd.msk.f32 $0xffff, v2, v2;
	v12, _, _ =	vpop (xrf1)  }
0x12b: {  	v2 =	vmax.f32 v54, v10;
	(xrf1) =	vsort.ascd.msk.f32 $0xffff, v1, v1;
	v10, _, _ =	vpop (xrf1)  }
0x12c: {  	v1 =	vmax.f32 v55, v13;
	(xrf1) =	vsort.ascd.msk.f32 $0xffff, v2, v2;
	v13, _, _ =	vpop (xrf1)  }
0x12d: {  	v2 =	vmax.f32 v49, v14;
	(xrf1) =	vsort.ascd.msk.f32 $0xffff, v1, v1;
	v14, _, _ =	vpop (xrf1)  }
0x12e: {  	v1 =	vmax.f32 v56, v15;
	(xrf1) =	vsort.ascd.msk.f32 $0xffff, v2, v2;
	v15, _, _ =	vpop (xrf1)  }
0x12f: {  	v2 =	vmax.f32 v50, v17;
	v58, _, _ =	vpop (xrf1);
	(xrf1) =	vsort.ascd.msk.f32 $0xffff, v1, v1  }
0x130: {  	v1 =	vmax.f32 v51, v18;
	v59, _, _ =	vpop (xrf1);
	(xrf1) =	vsort.ascd.msk.f32 $0xffff, v2, v2  }
0x131: {  	v2 =	vmax.f32 v52, v19;
	v60, _, _ =	vpop (xrf1);
	(xrf1) =	vsort.ascd.msk.f32 $0xffff, v1, v1  }
0x132: {  	v1 =	vmax.f32 v48, v16;
	v61, _, _ =	vpop (xrf1);
	(xrf1) =	vsort.ascd.msk.f32 $0xffff, v2, v2  }
0x133: {  	v2 =	vmax.f32 v47, v11;
	v62, _, _ =	vpop (xrf1);
	(xrf1) =	vsort.ascd.msk.f32 $0xffff, v1, v1  }
0x134: {  	v8 =	vmax.f32 v45, v8;
	v63, _, _ =	vpop (xrf1);
	(xrf1) =	vsort.ascd.msk.f32 $0xffff, v2, v2  }
0x135: {  	v6 =	vmax.f32 v44, v6;
	v1, _, _ =	vpop (xrf1);
	(xrf1) =	vsort.ascd.msk.f32 $0xffff, v8, v8  }
0x136: {  	v3 =	vmax.f32 v42, v3;
	v2, _, _ =	vpop (xrf1);
	(xrf1) =	vsort.ascd.msk.f32 $0xffff, v6, v6  }
0x137: {  	v4 =	vmax.f32 v43, v4;
	v46, _, _ =	vpop (xrf1);
	(xrf1) =	vsort.ascd.msk.f32 $0xffff, v3, v3  }
0x138: {  	s31 =	sshra.s32 s30, $0x2;
	v5 =	vmax.f32 v41, v5;
	v57, _, _ =	vpop (xrf1);
	(xrf1) =	vsort.ascd.msk.f32 $0xffff, v4, v4  }
0x139: {  	v4 =	vmax.f32 v40, v7;
	v3 =	vld.idx.msk [tilespmem:v33+s31+$0x0 ss:$0x1], $0xffff;
	v53, _, _ =	vpop (xrf1);
	(xrf1) =	vsort.ascd.msk.f32 $0xffff, v5, v5  }
0x13a: {  	v6 =	vmax.f32 v39, v9;
	v5 =	vld [tilespmem:s31+$0x10000];
	v54, _, _ =	vpop (xrf1);
	(xrf1) =	vsort.ascd.msk.f32 $0xffff, v4, v4  }
0x13b: {  	v7 =	vmax.f32 v38, v12;
	v4 =	vld [tilespmem:s31+$0x10400];
	v55, _, _ =	vpop (xrf1);
	(xrf1) =	vsort.ascd.msk.f32 $0xffff, v6, v6  }
0x13c: {  	v8 =	vmax.f32 v36, v10;
	v6 =	vld [tilespmem:s31+$0x10800];
	v49, _, _ =	vpop (xrf1);
	(xrf1) =	vsort.ascd.msk.f32 $0xffff, v7, v7  }
0x13d: {  	v9 =	vmax.f32 v37, v13;
	v7 =	vld [tilespmem:s31+$0x10C00];
	v56, _, _ =	vpop (xrf1);
	(xrf1) =	vsort.ascd.msk.f32 $0xffff, v8, v8  }
0x13e: {  	v10 =	vmax.f32 v35, v14;
	v8 =	vld [tilespmem:s31+$0x11000];
	v50, _, _ =	vpop (xrf1);
	(xrf1) =	vsort.ascd.msk.f32 $0xffff, v9, v9  }
0x13f: {  	v12 =	vmax.f32 v34, v15;
	v9 =	vmul.f32 v5, v3;
	v11 =	vld [tilespmem:s31+$0x11400];
	v51, _, _ =	vpop (xrf1);
	(xrf1) =	vsort.ascd.msk.f32 $0xffff, v10, v10  }
0x140: {  	v10 =	vmul.f32 v4, v3;
	v13 =	vld [tilespmem:s31+$0x11800];
	v52, _, _ =	vpop (xrf1);
	(xrf1) =	vsort.ascd.msk.f32 $0xffff, v12, v12  }
0x141: {  	v12 =	vmul.f32 v6, v3;
	v14 =	vld [tilespmem:s31+$0x11C00];
	(xrf1) =	vsort.dscd.msk.f32 $0xffff, v9, v5;
	v48, _, _ =	vpop (xrf1)  }
0x142: {  	v5 =	vmul.f32 v7, v3;
	v9 =	vld [tilespmem:s31+$0x12000];
	(xrf1) =	vsort.dscd.msk.f32 $0xffff, v10, v4;
	v47, _, _ =	vpop (xrf1)  }
0x143: {  	v4 =	vmul.f32 v8, v3;
	v10 =	vld [tilespmem:s31+$0x12400];
	(xrf1) =	vsort.dscd.msk.f32 $0xffff, v12, v6;
	v45, _, _ =	vpop (xrf1)  }
0x144: {  	v6 =	vmul.f32 v11, v3;
	v12 =	vld [tilespmem:s31+$0x12800];
	(xrf1) =	vsort.dscd.msk.f32 $0xffff, v5, v7;
	v44, _, _ =	vpop (xrf1)  }
0x145: {  	v5 =	vmul.f32 v13, v3;
	v7 =	vld [tilespmem:s31+$0x12C00];
	(xrf1) =	vsort.dscd.msk.f32 $0xffff, v4, v8;
	v42, _, _ =	vpop (xrf1)  }
0x146: {  	v4 =	vmul.f32 v14, v3;
	v8 =	vld [tilespmem:s31+$0x13000];
	(xrf1) =	vsort.dscd.msk.f32 $0xffff, v6, v11;
	v43, _, _ =	vpop (xrf1)  }
0x147: {  	v6 =	vmul.f32 v9, v3;
	v11 =	vld [tilespmem:s31+$0x13400];
	(xrf1) =	vsort.dscd.msk.f32 $0xffff, v5, v13;
	v41, _, _ =	vpop (xrf1)  }
0x148: {  	v5 =	vmul.f32 v10, v3;
	v13 =	vld [tilespmem:s31+$0x13800];
	(xrf1) =	vsort.dscd.msk.f32 $0xffff, v4, v14;
	v40, _, _ =	vpop (xrf1)  }
0x149: {  	v4 =	vmul.f32 v12, v3;
	v14 =	vld [tilespmem:s31+$0x13C00];
	(xrf1) =	vsort.dscd.msk.f32 $0xffff, v6, v9;
	v39, _, _ =	vpop (xrf1)  }
0x14a: {  	v6 =	vmul.f32 v7, v3;
	v9 =	vld [tilespmem:s31+$0x14000];
	(xrf1) =	vsort.dscd.msk.f32 $0xffff, v5, v10;
	v38, _, _ =	vpop (xrf1)  }
0x14b: {  	v5 =	vmul.f32 v8, v3;
	v10 =	vld [tilespmem:s31+$0x14400];
	(xrf1) =	vsort.dscd.msk.f32 $0xffff, v4, v12;
	v36, _, _ =	vpop (xrf1)  }
0x14c: {  	v4 =	vmul.f32 v11, v3;
	v12 =	vld [tilespmem:s31+$0x14800];
	(xrf1) =	vsort.dscd.msk.f32 $0xffff, v6, v7;
	v37, _, _ =	vpop (xrf1)  }
0x14d: {  	v6 =	vmul.f32 v13, v3;
	v7 =	vld [tilespmem:s31+$0x14C00];
	(xrf1) =	vsort.dscd.msk.f32 $0xffff, v5, v8;
	v35, _, _ =	vpop (xrf1)  }
0x14e: {  	v5 =	vmul.f32 v14, v3;
	v8 =	vld [tilespmem:s31+$0x15000];
	(xrf1) =	vsort.dscd.msk.f32 $0xffff, v4, v11;
	v34, _, _ =	vpop (xrf1)  }
0x14f: {  	v4 =	vmul.f32 v9, v3;
	v11 =	vld [tilespmem:s31+$0x15400];
	v16, _, _ =	vpop (xrf1);
	(xrf1) =	vsort.dscd.msk.f32 $0xffff, v6, v13  }
0x150: {  	v6 =	vmul.f32 v10, v3;
	v13 =	vld [tilespmem:s31+$0x15800];
	v20, _, _ =	vpop (xrf1);
	(xrf1) =	vsort.dscd.msk.f32 $0xffff, v5, v14  }
0x151: {  	v5 =	vmul.f32 v12, v3;
	v14 =	vld [tilespmem:s31+$0x15C00];
	v21, _, _ =	vpop (xrf1);
	(xrf1) =	vsort.dscd.msk.f32 $0xffff, v4, v9  }
0x152: {  	v4 =	vmul.f32 v7, v3;
	v15 =	vld [tilespmem:s31+$0x16000];
	v22, _, _ =	vpop (xrf1);
	(xrf1) =	vsort.dscd.msk.f32 $0xffff, v6, v10  }
0x153: {  	v6 =	vmul.f32 v8, v3;
	v17 =	vld [tilespmem:s31+$0x16400];
	v23, _, _ =	vpop (xrf1);
	(xrf1) =	vsort.dscd.msk.f32 $0xffff, v5, v12  }
0x154: {  	v5 =	vmul.f32 v11, v3;
	v18 =	vld [tilespmem:s31+$0x16800];
	v24, _, _ =	vpop (xrf1);
	(xrf1) =	vsort.dscd.msk.f32 $0xffff, v4, v7  }
0x155: {  	v4 =	vmul.f32 v13, v3;
	v19 =	vld [tilespmem:s31+$0x16C00];
	v25, _, _ =	vpop (xrf1);
	(xrf1) =	vsort.dscd.msk.f32 $0xffff, v6, v8  }
0x156: {  	v6 =	vmul.f32 v14, v3;
	v8 =	vld [tilespmem:s31+$0x17000];
	v26, _, _ =	vpop (xrf1);
	(xrf1) =	vsort.dscd.msk.f32 $0xffff, v5, v11  }
0x157: {  	v5 =	vmul.f32 v15, v3;
	v11 =	vld [tilespmem:s31+$0x17400];
	v7, _, _ =	vpop (xrf1);
	(xrf1) =	vsort.dscd.msk.f32 $0xffff, v4, v13  }
0x158: {  	v4 =	vmul.f32 v17, v3;
	v27 =	vld [tilespmem:s31+$0x17800];
	v9, _, _ =	vpop (xrf1);
	(xrf1) =	vsort.dscd.msk.f32 $0xffff, v6, v14  }
0x159: {  	v6 =	vmul.f32 v18, v3;
	v28 =	vld [tilespmem:s31+$0x17C00];
	v12, _, _ =	vpop (xrf1);
	(xrf1) =	vsort.dscd.msk.f32 $0xffff, v5, v15  }
0x15a: {  	v5 =	vmul.f32 v19, v3;
	v10, _, _ =	vpop (xrf1);
	(xrf1) =	vsort.dscd.msk.f32 $0xffff, v4, v17  }
0x15b: {  	v4 =	vmul.f32 v8, v3;
	v13, _, _ =	vpop (xrf1);
	(xrf1) =	vsort.dscd.msk.f32 $0xffff, v6, v18  }
0x15c: {  	v6 =	vmul.f32 v11, v3;
	v14, _, _ =	vpop (xrf1);
	(xrf1) =	vsort.dscd.msk.f32 $0xffff, v5, v19  }
0x15d: {  	v5 =	vmul.f32 v27, v3;
	v15, _, _ =	vpop (xrf1);
	(xrf1) =	vsort.dscd.msk.f32 $0xffff, v4, v8  }
0x15e: {  	v3 =	vmul.f32 v28, v3;
	v17, _, _ =	vpop (xrf1);
	(xrf1) =	vsort.dscd.msk.f32 $0xffff, v6, v11  }
0x15f: {  	v18, _, _ =	vpop (xrf1);
	(xrf1) =	vsort.dscd.msk.f32 $0xffff, v5, v27  }
0x160: {  	v4 =	vmax.f32 v58, v16;
	v19, _, _ =	vpop (xrf1);
	(xrf1) =	vsort.dscd.msk.f32 $0xffff, v3, v28  }
0x161: {  	v3 =	vmax.f32 v59, v20;
	(xrf1) =	vsort.ascd.msk.f32 $0xffff, v4, v4;
	v16, _, _ =	vpop (xrf1)  }
0x162: {  	v4 =	vmax.f32 v60, v21;
	(xrf1) =	vsort.ascd.msk.f32 $0xffff, v3, v3;
	v11, _, _ =	vpop (xrf1)  }
.Ltmp4:
0x163: {  	v20 =	vmax.f32 v61, v22;
	(xrf1) =	vsort.ascd.msk.f32 $0xffff, v4, v4;
	v8, _, _ =	vpop (xrf1);
	(pc) =	sbr.rel @p0 .LBB2_11-.Ltmp4, $4  }
0x164: {  	v21 =	vmax.f32 v62, v23;
	(xrf1) =	vsort.ascd.msk.f32 $0xffff, v20, v20;
	v6, _, _ =	vpop (xrf1)  }
0x165: {  	v20 =	vmax.f32 v63, v24;
	(xrf1) =	vsort.ascd.msk.f32 $0xffff, v21, v21;
	v3, _, _ =	vpop (xrf1)  }
0x166: {  	v1 =	vmax.f32 v1, v25;
	(xrf1) =	vsort.ascd.msk.f32 $0xffff, v20, v20;
	v4, _, _ =	vpop (xrf1)  }
0x167: {  	s30 =	sadd.s32 $0x40, s30;
	v2 =	vmax.f32 v2, v26;
	(xrf1) =	vsort.ascd.msk.f32 $0xffff, v1, v1;
	v5, _, _ =	vpop (xrf1)  }
0x168: {  	v1 =	vmov s29;
	v33 =	vld [tilespmem:$0x1FE40]  }
0x169: {  	v1 =	vmul.u32 $0x220, v1;
	_ =	sdelay $0x1  }
0x16a: {  	v58 =	vld [tilespmem:$0x1FE50];
	v1 =	vbroadcast v1, $0x0  }
0x16b: {  	v20, _, _ =	vpop (xrf1);
	v61 =	vld [tilespmem:$0x1FE60]  }
0x16c: {  	v21, _, _ =	vpop (xrf1);
	v24 =	vadd.s32 v33, v1;
	v33 =	vld [tilespmem:$0x1FE70]  }
0x16d: {  	v22, _, _ =	vpop (xrf1)  }
0x16e: {  	v7 =	vmax.f32 v46, v7;
	v9 =	vmax.f32 v57, v9;
	(xrf1) =	vsort.ascd.msk.f32 $0xffff, v2, v2;
	v23, _, _ =	vpop (xrf1)  }
0x16f: {  	v12 =	vmax.f32 v53, v12;
	(xrf1) =	vsort.ascd.msk.f32 $0xffff, v7, v7;
	v25, _, _ =	vpop (xrf1);
	v59 =	vadd.s32 v58, v1  }
0x170: {  	v54 =	vmax.f32 v54, v10;
	v2, _, _ =	vpop (xrf1);
	(xrf1) =	vsort.ascd.msk.f32 $0xffff, v9, v9;
	v62 =	vadd.s32 v61, v1  }
0x171: {  	v7, _, _ =	vpop (xrf1);
	(xrf1) =	vsort.ascd.msk.f32 $0xffff, v12, v12;
	v46 =	vadd.s32 v33, v1  }
0x172: {  	v57 =	vmax.f32 v55, v13;
	v63 =	vmax.f32 v50, v17;
	v17 =	vld [tilespmem:$0x1FE80];
	v53, _, _ =	vpop (xrf1);
	(xrf1) =	vsort.ascd.msk.f32 $0xffff, v54, v54  }
0x173: {  	v60 =	vmax.f32 v49, v14;
	v55 =	vld [tilespmem:$0x1FE90];
	(xrf1) =	vsort.ascd.msk.f32 $0xffff, v57, v57;
	v54, _, _ =	vpop (xrf1);
	[tilespmem:v24+s21+$0x0] =	vst.idx.msk $0xffff, v53  }
0x174: {  	v26 =	vmax.f32 v56, v15;
	(xrf1) =	vsort.ascd.msk.f32 $0xffff, v60, v60;
	v58, _, _ =	vpop (xrf1);
	[tilespmem:v59+s21+$0x0] =	vst.idx.msk $0xffff, v54;
	v59 =	vld [tilespmem:$0x1FEA0]  }
0x175: {  	(xrf1) =	vsort.ascd.msk.f32 $0xffff, v26, v26;
	v61, _, _ =	vpop (xrf1);
	[tilespmem:v62+s21+$0x0] =	vst.idx.msk $0xffff, v58;
	v62 =	vld [tilespmem:$0x1FEB0]  }
0x176: {  	v53 =	vmax.f32 v51, v18;
	(xrf1) =	vsort.ascd.msk.f32 $0xffff, v63, v63;
	[tilespmem:v46+s21+$0x0] =	vst.idx.msk $0xffff, v61;
	v46 =	vld [tilespmem:$0x1FEC0]  }
0x177: {  	v50 =	vld [tilespmem:$0x1FED0];
	v57 =	vmax.f32 v52, v19;
	v24 =	vadd.s32 v17, v1;
	(xrf1) =	vsort.ascd.msk.f32 $0xffff, v53, v53  }
0x178: {  	v56 =	vadd.s32 v55, v1;
	v26 =	vmax.f32 v48, v16;
	v53 =	vld [tilespmem:$0x1FEE0];
	(xrf1) =	vsort.ascd.msk.f32 $0xffff, v57, v57  }
0x179: {  	(xrf1) =	vsort.ascd.msk.f32 $0xffff, v26, v26;
	v26 =	vld [tilespmem:$0x1FEF0];
	v60 =	vadd.s32 v59, v1  }
0x17a: {  	v27 =	vld [tilespmem:$0x1FF00];
	v63 =	vadd.s32 v62, v1  }
0x17b: {  	v28 =	vld [tilespmem:$0x1FF10];
	v33, _, _ =	vpop (xrf1);
	v48 =	vadd.s32 v46, v1  }
0x17c: {  	v51 =	vadd.s32 v50, v1;
	v49, _, _ =	vpop (xrf1);
	[tilespmem:v24+s21+$0x0] =	vst.idx.msk $0xffff, v33  }
0x17d: {  	v52, _, _ =	vpop (xrf1);
	[tilespmem:v56+s21+$0x0] =	vst.idx.msk $0xffff, v49;
	v54 =	vadd.s32 v53, v1  }
0x17e: {  	v55, _, _ =	vpop (xrf1);
	v62 =	vld [tilespmem:$0x1FF20];
	v56 =	vadd.s32 v26, v1;
	[tilespmem:v60+s21+$0x0] =	vst.idx.msk $0xffff, v52  }
0x17f: {  	v11 =	vmax.f32 v47, v11;
	v17 =	vld [tilespmem:$0x1FF30];
	v58 =	vadd.s32 v27, v1;
	v57, _, _ =	vpop (xrf1);
	[tilespmem:v63+s21+$0x0] =	vst.idx.msk $0xffff, v55  }
0x180: {  	v8 =	vmax.f32 v45, v8;
	v59, _, _ =	vpop (xrf1);
	v60 =	vadd.s32 v28, v1;
	[tilespmem:v48+s21+$0x0] =	vst.idx.msk $0xffff, v57  }
0x181: {  	v3 =	vmax.f32 v42, v3;
	(xrf1) =	vsort.ascd.msk.f32 $0xffff, v11, v11;
	v61, _, _ =	vpop (xrf1);
	[tilespmem:v51+s21+$0x0] =	vst.idx.msk $0xffff, v59  }
0x182: {  	v6 =	vmax.f32 v44, v6;
	(xrf1) =	vsort.ascd.msk.f32 $0xffff, v8, v8;
	v16, _, _ =	vpop (xrf1);
	[tilespmem:v54+s21+$0x0] =	vst.idx.msk $0xffff, v61  }
0x183: {  	(xrf1) =	vsort.ascd.msk.f32 $0xffff, v6, v6;
	v63 =	vadd.s32 v62, v1;
	v19, _, _ =	vpop (xrf1);
	[tilespmem:v56+s21+$0x0] =	vst.idx.msk $0xffff, v16  }
0x184: {  	v18 =	vadd.s32 v17, v1;
	(xrf1) =	vsort.ascd.msk.f32 $0xffff, v3, v3;
	v3, _, _ =	vpop (xrf1);
	[tilespmem:v58+s21+$0x0] =	vst.idx.msk $0xffff, v19  }
0x185: {  	v33 =	vmax.f32 v38, v22;
	v38 =	vld [tilespmem:$0x1FF40];
	[tilespmem:v60+s21+$0x0] =	vst.idx.msk $0xffff, v3;
	v3 =	vmax.f32 v41, v5  }
0x186: {  	v4 =	vmax.f32 v43, v4;
	v26 =	vmax.f32 v40, v20;
	v40 =	vld [tilespmem:$0x1FF50]  }
0x187: {  	v43 =	vld [tilespmem:$0x1FF60];
	(xrf1) =	vsort.ascd.msk.f32 $0xffff, v4, v4;
	v24, _, _ =	vpop (xrf1)  }
0x188: {  	v45 =	vld [tilespmem:$0x1FF70];
	[tilespmem:v63+s21+$0x0] =	vst.idx.msk $0xffff, v24;
	(xrf1) =	vsort.ascd.msk.f32 $0xffff, v3, v3;
	v3, _, _ =	vpop (xrf1)  }
0x189: {  	v48 =	vld [tilespmem:$0x1FF80];
	(xrf1) =	vsort.ascd.msk.f32 $0xffff, v26, v26;
	[tilespmem:v18+s21+$0x0] =	vst.idx.msk $0xffff, v3;
	v3 =	vmax.f32 v39, v21  }
0x18a: {  	v49 =	vld [tilespmem:$0x1FF90];
	(xrf1) =	vsort.ascd.msk.f32 $0xffff, v3, v3;
	v3 =	vadd.s32 v38, v1  }
0x18b: {  	v51 =	vld [tilespmem:$0x1FFA0];
	v41 =	vadd.s32 v40, v1;
	v39 =	vmax.f32 v36, v23;
	(xrf1) =	vsort.ascd.msk.f32 $0xffff, v33, v33  }
0x18c: {  	v42 =	vmax.f32 v37, v25;
	v44 =	vadd.s32 v43, v1;
	v53 =	vld [tilespmem:$0x1FFB0];
	(xrf1) =	vsort.ascd.msk.f32 $0xffff, v39, v39  }
0x18d: {  	v2 =	vmax.f32 v35, v2;
	v46 =	vadd.s32 v45, v1;
	v55 =	vld [tilespmem:$0x1FFC0];
	(xrf1) =	vsort.ascd.msk.f32 $0xffff, v42, v42  }
0x18e: {  	v7 =	vmax.f32 v34, v7;
	v57 =	vld [tilespmem:$0x1FFD0];
	v47, _, _ =	vpop (xrf1);
	(xrf1) =	vsort.ascd.msk.f32 $0xffff, v2, v2;
	v2 =	vadd.s32 v48, v1  }
0x18f: {  	v50 =	vadd.s32 v49, v1;
	v58 =	vld [tilespmem:$0x1FFE0];
	[tilespmem:v3+s21+$0x0] =	vst.idx.msk $0xffff, v47;
	v3, _, _ =	vpop (xrf1);
	(xrf1) =	vsort.ascd.msk.f32 $0xffff, v7, v7  }
0x190: {  	v60 =	vld [tilespmem:$0x1FFF0];
	v52 =	vadd.s32 v51, v1;
	[tilespmem:v41+s21+$0x0] =	vst.idx.msk $0xffff, v3;
	v3, _, _ =	vpop (xrf1)  }
0x191: {  	v54 =	vadd.s32 v53, v1;
	[tilespmem:v44+s21+$0x0] =	vst.idx.msk $0xffff, v3;
	v3, _, _ =	vpop (xrf1)  }
0x192: {  	v56 =	vadd.s32 v55, v1;
	[tilespmem:v46+s21+$0x0] =	vst.idx.msk $0xffff, v3;
	v3, _, _ =	vpop (xrf1)  }
0x193: {  	[tilespmem:v2+s21+$0x0] =	vst.idx.msk $0xffff, v3;
	v2, _, _ =	vpop (xrf1);
	v3 =	vadd.s32 v57, v1  }
0x194: {  	v59 =	vadd.s32 v58, v1;
	[tilespmem:v50+s21+$0x0] =	vst.idx.msk $0xffff, v2;
	v2, _, _ =	vpop (xrf1)  }
0x195: {  	v61 =	vadd.s32 v60, v1;
	[tilespmem:v52+s21+$0x0] =	vst.idx.msk $0xffff, v2;
	v2, _, _ =	vpop (xrf1)  }
0x196: {  	v62 =	vadd.s32 v29, v1;
	[tilespmem:v54+s21+$0x0] =	vst.idx.msk $0xffff, v2;
	v2, _, _ =	vpop (xrf1)  }
0x197: {  	v63 =	vadd.s32 v30, v1;
	[tilespmem:v56+s21+$0x0] =	vst.idx.msk $0xffff, v2;
	v2, _, _ =	vpop (xrf1)  }
0x198: {  	s29 =	sadd.s32 $0x1, s29;
	[tilespmem:v3+s21+$0x0] =	vst.idx.msk $0xffff, v2;
	v2, _, _ =	vpop (xrf1);
	v3 =	vadd.s32 v31, v1  }
0x199: {  	p0 =	sne.s32 s29, $0x20;
	v1 =	vadd.s32 v32, v1;
	[tilespmem:v59+s21+$0x0] =	vst.idx.msk $0xffff, v2;
	v2, _, _ =	vpop (xrf1)  }
.Ltmp5:
0x19a: {  	[tilespmem:v61+s21+$0x0] =	vst.idx.msk $0xffff, v2;
	v2, _, _ =	vpop (xrf1);
	(pc) =	sbr.rel @p0 .LBB2_10-.Ltmp5, $4  }
0x19b: {  	[tilespmem:v62+s21+$0x0] =	vst.idx.msk $0xffff, v2;
	v2, _, _ =	vpop (xrf1)  }
0x19c: {  	[tilespmem:v63+s21+$0x0] =	vst.idx.msk $0xffff, v2;
	v2, _, _ =	vpop (xrf1)  }
0x19d: {  	[tilespmem:v3+s21+$0x0] =	vst.idx.msk $0xffff, v2;
	v2, _, _ =	vpop (xrf1)  }
0x19e: {  	s28 =	sadd.s32 $0x400, s28;
	[tilespmem:v1+s21+$0x0] =	vst.idx.msk $0xffff, v2  }
0x19f: {  	_ =	swait.ge [sflag:s18], $0x400  }
0x1a0: {  	[sflag:s18] =	ssyncset.done $0x0  }
0x1a1: {  	s29 =	simm.s32 $0x18000;
	[sflag:s18] =	ssyncadd.s32 $0xFFFFFC00  }
0x1a2: {  	[hbm4b:s10+s22] =	stream.strided.scatter [tilespmem:s29], [sflag:$0x4], $0x4400, s23, s22, $0x38;
	[tilespmem:$0x1C400] =	vst v63  }
0x1a3: {  	_ =	swait.ge [sflag:s19], $0x8000  }
0x1a4: {  	[sflag:s19] =	ssyncset.done $0x0  }
0x1a5: {  	s28 =	simm.s32 $0x0;
	[sflag:s19] =	ssyncadd.s32 $0xFFFF8000  }
0x1a6: {  	[tilespmem:s20], [sflag:$0x3] =	stream.linear.gather [hbm4b:s11+s28], $0x8000, $0x38;
	[tilespmem:$0x1C400] =	vst v63  }
0x1a7: {  	_ =	swait.ge [sflag:s25], $0x4400  }
0x1a8: {  	s30 =	simm.s32 $0x10;
	[sflag:s25] =	ssyncset.done $0x0  }
0x1a9: {  	s0 =	sadd.s32 $0x0, s12;
	s31 =	simm.s32 $0x18220;
	[sflag:s25] =	ssyncadd.s32 $0xFFFFBC00  }
.LBB2_14:
0x1aa: {  	[tilespmem:s29], [sflag:$0x1] =	stream.linear.gather [hbm4b:s0+s28], $0x20, $0x38;
	[tilespmem:$0x1C400] =	vst v63  }
0x1ab: {  	s0 =	smov.u32 s30;
	s29 =	smov.u32 s31;
	p0 =	sne.s32 s30, $0x1F0  }
.Ltmp6:
0x1ac: {  	s30 =	sadd.s32 $0x10, s30;
	(pc) =	sbr.rel @p0 .LBB2_14-.Ltmp6, $2  }
0x1ad: {  	_ =	sdelay $0x2  }
0x1ae: {  	s31 =	sadd.s32 $0x220, s31;
	s0 =	sadd.s32 s0, s12  }
0x1af: {  	[tilespmem:s29], [sflag:$0x1] =	stream.linear.gather [hbm4b:s0+s28], $0x20, $0x38;
	[tilespmem:$0x1C400] =	vst v63  }
0x1b0: {  	s29 =	simm.s32 $0x0  }
.LBB2_16:
0x1b1: {  	v33 =	vmov s28;
	_ =	sdelay $0x1  }
0x1b2: {  	s30 =	simm.s32 $0x0  }
0x1b3: {  	v2 =	vld [tilespmem:s30+$0x8000]  }
0x1b4: {  	v3 =	vld [tilespmem:s30+$0x8400]  }
0x1b5: {  	v1 =	vld.idx.msk [tilespmem:v33+s30+$0x0 ss:$0x1], $0xffff  }
0x1b6: {  	v4 =	vld [tilespmem:s30+$0x8800]  }
0x1b7: {  	v5 =	vld [tilespmem:s30+$0x8C00]  }
0x1b8: {  	v6 =	vld [tilespmem:s30+$0x9000]  }
0x1b9: {  	v8 =	vld [tilespmem:s30+$0x9400]  }
0x1ba: {  	v10 =	vld [tilespmem:s30+$0x9800];
	v7 =	vmul.f32 v2, v1  }
0x1bb: {  	v12 =	vld [tilespmem:s30+$0x9C00];
	v9 =	vmul.f32 v3, v1  }
0x1bc: {  	v11 =	vmul.f32 v4, v1;
	(xrf1) =	vsort.dscd.msk.f32 $0xffff, v7, v2;
	v7 =	vld [tilespmem:s30+$0xA000]  }
0x1bd: {  	v2 =	vmul.f32 v5, v1;
	(xrf1) =	vsort.dscd.msk.f32 $0xffff, v9, v3;
	v9 =	vld [tilespmem:s30+$0xA400]  }
0x1be: {  	v3 =	vmul.f32 v6, v1;
	(xrf1) =	vsort.dscd.msk.f32 $0xffff, v11, v4;
	v11 =	vld [tilespmem:s30+$0xA800]  }
0x1bf: {  	v4 =	vmul.f32 v8, v1;
	(xrf1) =	vsort.dscd.msk.f32 $0xffff, v2, v5;
	v5 =	vld [tilespmem:s30+$0xAC00]  }
0x1c0: {  	v2 =	vmul.f32 v10, v1;
	(xrf1) =	vsort.dscd.msk.f32 $0xffff, v3, v6;
	v6 =	vld [tilespmem:s30+$0xB000]  }
0x1c1: {  	v3 =	vmul.f32 v12, v1;
	(xrf1) =	vsort.dscd.msk.f32 $0xffff, v4, v8;
	v8 =	vld [tilespmem:s30+$0xB400]  }
0x1c2: {  	v4 =	vmul.f32 v7, v1;
	(xrf1) =	vsort.dscd.msk.f32 $0xffff, v2, v10;
	v10 =	vld [tilespmem:s30+$0xB800]  }
0x1c3: {  	v2 =	vmul.f32 v9, v1;
	(xrf1) =	vsort.dscd.msk.f32 $0xffff, v3, v12;
	v12 =	vld [tilespmem:s30+$0xBC00]  }
0x1c4: {  	v3 =	vmul.f32 v11, v1;
	(xrf1) =	vsort.dscd.msk.f32 $0xffff, v4, v7;
	v7 =	vld [tilespmem:s30+$0xC000]  }
0x1c5: {  	v13 =	vld [tilespmem:s30+$0xD800];
	v4 =	vmul.f32 v5, v1;
	(xrf1) =	vsort.dscd.msk.f32 $0xffff, v2, v9  }
0x1c6: {  	v2 =	vmul.f32 v6, v1;
	v9 =	vld [tilespmem:s30+$0xC400];
	(xrf1) =	vsort.dscd.msk.f32 $0xffff, v3, v11  }
0x1c7: {  	v3 =	vmul.f32 v8, v1;
	v11 =	vld [tilespmem:s30+$0xC800];
	(xrf1) =	vsort.dscd.msk.f32 $0xffff, v4, v5;
	v4 =	vmul.f32 v10, v1  }
0x1c8: {  	v5 =	vld [tilespmem:s30+$0xCC00];
	(xrf1) =	vsort.dscd.msk.f32 $0xffff, v2, v6;
	v2 =	vmul.f32 v12, v1  }
0x1c9: {  	v6 =	vld [tilespmem:s30+$0xD000];
	(xrf1) =	vsort.dscd.msk.f32 $0xffff, v3, v8;
	v3 =	vmul.f32 v7, v1  }
0x1ca: {  	v8 =	vld [tilespmem:s30+$0xD400];
	(xrf1) =	vsort.dscd.msk.f32 $0xffff, v4, v10  }
0x1cb: {  	v14 =	vld [tilespmem:s30+$0xDC00];
	v10 =	vmul.f32 v9, v1;
	v4, _, _ =	vpop (xrf1);
	(xrf1) =	vsort.dscd.msk.f32 $0xffff, v2, v12  }
0x1cc: {  	v15 =	vld [tilespmem:s30+$0xE000];
	v12 =	vmul.f32 v11, v1;
	v2, _, _ =	vpop (xrf1);
	(xrf1) =	vsort.dscd.msk.f32 $0xffff, v3, v7  }
0x1cd: {  	v17 =	vld [tilespmem:s30+$0xE800];
	v7 =	vmul.f32 v5, v1;
	v3, _, _ =	vpop (xrf1);
	(xrf1) =	vsort.dscd.msk.f32 $0xffff, v10, v9  }
0x1ce: {  	v9 =	vmul.f32 v6, v1;
	v10 =	vld [tilespmem:s30+$0xE400];
	v16, _, _ =	vpop (xrf1);
	(xrf1) =	vsort.dscd.msk.f32 $0xffff, v12, v11  }
0x1cf: {  	v18 =	vld [tilespmem:s30+$0xEC00];
	v12 =	vmul.f32 v8, v1;
	v11, _, _ =	vpop (xrf1);
	(xrf1) =	vsort.dscd.msk.f32 $0xffff, v7, v5;
	v7 =	vmul.f32 v13, v1  }
0x1d0: {  	v19 =	vld [tilespmem:s30+$0xF000];
	v5, _, _ =	vpop (xrf1);
	(xrf1) =	vsort.dscd.msk.f32 $0xffff, v9, v6;
	v9 =	vmul.f32 v14, v1  }
0x1d1: {  	v20 =	vld [tilespmem:s30+$0xF400];
	v6, _, _ =	vpop (xrf1);
	(xrf1) =	vsort.dscd.msk.f32 $0xffff, v12, v8;
	v12 =	vmul.f32 v15, v1  }
0x1d2: {  	v21 =	vld [tilespmem:s30+$0xF800];
	v8, _, _ =	vpop (xrf1);
	(xrf1) =	vsort.dscd.msk.f32 $0xffff, v7, v13  }
0x1d3: {  	v13 =	vmul.f32 v10, v1;
	v7, _, _ =	vpop (xrf1);
	(xrf1) =	vsort.dscd.msk.f32 $0xffff, v9, v14  }
0x1d4: {  	v14 =	vmul.f32 v17, v1;
	v9, _, _ =	vpop (xrf1);
	(xrf1) =	vsort.dscd.msk.f32 $0xffff, v12, v15  }
0x1d5: {  	v22 =	vld [tilespmem:s30+$0xFC00];
	v15 =	vmul.f32 v18, v1;
	v12, _, _ =	vpop (xrf1);
	(xrf1) =	vsort.dscd.msk.f32 $0xffff, v13, v10  }
0x1d6: {  	v10, _, _ =	vpop (xrf1);
	(xrf1) =	vsort.dscd.msk.f32 $0xffff, v14, v17;
	v17 =	vmul.f32 v20, v1  }
0x1d7: {  	v23 =	vmul.f32 v19, v1;
	v13, _, _ =	vpop (xrf1);
	(xrf1) =	vsort.dscd.msk.f32 $0xffff, v15, v18;
	v18 =	vmul.f32 v21, v1  }
0x1d8: {  	v14, _, _ =	vpop (xrf1)  }
0x1d9: {  	v46 =	vimm.f32 $-Inf;
	v57 =	vimm.f32 $-Inf;
	v53 =	vimm.f32 $-Inf;
	(xrf1) =	vsort.dscd.msk.f32 $0xffff, v23, v19;
	v15, _, _ =	vpop (xrf1)  }
0x1da: {  	v54 =	vimm.f32 $-Inf;
	v55 =	vimm.f32 $-Inf;
	v1 =	vmul.f32 v22, v1;
	(xrf1) =	vsort.dscd.msk.f32 $0xffff, v17, v20;
	v17, _, _ =	vpop (xrf1)  }
0x1db: {  	v49 =	vimm.f32 $-Inf;
	v56 =	vimm.f32 $-Inf;
	v50 =	vimm.f32 $-Inf;
	(xrf1) =	vsort.dscd.msk.f32 $0xffff, v18, v21;
	v18, _, _ =	vpop (xrf1)  }
0x1dc: {  	v51 =	vimm.f32 $-Inf;
	v52 =	vimm.f32 $-Inf;
	v4 =	vmax.f32 v46, v4;
	(xrf1) =	vsort.dscd.msk.f32 $0xffff, v1, v22;
	v19, _, _ =	vpop (xrf1)  }
0x1dd: {  	v48 =	vimm.f32 $-Inf;
	v62 =	vmax.f32 v46, v16;
	v20 =	vmax.f32 v46, v2;
	(xrf1) =	vsort.ascd.msk.f32 $0xffff, v4, v4;
	v16, _, _ =	vpop (xrf1)  }
0x1de: {  	v47 =	vimm.f32 $-Inf;
	v3 =	vmax.f32 v46, v3;
	v63 =	vmax.f32 v46, v11;
	(xrf1) =	vsort.ascd.msk.f32 $0xffff, v20, v20;
	v11, _, _ =	vpop (xrf1)  }
0x1df: {  	v45 =	vimm.f32 $-Inf;
	v44 =	vimm.f32 $-Inf;
	v2 =	vmax.f32 v46, v8;
	(xrf1) =	vsort.ascd.msk.f32 $0xffff, v3, v3;
	v8, _, _ =	vpop (xrf1)  }
0x1e0: {  	v42 =	vimm.f32 $-Inf;
	v5 =	vmax.f32 v46, v5;
	v24 =	vmax.f32 v46, v6;
	(xrf1) =	vsort.ascd.msk.f32 $0xffff, v62, v62;
	v6, _, _ =	vpop (xrf1)  }
0x1e1: {  	v43 =	vimm.f32 $-Inf;
	v41 =	vimm.f32 $-Inf;
	v40 =	vimm.f32 $-Inf;
	(xrf1) =	vsort.ascd.msk.f32 $0xffff, v63, v63;
	v3, _, _ =	vpop (xrf1)  }
0x1e2: {  	v39 =	vimm.f32 $-Inf;
	v38 =	vimm.f32 $-Inf;
	v36 =	vimm.f32 $-Inf;
	(xrf1) =	vsort.ascd.msk.f32 $0xffff, v5, v5;
	v4, _, _ =	vpop (xrf1)  }
0x1e3: {  	v37 =	vimm.f32 $-Inf;
	v35 =	vimm.f32 $-Inf;
	v34 =	vimm.f32 $-Inf;
	s30 =	simm.s32 $0x40;
	(xrf1) =	vsort.ascd.msk.f32 $0xffff, v24, v24;
	v5, _, _ =	vpop (xrf1)  }
.LBB2_17:
0x1e4: {  	p0 =	sne.s32 s30, $0xFC0;
	v1 =	vmax.f32 v46, v7;
	(xrf1) =	vsort.ascd.msk.f32 $0xffff, v2, v2;
	v7, _, _ =	vpop (xrf1)  }
0x1e5: {  	v2 =	vmax.f32 v57, v9;
	(xrf1) =	vsort.ascd.msk.f32 $0xffff, v1, v1;
	v9, _, _ =	vpop (xrf1)  }
0x1e6: {  	v1 =	vmax.f32 v53, v12;
	(xrf1) =	vsort.ascd.msk.f32 $0xffff, v2, v2;
	v12, _, _ =	vpop (xrf1)  }
0x1e7: {  	v2 =	vmax.f32 v54, v10;
	(xrf1) =	vsort.ascd.msk.f32 $0xffff, v1, v1;
	v10, _, _ =	vpop (xrf1)  }
0x1e8: {  	v1 =	vmax.f32 v55, v13;
	(xrf1) =	vsort.ascd.msk.f32 $0xffff, v2, v2;
	v13, _, _ =	vpop (xrf1)  }
0x1e9: {  	v2 =	vmax.f32 v49, v14;
	(xrf1) =	vsort.ascd.msk.f32 $0xffff, v1, v1;
	v14, _, _ =	vpop (xrf1)  }
0x1ea: {  	v15 =	vmax.f32 v56, v15;
	(xrf1) =	vsort.ascd.msk.f32 $0xffff, v2, v2;
	v20, _, _ =	vpop (xrf1)  }
0x1eb: {  	v17 =	vmax.f32 v50, v17;
	v1, _, _ =	vpop (xrf1);
	(xrf1) =	vsort.ascd.msk.f32 $0xffff, v15, v15  }
0x1ec: {  	v15 =	vmax.f32 v51, v18;
	v2, _, _ =	vpop (xrf1);
	(xrf1) =	vsort.ascd.msk.f32 $0xffff, v17, v17  }
0x1ed: {  	v17 =	vmax.f32 v52, v19;
	v58, _, _ =	vpop (xrf1);
	(xrf1) =	vsort.ascd.msk.f32 $0xffff, v15, v15  }
0x1ee: {  	v15 =	vmax.f32 v48, v16;
	v59, _, _ =	vpop (xrf1);
	(xrf1) =	vsort.ascd.msk.f32 $0xffff, v17, v17  }
0x1ef: {  	v11 =	vmax.f32 v47, v11;
	v60, _, _ =	vpop (xrf1);
	(xrf1) =	vsort.ascd.msk.f32 $0xffff, v15, v15  }
0x1f0: {  	v8 =	vmax.f32 v45, v8;
	v61, _, _ =	vpop (xrf1);
	(xrf1) =	vsort.ascd.msk.f32 $0xffff, v11, v11  }
0x1f1: {  	v6 =	vmax.f32 v44, v6;
	v62, _, _ =	vpop (xrf1);
	(xrf1) =	vsort.ascd.msk.f32 $0xffff, v8, v8  }
0x1f2: {  	v3 =	vmax.f32 v42, v3;
	v63, _, _ =	vpop (xrf1);
	(xrf1) =	vsort.ascd.msk.f32 $0xffff, v6, v6  }
0x1f3: {  	v4 =	vmax.f32 v43, v4;
	v46, _, _ =	vpop (xrf1);
	(xrf1) =	vsort.ascd.msk.f32 $0xffff, v3, v3  }
0x1f4: {  	s31 =	sshra.s32 s30, $0x2;
	v5 =	vmax.f32 v41, v5;
	v57, _, _ =	vpop (xrf1);
	(xrf1) =	vsort.ascd.msk.f32 $0xffff, v4, v4  }
0x1f5: {  	v4 =	vmax.f32 v40, v7;
	v3 =	vld.idx.msk [tilespmem:v33+s31+$0x0 ss:$0x1], $0xffff;
	v53, _, _ =	vpop (xrf1);
	(xrf1) =	vsort.ascd.msk.f32 $0xffff, v5, v5  }
0x1f6: {  	v6 =	vmax.f32 v39, v9;
	v5 =	vld [tilespmem:s31+$0x8000];
	v54, _, _ =	vpop (xrf1);
	(xrf1) =	vsort.ascd.msk.f32 $0xffff, v4, v4  }
0x1f7: {  	v7 =	vmax.f32 v38, v12;
	v4 =	vld [tilespmem:s31+$0x8400];
	v55, _, _ =	vpop (xrf1);
	(xrf1) =	vsort.ascd.msk.f32 $0xffff, v6, v6  }
0x1f8: {  	v8 =	vmax.f32 v36, v10;
	v6 =	vld [tilespmem:s31+$0x8800];
	v49, _, _ =	vpop (xrf1);
	(xrf1) =	vsort.ascd.msk.f32 $0xffff, v7, v7  }
0x1f9: {  	v9 =	vmax.f32 v37, v13;
	v7 =	vld [tilespmem:s31+$0x8C00];
	v56, _, _ =	vpop (xrf1);
	(xrf1) =	vsort.ascd.msk.f32 $0xffff, v8, v8  }
0x1fa: {  	v10 =	vmax.f32 v35, v14;
	v8 =	vld [tilespmem:s31+$0x9000];
	v50, _, _ =	vpop (xrf1);
	(xrf1) =	vsort.ascd.msk.f32 $0xffff, v9, v9  }
0x1fb: {  	v12 =	vmax.f32 v34, v20;
	v9 =	vmul.f32 v5, v3;
	v11 =	vld [tilespmem:s31+$0x9400];
	v51, _, _ =	vpop (xrf1);
	(xrf1) =	vsort.ascd.msk.f32 $0xffff, v10, v10  }
0x1fc: {  	v10 =	vmul.f32 v4, v3;
	v13 =	vld [tilespmem:s31+$0x9800];
	v52, _, _ =	vpop (xrf1);
	(xrf1) =	vsort.ascd.msk.f32 $0xffff, v12, v12  }
0x1fd: {  	v12 =	vmul.f32 v6, v3;
	v14 =	vld [tilespmem:s31+$0x9C00];
	(xrf1) =	vsort.dscd.msk.f32 $0xffff, v9, v5;
	v48, _, _ =	vpop (xrf1)  }
0x1fe: {  	v5 =	vmul.f32 v7, v3;
	v9 =	vld [tilespmem:s31+$0xA000];
	(xrf1) =	vsort.dscd.msk.f32 $0xffff, v10, v4;
	v47, _, _ =	vpop (xrf1)  }
0x1ff: {  	v4 =	vmul.f32 v8, v3;
	v10 =	vld [tilespmem:s31+$0xA400];
	(xrf1) =	vsort.dscd.msk.f32 $0xffff, v12, v6;
	v45, _, _ =	vpop (xrf1)  }
0x200: {  	v6 =	vmul.f32 v11, v3;
	v12 =	vld [tilespmem:s31+$0xA800];
	(xrf1) =	vsort.dscd.msk.f32 $0xffff, v5, v7;
	v44, _, _ =	vpop (xrf1)  }
0x201: {  	v5 =	vmul.f32 v13, v3;
	v7 =	vld [tilespmem:s31+$0xAC00];
	(xrf1) =	vsort.dscd.msk.f32 $0xffff, v4, v8;
	v42, _, _ =	vpop (xrf1)  }
0x202: {  	v4 =	vmul.f32 v14, v3;
	v8 =	vld [tilespmem:s31+$0xB000];
	(xrf1) =	vsort.dscd.msk.f32 $0xffff, v6, v11;
	v43, _, _ =	vpop (xrf1)  }
0x203: {  	v6 =	vmul.f32 v9, v3;
	v11 =	vld [tilespmem:s31+$0xB400];
	(xrf1) =	vsort.dscd.msk.f32 $0xffff, v5, v13;
	v41, _, _ =	vpop (xrf1)  }
0x204: {  	v5 =	vmul.f32 v10, v3;
	v13 =	vld [tilespmem:s31+$0xB800];
	(xrf1) =	vsort.dscd.msk.f32 $0xffff, v4, v14;
	v40, _, _ =	vpop (xrf1)  }
0x205: {  	v4 =	vmul.f32 v12, v3;
	v14 =	vld [tilespmem:s31+$0xBC00];
	(xrf1) =	vsort.dscd.msk.f32 $0xffff, v6, v9;
	v39, _, _ =	vpop (xrf1)  }
0x206: {  	v6 =	vmul.f32 v7, v3;
	v9 =	vld [tilespmem:s31+$0xC000];
	(xrf1) =	vsort.dscd.msk.f32 $0xffff, v5, v10;
	v38, _, _ =	vpop (xrf1)  }
0x207: {  	v5 =	vmul.f32 v8, v3;
	v10 =	vld [tilespmem:s31+$0xC400];
	(xrf1) =	vsort.dscd.msk.f32 $0xffff, v4, v12;
	v36, _, _ =	vpop (xrf1)  }
0x208: {  	v4 =	vmul.f32 v11, v3;
	v12 =	vld [tilespmem:s31+$0xC800];
	(xrf1) =	vsort.dscd.msk.f32 $0xffff, v6, v7;
	v37, _, _ =	vpop (xrf1)  }
0x209: {  	v6 =	vmul.f32 v13, v3;
	v7 =	vld [tilespmem:s31+$0xCC00];
	(xrf1) =	vsort.dscd.msk.f32 $0xffff, v5, v8;
	v35, _, _ =	vpop (xrf1)  }
0x20a: {  	v5 =	vmul.f32 v14, v3;
	v8 =	vld [tilespmem:s31+$0xD000];
	(xrf1) =	vsort.dscd.msk.f32 $0xffff, v4, v11;
	v34, _, _ =	vpop (xrf1)  }
0x20b: {  	v4 =	vmul.f32 v9, v3;
	v11 =	vld [tilespmem:s31+$0xD400];
	v16, _, _ =	vpop (xrf1);
	(xrf1) =	vsort.dscd.msk.f32 $0xffff, v6, v13  }
0x20c: {  	v6 =	vmul.f32 v10, v3;
	v13 =	vld [tilespmem:s31+$0xD800];
	v20, _, _ =	vpop (xrf1);
	(xrf1) =	vsort.dscd.msk.f32 $0xffff, v5, v14  }
0x20d: {  	v5 =	vmul.f32 v12, v3;
	v14 =	vld [tilespmem:s31+$0xDC00];
	v21, _, _ =	vpop (xrf1);
	(xrf1) =	vsort.dscd.msk.f32 $0xffff, v4, v9  }
0x20e: {  	v4 =	vmul.f32 v7, v3;
	v15 =	vld [tilespmem:s31+$0xE000];
	v22, _, _ =	vpop (xrf1);
	(xrf1) =	vsort.dscd.msk.f32 $0xffff, v6, v10  }
0x20f: {  	v6 =	vmul.f32 v8, v3;
	v17 =	vld [tilespmem:s31+$0xE400];
	v23, _, _ =	vpop (xrf1);
	(xrf1) =	vsort.dscd.msk.f32 $0xffff, v5, v12  }
0x210: {  	v5 =	vmul.f32 v11, v3;
	v18 =	vld [tilespmem:s31+$0xE800];
	v24, _, _ =	vpop (xrf1);
	(xrf1) =	vsort.dscd.msk.f32 $0xffff, v4, v7  }
0x211: {  	v4 =	vmul.f32 v13, v3;
	v19 =	vld [tilespmem:s31+$0xEC00];
	v25, _, _ =	vpop (xrf1);
	(xrf1) =	vsort.dscd.msk.f32 $0xffff, v6, v8  }
0x212: {  	v6 =	vmul.f32 v14, v3;
	v8 =	vld [tilespmem:s31+$0xF000];
	v26, _, _ =	vpop (xrf1);
	(xrf1) =	vsort.dscd.msk.f32 $0xffff, v5, v11  }
0x213: {  	v5 =	vmul.f32 v15, v3;
	v11 =	vld [tilespmem:s31+$0xF400];
	v7, _, _ =	vpop (xrf1);
	(xrf1) =	vsort.dscd.msk.f32 $0xffff, v4, v13  }
0x214: {  	v4 =	vmul.f32 v17, v3;
	v27 =	vld [tilespmem:s31+$0xF800];
	v9, _, _ =	vpop (xrf1);
	(xrf1) =	vsort.dscd.msk.f32 $0xffff, v6, v14  }
0x215: {  	v6 =	vmul.f32 v18, v3;
	v28 =	vld [tilespmem:s31+$0xFC00];
	v12, _, _ =	vpop (xrf1);
	(xrf1) =	vsort.dscd.msk.f32 $0xffff, v5, v15  }
0x216: {  	v5 =	vmul.f32 v19, v3;
	v10, _, _ =	vpop (xrf1);
	(xrf1) =	vsort.dscd.msk.f32 $0xffff, v4, v17  }
0x217: {  	v4 =	vmul.f32 v8, v3;
	v13, _, _ =	vpop (xrf1);
	(xrf1) =	vsort.dscd.msk.f32 $0xffff, v6, v18  }
0x218: {  	v6 =	vmul.f32 v11, v3;
	v14, _, _ =	vpop (xrf1);
	(xrf1) =	vsort.dscd.msk.f32 $0xffff, v5, v19  }
0x219: {  	v5 =	vmul.f32 v27, v3;
	v15, _, _ =	vpop (xrf1);
	(xrf1) =	vsort.dscd.msk.f32 $0xffff, v4, v8  }
0x21a: {  	v3 =	vmul.f32 v28, v3;
	v17, _, _ =	vpop (xrf1);
	(xrf1) =	vsort.dscd.msk.f32 $0xffff, v6, v11  }
0x21b: {  	v18, _, _ =	vpop (xrf1);
	(xrf1) =	vsort.dscd.msk.f32 $0xffff, v5, v27  }
0x21c: {  	v1 =	vmax.f32 v1, v16;
	v19, _, _ =	vpop (xrf1);
	(xrf1) =	vsort.dscd.msk.f32 $0xffff, v3, v28  }
0x21d: {  	v2 =	vmax.f32 v2, v20;
	(xrf1) =	vsort.ascd.msk.f32 $0xffff, v1, v1;
	v16, _, _ =	vpop (xrf1)  }
0x21e: {  	v1 =	vmax.f32 v58, v21;
	(xrf1) =	vsort.ascd.msk.f32 $0xffff, v2, v2;
	v11, _, _ =	vpop (xrf1)  }
.Ltmp7:
0x21f: {  	v2 =	vmax.f32 v59, v22;
	(xrf1) =	vsort.ascd.msk.f32 $0xffff, v1, v1;
	v8, _, _ =	vpop (xrf1);
	(pc) =	sbr.rel @p0 .LBB2_17-.Ltmp7, $4  }
0x220: {  	v1 =	vmax.f32 v60, v23;
	(xrf1) =	vsort.ascd.msk.f32 $0xffff, v2, v2;
	v6, _, _ =	vpop (xrf1)  }
0x221: {  	v2 =	vmax.f32 v61, v24;
	(xrf1) =	vsort.ascd.msk.f32 $0xffff, v1, v1;
	v3, _, _ =	vpop (xrf1)  }
0x222: {  	v1 =	vmax.f32 v62, v25;
	(xrf1) =	vsort.ascd.msk.f32 $0xffff, v2, v2;
	v4, _, _ =	vpop (xrf1)  }
0x223: {  	s30 =	sadd.s32 $0x40, s30;
	v2 =	vmax.f32 v63, v26;
	(xrf1) =	vsort.ascd.msk.f32 $0xffff, v1, v1;
	v5, _, _ =	vpop (xrf1)  }
0x224: {  	v1 =	vmov s29;
	v24 =	vld [tilespmem:$0x1FE40]  }
0x225: {  	v1 =	vmul.u32 $0x220, v1  }
0x226: {  	v20, _, _ =	vpop (xrf1)  }
0x227: {  	v21, _, _ =	vpop (xrf1);
	v1 =	vbroadcast v1, $0x0  }
0x228: {  	v59 =	vld [tilespmem:$0x1FE50];
	v22, _, _ =	vpop (xrf1)  }
0x229: {  	v7 =	vmax.f32 v46, v7;
	(xrf1) =	vsort.ascd.msk.f32 $0xffff, v2, v2;
	v23, _, _ =	vpop (xrf1);
	v24 =	vadd.s32 v24, v1  }
0x22a: {  	v9 =	vmax.f32 v57, v9;
	v61 =	vld [tilespmem:$0x1FE60];
	(xrf1) =	vsort.ascd.msk.f32 $0xffff, v7, v7;
	v25, _, _ =	vpop (xrf1)  }
0x22b: {  	v12 =	vmax.f32 v53, v12;
	v63 =	vld [tilespmem:$0x1FE70];
	v2, _, _ =	vpop (xrf1);
	(xrf1) =	vsort.ascd.msk.f32 $0xffff, v9, v9  }
0x22c: {  	v57 =	vmax.f32 v54, v10;
	v58 =	vmax.f32 v55, v13;
	v26 =	vld [tilespmem:$0x1FE80];
	v7, _, _ =	vpop (xrf1);
	(xrf1) =	vsort.ascd.msk.f32 $0xffff, v12, v12  }
0x22d: {  	v60 =	vmax.f32 v49, v14;
	v49 =	vld [tilespmem:$0x1FE90];
	v9 =	vadd.s32 v59, v1;
	v53, _, _ =	vpop (xrf1);
	(xrf1) =	vsort.ascd.msk.f32 $0xffff, v57, v57  }
0x22e: {  	[tilespmem:v24+s21+$0x0] =	vst.idx.msk $0xffff, v53;
	v24 =	vmax.f32 v50, v17;
	v50 =	vmax.f32 v52, v19;
	v52 =	vld [tilespmem:$0x1FEA0]  }
0x22f: {  	v54 =	vld [tilespmem:$0x1FEB0];
	v10 =	vadd.s32 v61, v1;
	(xrf1) =	vsort.ascd.msk.f32 $0xffff, v58, v58  }
0x230: {  	v12 =	vadd.s32 v63, v1;
	v57 =	vld [tilespmem:$0x1FEC0];
	(xrf1) =	vsort.ascd.msk.f32 $0xffff, v60, v60  }
0x231: {  	v62 =	vmax.f32 v56, v15;
	v13 =	vadd.s32 v26, v1;
	v59 =	vld [tilespmem:$0x1FED0]  }
0x232: {  	v33 =	vmax.f32 v51, v18;
	v55 =	vmax.f32 v48, v16;
	v14 =	vadd.s32 v49, v1;
	v61 =	vld [tilespmem:$0x1FEE0];
	v46, _, _ =	vpop (xrf1)  }
0x233: {  	v63 =	vld [tilespmem:$0x1FEF0];
	v51, _, _ =	vpop (xrf1);
	(xrf1) =	vsort.ascd.msk.f32 $0xffff, v62, v62;
	[tilespmem:v9+s21+$0x0] =	vst.idx.msk $0xffff, v46;
	v17 =	vadd.s32 v52, v1  }
0x234: {  	v18 =	vld [tilespmem:$0x1FF00];
	v53, _, _ =	vpop (xrf1);
	(xrf1) =	vsort.ascd.msk.f32 $0xffff, v24, v24;
	[tilespmem:v10+s21+$0x0] =	vst.idx.msk $0xffff, v51;
	v10 =	vadd.s32 v54, v1  }
0x235: {  	v11 =	vmax.f32 v47, v11;
	v56, _, _ =	vpop (xrf1);
	v24 =	vld [tilespmem:$0x1FF10];
	[tilespmem:v12+s21+$0x0] =	vst.idx.msk $0xffff, v53;
	v12 =	vadd.s32 v57, v1  }
0x236: {  	v8 =	vmax.f32 v45, v8;
	v58, _, _ =	vpop (xrf1);
	[tilespmem:v13+s21+$0x0] =	vst.idx.msk $0xffff, v56;
	v13 =	vadd.s32 v59, v1  }
0x237: {  	(xrf1) =	vsort.ascd.msk.f32 $0xffff, v33, v33;
	v60, _, _ =	vpop (xrf1);
	[tilespmem:v14+s21+$0x0] =	vst.idx.msk $0xffff, v58;
	v14 =	vadd.s32 v61, v1  }
0x238: {  	v15 =	vadd.s32 v63, v1;
	v33 =	vld [tilespmem:$0x1FF20];
	(xrf1) =	vsort.ascd.msk.f32 $0xffff, v50, v50;
	v62, _, _ =	vpop (xrf1);
	[tilespmem:v17+s21+$0x0] =	vst.idx.msk $0xffff, v60  }
0x239: {  	v45 =	vld [tilespmem:$0x1FF30];
	(xrf1) =	vsort.ascd.msk.f32 $0xffff, v55, v55;
	v17, _, _ =	vpop (xrf1);
	[tilespmem:v10+s21+$0x0] =	vst.idx.msk $0xffff, v62;
	v10 =	vadd.s32 v18, v1  }
0x23a: {  	(xrf1) =	vsort.ascd.msk.f32 $0xffff, v11, v11;
	v11 =	vadd.s32 v24, v1;
	v19, _, _ =	vpop (xrf1);
	[tilespmem:v12+s21+$0x0] =	vst.idx.msk $0xffff, v17  }
0x23b: {  	v3 =	vmax.f32 v42, v3;
	v26, _, _ =	vpop (xrf1);
	[tilespmem:v13+s21+$0x0] =	vst.idx.msk $0xffff, v19  }
0x23c: {  	v6 =	vmax.f32 v44, v6;
	(xrf1) =	vsort.ascd.msk.f32 $0xffff, v8, v8;
	v44, _, _ =	vpop (xrf1);
	[tilespmem:v14+s21+$0x0] =	vst.idx.msk $0xffff, v26  }
0x23d: {  	(xrf1) =	vsort.ascd.msk.f32 $0xffff, v6, v6;
	v12 =	vadd.s32 v33, v1;
	v46, _, _ =	vpop (xrf1);
	[tilespmem:v15+s21+$0x0] =	vst.idx.msk $0xffff, v44  }
0x23e: {  	v9 =	vadd.s32 v45, v1;
	(xrf1) =	vsort.ascd.msk.f32 $0xffff, v3, v3;
	v3, _, _ =	vpop (xrf1);
	[tilespmem:v10+s21+$0x0] =	vst.idx.msk $0xffff, v46  }
0x23f: {  	[tilespmem:v11+s21+$0x0] =	vst.idx.msk $0xffff, v3;
	v3 =	vmax.f32 v41, v5  }
0x240: {  	v4 =	vmax.f32 v43, v4  }
0x241: {  	(xrf1) =	vsort.ascd.msk.f32 $0xffff, v4, v4;
	v47, _, _ =	vpop (xrf1)  }
0x242: {  	v48 =	vmax.f32 v40, v20;
	[tilespmem:v12+s21+$0x0] =	vst.idx.msk $0xffff, v47;
	(xrf1) =	vsort.ascd.msk.f32 $0xffff, v3, v3;
	v3, _, _ =	vpop (xrf1)  }
0x243: {  	(xrf1) =	vsort.ascd.msk.f32 $0xffff, v48, v48;
	[tilespmem:v9+s21+$0x0] =	vst.idx.msk $0xffff, v3;
	v3 =	vmax.f32 v39, v21  }
0x244: {  	v49 =	vmax.f32 v38, v22;
	(xrf1) =	vsort.ascd.msk.f32 $0xffff, v3, v3;
	v3 =	vld [tilespmem:$0x1FF40]  }
0x245: {  	v51 =	vld [tilespmem:$0x1FF50];
	v50 =	vmax.f32 v36, v23;
	(xrf1) =	vsort.ascd.msk.f32 $0xffff, v49, v49  }
0x246: {  	v53 =	vld [tilespmem:$0x1FF60];
	v52 =	vmax.f32 v37, v25;
	(xrf1) =	vsort.ascd.msk.f32 $0xffff, v50, v50  }
0x247: {  	v2 =	vmax.f32 v35, v2;
	v54 =	vld [tilespmem:$0x1FF70];
	(xrf1) =	vsort.ascd.msk.f32 $0xffff, v52, v52  }
0x248: {  	v55, _, _ =	vpop (xrf1);
	(xrf1) =	vsort.ascd.msk.f32 $0xffff, v2, v2;
	v2 =	vld [tilespmem:$0x1FF80]  }
0x249: {  	v3 =	vadd.s32 v3, v1  }
0x24a: {  	v4 =	vadd.s32 v51, v1  }
0x24b: {  	v5 =	vadd.s32 v53, v1  }
0x24c: {  	v6 =	vadd.s32 v54, v1  }
0x24d: {  	v2 =	vadd.s32 v2, v1  }
0x24e: {  	v56 =	vld [tilespmem:$0x1FF90];
	[tilespmem:v3+s21+$0x0] =	vst.idx.msk $0xffff, v55;
	v3, _, _ =	vpop (xrf1)  }
0x24f: {  	v57 =	vld [tilespmem:$0x1FFA0];
	[tilespmem:v4+s21+$0x0] =	vst.idx.msk $0xffff, v3;
	v3, _, _ =	vpop (xrf1)  }
0x250: {  	v58 =	vld [tilespmem:$0x1FFB0];
	[tilespmem:v5+s21+$0x0] =	vst.idx.msk $0xffff, v3;
	v3, _, _ =	vpop (xrf1)  }
0x251: {  	v59 =	vld [tilespmem:$0x1FFC0];
	[tilespmem:v6+s21+$0x0] =	vst.idx.msk $0xffff, v3;
	v3, _, _ =	vpop (xrf1)  }
0x252: {  	v7 =	vmax.f32 v34, v7;
	[tilespmem:v2+s21+$0x0] =	vst.idx.msk $0xffff, v3;
	v3 =	vld [tilespmem:$0x1FFD0]  }
0x253: {  	v60 =	vld [tilespmem:$0x1FFE0];
	(xrf1) =	vsort.ascd.msk.f32 $0xffff, v7, v7;
	v7 =	vadd.s32 v56, v1  }
0x254: {  	v61 =	vld [tilespmem:$0x1FFF0];
	v4 =	vadd.s32 v57, v1  }
0x255: {  	v5 =	vadd.s32 v58, v1  }
0x256: {  	v6 =	vadd.s32 v59, v1  }
0x257: {  	v2, _, _ =	vpop (xrf1);
	v3 =	vadd.s32 v3, v1  }
0x258: {  	[tilespmem:v7+s21+$0x0] =	vst.idx.msk $0xffff, v2;
	v2, _, _ =	vpop (xrf1);
	v7 =	vadd.s32 v60, v1  }
0x259: {  	[tilespmem:v4+s21+$0x0] =	vst.idx.msk $0xffff, v2;
	v2, _, _ =	vpop (xrf1);
	v4 =	vadd.s32 v61, v1  }
0x25a: {  	v62 =	vadd.s32 v29, v1;
	[tilespmem:v5+s21+$0x0] =	vst.idx.msk $0xffff, v2;
	v2, _, _ =	vpop (xrf1)  }
0x25b: {  	v63 =	vadd.s32 v30, v1;
	[tilespmem:v6+s21+$0x0] =	vst.idx.msk $0xffff, v2;
	v2, _, _ =	vpop (xrf1)  }
0x25c: {  	s29 =	sadd.s32 $0x1, s29;
	[tilespmem:v3+s21+$0x0] =	vst.idx.msk $0xffff, v2;
	v2, _, _ =	vpop (xrf1);
	v3 =	vadd.s32 v31, v1  }
0x25d: {  	p0 =	sne.s32 s29, $0x20;
	v1 =	vadd.s32 v32, v1;
	[tilespmem:v7+s21+$0x0] =	vst.idx.msk $0xffff, v2;
	v2, _, _ =	vpop (xrf1)  }
.Ltmp8:
0x25e: {  	[tilespmem:v4+s21+$0x0] =	vst.idx.msk $0xffff, v2;
	v2, _, _ =	vpop (xrf1);
	(pc) =	sbr.rel @p0 .LBB2_16-.Ltmp8, $4  }
0x25f: {  	[tilespmem:v62+s21+$0x0] =	vst.idx.msk $0xffff, v2;
	v2, _, _ =	vpop (xrf1)  }
0x260: {  	[tilespmem:v63+s21+$0x0] =	vst.idx.msk $0xffff, v2;
	v2, _, _ =	vpop (xrf1)  }
0x261: {  	[tilespmem:v3+s21+$0x0] =	vst.idx.msk $0xffff, v2;
	v2, _, _ =	vpop (xrf1)  }
0x262: {  	s28 =	sadd.s32 $0x400, s28;
	[tilespmem:v1+s21+$0x0] =	vst.idx.msk $0xffff, v2  }
0x263: {  	_ =	swait.ge [sflag:s18], $0x400  }
0x264: {  	[sflag:s18] =	ssyncset.done $0x0  }
0x265: {  	s29 =	simm.s32 $0x18000;
	[sflag:s18] =	ssyncadd.s32 $0xFFFFFC00  }
0x266: {  	[hbm4b:s13+s22] =	stream.strided.scatter [tilespmem:s29], [sflag:$0x4], $0x4400, s23, s22, $0x38;
	[tilespmem:$0x1C400] =	vst v63  }
0x267: {  	_ =	swait.ge [sflag:s24], $0x8000  }
0x268: {  	[sflag:s24] =	ssyncset.done $0x0  }
0x269: {  	[sflag:s24] =	ssyncadd.s32 $0xFFFF8000  }
0x26a: {  	_ =	swait.ge [sflag:s25], $0x4400  }
0x26b: {  	s28 =	simm.s32 $0x0;
	s30 =	simm.s32 $0x10;
	[sflag:s25] =	ssyncset.done $0x0  }
0x26c: {  	s0 =	sadd.s32 $0x0, s14;
	s31 =	simm.s32 $0x18220;
	[sflag:s25] =	ssyncadd.s32 $0xFFFFBC00  }
.LBB2_20:
0x26d: {  	[tilespmem:s29], [sflag:$0x1] =	stream.linear.gather [hbm4b:s0+s28], $0x20, $0x38;
	[tilespmem:$0x1C400] =	vst v63  }
0x26e: {  	s0 =	smov.u32 s30;
	s29 =	smov.u32 s31;
	p0 =	sne.s32 s30, $0x1F0  }
.Ltmp9:
0x26f: {  	s30 =	sadd.s32 $0x10, s30;
	(pc) =	sbr.rel @p0 .LBB2_20-.Ltmp9, $2  }
0x270: {  	_ =	sdelay $0x2  }
0x271: {  	s31 =	sadd.s32 $0x220, s31;
	s0 =	sadd.s32 s0, s14  }
0x272: {  	[tilespmem:s29], [sflag:$0x1] =	stream.linear.gather [hbm4b:s0+s28], $0x20, $0x38;
	[tilespmem:$0x1C400] =	vst v63  }
0x273: {  	s29 =	simm.s32 $0x0  }
.LBB2_22:
0x274: {  	v33 =	vmov s28;
	_ =	sdelay $0x1  }
0x275: {  	s30 =	simm.s32 $0x0  }
0x276: {  	v2 =	vld [tilespmem:s30+$0x10000]  }
0x277: {  	v3 =	vld [tilespmem:s30+$0x10400]  }
0x278: {  	v1 =	vld.idx.msk [tilespmem:v33+s30+$0x0 ss:$0x1], $0xffff  }
0x279: {  	v4 =	vld [tilespmem:s30+$0x10800]  }
0x27a: {  	v5 =	vld [tilespmem:s30+$0x10C00]  }
0x27b: {  	v6 =	vld [tilespmem:s30+$0x11000]  }
0x27c: {  	v8 =	vld [tilespmem:s30+$0x11400]  }
0x27d: {  	v10 =	vld [tilespmem:s30+$0x11800];
	v7 =	vmul.f32 v2, v1  }
0x27e: {  	v12 =	vld [tilespmem:s30+$0x11C00];
	v9 =	vmul.f32 v3, v1  }
0x27f: {  	v11 =	vmul.f32 v4, v1;
	(xrf1) =	vsort.dscd.msk.f32 $0xffff, v7, v2;
	v7 =	vld [tilespmem:s30+$0x12000]  }
0x280: {  	v2 =	vmul.f32 v5, v1;
	(xrf1) =	vsort.dscd.msk.f32 $0xffff, v9, v3;
	v9 =	vld [tilespmem:s30+$0x12400]  }
0x281: {  	v3 =	vmul.f32 v6, v1;
	(xrf1) =	vsort.dscd.msk.f32 $0xffff, v11, v4;
	v11 =	vld [tilespmem:s30+$0x12800]  }
0x282: {  	v4 =	vmul.f32 v8, v1;
	(xrf1) =	vsort.dscd.msk.f32 $0xffff, v2, v5;
	v5 =	vld [tilespmem:s30+$0x12C00]  }
0x283: {  	v2 =	vmul.f32 v10, v1;
	(xrf1) =	vsort.dscd.msk.f32 $0xffff, v3, v6;
	v6 =	vld [tilespmem:s30+$0x13000]  }
0x284: {  	v3 =	vmul.f32 v12, v1;
	(xrf1) =	vsort.dscd.msk.f32 $0xffff, v4, v8;
	v8 =	vld [tilespmem:s30+$0x13400]  }
0x285: {  	v4 =	vmul.f32 v7, v1;
	(xrf1) =	vsort.dscd.msk.f32 $0xffff, v2, v10;
	v10 =	vld [tilespmem:s30+$0x13800]  }
0x286: {  	v2 =	vmul.f32 v9, v1;
	(xrf1) =	vsort.dscd.msk.f32 $0xffff, v3, v12;
	v12 =	vld [tilespmem:s30+$0x13C00]  }
0x287: {  	v3 =	vmul.f32 v11, v1;
	(xrf1) =	vsort.dscd.msk.f32 $0xffff, v4, v7;
	v7 =	vld [tilespmem:s30+$0x14000]  }
0x288: {  	v13 =	vld [tilespmem:s30+$0x15800];
	v4 =	vmul.f32 v5, v1;
	(xrf1) =	vsort.dscd.msk.f32 $0xffff, v2, v9  }
0x289: {  	v2 =	vmul.f32 v6, v1;
	v9 =	vld [tilespmem:s30+$0x14400];
	(xrf1) =	vsort.dscd.msk.f32 $0xffff, v3, v11  }
0x28a: {  	v3 =	vmul.f32 v8, v1;
	v11 =	vld [tilespmem:s30+$0x14800];
	(xrf1) =	vsort.dscd.msk.f32 $0xffff, v4, v5;
	v4 =	vmul.f32 v10, v1  }
0x28b: {  	v5 =	vld [tilespmem:s30+$0x14C00];
	(xrf1) =	vsort.dscd.msk.f32 $0xffff, v2, v6;
	v2 =	vmul.f32 v12, v1  }
0x28c: {  	v6 =	vld [tilespmem:s30+$0x15000];
	(xrf1) =	vsort.dscd.msk.f32 $0xffff, v3, v8;
	v3 =	vmul.f32 v7, v1  }
0x28d: {  	v8 =	vld [tilespmem:s30+$0x15400];
	(xrf1) =	vsort.dscd.msk.f32 $0xffff, v4, v10  }
0x28e: {  	v14 =	vld [tilespmem:s30+$0x15C00];
	v10 =	vmul.f32 v9, v1;
	v4, _, _ =	vpop (xrf1);
	(xrf1) =	vsort.dscd.msk.f32 $0xffff, v2, v12  }
0x28f: {  	v15 =	vld [tilespmem:s30+$0x16000];
	v12 =	vmul.f32 v11, v1;
	v2, _, _ =	vpop (xrf1);
	(xrf1) =	vsort.dscd.msk.f32 $0xffff, v3, v7  }
0x290: {  	v17 =	vld [tilespmem:s30+$0x16800];
	v7 =	vmul.f32 v5, v1;
	v3, _, _ =	vpop (xrf1);
	(xrf1) =	vsort.dscd.msk.f32 $0xffff, v10, v9  }
0x291: {  	v9 =	vmul.f32 v6, v1;
	v10 =	vld [tilespmem:s30+$0x16400];
	v16, _, _ =	vpop (xrf1);
	(xrf1) =	vsort.dscd.msk.f32 $0xffff, v12, v11  }
0x292: {  	v18 =	vld [tilespmem:s30+$0x16C00];
	v12 =	vmul.f32 v8, v1;
	v11, _, _ =	vpop (xrf1);
	(xrf1) =	vsort.dscd.msk.f32 $0xffff, v7, v5;
	v7 =	vmul.f32 v13, v1  }
0x293: {  	v19 =	vld [tilespmem:s30+$0x17000];
	v5, _, _ =	vpop (xrf1);
	(xrf1) =	vsort.dscd.msk.f32 $0xffff, v9, v6;
	v9 =	vmul.f32 v14, v1  }
0x294: {  	v20 =	vld [tilespmem:s30+$0x17400];
	v6, _, _ =	vpop (xrf1);
	(xrf1) =	vsort.dscd.msk.f32 $0xffff, v12, v8;
	v12 =	vmul.f32 v15, v1  }
0x295: {  	v21 =	vld [tilespmem:s30+$0x17800];
	v8, _, _ =	vpop (xrf1);
	(xrf1) =	vsort.dscd.msk.f32 $0xffff, v7, v13  }
0x296: {  	v13 =	vmul.f32 v10, v1;
	v7, _, _ =	vpop (xrf1);
	(xrf1) =	vsort.dscd.msk.f32 $0xffff, v9, v14  }
0x297: {  	v14 =	vmul.f32 v17, v1;
	v9, _, _ =	vpop (xrf1);
	(xrf1) =	vsort.dscd.msk.f32 $0xffff, v12, v15  }
0x298: {  	v22 =	vld [tilespmem:s30+$0x17C00];
	v15 =	vmul.f32 v18, v1;
	v12, _, _ =	vpop (xrf1);
	(xrf1) =	vsort.dscd.msk.f32 $0xffff, v13, v10  }
0x299: {  	v10, _, _ =	vpop (xrf1);
	(xrf1) =	vsort.dscd.msk.f32 $0xffff, v14, v17;
	v17 =	vmul.f32 v20, v1  }
0x29a: {  	v23 =	vmul.f32 v19, v1;
	v13, _, _ =	vpop (xrf1);
	(xrf1) =	vsort.dscd.msk.f32 $0xffff, v15, v18;
	v18 =	vmul.f32 v21, v1  }
0x29b: {  	v14, _, _ =	vpop (xrf1)  }
0x29c: {  	v46 =	vimm.f32 $-Inf;
	v57 =	vimm.f32 $-Inf;
	v53 =	vimm.f32 $-Inf;
	(xrf1) =	vsort.dscd.msk.f32 $0xffff, v23, v19;
	v15, _, _ =	vpop (xrf1)  }
0x29d: {  	v54 =	vimm.f32 $-Inf;
	v55 =	vimm.f32 $-Inf;
	v1 =	vmul.f32 v22, v1;
	(xrf1) =	vsort.dscd.msk.f32 $0xffff, v17, v20;
	v17, _, _ =	vpop (xrf1)  }
0x29e: {  	v49 =	vimm.f32 $-Inf;
	v56 =	vimm.f32 $-Inf;
	v50 =	vimm.f32 $-Inf;
	(xrf1) =	vsort.dscd.msk.f32 $0xffff, v18, v21;
	v18, _, _ =	vpop (xrf1)  }
0x29f: {  	v51 =	vimm.f32 $-Inf;
	v52 =	vimm.f32 $-Inf;
	v4 =	vmax.f32 v46, v4;
	(xrf1) =	vsort.dscd.msk.f32 $0xffff, v1, v22;
	v19, _, _ =	vpop (xrf1)  }
0x2a0: {  	v48 =	vimm.f32 $-Inf;
	v62 =	vmax.f32 v46, v16;
	v20 =	vmax.f32 v46, v2;
	(xrf1) =	vsort.ascd.msk.f32 $0xffff, v4, v4;
	v16, _, _ =	vpop (xrf1)  }
0x2a1: {  	v47 =	vimm.f32 $-Inf;
	v3 =	vmax.f32 v46, v3;
	v63 =	vmax.f32 v46, v11;
	(xrf1) =	vsort.ascd.msk.f32 $0xffff, v20, v20;
	v11, _, _ =	vpop (xrf1)  }
0x2a2: {  	v45 =	vimm.f32 $-Inf;
	v44 =	vimm.f32 $-Inf;
	v2 =	vmax.f32 v46, v8;
	(xrf1) =	vsort.ascd.msk.f32 $0xffff, v3, v3;
	v8, _, _ =	vpop (xrf1)  }
0x2a3: {  	v42 =	vimm.f32 $-Inf;
	v5 =	vmax.f32 v46, v5;
	v24 =	vmax.f32 v46, v6;
	(xrf1) =	vsort.ascd.msk.f32 $0xffff, v62, v62;
	v6, _, _ =	vpop (xrf1)  }
0x2a4: {  	v43 =	vimm.f32 $-Inf;
	v41 =	vimm.f32 $-Inf;
	v40 =	vimm.f32 $-Inf;
	(xrf1) =	vsort.ascd.msk.f32 $0xffff, v63, v63;
	v3, _, _ =	vpop (xrf1)  }
0x2a5: {  	v39 =	vimm.f32 $-Inf;
	v38 =	vimm.f32 $-Inf;
	v36 =	vimm.f32 $-Inf;
	(xrf1) =	vsort.ascd.msk.f32 $0xffff, v5, v5;
	v4, _, _ =	vpop (xrf1)  }
0x2a6: {  	v37 =	vimm.f32 $-Inf;
	v35 =	vimm.f32 $-Inf;
	v34 =	vimm.f32 $-Inf;
	s30 =	simm.s32 $0x40;
	(xrf1) =	vsort.ascd.msk.f32 $0xffff, v24, v24;
	v5, _, _ =	vpop (xrf1)  }
.LBB2_23:
0x2a7: {  	p0 =	sne.s32 s30, $0xFC0;
	v1 =	vmax.f32 v46, v7;
	(xrf1) =	vsort.ascd.msk.f32 $0xffff, v2, v2;
	v7, _, _ =	vpop (xrf1)  }
0x2a8: {  	v2 =	vmax.f32 v57, v9;
	(xrf1) =	vsort.ascd.msk.f32 $0xffff, v1, v1;
	v9, _, _ =	vpop (xrf1)  }
0x2a9: {  	v1 =	vmax.f32 v53, v12;
	(xrf1) =	vsort.ascd.msk.f32 $0xffff, v2, v2;
	v12, _, _ =	vpop (xrf1)  }
0x2aa: {  	v2 =	vmax.f32 v54, v10;
	(xrf1) =	vsort.ascd.msk.f32 $0xffff, v1, v1;
	v10, _, _ =	vpop (xrf1)  }
0x2ab: {  	v1 =	vmax.f32 v55, v13;
	(xrf1) =	vsort.ascd.msk.f32 $0xffff, v2, v2;
	v13, _, _ =	vpop (xrf1)  }
0x2ac: {  	v2 =	vmax.f32 v49, v14;
	(xrf1) =	vsort.ascd.msk.f32 $0xffff, v1, v1;
	v14, _, _ =	vpop (xrf1)  }
0x2ad: {  	v15 =	vmax.f32 v56, v15;
	(xrf1) =	vsort.ascd.msk.f32 $0xffff, v2, v2;
	v20, _, _ =	vpop (xrf1)  }
0x2ae: {  	v17 =	vmax.f32 v50, v17;
	v1, _, _ =	vpop (xrf1);
	(xrf1) =	vsort.ascd.msk.f32 $0xffff, v15, v15  }
0x2af: {  	v15 =	vmax.f32 v51, v18;
	v2, _, _ =	vpop (xrf1);
	(xrf1) =	vsort.ascd.msk.f32 $0xffff, v17, v17  }
0x2b0: {  	v17 =	vmax.f32 v52, v19;
	v58, _, _ =	vpop (xrf1);
	(xrf1) =	vsort.ascd.msk.f32 $0xffff, v15, v15  }
0x2b1: {  	v15 =	vmax.f32 v48, v16;
	v59, _, _ =	vpop (xrf1);
	(xrf1) =	vsort.ascd.msk.f32 $0xffff, v17, v17  }
0x2b2: {  	v11 =	vmax.f32 v47, v11;
	v60, _, _ =	vpop (xrf1);
	(xrf1) =	vsort.ascd.msk.f32 $0xffff, v15, v15  }
0x2b3: {  	v8 =	vmax.f32 v45, v8;
	v61, _, _ =	vpop (xrf1);
	(xrf1) =	vsort.ascd.msk.f32 $0xffff, v11, v11  }
0x2b4: {  	v6 =	vmax.f32 v44, v6;
	v62, _, _ =	vpop (xrf1);
	(xrf1) =	vsort.ascd.msk.f32 $0xffff, v8, v8  }
0x2b5: {  	v3 =	vmax.f32 v42, v3;
	v63, _, _ =	vpop (xrf1);
	(xrf1) =	vsort.ascd.msk.f32 $0xffff, v6, v6  }
0x2b6: {  	v4 =	vmax.f32 v43, v4;
	v46, _, _ =	vpop (xrf1);
	(xrf1) =	vsort.ascd.msk.f32 $0xffff, v3, v3  }
0x2b7: {  	s31 =	sshra.s32 s30, $0x2;
	v5 =	vmax.f32 v41, v5;
	v57, _, _ =	vpop (xrf1);
	(xrf1) =	vsort.ascd.msk.f32 $0xffff, v4, v4  }
0x2b8: {  	v4 =	vmax.f32 v40, v7;
	v3 =	vld.idx.msk [tilespmem:v33+s31+$0x0 ss:$0x1], $0xffff;
	v53, _, _ =	vpop (xrf1);
	(xrf1) =	vsort.ascd.msk.f32 $0xffff, v5, v5  }
0x2b9: {  	v6 =	vmax.f32 v39, v9;
	v5 =	vld [tilespmem:s31+$0x10000];
	v54, _, _ =	vpop (xrf1);
	(xrf1) =	vsort.ascd.msk.f32 $0xffff, v4, v4  }
0x2ba: {  	v7 =	vmax.f32 v38, v12;
	v4 =	vld [tilespmem:s31+$0x10400];
	v55, _, _ =	vpop (xrf1);
	(xrf1) =	vsort.ascd.msk.f32 $0xffff, v6, v6  }
0x2bb: {  	v8 =	vmax.f32 v36, v10;
	v6 =	vld [tilespmem:s31+$0x10800];
	v49, _, _ =	vpop (xrf1);
	(xrf1) =	vsort.ascd.msk.f32 $0xffff, v7, v7  }
0x2bc: {  	v9 =	vmax.f32 v37, v13;
	v7 =	vld [tilespmem:s31+$0x10C00];
	v56, _, _ =	vpop (xrf1);
	(xrf1) =	vsort.ascd.msk.f32 $0xffff, v8, v8  }
0x2bd: {  	v10 =	vmax.f32 v35, v14;
	v8 =	vld [tilespmem:s31+$0x11000];
	v50, _, _ =	vpop (xrf1);
	(xrf1) =	vsort.ascd.msk.f32 $0xffff, v9, v9  }
0x2be: {  	v12 =	vmax.f32 v34, v20;
	v9 =	vmul.f32 v5, v3;
	v11 =	vld [tilespmem:s31+$0x11400];
	v51, _, _ =	vpop (xrf1);
	(xrf1) =	vsort.ascd.msk.f32 $0xffff, v10, v10  }
0x2bf: {  	v10 =	vmul.f32 v4, v3;
	v13 =	vld [tilespmem:s31+$0x11800];
	v52, _, _ =	vpop (xrf1);
	(xrf1) =	vsort.ascd.msk.f32 $0xffff, v12, v12  }
0x2c0: {  	v12 =	vmul.f32 v6, v3;
	v14 =	vld [tilespmem:s31+$0x11C00];
	(xrf1) =	vsort.dscd.msk.f32 $0xffff, v9, v5;
	v48, _, _ =	vpop (xrf1)  }
0x2c1: {  	v5 =	vmul.f32 v7, v3;
	v9 =	vld [tilespmem:s31+$0x12000];
	(xrf1) =	vsort.dscd.msk.f32 $0xffff, v10, v4;
	v47, _, _ =	vpop (xrf1)  }
0x2c2: {  	v4 =	vmul.f32 v8, v3;
	v10 =	vld [tilespmem:s31+$0x12400];
	(xrf1) =	vsort.dscd.msk.f32 $0xffff, v12, v6;
	v45, _, _ =	vpop (xrf1)  }
0x2c3: {  	v6 =	vmul.f32 v11, v3;
	v12 =	vld [tilespmem:s31+$0x12800];
	(xrf1) =	vsort.dscd.msk.f32 $0xffff, v5, v7;
	v44, _, _ =	vpop (xrf1)  }
0x2c4: {  	v5 =	vmul.f32 v13, v3;
	v7 =	vld [tilespmem:s31+$0x12C00];
	(xrf1) =	vsort.dscd.msk.f32 $0xffff, v4, v8;
	v42, _, _ =	vpop (xrf1)  }
0x2c5: {  	v4 =	vmul.f32 v14, v3;
	v8 =	vld [tilespmem:s31+$0x13000];
	(xrf1) =	vsort.dscd.msk.f32 $0xffff, v6, v11;
	v43, _, _ =	vpop (xrf1)  }
0x2c6: {  	v6 =	vmul.f32 v9, v3;
	v11 =	vld [tilespmem:s31+$0x13400];
	(xrf1) =	vsort.dscd.msk.f32 $0xffff, v5, v13;
	v41, _, _ =	vpop (xrf1)  }
0x2c7: {  	v5 =	vmul.f32 v10, v3;
	v13 =	vld [tilespmem:s31+$0x13800];
	(xrf1) =	vsort.dscd.msk.f32 $0xffff, v4, v14;
	v40, _, _ =	vpop (xrf1)  }
0x2c8: {  	v4 =	vmul.f32 v12, v3;
	v14 =	vld [tilespmem:s31+$0x13C00];
	(xrf1) =	vsort.dscd.msk.f32 $0xffff, v6, v9;
	v39, _, _ =	vpop (xrf1)  }
0x2c9: {  	v6 =	vmul.f32 v7, v3;
	v9 =	vld [tilespmem:s31+$0x14000];
	(xrf1) =	vsort.dscd.msk.f32 $0xffff, v5, v10;
	v38, _, _ =	vpop (xrf1)  }
0x2ca: {  	v5 =	vmul.f32 v8, v3;
	v10 =	vld [tilespmem:s31+$0x14400];
	(xrf1) =	vsort.dscd.msk.f32 $0xffff, v4, v12;
	v36, _, _ =	vpop (xrf1)  }
0x2cb: {  	v4 =	vmul.f32 v11, v3;
	v12 =	vld [tilespmem:s31+$0x14800];
	(xrf1) =	vsort.dscd.msk.f32 $0xffff, v6, v7;
	v37, _, _ =	vpop (xrf1)  }
0x2cc: {  	v6 =	vmul.f32 v13, v3;
	v7 =	vld [tilespmem:s31+$0x14C00];
	(xrf1) =	vsort.dscd.msk.f32 $0xffff, v5, v8;
	v35, _, _ =	vpop (xrf1)  }
0x2cd: {  	v5 =	vmul.f32 v14, v3;
	v8 =	vld [tilespmem:s31+$0x15000];
	(xrf1) =	vsort.dscd.msk.f32 $0xffff, v4, v11;
	v34, _, _ =	vpop (xrf1)  }
0x2ce: {  	v4 =	vmul.f32 v9, v3;
	v11 =	vld [tilespmem:s31+$0x15400];
	v16, _, _ =	vpop (xrf1);
	(xrf1) =	vsort.dscd.msk.f32 $0xffff, v6, v13  }
0x2cf: {  	v6 =	vmul.f32 v10, v3;
	v13 =	vld [tilespmem:s31+$0x15800];
	v20, _, _ =	vpop (xrf1);
	(xrf1) =	vsort.dscd.msk.f32 $0xffff, v5, v14  }
0x2d0: {  	v5 =	vmul.f32 v12, v3;
	v14 =	vld [tilespmem:s31+$0x15C00];
	v21, _, _ =	vpop (xrf1);
	(xrf1) =	vsort.dscd.msk.f32 $0xffff, v4, v9  }
0x2d1: {  	v4 =	vmul.f32 v7, v3;
	v15 =	vld [tilespmem:s31+$0x16000];
	v22, _, _ =	vpop (xrf1);
	(xrf1) =	vsort.dscd.msk.f32 $0xffff, v6, v10  }
0x2d2: {  	v6 =	vmul.f32 v8, v3;
	v17 =	vld [tilespmem:s31+$0x16400];
	v23, _, _ =	vpop (xrf1);
	(xrf1) =	vsort.dscd.msk.f32 $0xffff, v5, v12  }
0x2d3: {  	v5 =	vmul.f32 v11, v3;
	v18 =	vld [tilespmem:s31+$0x16800];
	v24, _, _ =	vpop (xrf1);
	(xrf1) =	vsort.dscd.msk.f32 $0xffff, v4, v7  }
0x2d4: {  	v4 =	vmul.f32 v13, v3;
	v19 =	vld [tilespmem:s31+$0x16C00];
	v25, _, _ =	vpop (xrf1);
	(xrf1) =	vsort.dscd.msk.f32 $0xffff, v6, v8  }
0x2d5: {  	v6 =	vmul.f32 v14, v3;
	v8 =	vld [tilespmem:s31+$0x17000];
	v26, _, _ =	vpop (xrf1);
	(xrf1) =	vsort.dscd.msk.f32 $0xffff, v5, v11  }
0x2d6: {  	v5 =	vmul.f32 v15, v3;
	v11 =	vld [tilespmem:s31+$0x17400];
	v7, _, _ =	vpop (xrf1);
	(xrf1) =	vsort.dscd.msk.f32 $0xffff, v4, v13  }
0x2d7: {  	v4 =	vmul.f32 v17, v3;
	v27 =	vld [tilespmem:s31+$0x17800];
	v9, _, _ =	vpop (xrf1);
	(xrf1) =	vsort.dscd.msk.f32 $0xffff, v6, v14  }
0x2d8: {  	v6 =	vmul.f32 v18, v3;
	v28 =	vld [tilespmem:s31+$0x17C00];
	v12, _, _ =	vpop (xrf1);
	(xrf1) =	vsort.dscd.msk.f32 $0xffff, v5, v15  }
0x2d9: {  	v5 =	vmul.f32 v19, v3;
	v10, _, _ =	vpop (xrf1);
	(xrf1) =	vsort.dscd.msk.f32 $0xffff, v4, v17  }
0x2da: {  	v4 =	vmul.f32 v8, v3;
	v13, _, _ =	vpop (xrf1);
	(xrf1) =	vsort.dscd.msk.f32 $0xffff, v6, v18  }
0x2db: {  	v6 =	vmul.f32 v11, v3;
	v14, _, _ =	vpop (xrf1);
	(xrf1) =	vsort.dscd.msk.f32 $0xffff, v5, v19  }
0x2dc: {  	v5 =	vmul.f32 v27, v3;
	v15, _, _ =	vpop (xrf1);
	(xrf1) =	vsort.dscd.msk.f32 $0xffff, v4, v8  }
0x2dd: {  	v3 =	vmul.f32 v28, v3;
	v17, _, _ =	vpop (xrf1);
	(xrf1) =	vsort.dscd.msk.f32 $0xffff, v6, v11  }
0x2de: {  	v18, _, _ =	vpop (xrf1);
	(xrf1) =	vsort.dscd.msk.f32 $0xffff, v5, v27  }
0x2df: {  	v1 =	vmax.f32 v1, v16;
	v19, _, _ =	vpop (xrf1);
	(xrf1) =	vsort.dscd.msk.f32 $0xffff, v3, v28  }
0x2e0: {  	v2 =	vmax.f32 v2, v20;
	(xrf1) =	vsort.ascd.msk.f32 $0xffff, v1, v1;
	v16, _, _ =	vpop (xrf1)  }
0x2e1: {  	v1 =	vmax.f32 v58, v21;
	(xrf1) =	vsort.ascd.msk.f32 $0xffff, v2, v2;
	v11, _, _ =	vpop (xrf1)  }
.Ltmp10:
0x2e2: {  	v2 =	vmax.f32 v59, v22;
	(xrf1) =	vsort.ascd.msk.f32 $0xffff, v1, v1;
	v8, _, _ =	vpop (xrf1);
	(pc) =	sbr.rel @p0 .LBB2_23-.Ltmp10, $4  }
0x2e3: {  	v1 =	vmax.f32 v60, v23;
	(xrf1) =	vsort.ascd.msk.f32 $0xffff, v2, v2;
	v6, _, _ =	vpop (xrf1)  }
0x2e4: {  	v2 =	vmax.f32 v61, v24;
	(xrf1) =	vsort.ascd.msk.f32 $0xffff, v1, v1;
	v3, _, _ =	vpop (xrf1)  }
0x2e5: {  	v1 =	vmax.f32 v62, v25;
	(xrf1) =	vsort.ascd.msk.f32 $0xffff, v2, v2;
	v4, _, _ =	vpop (xrf1)  }
0x2e6: {  	s30 =	sadd.s32 $0x40, s30;
	v2 =	vmax.f32 v63, v26;
	(xrf1) =	vsort.ascd.msk.f32 $0xffff, v1, v1;
	v5, _, _ =	vpop (xrf1)  }
0x2e7: {  	v1 =	vmov s29;
	v24 =	vld [tilespmem:$0x1FE40]  }
0x2e8: {  	v1 =	vmul.u32 $0x220, v1  }
0x2e9: {  	v20, _, _ =	vpop (xrf1)  }
0x2ea: {  	v21, _, _ =	vpop (xrf1);
	v1 =	vbroadcast v1, $0x0  }
0x2eb: {  	v59 =	vld [tilespmem:$0x1FE50];
	v22, _, _ =	vpop (xrf1)  }
0x2ec: {  	v7 =	vmax.f32 v46, v7;
	(xrf1) =	vsort.ascd.msk.f32 $0xffff, v2, v2;
	v23, _, _ =	vpop (xrf1);
	v24 =	vadd.s32 v24, v1  }
0x2ed: {  	v9 =	vmax.f32 v57, v9;
	v61 =	vld [tilespmem:$0x1FE60];
	(xrf1) =	vsort.ascd.msk.f32 $0xffff, v7, v7;
	v25, _, _ =	vpop (xrf1)  }
0x2ee: {  	v12 =	vmax.f32 v53, v12;
	v63 =	vld [tilespmem:$0x1FE70];
	v2, _, _ =	vpop (xrf1);
	(xrf1) =	vsort.ascd.msk.f32 $0xffff, v9, v9  }
0x2ef: {  	v57 =	vmax.f32 v54, v10;
	v58 =	vmax.f32 v55, v13;
	v26 =	vld [tilespmem:$0x1FE80];
	v7, _, _ =	vpop (xrf1);
	(xrf1) =	vsort.ascd.msk.f32 $0xffff, v12, v12  }
0x2f0: {  	v60 =	vmax.f32 v49, v14;
	v49 =	vld [tilespmem:$0x1FE90];
	v9 =	vadd.s32 v59, v1;
	v53, _, _ =	vpop (xrf1);
	(xrf1) =	vsort.ascd.msk.f32 $0xffff, v57, v57  }
0x2f1: {  	[tilespmem:v24+s21+$0x0] =	vst.idx.msk $0xffff, v53;
	v24 =	vmax.f32 v50, v17;
	v50 =	vmax.f32 v52, v19;
	v52 =	vld [tilespmem:$0x1FEA0]  }
0x2f2: {  	v54 =	vld [tilespmem:$0x1FEB0];
	v10 =	vadd.s32 v61, v1;
	(xrf1) =	vsort.ascd.msk.f32 $0xffff, v58, v58  }
0x2f3: {  	v12 =	vadd.s32 v63, v1;
	v57 =	vld [tilespmem:$0x1FEC0];
	(xrf1) =	vsort.ascd.msk.f32 $0xffff, v60, v60  }
0x2f4: {  	v62 =	vmax.f32 v56, v15;
	v13 =	vadd.s32 v26, v1;
	v59 =	vld [tilespmem:$0x1FED0]  }
0x2f5: {  	v33 =	vmax.f32 v51, v18;
	v55 =	vmax.f32 v48, v16;
	v14 =	vadd.s32 v49, v1;
	v61 =	vld [tilespmem:$0x1FEE0];
	v46, _, _ =	vpop (xrf1)  }
0x2f6: {  	v63 =	vld [tilespmem:$0x1FEF0];
	v51, _, _ =	vpop (xrf1);
	(xrf1) =	vsort.ascd.msk.f32 $0xffff, v62, v62;
	[tilespmem:v9+s21+$0x0] =	vst.idx.msk $0xffff, v46;
	v17 =	vadd.s32 v52, v1  }
0x2f7: {  	v18 =	vld [tilespmem:$0x1FF00];
	v53, _, _ =	vpop (xrf1);
	(xrf1) =	vsort.ascd.msk.f32 $0xffff, v24, v24;
	[tilespmem:v10+s21+$0x0] =	vst.idx.msk $0xffff, v51;
	v10 =	vadd.s32 v54, v1  }
0x2f8: {  	v11 =	vmax.f32 v47, v11;
	v56, _, _ =	vpop (xrf1);
	v24 =	vld [tilespmem:$0x1FF10];
	[tilespmem:v12+s21+$0x0] =	vst.idx.msk $0xffff, v53;
	v12 =	vadd.s32 v57, v1  }
0x2f9: {  	v8 =	vmax.f32 v45, v8;
	v58, _, _ =	vpop (xrf1);
	[tilespmem:v13+s21+$0x0] =	vst.idx.msk $0xffff, v56;
	v13 =	vadd.s32 v59, v1  }
0x2fa: {  	(xrf1) =	vsort.ascd.msk.f32 $0xffff, v33, v33;
	v60, _, _ =	vpop (xrf1);
	[tilespmem:v14+s21+$0x0] =	vst.idx.msk $0xffff, v58;
	v14 =	vadd.s32 v61, v1  }
0x2fb: {  	v15 =	vadd.s32 v63, v1;
	v33 =	vld [tilespmem:$0x1FF20];
	(xrf1) =	vsort.ascd.msk.f32 $0xffff, v50, v50;
	v62, _, _ =	vpop (xrf1);
	[tilespmem:v17+s21+$0x0] =	vst.idx.msk $0xffff, v60  }
0x2fc: {  	v45 =	vld [tilespmem:$0x1FF30];
	(xrf1) =	vsort.ascd.msk.f32 $0xffff, v55, v55;
	v17, _, _ =	vpop (xrf1);
	[tilespmem:v10+s21+$0x0] =	vst.idx.msk $0xffff, v62;
	v10 =	vadd.s32 v18, v1  }
0x2fd: {  	(xrf1) =	vsort.ascd.msk.f32 $0xffff, v11, v11;
	v11 =	vadd.s32 v24, v1;
	v19, _, _ =	vpop (xrf1);
	[tilespmem:v12+s21+$0x0] =	vst.idx.msk $0xffff, v17  }
0x2fe: {  	v3 =	vmax.f32 v42, v3;
	v26, _, _ =	vpop (xrf1);
	[tilespmem:v13+s21+$0x0] =	vst.idx.msk $0xffff, v19  }
0x2ff: {  	v6 =	vmax.f32 v44, v6;
	(xrf1) =	vsort.ascd.msk.f32 $0xffff, v8, v8;
	v44, _, _ =	vpop (xrf1);
	[tilespmem:v14+s21+$0x0] =	vst.idx.msk $0xffff, v26  }
0x300: {  	(xrf1) =	vsort.ascd.msk.f32 $0xffff, v6, v6;
	v12 =	vadd.s32 v33, v1;
	v46, _, _ =	vpop (xrf1);
	[tilespmem:v15+s21+$0x0] =	vst.idx.msk $0xffff, v44  }
0x301: {  	v9 =	vadd.s32 v45, v1;
	(xrf1) =	vsort.ascd.msk.f32 $0xffff, v3, v3;
	v3, _, _ =	vpop (xrf1);
	[tilespmem:v10+s21+$0x0] =	vst.idx.msk $0xffff, v46  }
0x302: {  	[tilespmem:v11+s21+$0x0] =	vst.idx.msk $0xffff, v3;
	v3 =	vmax.f32 v41, v5  }
0x303: {  	v4 =	vmax.f32 v43, v4  }
0x304: {  	(xrf1) =	vsort.ascd.msk.f32 $0xffff, v4, v4;
	v47, _, _ =	vpop (xrf1)  }
0x305: {  	v48 =	vmax.f32 v40, v20;
	[tilespmem:v12+s21+$0x0] =	vst.idx.msk $0xffff, v47;
	(xrf1) =	vsort.ascd.msk.f32 $0xffff, v3, v3;
	v3, _, _ =	vpop (xrf1)  }
0x306: {  	(xrf1) =	vsort.ascd.msk.f32 $0xffff, v48, v48;
	[tilespmem:v9+s21+$0x0] =	vst.idx.msk $0xffff, v3;
	v3 =	vmax.f32 v39, v21  }
0x307: {  	v49 =	vmax.f32 v38, v22;
	(xrf1) =	vsort.ascd.msk.f32 $0xffff, v3, v3;
	v3 =	vld [tilespmem:$0x1FF40]  }
0x308: {  	v51 =	vld [tilespmem:$0x1FF50];
	v50 =	vmax.f32 v36, v23;
	(xrf1) =	vsort.ascd.msk.f32 $0xffff, v49, v49  }
0x309: {  	v53 =	vld [tilespmem:$0x1FF60];
	v52 =	vmax.f32 v37, v25;
	(xrf1) =	vsort.ascd.msk.f32 $0xffff, v50, v50  }
0x30a: {  	v2 =	vmax.f32 v35, v2;
	v54 =	vld [tilespmem:$0x1FF70];
	(xrf1) =	vsort.ascd.msk.f32 $0xffff, v52, v52  }
0x30b: {  	v55, _, _ =	vpop (xrf1);
	(xrf1) =	vsort.ascd.msk.f32 $0xffff, v2, v2;
	v2 =	vld [tilespmem:$0x1FF80]  }
0x30c: {  	v3 =	vadd.s32 v3, v1  }
0x30d: {  	v4 =	vadd.s32 v51, v1  }
0x30e: {  	v5 =	vadd.s32 v53, v1  }
0x30f: {  	v6 =	vadd.s32 v54, v1  }
0x310: {  	v2 =	vadd.s32 v2, v1  }
0x311: {  	v56 =	vld [tilespmem:$0x1FF90];
	[tilespmem:v3+s21+$0x0] =	vst.idx.msk $0xffff, v55;
	v3, _, _ =	vpop (xrf1)  }
0x312: {  	v57 =	vld [tilespmem:$0x1FFA0];
	[tilespmem:v4+s21+$0x0] =	vst.idx.msk $0xffff, v3;
	v3, _, _ =	vpop (xrf1)  }
0x313: {  	v58 =	vld [tilespmem:$0x1FFB0];
	[tilespmem:v5+s21+$0x0] =	vst.idx.msk $0xffff, v3;
	v3, _, _ =	vpop (xrf1)  }
0x314: {  	v59 =	vld [tilespmem:$0x1FFC0];
	[tilespmem:v6+s21+$0x0] =	vst.idx.msk $0xffff, v3;
	v3, _, _ =	vpop (xrf1)  }
0x315: {  	v7 =	vmax.f32 v34, v7;
	[tilespmem:v2+s21+$0x0] =	vst.idx.msk $0xffff, v3;
	v3 =	vld [tilespmem:$0x1FFD0]  }
0x316: {  	v60 =	vld [tilespmem:$0x1FFE0];
	(xrf1) =	vsort.ascd.msk.f32 $0xffff, v7, v7;
	v7 =	vadd.s32 v56, v1  }
0x317: {  	v61 =	vld [tilespmem:$0x1FFF0];
	v4 =	vadd.s32 v57, v1  }
0x318: {  	v5 =	vadd.s32 v58, v1  }
0x319: {  	v6 =	vadd.s32 v59, v1  }
0x31a: {  	v2, _, _ =	vpop (xrf1);
	v3 =	vadd.s32 v3, v1  }
0x31b: {  	[tilespmem:v7+s21+$0x0] =	vst.idx.msk $0xffff, v2;
	v2, _, _ =	vpop (xrf1);
	v7 =	vadd.s32 v60, v1  }
0x31c: {  	[tilespmem:v4+s21+$0x0] =	vst.idx.msk $0xffff, v2;
	v2, _, _ =	vpop (xrf1);
	v4 =	vadd.s32 v61, v1  }
0x31d: {  	v62 =	vadd.s32 v29, v1;
	[tilespmem:v5+s21+$0x0] =	vst.idx.msk $0xffff, v2;
	v2, _, _ =	vpop (xrf1)  }
0x31e: {  	v63 =	vadd.s32 v30, v1;
	[tilespmem:v6+s21+$0x0] =	vst.idx.msk $0xffff, v2;
	v2, _, _ =	vpop (xrf1)  }
0x31f: {  	s29 =	sadd.s32 $0x1, s29;
	[tilespmem:v3+s21+$0x0] =	vst.idx.msk $0xffff, v2;
	v2, _, _ =	vpop (xrf1);
	v3 =	vadd.s32 v31, v1  }
0x320: {  	p0 =	sne.s32 s29, $0x20;
	v1 =	vadd.s32 v32, v1;
	[tilespmem:v7+s21+$0x0] =	vst.idx.msk $0xffff, v2;
	v2, _, _ =	vpop (xrf1)  }
.Ltmp11:
0x321: {  	[tilespmem:v4+s21+$0x0] =	vst.idx.msk $0xffff, v2;
	v2, _, _ =	vpop (xrf1);
	(pc) =	sbr.rel @p0 .LBB2_22-.Ltmp11, $4  }
0x322: {  	[tilespmem:v62+s21+$0x0] =	vst.idx.msk $0xffff, v2;
	v2, _, _ =	vpop (xrf1)  }
0x323: {  	[tilespmem:v63+s21+$0x0] =	vst.idx.msk $0xffff, v2;
	v2, _, _ =	vpop (xrf1)  }
0x324: {  	[tilespmem:v3+s21+$0x0] =	vst.idx.msk $0xffff, v2;
	v2, _, _ =	vpop (xrf1)  }
0x325: {  	s28 =	sadd.s32 $0x400, s28;
	[tilespmem:v1+s21+$0x0] =	vst.idx.msk $0xffff, v2  }
0x326: {  	_ =	swait.ge [sflag:s18], $0x400;
	s26 =	sadd.s32 $0x1, s26  }
0x327: {  	[sflag:s18] =	ssyncset.done $0x0;
	p0 =	sne.s32 s26, s16  }
.Ltmp12:
0x328: {  	[sflag:s18] =	ssyncadd.s32 $0xFFFFFC00;
	(pc) =	sbr.rel @p0 .LBB2_1-.Ltmp12, $4  }
0x329: {  	[hbm4b:s15+s22] =	stream.strided.scatter [tilespmem:s21], [sflag:$0x4], $0x4400, s23, s22, $0x38;
	[tilespmem:$0x1C400] =	vst v63  }
0x32a: {  	_ =	swait.ge [sflag:s25], $0x4400  }
0x32b: {  	[sflag:s25] =	ssyncset.done $0x0  }
0x32c: {  	[sflag:s25] =	ssyncadd.s32 $0xFFFFBC00  }
0x32d: {  	_ =	sfence.sel $0x180000  }
0x32e: {  	[bflag:$0x0] =	sbarrier.arrive $0xFFFF  }
0x32f: {  	_ =	strace $0x90000047  }
0x330: {  	[bflag:$0x2] =	sbarrier.arrive $0xFFFF  }
0x331: {  	p0 =	sne.s32 s1, $0x0;
	s0 =	rddreg [dreg:$0x3]  }
0x332: {  	s0 =	sadd.s32 @!p0 $0x100000, s0  }
0x333: {  	[sflag:s0] =	ssyncadd.tile.s32 @!p0 $0x1;
	_ =	shalt  }
.Lfunc_end2:
_tile_overlayer_lowered:
.L_overlay_start_2:
0x334: {  	(tag) =	ssettag $0x2  }
0x335: {  	s0 =	rddreg [dreg:$0x0];
	s2 =	stileid.u32  }
0x336: {  	s1 =	rddreg [dreg:$0x1];
	p0 =	sne.s32 s2, $0x0  }
0x337: {  	s3 =	rddreg [dreg:$0x2];
	[bflag:$0x3] =	sbarrier.arrive $0xFFFF;
	s2 =	simm.s32 @!p0 $0x1C05  }
0x338: {  	[timem:s3], [sflag:s2] =	dma.local @!p0 [hbm:s0], s1  }
0x339: {  	s0 =	simm.s32 @!p0 $0x5  }
0x33a: {  	_ =	swait.ge @!p0 [sflag:s0], s1  }
0x33b: {  	s1 =	ssub.s32 @!p0 $0x0, s1;
	[sflag:s0] =	ssyncset.done @!p0 $0x0  }
0x33c: {  	[sflag:s0] =	ssyncadd.s32 @!p0 s1  }
0x33d: {  	[bflag:$0x3] =	sbarrier.arrive $0xFFFF  }
0x33e: {  	_ =	shalt  }

</sc_bundles>
